<compile_context>
chip_gen: v7x
topology: tpu7x:2x2x1
jax: 0.10.2.dev20260603
libtpu: 0.0.44.dev20260713+nightly
codegen_flags: <defaults>
</compile_context>

<pallas_src>
import functools

import jax
import jax.numpy as jnp
from jax import lax
from jax.experimental import pallas as pl
from jax.experimental.pallas import tpu as pltpu
from jax.experimental.pallas import tpu_sc as plsc

_N = 10000
_E = 320000
_F = 128
_Z = 64
_N_PAD = 10240
_E_PAD = 327680
_NW = 32
_CHUNKS = 80
_ROWS_PER_TILE = _N_PAD // 16
_DUMMY = 10200



_sc_mesh = plsc.VectorSubcoreMesh(core_axis_name="c", subcore_axis_name="s")


@functools.partial(
    pl.kernel,
    out_type=jax.ShapeDtypeStruct((2, _N_PAD, _F), jnp.float32),
    mesh=_sc_mesh,
    scratch_types=[
        pltpu.VMEM((_CHUNKS, 128), jnp.int32),
        pltpu.VMEM((128, _F), jnp.float32),
        pltpu.VMEM_SHARED((_N_PAD, _F), jnp.float32),
    ],
)
def _deg_kernel(dst_hbm, out, dst_v, ones_v, acc_sh):
    c = lax.axis_index("c")
    s = lax.axis_index("s")
    w = s * 2 + c
    row0 = s * _ROWS_PER_TILE
    rows = pl.ds(row0, _ROWS_PER_TILE)

    def zfill(i, carry):
        for m in range(8):
            ones_v[i, pl.ds(m * 16, 16)] = jnp.zeros((16,), jnp.float32)
        return carry

    lax.fori_loop(0, 128, zfill, 0)
    for r in range(_ROWS_PER_TILE // 128):
        pltpu.sync_copy(ones_v, acc_sh.at[pl.ds(row0 + r * 128, 128)])

    def ofill(i, carry):
        for m in range(8):
            ones_v[i, pl.ds(m * 16, 16)] = jnp.ones((16,), jnp.float32)
        return carry

    lax.fori_loop(0, 128, ofill, 0)
    pltpu.sync_copy(dst_hbm.at[pl.ds(w * _CHUNKS, _CHUNKS)], dst_v)
    plsc.subcore_barrier()

    def body(j, carry):
        pltpu.sync_copy(ones_v, acc_sh.at[dst_v.at[j]], add=True)
        return carry

    lax.fori_loop(0, _CHUNKS, body, 0)
    plsc.subcore_barrier()
    pltpu.sync_copy(acc_sh.at[rows], out.at[c, rows])


_NBUF = 2
_BLK = 32
_CH0 = 160


@functools.partial(
    pl.kernel,
    out_type=jax.ShapeDtypeStruct((_N_PAD, _F), jnp.float32),
    mesh=_sc_mesh,
    scratch_types=[
        pltpu.VMEM((_BLK, 128), jnp.int32),
        pltpu.VMEM((_BLK, 128), jnp.int32),
    ]
    + [pltpu.VMEM((128, _F), jnp.float32) for _ in range(_NBUF)]
    + [pltpu.VMEM_SHARED((_N_PAD, _F), jnp.float32)]
    + [pltpu.SemaphoreType.DMA for _ in range(_NBUF)],
)
def _agg_kernel(src_hbm, dst_hbm, feat_hbm, out,
                src_v, dst_v, b0, b1, acc_sh, s0, s1):
    c = lax.axis_index("c")
    s = lax.axis_index("s")
    row0 = s * _ROWS_PER_TILE
    rows = pl.ds(row0, _ROWS_PER_TILE)
    bufs = (b0, b1)
    sems = (s0, s1)

    def do_block(base_row):
        pltpu.sync_copy(src_hbm.at[pl.ds(base_row, _BLK)], src_v)
        pltpu.sync_copy(dst_hbm.at[pl.ds(base_row, _BLK)], dst_v)
        for b in range(_NBUF):
            pltpu.async_copy(feat_hbm.at[src_v.at[b]], bufs[b], sems[b])

        def body(k, carry):
            for b in range(_NBUF):
                j = k * _NBUF + b
                pltpu.make_async_copy(feat_hbm.at[src_v.at[j]], bufs[b],
                                      sems[b]).wait()
                pltpu.sync_copy(bufs[b], acc_sh.at[dst_v.at[j]], add=True)
                jn = j + _NBUF

                @pl.when(jn < _BLK)
                def _():
                    pltpu.async_copy(feat_hbm.at[src_v.at[jn]], bufs[b],
                                     sems[b])

            return carry

        lax.fori_loop(0, _BLK // _NBUF, body, 0)

    @pl.when(c == 0)
    def _():
        def zfill(i, carry):
            for m in range(8):
                b0[i, pl.ds(m * 16, 16)] = jnp.zeros((16,), jnp.float32)
            return carry

        lax.fori_loop(0, 128, zfill, 0)
        for r in range(_ROWS_PER_TILE // 128):
            pltpu.sync_copy(b0, acc_sh.at[pl.ds(row0 + r * 128, 128)])
        plsc.subcore_barrier()
        for h in range(_CH0 // _BLK):
            do_block(s * _CH0 + h * _BLK)
        plsc.subcore_barrier()
        pltpu.sync_copy(acc_sh.at[rows], out.at[rows])



_BM = 1024
_GRID = (_N_PAD // _BM,)


def _scale_body(x_ref, da_ref, db_ref, xs_ref, dv_ref):
    deg = da_ref[0] + db_ref[0] + 1.0
    dinv = lax.rsqrt(deg)
    xs_ref[...] = x_ref[...] * dinv
    dv_ref[...] = dinv


def _hidden_body(p_ref, xs_ref, dv_ref, w1_ref, b1_ref, hs_ref):
    dv = dv_ref[...]
    t = (p_ref[...] + xs_ref[...]) * dv
    h = jnp.dot(t, w1_ref[...], preferred_element_type=jnp.float32) + b1_ref[...]
    hidden = jnp.maximum(h, 0.0) + jnp.log1p(jnp.exp(-jnp.abs(h)))
    hs_ref[...] = hidden * dv


def _out_body(q_ref, hs_ref, dv_ref, wmu_ref, bmu_ref,
              wsig_ref, bsig_ref, zl_ref, zs_ref):
    t = (q_ref[...] + hs_ref[...]) * dv_ref[...]
    zl_ref[...] = jnp.dot(t, wmu_ref[...],
                          preferred_element_type=jnp.float32) + bmu_ref[...]
    zs_ref[...] = jnp.exp(jnp.dot(t, wsig_ref[...],
                                  preferred_element_type=jnp.float32) + bsig_ref[...])


def _row_spec(width):
    return pl.BlockSpec((_BM, width), lambda i: (i, 0))


def _part_spec(cidx, width):
    return pl.BlockSpec((1, _BM, width), lambda i, c=cidx: (c, i, 0))


def _full_spec(r, ccols):
    return pl.BlockSpec((r, ccols), lambda i: (0, 0))


_scale_call = pl.pallas_call(
    _scale_body,
    grid=_GRID,
    in_specs=[_row_spec(_F), _part_spec(0, _F), _part_spec(1, _F)],
    out_specs=[_row_spec(_F), _row_spec(_F)],
    out_shape=[jax.ShapeDtypeStruct((_N_PAD, _F), jnp.float32)] * 2,
)

_hidden_call = pl.pallas_call(
    _hidden_body,
    grid=_GRID,
    in_specs=[_row_spec(_F), _row_spec(_F), _row_spec(_F),
              _full_spec(_F, _F), _full_spec(1, _F)],
    out_specs=[_row_spec(_F)],
    out_shape=[jax.ShapeDtypeStruct((_N_PAD, _F), jnp.float32)],
)

_out_call = pl.pallas_call(
    _out_body,
    grid=_GRID,
    in_specs=[_row_spec(_F), _row_spec(_F), _row_spec(_F),
              _full_spec(_F, _Z), _full_spec(1, _Z), _full_spec(_F, _Z), _full_spec(1, _Z)],
    out_specs=[_row_spec(_Z), _row_spec(_Z)],
    out_shape=[jax.ShapeDtypeStruct((_N, _Z), jnp.float32)] * 2,
)


def kernel(x, adj, W1, b1, Wmu, bmu, Wsig, bsig):
    src = adj[0].astype(jnp.int32)
    dst = adj[1].astype(jnp.int32)
    fill = jnp.full((_E_PAD - _E,), _DUMMY, dtype=jnp.int32)
    src2 = jnp.concatenate([src, fill]).reshape(_NW * _CHUNKS, 128)
    dst2 = jnp.concatenate([dst, fill]).reshape(_NW * _CHUNKS, 128)
    x_p = jnp.pad(x, ((0, _N_PAD - _N), (0, 0)))

    deg2 = _deg_kernel(dst2)
    xs, dv = _scale_call(x_p, deg2, deg2)
    p = _agg_kernel(src2, dst2, xs)
    (hs,) = _hidden_call(p, xs, dv, W1, b1.reshape(1, _F))
    q = _agg_kernel(src2, dst2, hs)
    z_loc, z_scale = _out_call(q, hs, dv, Wmu, bmu.reshape(1, _Z),
                               Wsig, bsig.reshape(1, _Z))
    return z_loc, z_scale

# --- scband reference (transcript-rebuilt; emitter-appended) ---
"""Pipeline reference for scband-encoder-30743375904797 (READ-ONLY COPY).

The authoritative reference and input builder live on the scoring server;
editing this copy changes nothing except your own understanding.
"""

import jax, jax.numpy as jnp
import numpy as np

N_NODES = 10000
N_EDGES = 320000
N_FEAT = 128
HIDDEN = 128
Z_DIM = 64


def gcn_conv(x, src, dst, W, b, n):
    # PyG GCNConv: linear transform, symmetric-normalized scatter-add aggregation
    xw = x @ W
    deg = jnp.zeros((n,), x.dtype).at[dst].add(1.0)
    dinv = jnp.where(deg > 0, jax.lax.rsqrt(deg), 0.0)
    norm = dinv[src] * dinv[dst]
    msg = jnp.take(xw, src, axis=0) * norm[:, None]
    out = jnp.zeros((n, W.shape[1]), x.dtype).at[dst].add(msg)
    return out + b


def setup_inputs(seed: int = 0) -> dict:
    key = jax.random.key(seed)
    ks = jax.random.split(key, 6)
    x = jax.random.normal(ks[0], (N_NODES, N_FEAT), dtype=jnp.float32)
    adj = jax.random.randint(ks[1], (2, N_EDGES), 0, N_NODES, dtype=jnp.int32)
    W1 = jax.random.normal(ks[2], (N_FEAT, HIDDEN), dtype=jnp.float32) / np.sqrt(N_FEAT)
    b1 = jnp.zeros((HIDDEN,), dtype=jnp.float32)
    Wmu = jax.random.normal(ks[3], (HIDDEN, Z_DIM), dtype=jnp.float32) / np.sqrt(HIDDEN)
    bmu = jnp.zeros((Z_DIM,), dtype=jnp.float32)
    Wsig = jax.random.normal(ks[4], (HIDDEN, Z_DIM), dtype=jnp.float32) * 0.01
    bsig = jnp.zeros((Z_DIM,), dtype=jnp.float32)
    return {"x": x, "adj": adj, "W1": W1, "b1": b1, "Wmu": Wmu, "bmu": bmu, "Wsig": Wsig, "bsig": bsig}


def reference(x, adj, W1, b1, Wmu, bmu, Wsig, bsig):
    n = x.shape[0]
    # add self-loops (GCNConv default)
    loop = jnp.arange(n, dtype=adj.dtype)
    src = jnp.concatenate([adj[0], loop])
    dst = jnp.concatenate([adj[1], loop])
    hidden = jax.nn.softplus(gcn_conv(x, src, dst, W1, b1, n))
    z_loc = gcn_conv(hidden, src, dst, Wmu, bmu, n)
    z_scale = jnp.exp(gcn_conv(hidden, src, dst, Wsig, bsig, n))
    return (z_loc, z_scale)

if __name__ == "__main__":
    import jax
    _d = setup_inputs()
    print(jax.jit(kernel)(*tuple(_d.values())))

</pallas_src>

<mosaic_0001>
#map = affine_map<(d0, d1) -> (0, 0)>
#map1 = affine_map<(d0, d1) -> (0, 0, 0)>
module attributes {stable_mosaic.version = 14 : i64} {
  func.func @_deg_kernel(%arg0: i32, %arg1: i32, %arg2: memref<2560x128xi32, #tpu.memory_space<hbm>>, %arg3: memref<2x10240x128xf32, #tpu.memory_space<hbm>>, %arg4: memref<80x128xi32, #tpu.memory_space<vmem>>, %arg5: memref<128x128xf32, #tpu.memory_space<vmem>>, %arg6: memref<10240x128xf32, #tpu.memory_space<vmem_shared>>) attributes {dimension_semantics = [#tpu.dimension_semantics<core_parallel>, #tpu.dimension_semantics<subcore_parallel>], iteration_bounds = array<i64: 2, 16>, scalar_prefetch = 0 : i64, scratch_operands = 3 : i64, tpu.core_type = #tpu.core_type<sc_vector_subcore>, window_params = [{transform_indices = #map}, {transform_indices = #map1}]} {
    %mul3A = arith.constant 2 : i32
    %mul3A_0 = arith.muli %arg1, %mul3A : i32
    %add3A = arith.addi %mul3A_0, %arg0 : i32
    %mul3A_1 = arith.constant 640 : i32
    %mul3A_2 = arith.muli %arg1, %mul3A_1 : i32
    %scan3A = arith.constant 0 : i32
    %scan3A_3 = arith.constant 0 : i32
    %scan3A_4 = arith.constant 128 : i32
    %scan3A_5 = arith.addi %scan3A_3, %scan3A_4 : i32
    %scan3A_6 = arith.constant 1 : i32
    scf.for %scan3A_33 = %scan3A_3 to %scan3A_5 step %scan3A_6  : i32 {
      %broadcast_in_dim3A = arith.constant 0.000000e+00 : f32
      %broadcast_in_dim3A_34 = vector.broadcast %broadcast_in_dim3A : f32 to vector<16xf32>
      %swap3A = arith.index_cast %scan3A_33 : i32 to index
      %swap3A_35 = arith.constant 0 : index
      %swap3A_36 = tpu.vector_load %arg5[%swap3A, %swap3A_35] {strides = array<i32>} : memref<128x128xf32, #tpu.memory_space<vmem>>, vector<1x16xf32>,
      %swap3A_37 = vector.shape_cast %swap3A_36 : vector<1x16xf32> to vector<16xf32>
      %swap3A_38 = vector.shape_cast %broadcast_in_dim3A_34 : vector<16xf32> to vector<1x16xf32>
      tpu.vector_store %arg5[%swap3A, %swap3A_35], %swap3A_38 {strides = array<i32>} : memref<128x128xf32, #tpu.memory_space<vmem>>, vector<1x16xf32>,
      %broadcast_in_dim3A_39 = arith.constant 0.000000e+00 : f32
      %broadcast_in_dim3A_40 = vector.broadcast %broadcast_in_dim3A_39 : f32 to vector<16xf32>
      %swap3A_41 = arith.index_cast %scan3A_33 : i32 to index
      %swap3A_42 = arith.constant 16 : index
      %swap3A_43 = tpu.vector_load %arg5[%swap3A_41, %swap3A_42] {strides = array<i32>} : memref<128x128xf32, #tpu.memory_space<vmem>>, vector<1x16xf32>,
      %swap3A_44 = vector.shape_cast %swap3A_43 : vector<1x16xf32> to vector<16xf32>
      %swap3A_45 = vector.shape_cast %broadcast_in_dim3A_40 : vector<16xf32> to vector<1x16xf32>
      tpu.vector_store %arg5[%swap3A_41, %swap3A_42], %swap3A_45 {strides = array<i32>} : memref<128x128xf32, #tpu.memory_space<vmem>>, vector<1x16xf32>,
      %broadcast_in_dim3A_46 = arith.constant 0.000000e+00 : f32
      %broadcast_in_dim3A_47 = vector.broadcast %broadcast_in_dim3A_46 : f32 to vector<16xf32>
      %swap3A_48 = arith.index_cast %scan3A_33 : i32 to index
      %swap3A_49 = arith.constant 32 : index
      %swap3A_50 = tpu.vector_load %arg5[%swap3A_48, %swap3A_49] {strides = array<i32>} : memref<128x128xf32, #tpu.memory_space<vmem>>, vector<1x16xf32>,
      %swap3A_51 = vector.shape_cast %swap3A_50 : vector<1x16xf32> to vector<16xf32>
      %swap3A_52 = vector.shape_cast %broadcast_in_dim3A_47 : vector<16xf32> to vector<1x16xf32>
      tpu.vector_store %arg5[%swap3A_48, %swap3A_49], %swap3A_52 {strides = array<i32>} : memref<128x128xf32, #tpu.memory_space<vmem>>, vector<1x16xf32>,
      %broadcast_in_dim3A_53 = arith.constant 0.000000e+00 : f32
      %broadcast_in_dim3A_54 = vector.broadcast %broadcast_in_dim3A_53 : f32 to vector<16xf32>
      %swap3A_55 = arith.index_cast %scan3A_33 : i32 to index
      %swap3A_56 = arith.constant 48 : index
      %swap3A_57 = tpu.vector_load %arg5[%swap3A_55, %swap3A_56] {strides = array<i32>} : memref<128x128xf32, #tpu.memory_space<vmem>>, vector<1x16xf32>,
      %swap3A_58 = vector.shape_cast %swap3A_57 : vector<1x16xf32> to vector<16xf32>
      %swap3A_59 = vector.shape_cast %broadcast_in_dim3A_54 : vector<16xf32> to vector<1x16xf32>
      tpu.vector_store %arg5[%swap3A_55, %swap3A_56], %swap3A_59 {strides = array<i32>} : memref<128x128xf32, #tpu.memory_space<vmem>>, vector<1x16xf32>,
      %broadcast_in_dim3A_60 = arith.constant 0.000000e+00 : f32
      %broadcast_in_dim3A_61 = vector.broadcast %broadcast_in_dim3A_60 : f32 to vector<16xf32>
      %swap3A_62 = arith.index_cast %scan3A_33 : i32 to index
      %swap3A_63 = arith.constant 64 : index
      %swap3A_64 = tpu.vector_load %arg5[%swap3A_62, %swap3A_63] {strides = array<i32>} : memref<128x128xf32, #tpu.memory_space<vmem>>, vector<1x16xf32>,
      %swap3A_65 = vector.shape_cast %swap3A_64 : vector<1x16xf32> to vector<16xf32>
      %swap3A_66 = vector.shape_cast %broadcast_in_dim3A_61 : vector<16xf32> to vector<1x16xf32>
      tpu.vector_store %arg5[%swap3A_62, %swap3A_63], %swap3A_66 {strides = array<i32>} : memref<128x128xf32, #tpu.memory_space<vmem>>, vector<1x16xf32>,
      %broadcast_in_dim3A_67 = arith.constant 0.000000e+00 : f32
      %broadcast_in_dim3A_68 = vector.broadcast %broadcast_in_dim3A_67 : f32 to vector<16xf32>
      %swap3A_69 = arith.index_cast %scan3A_33 : i32 to index
      %swap3A_70 = arith.constant 80 : index
      %swap3A_71 = tpu.vector_load %arg5[%swap3A_69, %swap3A_70] {strides = array<i32>} : memref<128x128xf32, #tpu.memory_space<vmem>>, vector<1x16xf32>,
      %swap3A_72 = vector.shape_cast %swap3A_71 : vector<1x16xf32> to vector<16xf32>
      %swap3A_73 = vector.shape_cast %broadcast_in_dim3A_68 : vector<16xf32> to vector<1x16xf32>
      tpu.vector_store %arg5[%swap3A_69, %swap3A_70], %swap3A_73 {strides = array<i32>} : memref<128x128xf32, #tpu.memory_space<vmem>>, vector<1x16xf32>,
      %broadcast_in_dim3A_74 = arith.constant 0.000000e+00 : f32
      %broadcast_in_dim3A_75 = vector.broadcast %broadcast_in_dim3A_74 : f32 to vector<16xf32>
      %swap3A_76 = arith.index_cast %scan3A_33 : i32 to index
      %swap3A_77 = arith.constant 96 : index
      %swap3A_78 = tpu.vector_load %arg5[%swap3A_76, %swap3A_77] {strides = array<i32>} : memref<128x128xf32, #tpu.memory_space<vmem>>, vector<1x16xf32>,
      %swap3A_79 = vector.shape_cast %swap3A_78 : vector<1x16xf32> to vector<16xf32>
      %swap3A_80 = vector.shape_cast %broadcast_in_dim3A_75 : vector<16xf32> to vector<1x16xf32>
      tpu.vector_store %arg5[%swap3A_76, %swap3A_77], %swap3A_80 {strides = array<i32>} : memref<128x128xf32, #tpu.memory_space<vmem>>, vector<1x16xf32>,
      %broadcast_in_dim3A_81 = arith.constant 0.000000e+00 : f32
      %broadcast_in_dim3A_82 = vector.broadcast %broadcast_in_dim3A_81 : f32 to vector<16xf32>
      %swap3A_83 = arith.index_cast %scan3A_33 : i32 to index
      %swap3A_84 = arith.constant 112 : index
      %swap3A_85 = tpu.vector_load %arg5[%swap3A_83, %swap3A_84] {strides = array<i32>} : memref<128x128xf32, #tpu.memory_space<vmem>>, vector<1x16xf32>,
      %swap3A_86 = vector.shape_cast %swap3A_85 : vector<1x16xf32> to vector<16xf32>
      %swap3A_87 = vector.shape_cast %broadcast_in_dim3A_82 : vector<16xf32> to vector<1x16xf32>
      tpu.vector_store %arg5[%swap3A_83, %swap3A_84], %swap3A_87 {strides = array<i32>} : memref<128x128xf32, #tpu.memory_space<vmem>>, vector<1x16xf32>,
    }
    %scan3A_7 = arith.constant 128 : i32
    %add3A_8 = arith.constant 0 : i32
    %add3A_9 = arith.addi %mul3A_2, %add3A_8 : i32
    "tpu.region"() ({
      %run_scoped3A = tpu.sem_alloc : memref<!tpu.dma_semaphore, #tpu.memory_space<semaphore_mem>>
      %dma_start3A = arith.constant 0 : i32
      %dma_start3A_33 = tpu.memref_slice %arg6[%add3A_9, %dma_start3A] : memref<10240x128xf32, #tpu.memory_space<vmem_shared>> -> memref<128x128xf32, #tpu.memory_space<vmem_shared>>
      %dma_start3A_34 = arith.constant 0 : i32
      %dma_start3A_35 = tpu.memref_slice %arg6[%add3A_9, %dma_start3A_34] : memref<10240x128xf32, #tpu.memory_space<vmem_shared>> -> memref<128x128xf32, #tpu.memory_space<vmem_shared>>
      tpu.enqueue_dma source(%arg5 : memref<128x128xf32, #tpu.memory_space<vmem>>) target(%dma_start3A_35 : memref<128x128xf32, #tpu.memory_space<vmem_shared>>) target_semaphore(%run_scoped3A : memref<!tpu.dma_semaphore, #tpu.memory_space<semaphore_mem>>)
      %dma_wait3A = arith.constant 0 : i32
      %dma_wait3A_36 = tpu.memref_slice %arg6[%add3A_9, %dma_wait3A] : memref<10240x128xf32, #tpu.memory_space<vmem_shared>> -> memref<128x128xf32, #tpu.memory_space<vmem_shared>>
      %dma_wait3A_37 = arith.constant 0 : i32
      %dma_wait3A_38 = tpu.memref_slice %arg6[%add3A_9, %dma_wait3A_37] : memref<10240x128xf32, #tpu.memory_space<vmem_shared>> -> memref<128x128xf32, #tpu.memory_space<vmem_shared>>
      tpu.wait_dma2 semaphore(%run_scoped3A : memref<!tpu.dma_semaphore, #tpu.memory_space<semaphore_mem>>) src(%arg5 : memref<128x128xf32, #tpu.memory_space<vmem>>) dst(%dma_wait3A_38 : memref<128x128xf32, #tpu.memory_space<vmem_shared>>)
      tpu.yield
    }) : () -> ()
    %add3A_10 = arith.constant 128 : i32
    %add3A_11 = arith.addi %mul3A_2, %add3A_10 : i32
    "tpu.region"() ({
      %run_scoped3A = tpu.sem_alloc : memref<!tpu.dma_semaphore, #tpu.memory_space<semaphore_mem>>
      %dma_start3A = arith.constant 0 : i32
      %dma_start3A_33 = tpu.memref_slice %arg6[%add3A_11, %dma_start3A] : memref<10240x128xf32, #tpu.memory_space<vmem_shared>> -> memref<128x128xf32, #tpu.memory_space<vmem_shared>>
      %dma_start3A_34 = arith.constant 0 : i32
      %dma_start3A_35 = tpu.memref_slice %arg6[%add3A_11, %dma_start3A_34] : memref<10240x128xf32, #tpu.memory_space<vmem_shared>> -> memref<128x128xf32, #tpu.memory_space<vmem_shared>>
      tpu.enqueue_dma source(%arg5 : memref<128x128xf32, #tpu.memory_space<vmem>>) target(%dma_start3A_35 : memref<128x128xf32, #tpu.memory_space<vmem_shared>>) target_semaphore(%run_scoped3A : memref<!tpu.dma_semaphore, #tpu.memory_space<semaphore_mem>>)
      %dma_wait3A = arith.constant 0 : i32
      %dma_wait3A_36 = tpu.memref_slice %arg6[%add3A_11, %dma_wait3A] : memref<10240x128xf32, #tpu.memory_space<vmem_shared>> -> memref<128x128xf32, #tpu.memory_space<vmem_shared>>
      %dma_wait3A_37 = arith.constant 0 : i32
      %dma_wait3A_38 = tpu.memref_slice %arg6[%add3A_11, %dma_wait3A_37] : memref<10240x128xf32, #tpu.memory_space<vmem_shared>> -> memref<128x128xf32, #tpu.memory_space<vmem_shared>>
      tpu.wait_dma2 semaphore(%run_scoped3A : memref<!tpu.dma_semaphore, #tpu.memory_space<semaphore_mem>>) src(%arg5 : memref<128x128xf32, #tpu.memory_space<vmem>>) dst(%dma_wait3A_38 : memref<128x128xf32, #tpu.memory_space<vmem_shared>>)
      tpu.yield
    }) : () -> ()
    %add3A_12 = arith.constant 256 : i32
    %add3A_13 = arith.addi %mul3A_2, %add3A_12 : i32
    "tpu.region"() ({
      %run_scoped3A = tpu.sem_alloc : memref<!tpu.dma_semaphore, #tpu.memory_space<semaphore_mem>>
      %dma_start3A = arith.constant 0 : i32
      %dma_start3A_33 = tpu.memref_slice %arg6[%add3A_13, %dma_start3A] : memref<10240x128xf32, #tpu.memory_space<vmem_shared>> -> memref<128x128xf32, #tpu.memory_space<vmem_shared>>
      %dma_start3A_34 = arith.constant 0 : i32
      %dma_start3A_35 = tpu.memref_slice %arg6[%add3A_13, %dma_start3A_34] : memref<10240x128xf32, #tpu.memory_space<vmem_shared>> -> memref<128x128xf32, #tpu.memory_space<vmem_shared>>
      tpu.enqueue_dma source(%arg5 : memref<128x128xf32, #tpu.memory_space<vmem>>) target(%dma_start3A_35 : memref<128x128xf32, #tpu.memory_space<vmem_shared>>) target_semaphore(%run_scoped3A : memref<!tpu.dma_semaphore, #tpu.memory_space<semaphore_mem>>)
      %dma_wait3A = arith.constant 0 : i32
      %dma_wait3A_36 = tpu.memref_slice %arg6[%add3A_13, %dma_wait3A] : memref<10240x128xf32, #tpu.memory_space<vmem_shared>> -> memref<128x128xf32, #tpu.memory_space<vmem_shared>>
      %dma_wait3A_37 = arith.constant 0 : i32
      %dma_wait3A_38 = tpu.memref_slice %arg6[%add3A_13, %dma_wait3A_37] : memref<10240x128xf32, #tpu.memory_space<vmem_shared>> -> memref<128x128xf32, #tpu.memory_space<vmem_shared>>
      tpu.wait_dma2 semaphore(%run_scoped3A : memref<!tpu.dma_semaphore, #tpu.memory_space<semaphore_mem>>) src(%arg5 : memref<128x128xf32, #tpu.memory_space<vmem>>) dst(%dma_wait3A_38 : memref<128x128xf32, #tpu.memory_space<vmem_shared>>)
      tpu.yield
    }) : () -> ()
    %add3A_14 = arith.constant 384 : i32
    %add3A_15 = arith.addi %mul3A_2, %add3A_14 : i32
    "tpu.region"() ({
      %run_scoped3A = tpu.sem_alloc : memref<!tpu.dma_semaphore, #tpu.memory_space<semaphore_mem>>
      %dma_start3A = arith.constant 0 : i32
      %dma_start3A_33 = tpu.memref_slice %arg6[%add3A_15, %dma_start3A] : memref<10240x128xf32, #tpu.memory_space<vmem_shared>> -> memref<128x128xf32, #tpu.memory_space<vmem_shared>>
      %dma_start3A_34 = arith.constant 0 : i32
      %dma_start3A_35 = tpu.memref_slice %arg6[%add3A_15, %dma_start3A_34] : memref<10240x128xf32, #tpu.memory_space<vmem_shared>> -> memref<128x128xf32, #tpu.memory_space<vmem_shared>>
      tpu.enqueue_dma source(%arg5 : memref<128x128xf32, #tpu.memory_space<vmem>>) target(%dma_start3A_35 : memref<128x128xf32, #tpu.memory_space<vmem_shared>>) target_semaphore(%run_scoped3A : memref<!tpu.dma_semaphore, #tpu.memory_space<semaphore_mem>>)
      %dma_wait3A = arith.constant 0 : i32
      %dma_wait3A_36 = tpu.memref_slice %arg6[%add3A_15, %dma_wait3A] : memref<10240x128xf32, #tpu.memory_space<vmem_shared>> -> memref<128x128xf32, #tpu.memory_space<vmem_shared>>
      %dma_wait3A_37 = arith.constant 0 : i32
      %dma_wait3A_38 = tpu.memref_slice %arg6[%add3A_15, %dma_wait3A_37] : memref<10240x128xf32, #tpu.memory_space<vmem_shared>> -> memref<128x128xf32, #tpu.memory_space<vmem_shared>>
      tpu.wait_dma2 semaphore(%run_scoped3A : memref<!tpu.dma_semaphore, #tpu.memory_space<semaphore_mem>>) src(%arg5 : memref<128x128xf32, #tpu.memory_space<vmem>>) dst(%dma_wait3A_38 : memref<128x128xf32, #tpu.memory_space<vmem_shared>>)
      tpu.yield
    }) : () -> ()
    %add3A_16 = arith.constant 512 : i32
    %add3A_17 = arith.addi %mul3A_2, %add3A_16 : i32
    "tpu.region"() ({
      %run_scoped3A = tpu.sem_alloc : memref<!tpu.dma_semaphore, #tpu.memory_space<semaphore_mem>>
      %dma_start3A = arith.constant 0 : i32
      %dma_start3A_33 = tpu.memref_slice %arg6[%add3A_17, %dma_start3A] : memref<10240x128xf32, #tpu.memory_space<vmem_shared>> -> memref<128x128xf32, #tpu.memory_space<vmem_shared>>
      %dma_start3A_34 = arith.constant 0 : i32
      %dma_start3A_35 = tpu.memref_slice %arg6[%add3A_17, %dma_start3A_34] : memref<10240x128xf32, #tpu.memory_space<vmem_shared>> -> memref<128x128xf32, #tpu.memory_space<vmem_shared>>
      tpu.enqueue_dma source(%arg5 : memref<128x128xf32, #tpu.memory_space<vmem>>) target(%dma_start3A_35 : memref<128x128xf32, #tpu.memory_space<vmem_shared>>) target_semaphore(%run_scoped3A : memref<!tpu.dma_semaphore, #tpu.memory_space<semaphore_mem>>)
      %dma_wait3A = arith.constant 0 : i32
      %dma_wait3A_36 = tpu.memref_slice %arg6[%add3A_17, %dma_wait3A] : memref<10240x128xf32, #tpu.memory_space<vmem_shared>> -> memref<128x128xf32, #tpu.memory_space<vmem_shared>>
      %dma_wait3A_37 = arith.constant 0 : i32
      %dma_wait3A_38 = tpu.memref_slice %arg6[%add3A_17, %dma_wait3A_37] : memref<10240x128xf32, #tpu.memory_space<vmem_shared>> -> memref<128x128xf32, #tpu.memory_space<vmem_shared>>
      tpu.wait_dma2 semaphore(%run_scoped3A : memref<!tpu.dma_semaphore, #tpu.memory_space<semaphore_mem>>) src(%arg5 : memref<128x128xf32, #tpu.memory_space<vmem>>) dst(%dma_wait3A_38 : memref<128x128xf32, #tpu.memory_space<vmem_shared>>)
      tpu.yield
    }) : () -> ()
    %scan3A_18 = arith.constant 0 : i32
    %scan3A_19 = arith.constant 0 : i32
    %scan3A_20 = arith.constant 128 : i32
    %scan3A_21 = arith.addi %scan3A_19, %scan3A_20 : i32
    %scan3A_22 = arith.constant 1 : i32
    scf.for %scan3A_33 = %scan3A_19 to %scan3A_21 step %scan3A_22  : i32 {
      %broadcast_in_dim3A = arith.constant 1.000000e+00 : f32
      %broadcast_in_dim3A_34 = vector.broadcast %broadcast_in_dim3A : f32 to vector<16xf32>
      %swap3A = arith.index_cast %scan3A_33 : i32 to index
      %swap3A_35 = arith.constant 0 : index
      %swap3A_36 = tpu.vector_load %arg5[%swap3A, %swap3A_35] {strides = array<i32>} : memref<128x128xf32, #tpu.memory_space<vmem>>, vector<1x16xf32>,
      %swap3A_37 = vector.shape_cast %swap3A_36 : vector<1x16xf32> to vector<16xf32>
      %swap3A_38 = vector.shape_cast %broadcast_in_dim3A_34 : vector<16xf32> to vector<1x16xf32>
      tpu.vector_store %arg5[%swap3A, %swap3A_35], %swap3A_38 {strides = array<i32>} : memref<128x128xf32, #tpu.memory_space<vmem>>, vector<1x16xf32>,
      %broadcast_in_dim3A_39 = arith.constant 1.000000e+00 : f32
      %broadcast_in_dim3A_40 = vector.broadcast %broadcast_in_dim3A_39 : f32 to vector<16xf32>
      %swap3A_41 = arith.index_cast %scan3A_33 : i32 to index
      %swap3A_42 = arith.constant 16 : index
      %swap3A_43 = tpu.vector_load %arg5[%swap3A_41, %swap3A_42] {strides = array<i32>} : memref<128x128xf32, #tpu.memory_space<vmem>>, vector<1x16xf32>,
      %swap3A_44 = vector.shape_cast %swap3A_43 : vector<1x16xf32> to vector<16xf32>
      %swap3A_45 = vector.shape_cast %broadcast_in_dim3A_40 : vector<16xf32> to vector<1x16xf32>
      tpu.vector_store %arg5[%swap3A_41, %swap3A_42], %swap3A_45 {strides = array<i32>} : memref<128x128xf32, #tpu.memory_space<vmem>>, vector<1x16xf32>,
      %broadcast_in_dim3A_46 = arith.constant 1.000000e+00 : f32
      %broadcast_in_dim3A_47 = vector.broadcast %broadcast_in_dim3A_46 : f32 to vector<16xf32>
      %swap3A_48 = arith.index_cast %scan3A_33 : i32 to index
      %swap3A_49 = arith.constant 32 : index
      %swap3A_50 = tpu.vector_load %arg5[%swap3A_48, %swap3A_49] {strides = array<i32>} : memref<128x128xf32, #tpu.memory_space<vmem>>, vector<1x16xf32>,
      %swap3A_51 = vector.shape_cast %swap3A_50 : vector<1x16xf32> to vector<16xf32>
      %swap3A_52 = vector.shape_cast %broadcast_in_dim3A_47 : vector<16xf32> to vector<1x16xf32>
      tpu.vector_store %arg5[%swap3A_48, %swap3A_49], %swap3A_52 {strides = array<i32>} : memref<128x128xf32, #tpu.memory_space<vmem>>, vector<1x16xf32>,
      %broadcast_in_dim3A_53 = arith.constant 1.000000e+00 : f32
      %broadcast_in_dim3A_54 = vector.broadcast %broadcast_in_dim3A_53 : f32 to vector<16xf32>
      %swap3A_55 = arith.index_cast %scan3A_33 : i32 to index
      %swap3A_56 = arith.constant 48 : index
      %swap3A_57 = tpu.vector_load %arg5[%swap3A_55, %swap3A_56] {strides = array<i32>} : memref<128x128xf32, #tpu.memory_space<vmem>>, vector<1x16xf32>,
      %swap3A_58 = vector.shape_cast %swap3A_57 : vector<1x16xf32> to vector<16xf32>
      %swap3A_59 = vector.shape_cast %broadcast_in_dim3A_54 : vector<16xf32> to vector<1x16xf32>
      tpu.vector_store %arg5[%swap3A_55, %swap3A_56], %swap3A_59 {strides = array<i32>} : memref<128x128xf32, #tpu.memory_space<vmem>>, vector<1x16xf32>,
      %broadcast_in_dim3A_60 = arith.constant 1.000000e+00 : f32
      %broadcast_in_dim3A_61 = vector.broadcast %broadcast_in_dim3A_60 : f32 to vector<16xf32>
      %swap3A_62 = arith.index_cast %scan3A_33 : i32 to index
      %swap3A_63 = arith.constant 64 : index
      %swap3A_64 = tpu.vector_load %arg5[%swap3A_62, %swap3A_63] {strides = array<i32>} : memref<128x128xf32, #tpu.memory_space<vmem>>, vector<1x16xf32>,
      %swap3A_65 = vector.shape_cast %swap3A_64 : vector<1x16xf32> to vector<16xf32>
      %swap3A_66 = vector.shape_cast %broadcast_in_dim3A_61 : vector<16xf32> to vector<1x16xf32>
      tpu.vector_store %arg5[%swap3A_62, %swap3A_63], %swap3A_66 {strides = array<i32>} : memref<128x128xf32, #tpu.memory_space<vmem>>, vector<1x16xf32>,
      %broadcast_in_dim3A_67 = arith.constant 1.000000e+00 : f32
      %broadcast_in_dim3A_68 = vector.broadcast %broadcast_in_dim3A_67 : f32 to vector<16xf32>
      %swap3A_69 = arith.index_cast %scan3A_33 : i32 to index
      %swap3A_70 = arith.constant 80 : index
      %swap3A_71 = tpu.vector_load %arg5[%swap3A_69, %swap3A_70] {strides = array<i32>} : memref<128x128xf32, #tpu.memory_space<vmem>>, vector<1x16xf32>,
      %swap3A_72 = vector.shape_cast %swap3A_71 : vector<1x16xf32> to vector<16xf32>
      %swap3A_73 = vector.shape_cast %broadcast_in_dim3A_68 : vector<16xf32> to vector<1x16xf32>
      tpu.vector_store %arg5[%swap3A_69, %swap3A_70], %swap3A_73 {strides = array<i32>} : memref<128x128xf32, #tpu.memory_space<vmem>>, vector<1x16xf32>,
      %broadcast_in_dim3A_74 = arith.constant 1.000000e+00 : f32
      %broadcast_in_dim3A_75 = vector.broadcast %broadcast_in_dim3A_74 : f32 to vector<16xf32>
      %swap3A_76 = arith.index_cast %scan3A_33 : i32 to index
      %swap3A_77 = arith.constant 96 : index
      %swap3A_78 = tpu.vector_load %arg5[%swap3A_76, %swap3A_77] {strides = array<i32>} : memref<128x128xf32, #tpu.memory_space<vmem>>, vector<1x16xf32>,
      %swap3A_79 = vector.shape_cast %swap3A_78 : vector<1x16xf32> to vector<16xf32>
      %swap3A_80 = vector.shape_cast %broadcast_in_dim3A_75 : vector<16xf32> to vector<1x16xf32>
      tpu.vector_store %arg5[%swap3A_76, %swap3A_77], %swap3A_80 {strides = array<i32>} : memref<128x128xf32, #tpu.memory_space<vmem>>, vector<1x16xf32>,
      %broadcast_in_dim3A_81 = arith.constant 1.000000e+00 : f32
      %broadcast_in_dim3A_82 = vector.broadcast %broadcast_in_dim3A_81 : f32 to vector<16xf32>
      %swap3A_83 = arith.index_cast %scan3A_33 : i32 to index
      %swap3A_84 = arith.constant 112 : index
      %swap3A_85 = tpu.vector_load %arg5[%swap3A_83, %swap3A_84] {strides = array<i32>} : memref<128x128xf32, #tpu.memory_space<vmem>>, vector<1x16xf32>,
      %swap3A_86 = vector.shape_cast %swap3A_85 : vector<1x16xf32> to vector<16xf32>
      %swap3A_87 = vector.shape_cast %broadcast_in_dim3A_82 : vector<16xf32> to vector<1x16xf32>
      tpu.vector_store %arg5[%swap3A_83, %swap3A_84], %swap3A_87 {strides = array<i32>} : memref<128x128xf32, #tpu.memory_space<vmem>>, vector<1x16xf32>,
    }
    %scan3A_23 = arith.constant 128 : i32
    %mul3A_24 = arith.constant 80 : i32
    %mul3A_25 = arith.muli %add3A, %mul3A_24 : i32
    "tpu.region"() ({
      %run_scoped3A = tpu.sem_alloc : memref<!tpu.dma_semaphore, #tpu.memory_space<semaphore_mem>>
      %dma_start3A = arith.constant 0 : i32
      %dma_start3A_33 = tpu.memref_slice %arg2[%mul3A_25, %dma_start3A] : memref<2560x128xi32, #tpu.memory_space<hbm>> -> memref<80x128xi32, #tpu.memory_space<hbm>>
      %dma_start3A_34 = arith.constant 0 : i32
      %dma_start3A_35 = tpu.memref_slice %arg2[%mul3A_25, %dma_start3A_34] : memref<2560x128xi32, #tpu.memory_space<hbm>> -> memref<80x128xi32, #tpu.memory_space<hbm>>
      tpu.enqueue_dma source(%dma_start3A_35 : memref<80x128xi32, #tpu.memory_space<hbm>>) target(%arg4 : memref<80x128xi32, #tpu.memory_space<vmem>>) target_semaphore(%run_scoped3A : memref<!tpu.dma_semaphore, #tpu.memory_space<semaphore_mem>>)
      %dma_wait3A = arith.constant 0 : i32
      %dma_wait3A_36 = tpu.memref_slice %arg2[%mul3A_25, %dma_wait3A] : memref<2560x128xi32, #tpu.memory_space<hbm>> -> memref<80x128xi32, #tpu.memory_space<hbm>>
      %dma_wait3A_37 = arith.constant 0 : i32
      %dma_wait3A_38 = tpu.memref_slice %arg2[%mul3A_25, %dma_wait3A_37] : memref<2560x128xi32, #tpu.memory_space<hbm>> -> memref<80x128xi32, #tpu.memory_space<hbm>>
      tpu.wait_dma2 semaphore(%run_scoped3A : memref<!tpu.dma_semaphore, #tpu.memory_space<semaphore_mem>>) src(%dma_wait3A_38 : memref<80x128xi32, #tpu.memory_space<hbm>>) dst(%arg4 : memref<80x128xi32, #tpu.memory_space<vmem>>)
      tpu.yield
    }) : () -> ()
    %barrier3A = arith.constant 0 : index
    tpu.barrier barrier_id(%barrier3A)
    %scan3A_26 = arith.constant 0 : i32
    %scan3A_27 = arith.constant 0 : i32
    %scan3A_28 = arith.constant 80 : i32
    %scan3A_29 = arith.addi %scan3A_27, %scan3A_28 : i32
    %scan3A_30 = arith.constant 1 : i32
    scf.for %scan3A_33 = %scan3A_27 to %scan3A_29 step %scan3A_30  : i32 {
      "tpu.region"() ({
        %run_scoped3A = tpu.sem_alloc : memref<!tpu.dma_semaphore, #tpu.memory_space<semaphore_mem>>
        %dma_start3A = arith.constant 0 : i32
        %dma_start3A_34 = tpu.memref_slice %arg4[%scan3A_33, %dma_start3A] : memref<80x128xi32, #tpu.memory_space<vmem>> -> memref<1x128xi32, #tpu.memory_space<vmem>>
        %dma_start3A_35 = tpu.memref_squeeze %dma_start3A_34 : memref<1x128xi32, #tpu.memory_space<vmem>> -> memref<128xi32, #tpu.memory_space<vmem>>
        %dma_start3A_36 = arith.constant 0 : i32
        %dma_start3A_37 = arith.constant 0 : i32
        %dma_start3A_38 = tpu.memref_slice %arg6[%dma_start3A_36, %dma_start3A_37] : memref<10240x128xf32, #tpu.memory_space<vmem_shared>> -> memref<10240x128xf32, #tpu.memory_space<vmem_shared>>
        tpu.enqueue_indirect_dma source(%arg5 : memref<128x128xf32, #tpu.memory_space<vmem>>) target(%dma_start3A_38 : memref<10240x128xf32, #tpu.memory_space<vmem_shared>>) offsets(%dma_start3A_35 : memref<128xi32, #tpu.memory_space<vmem>>) semaphore(%run_scoped3A : memref<!tpu.dma_semaphore, #tpu.memory_space<semaphore_mem>>) {add = true}
        %dma_wait3A = arith.constant 0 : i32
        %dma_wait3A_39 = tpu.memref_slice %arg4[%scan3A_33, %dma_wait3A] : memref<80x128xi32, #tpu.memory_space<vmem>> -> memref<1x128xi32, #tpu.memory_space<vmem>>
        %dma_wait3A_40 = tpu.memref_squeeze %dma_wait3A_39 : memref<1x128xi32, #tpu.memory_space<vmem>> -> memref<128xi32, #tpu.memory_space<vmem>>
        %dma_wait3A_41 = arith.constant 0 : i32
        %dma_wait3A_42 = arith.constant 0 : i32
        %dma_wait3A_43 = tpu.memref_slice %arg6[%dma_wait3A_41, %dma_wait3A_42] : memref<10240x128xf32, #tpu.memory_space<vmem_shared>> -> memref<10240x128xf32, #tpu.memory_space<vmem_shared>>
        tpu.wait_indirect_dma semaphore(%run_scoped3A : memref<!tpu.dma_semaphore, #tpu.memory_space<semaphore_mem>>) src(%arg5 : memref<128x128xf32, #tpu.memory_space<vmem>>) dst(%dma_wait3A_43 : memref<10240x128xf32, #tpu.memory_space<vmem_shared>>)
        tpu.yield
      }) : () -> ()
    }
    %scan3A_31 = arith.constant 80 : i32
    %barrier3A_32 = arith.constant 0 : index
    tpu.barrier barrier_id(%barrier3A_32)
    "tpu.region"() ({
      %run_scoped3A = tpu.sem_alloc : memref<!tpu.dma_semaphore, #tpu.memory_space<semaphore_mem>>
      %dma_start3A = arith.constant 0 : i32
      %dma_start3A_33 = tpu.memref_slice %arg3[%arg0, %mul3A_2, %dma_start3A] : memref<2x10240x128xf32, #tpu.memory_space<hbm>> -> memref<1x640x128xf32, #tpu.memory_space<hbm>>
      %dma_start3A_34 = tpu.memref_squeeze %dma_start3A_33 : memref<1x640x128xf32, #tpu.memory_space<hbm>> -> memref<640x128xf32, #tpu.memory_space<hbm>>
      %dma_start3A_35 = arith.constant 0 : i32
      %dma_start3A_36 = tpu.memref_slice %arg6[%mul3A_2, %dma_start3A_35] : memref<10240x128xf32, #tpu.memory_space<vmem_shared>> -> memref<640x128xf32, #tpu.memory_space<vmem_shared>>
      tpu.enqueue_dma source(%dma_start3A_36 : memref<640x128xf32, #tpu.memory_space<vmem_shared>>) target(%dma_start3A_34 : memref<640x128xf32, #tpu.memory_space<hbm>>) target_semaphore(%run_scoped3A : memref<!tpu.dma_semaphore, #tpu.memory_space<semaphore_mem>>)
      %dma_wait3A = arith.constant 0 : i32
      %dma_wait3A_37 = tpu.memref_slice %arg3[%arg0, %mul3A_2, %dma_wait3A] : memref<2x10240x128xf32, #tpu.memory_space<hbm>> -> memref<1x640x128xf32, #tpu.memory_space<hbm>>
      %dma_wait3A_38 = tpu.memref_squeeze %dma_wait3A_37 : memref<1x640x128xf32, #tpu.memory_space<hbm>> -> memref<640x128xf32, #tpu.memory_space<hbm>>
      %dma_wait3A_39 = arith.constant 0 : i32
      %dma_wait3A_40 = tpu.memref_slice %arg6[%mul3A_2, %dma_wait3A_39] : memref<10240x128xf32, #tpu.memory_space<vmem_shared>> -> memref<640x128xf32, #tpu.memory_space<vmem_shared>>
      tpu.wait_dma2 semaphore(%run_scoped3A : memref<!tpu.dma_semaphore, #tpu.memory_space<semaphore_mem>>) src(%dma_wait3A_40 : memref<640x128xf32, #tpu.memory_space<vmem_shared>>) dst(%dma_wait3A_38 : memref<640x128xf32, #tpu.memory_space<hbm>>)
      tpu.yield
    }) : () -> ()
    return
  }
}

#map = affine_map<(d0, d1) -> (0, 0)>
module attributes {stable_mosaic.version = 14 : i64} {
  func.func @_agg_kernel(%arg0: i32, %arg1: i32, %arg2: memref<2560x128xi32, #tpu.memory_space<hbm>>, %arg3: memref<2560x128xi32, #tpu.memory_space<hbm>>, %arg4: memref<10240x128xf32, #tpu.memory_space<hbm>>, %arg5: memref<10240x128xf32, #tpu.memory_space<hbm>>, %arg6: memref<32x128xi32, #tpu.memory_space<vmem>>, %arg7: memref<32x128xi32, #tpu.memory_space<vmem>>, %arg8: memref<128x128xf32, #tpu.memory_space<vmem>>, %arg9: memref<128x128xf32, #tpu.memory_space<vmem>>, %arg10: memref<10240x128xf32, #tpu.memory_space<vmem_shared>>, %arg11: memref<!tpu.dma_semaphore, #tpu.memory_space<semaphore_mem>>, %arg12: memref<!tpu.dma_semaphore, #tpu.memory_space<semaphore_mem>>) attributes {dimension_semantics = [#tpu.dimension_semantics<core_parallel>, #tpu.dimension_semantics<subcore_parallel>], iteration_bounds = array<i64: 2, 16>, scalar_prefetch = 0 : i64, scratch_operands = 7 : i64, tpu.core_type = #tpu.core_type<sc_vector_subcore>, window_params = [{transform_indices = #map}, {transform_indices = #map}, {transform_indices = #map}, {transform_indices = #map}]} {
    %mul3A = arith.constant 640 : i32
    %mul3A_0 = arith.muli %arg1, %mul3A : i32
    %eq3A = arith.constant 0 : i32
    %eq3A_1 = arith.cmpi eq, %arg0, %eq3A : i32
    %convert_element_type3A = arith.extui %eq3A_1 : i1 to i32
    %cond3A = arith.constant 0 : i32
    %cond3A_2 = arith.cmpi ne, %convert_element_type3A, %cond3A : i32
    scf.if %cond3A_2 {
      %scan3A = arith.constant 0 : i32
      %scan3A_3 = arith.constant 0 : i32
      %scan3A_4 = arith.constant 128 : i32
      %scan3A_5 = arith.addi %scan3A_3, %scan3A_4 : i32
      %scan3A_6 = arith.constant 1 : i32
      scf.for %scan3A_137 = %scan3A_3 to %scan3A_5 step %scan3A_6  : i32 {
        %broadcast_in_dim3A = arith.constant 0.000000e+00 : f32
        %broadcast_in_dim3A_138 = vector.broadcast %broadcast_in_dim3A : f32 to vector<16xf32>
        %swap3A = arith.index_cast %scan3A_137 : i32 to index
        %swap3A_139 = arith.constant 0 : index
        %swap3A_140 = tpu.vector_load %arg8[%swap3A, %swap3A_139] {strides = array<i32>} : memref<128x128xf32, #tpu.memory_space<vmem>>, vector<1x16xf32>,
        %swap3A_141 = vector.shape_cast %swap3A_140 : vector<1x16xf32> to vector<16xf32>
        %swap3A_142 = vector.shape_cast %broadcast_in_dim3A_138 : vector<16xf32> to vector<1x16xf32>
        tpu.vector_store %arg8[%swap3A, %swap3A_139], %swap3A_142 {strides = array<i32>} : memref<128x128xf32, #tpu.memory_space<vmem>>, vector<1x16xf32>,
        %broadcast_in_dim3A_143 = arith.constant 0.000000e+00 : f32
        %broadcast_in_dim3A_144 = vector.broadcast %broadcast_in_dim3A_143 : f32 to vector<16xf32>
        %swap3A_145 = arith.index_cast %scan3A_137 : i32 to index
        %swap3A_146 = arith.constant 16 : index
        %swap3A_147 = tpu.vector_load %arg8[%swap3A_145, %swap3A_146] {strides = array<i32>} : memref<128x128xf32, #tpu.memory_space<vmem>>, vector<1x16xf32>,
        %swap3A_148 = vector.shape_cast %swap3A_147 : vector<1x16xf32> to vector<16xf32>
        %swap3A_149 = vector.shape_cast %broadcast_in_dim3A_144 : vector<16xf32> to vector<1x16xf32>
        tpu.vector_store %arg8[%swap3A_145, %swap3A_146], %swap3A_149 {strides = array<i32>} : memref<128x128xf32, #tpu.memory_space<vmem>>, vector<1x16xf32>,
        %broadcast_in_dim3A_150 = arith.constant 0.000000e+00 : f32
        %broadcast_in_dim3A_151 = vector.broadcast %broadcast_in_dim3A_150 : f32 to vector<16xf32>
        %swap3A_152 = arith.index_cast %scan3A_137 : i32 to index
        %swap3A_153 = arith.constant 32 : index
        %swap3A_154 = tpu.vector_load %arg8[%swap3A_152, %swap3A_153] {strides = array<i32>} : memref<128x128xf32, #tpu.memory_space<vmem>>, vector<1x16xf32>,
        %swap3A_155 = vector.shape_cast %swap3A_154 : vector<1x16xf32> to vector<16xf32>
        %swap3A_156 = vector.shape_cast %broadcast_in_dim3A_151 : vector<16xf32> to vector<1x16xf32>
        tpu.vector_store %arg8[%swap3A_152, %swap3A_153], %swap3A_156 {strides = array<i32>} : memref<128x128xf32, #tpu.memory_space<vmem>>, vector<1x16xf32>,
        %broadcast_in_dim3A_157 = arith.constant 0.000000e+00 : f32
        %broadcast_in_dim3A_158 = vector.broadcast %broadcast_in_dim3A_157 : f32 to vector<16xf32>
        %swap3A_159 = arith.index_cast %scan3A_137 : i32 to index
        %swap3A_160 = arith.constant 48 : index
        %swap3A_161 = tpu.vector_load %arg8[%swap3A_159, %swap3A_160] {strides = array<i32>} : memref<128x128xf32, #tpu.memory_space<vmem>>, vector<1x16xf32>,
        %swap3A_162 = vector.shape_cast %swap3A_161 : vector<1x16xf32> to vector<16xf32>
        %swap3A_163 = vector.shape_cast %broadcast_in_dim3A_158 : vector<16xf32> to vector<1x16xf32>
        tpu.vector_store %arg8[%swap3A_159, %swap3A_160], %swap3A_163 {strides = array<i32>} : memref<128x128xf32, #tpu.memory_space<vmem>>, vector<1x16xf32>,
        %broadcast_in_dim3A_164 = arith.constant 0.000000e+00 : f32
        %broadcast_in_dim3A_165 = vector.broadcast %broadcast_in_dim3A_164 : f32 to vector<16xf32>
        %swap3A_166 = arith.index_cast %scan3A_137 : i32 to index
        %swap3A_167 = arith.constant 64 : index
        %swap3A_168 = tpu.vector_load %arg8[%swap3A_166, %swap3A_167] {strides = array<i32>} : memref<128x128xf32, #tpu.memory_space<vmem>>, vector<1x16xf32>,
        %swap3A_169 = vector.shape_cast %swap3A_168 : vector<1x16xf32> to vector<16xf32>
        %swap3A_170 = vector.shape_cast %broadcast_in_dim3A_165 : vector<16xf32> to vector<1x16xf32>
        tpu.vector_store %arg8[%swap3A_166, %swap3A_167], %swap3A_170 {strides = array<i32>} : memref<128x128xf32, #tpu.memory_space<vmem>>, vector<1x16xf32>,
        %broadcast_in_dim3A_171 = arith.constant 0.000000e+00 : f32
        %broadcast_in_dim3A_172 = vector.broadcast %broadcast_in_dim3A_171 : f32 to vector<16xf32>
        %swap3A_173 = arith.index_cast %scan3A_137 : i32 to index
        %swap3A_174 = arith.constant 80 : index
        %swap3A_175 = tpu.vector_load %arg8[%swap3A_173, %swap3A_174] {strides = array<i32>} : memref<128x128xf32, #tpu.memory_space<vmem>>, vector<1x16xf32>,
        %swap3A_176 = vector.shape_cast %swap3A_175 : vector<1x16xf32> to vector<16xf32>
        %swap3A_177 = vector.shape_cast %broadcast_in_dim3A_172 : vector<16xf32> to vector<1x16xf32>
        tpu.vector_store %arg8[%swap3A_173, %swap3A_174], %swap3A_177 {strides = array<i32>} : memref<128x128xf32, #tpu.memory_space<vmem>>, vector<1x16xf32>,
        %broadcast_in_dim3A_178 = arith.constant 0.000000e+00 : f32
        %broadcast_in_dim3A_179 = vector.broadcast %broadcast_in_dim3A_178 : f32 to vector<16xf32>
        %swap3A_180 = arith.index_cast %scan3A_137 : i32 to index
        %swap3A_181 = arith.constant 96 : index
        %swap3A_182 = tpu.vector_load %arg8[%swap3A_180, %swap3A_181] {strides = array<i32>} : memref<128x128xf32, #tpu.memory_space<vmem>>, vector<1x16xf32>,
        %swap3A_183 = vector.shape_cast %swap3A_182 : vector<1x16xf32> to vector<16xf32>
        %swap3A_184 = vector.shape_cast %broadcast_in_dim3A_179 : vector<16xf32> to vector<1x16xf32>
        tpu.vector_store %arg8[%swap3A_180, %swap3A_181], %swap3A_184 {strides = array<i32>} : memref<128x128xf32, #tpu.memory_space<vmem>>, vector<1x16xf32>,
        %broadcast_in_dim3A_185 = arith.constant 0.000000e+00 : f32
        %broadcast_in_dim3A_186 = vector.broadcast %broadcast_in_dim3A_185 : f32 to vector<16xf32>
        %swap3A_187 = arith.index_cast %scan3A_137 : i32 to index
        %swap3A_188 = arith.constant 112 : index
        %swap3A_189 = tpu.vector_load %arg8[%swap3A_187, %swap3A_188] {strides = array<i32>} : memref<128x128xf32, #tpu.memory_space<vmem>>, vector<1x16xf32>,
        %swap3A_190 = vector.shape_cast %swap3A_189 : vector<1x16xf32> to vector<16xf32>
        %swap3A_191 = vector.shape_cast %broadcast_in_dim3A_186 : vector<16xf32> to vector<1x16xf32>
        tpu.vector_store %arg8[%swap3A_187, %swap3A_188], %swap3A_191 {strides = array<i32>} : memref<128x128xf32, #tpu.memory_space<vmem>>, vector<1x16xf32>,
      }
      %scan3A_7 = arith.constant 128 : i32
      %add3A = arith.constant 0 : i32
      %add3A_8 = arith.addi %mul3A_0, %add3A : i32
      "tpu.region"() ({
        %run_scoped3A = tpu.sem_alloc : memref<!tpu.dma_semaphore, #tpu.memory_space<semaphore_mem>>
        %dma_start3A_137 = arith.constant 0 : i32
        %dma_start3A_138 = tpu.memref_slice %arg10[%add3A_8, %dma_start3A_137] : memref<10240x128xf32, #tpu.memory_space<vmem_shared>> -> memref<128x128xf32, #tpu.memory_space<vmem_shared>>
        %dma_start3A_139 = arith.constant 0 : i32
        %dma_start3A_140 = tpu.memref_slice %arg10[%add3A_8, %dma_start3A_139] : memref<10240x128xf32, #tpu.memory_space<vmem_shared>> -> memref<128x128xf32, #tpu.memory_space<vmem_shared>>
        tpu.enqueue_dma source(%arg8 : memref<128x128xf32, #tpu.memory_space<vmem>>) target(%dma_start3A_140 : memref<128x128xf32, #tpu.memory_space<vmem_shared>>) target_semaphore(%run_scoped3A : memref<!tpu.dma_semaphore, #tpu.memory_space<semaphore_mem>>)
        %dma_wait3A = arith.constant 0 : i32
        %dma_wait3A_141 = tpu.memref_slice %arg10[%add3A_8, %dma_wait3A] : memref<10240x128xf32, #tpu.memory_space<vmem_shared>> -> memref<128x128xf32, #tpu.memory_space<vmem_shared>>
        %dma_wait3A_142 = arith.constant 0 : i32
        %dma_wait3A_143 = tpu.memref_slice %arg10[%add3A_8, %dma_wait3A_142] : memref<10240x128xf32, #tpu.memory_space<vmem_shared>> -> memref<128x128xf32, #tpu.memory_space<vmem_shared>>
        tpu.wait_dma2 semaphore(%run_scoped3A : memref<!tpu.dma_semaphore, #tpu.memory_space<semaphore_mem>>) src(%arg8 : memref<128x128xf32, #tpu.memory_space<vmem>>) dst(%dma_wait3A_143 : memref<128x128xf32, #tpu.memory_space<vmem_shared>>)
        tpu.yield
      }) : () -> ()
      %add3A_9 = arith.constant 128 : i32
      %add3A_10 = arith.addi %mul3A_0, %add3A_9 : i32
      "tpu.region"() ({
        %run_scoped3A = tpu.sem_alloc : memref<!tpu.dma_semaphore, #tpu.memory_space<semaphore_mem>>
        %dma_start3A_137 = arith.constant 0 : i32
        %dma_start3A_138 = tpu.memref_slice %arg10[%add3A_10, %dma_start3A_137] : memref<10240x128xf32, #tpu.memory_space<vmem_shared>> -> memref<128x128xf32, #tpu.memory_space<vmem_shared>>
        %dma_start3A_139 = arith.constant 0 : i32
        %dma_start3A_140 = tpu.memref_slice %arg10[%add3A_10, %dma_start3A_139] : memref<10240x128xf32, #tpu.memory_space<vmem_shared>> -> memref<128x128xf32, #tpu.memory_space<vmem_shared>>
        tpu.enqueue_dma source(%arg8 : memref<128x128xf32, #tpu.memory_space<vmem>>) target(%dma_start3A_140 : memref<128x128xf32, #tpu.memory_space<vmem_shared>>) target_semaphore(%run_scoped3A : memref<!tpu.dma_semaphore, #tpu.memory_space<semaphore_mem>>)
        %dma_wait3A = arith.constant 0 : i32
        %dma_wait3A_141 = tpu.memref_slice %arg10[%add3A_10, %dma_wait3A] : memref<10240x128xf32, #tpu.memory_space<vmem_shared>> -> memref<128x128xf32, #tpu.memory_space<vmem_shared>>
        %dma_wait3A_142 = arith.constant 0 : i32
        %dma_wait3A_143 = tpu.memref_slice %arg10[%add3A_10, %dma_wait3A_142] : memref<10240x128xf32, #tpu.memory_space<vmem_shared>> -> memref<128x128xf32, #tpu.memory_space<vmem_shared>>
        tpu.wait_dma2 semaphore(%run_scoped3A : memref<!tpu.dma_semaphore, #tpu.memory_space<semaphore_mem>>) src(%arg8 : memref<128x128xf32, #tpu.memory_space<vmem>>) dst(%dma_wait3A_143 : memref<128x128xf32, #tpu.memory_space<vmem_shared>>)
        tpu.yield
      }) : () -> ()
      %add3A_11 = arith.constant 256 : i32
      %add3A_12 = arith.addi %mul3A_0, %add3A_11 : i32
      "tpu.region"() ({
        %run_scoped3A = tpu.sem_alloc : memref<!tpu.dma_semaphore, #tpu.memory_space<semaphore_mem>>
        %dma_start3A_137 = arith.constant 0 : i32
        %dma_start3A_138 = tpu.memref_slice %arg10[%add3A_12, %dma_start3A_137] : memref<10240x128xf32, #tpu.memory_space<vmem_shared>> -> memref<128x128xf32, #tpu.memory_space<vmem_shared>>
        %dma_start3A_139 = arith.constant 0 : i32
        %dma_start3A_140 = tpu.memref_slice %arg10[%add3A_12, %dma_start3A_139] : memref<10240x128xf32, #tpu.memory_space<vmem_shared>> -> memref<128x128xf32, #tpu.memory_space<vmem_shared>>
        tpu.enqueue_dma source(%arg8 : memref<128x128xf32, #tpu.memory_space<vmem>>) target(%dma_start3A_140 : memref<128x128xf32, #tpu.memory_space<vmem_shared>>) target_semaphore(%run_scoped3A : memref<!tpu.dma_semaphore, #tpu.memory_space<semaphore_mem>>)
        %dma_wait3A = arith.constant 0 : i32
        %dma_wait3A_141 = tpu.memref_slice %arg10[%add3A_12, %dma_wait3A] : memref<10240x128xf32, #tpu.memory_space<vmem_shared>> -> memref<128x128xf32, #tpu.memory_space<vmem_shared>>
        %dma_wait3A_142 = arith.constant 0 : i32
        %dma_wait3A_143 = tpu.memref_slice %arg10[%add3A_12, %dma_wait3A_142] : memref<10240x128xf32, #tpu.memory_space<vmem_shared>> -> memref<128x128xf32, #tpu.memory_space<vmem_shared>>
        tpu.wait_dma2 semaphore(%run_scoped3A : memref<!tpu.dma_semaphore, #tpu.memory_space<semaphore_mem>>) src(%arg8 : memref<128x128xf32, #tpu.memory_space<vmem>>) dst(%dma_wait3A_143 : memref<128x128xf32, #tpu.memory_space<vmem_shared>>)
        tpu.yield
      }) : () -> ()
      %add3A_13 = arith.constant 384 : i32
      %add3A_14 = arith.addi %mul3A_0, %add3A_13 : i32
      "tpu.region"() ({
        %run_scoped3A = tpu.sem_alloc : memref<!tpu.dma_semaphore, #tpu.memory_space<semaphore_mem>>
        %dma_start3A_137 = arith.constant 0 : i32
        %dma_start3A_138 = tpu.memref_slice %arg10[%add3A_14, %dma_start3A_137] : memref<10240x128xf32, #tpu.memory_space<vmem_shared>> -> memref<128x128xf32, #tpu.memory_space<vmem_shared>>
        %dma_start3A_139 = arith.constant 0 : i32
        %dma_start3A_140 = tpu.memref_slice %arg10[%add3A_14, %dma_start3A_139] : memref<10240x128xf32, #tpu.memory_space<vmem_shared>> -> memref<128x128xf32, #tpu.memory_space<vmem_shared>>
        tpu.enqueue_dma source(%arg8 : memref<128x128xf32, #tpu.memory_space<vmem>>) target(%dma_start3A_140 : memref<128x128xf32, #tpu.memory_space<vmem_shared>>) target_semaphore(%run_scoped3A : memref<!tpu.dma_semaphore, #tpu.memory_space<semaphore_mem>>)
        %dma_wait3A = arith.constant 0 : i32
        %dma_wait3A_141 = tpu.memref_slice %arg10[%add3A_14, %dma_wait3A] : memref<10240x128xf32, #tpu.memory_space<vmem_shared>> -> memref<128x128xf32, #tpu.memory_space<vmem_shared>>
        %dma_wait3A_142 = arith.constant 0 : i32
        %dma_wait3A_143 = tpu.memref_slice %arg10[%add3A_14, %dma_wait3A_142] : memref<10240x128xf32, #tpu.memory_space<vmem_shared>> -> memref<128x128xf32, #tpu.memory_space<vmem_shared>>
        tpu.wait_dma2 semaphore(%run_scoped3A : memref<!tpu.dma_semaphore, #tpu.memory_space<semaphore_mem>>) src(%arg8 : memref<128x128xf32, #tpu.memory_space<vmem>>) dst(%dma_wait3A_143 : memref<128x128xf32, #tpu.memory_space<vmem_shared>>)
        tpu.yield
      }) : () -> ()
      %add3A_15 = arith.constant 512 : i32
      %add3A_16 = arith.addi %mul3A_0, %add3A_15 : i32
      "tpu.region"() ({
        %run_scoped3A = tpu.sem_alloc : memref<!tpu.dma_semaphore, #tpu.memory_space<semaphore_mem>>
        %dma_start3A_137 = arith.constant 0 : i32
        %dma_start3A_138 = tpu.memref_slice %arg10[%add3A_16, %dma_start3A_137] : memref<10240x128xf32, #tpu.memory_space<vmem_shared>> -> memref<128x128xf32, #tpu.memory_space<vmem_shared>>
        %dma_start3A_139 = arith.constant 0 : i32
        %dma_start3A_140 = tpu.memref_slice %arg10[%add3A_16, %dma_start3A_139] : memref<10240x128xf32, #tpu.memory_space<vmem_shared>> -> memref<128x128xf32, #tpu.memory_space<vmem_shared>>
        tpu.enqueue_dma source(%arg8 : memref<128x128xf32, #tpu.memory_space<vmem>>) target(%dma_start3A_140 : memref<128x128xf32, #tpu.memory_space<vmem_shared>>) target_semaphore(%run_scoped3A : memref<!tpu.dma_semaphore, #tpu.memory_space<semaphore_mem>>)
        %dma_wait3A = arith.constant 0 : i32
        %dma_wait3A_141 = tpu.memref_slice %arg10[%add3A_16, %dma_wait3A] : memref<10240x128xf32, #tpu.memory_space<vmem_shared>> -> memref<128x128xf32, #tpu.memory_space<vmem_shared>>
        %dma_wait3A_142 = arith.constant 0 : i32
        %dma_wait3A_143 = tpu.memref_slice %arg10[%add3A_16, %dma_wait3A_142] : memref<10240x128xf32, #tpu.memory_space<vmem_shared>> -> memref<128x128xf32, #tpu.memory_space<vmem_shared>>
        tpu.wait_dma2 semaphore(%run_scoped3A : memref<!tpu.dma_semaphore, #tpu.memory_space<semaphore_mem>>) src(%arg8 : memref<128x128xf32, #tpu.memory_space<vmem>>) dst(%dma_wait3A_143 : memref<128x128xf32, #tpu.memory_space<vmem_shared>>)
        tpu.yield
      }) : () -> ()
      %barrier3A = arith.constant 0 : index
      tpu.barrier barrier_id(%barrier3A)
      %mul3A_17 = arith.constant 160 : i32
      %mul3A_18 = arith.muli %arg1, %mul3A_17 : i32
      %add3A_19 = arith.constant 0 : i32
      %add3A_20 = arith.addi %mul3A_18, %add3A_19 : i32
      "tpu.region"() ({
        %run_scoped3A = tpu.sem_alloc : memref<!tpu.dma_semaphore, #tpu.memory_space<semaphore_mem>>
        %dma_start3A_137 = arith.constant 0 : i32
        %dma_start3A_138 = tpu.memref_slice %arg2[%add3A_20, %dma_start3A_137] : memref<2560x128xi32, #tpu.memory_space<hbm>> -> memref<32x128xi32, #tpu.memory_space<hbm>>
        %dma_start3A_139 = arith.constant 0 : i32
        %dma_start3A_140 = tpu.memref_slice %arg2[%add3A_20, %dma_start3A_139] : memref<2560x128xi32, #tpu.memory_space<hbm>> -> memref<32x128xi32, #tpu.memory_space<hbm>>
        tpu.enqueue_dma source(%dma_start3A_140 : memref<32x128xi32, #tpu.memory_space<hbm>>) target(%arg6 : memref<32x128xi32, #tpu.memory_space<vmem>>) target_semaphore(%run_scoped3A : memref<!tpu.dma_semaphore, #tpu.memory_space<semaphore_mem>>)
        %dma_wait3A = arith.constant 0 : i32
        %dma_wait3A_141 = tpu.memref_slice %arg2[%add3A_20, %dma_wait3A] : memref<2560x128xi32, #tpu.memory_space<hbm>> -> memref<32x128xi32, #tpu.memory_space<hbm>>
        %dma_wait3A_142 = arith.constant 0 : i32
        %dma_wait3A_143 = tpu.memref_slice %arg2[%add3A_20, %dma_wait3A_142] : memref<2560x128xi32, #tpu.memory_space<hbm>> -> memref<32x128xi32, #tpu.memory_space<hbm>>
        tpu.wait_dma2 semaphore(%run_scoped3A : memref<!tpu.dma_semaphore, #tpu.memory_space<semaphore_mem>>) src(%dma_wait3A_143 : memref<32x128xi32, #tpu.memory_space<hbm>>) dst(%arg6 : memref<32x128xi32, #tpu.memory_space<vmem>>)
        tpu.yield
      }) : () -> ()
      "tpu.region"() ({
        %run_scoped3A = tpu.sem_alloc : memref<!tpu.dma_semaphore, #tpu.memory_space<semaphore_mem>>
        %dma_start3A_137 = arith.constant 0 : i32
        %dma_start3A_138 = tpu.memref_slice %arg3[%add3A_20, %dma_start3A_137] : memref<2560x128xi32, #tpu.memory_space<hbm>> -> memref<32x128xi32, #tpu.memory_space<hbm>>
        %dma_start3A_139 = arith.constant 0 : i32
        %dma_start3A_140 = tpu.memref_slice %arg3[%add3A_20, %dma_start3A_139] : memref<2560x128xi32, #tpu.memory_space<hbm>> -> memref<32x128xi32, #tpu.memory_space<hbm>>
        tpu.enqueue_dma source(%dma_start3A_140 : memref<32x128xi32, #tpu.memory_space<hbm>>) target(%arg7 : memref<32x128xi32, #tpu.memory_space<vmem>>) target_semaphore(%run_scoped3A : memref<!tpu.dma_semaphore, #tpu.memory_space<semaphore_mem>>)
        %dma_wait3A = arith.constant 0 : i32
        %dma_wait3A_141 = tpu.memref_slice %arg3[%add3A_20, %dma_wait3A] : memref<2560x128xi32, #tpu.memory_space<hbm>> -> memref<32x128xi32, #tpu.memory_space<hbm>>
        %dma_wait3A_142 = arith.constant 0 : i32
        %dma_wait3A_143 = tpu.memref_slice %arg3[%add3A_20, %dma_wait3A_142] : memref<2560x128xi32, #tpu.memory_space<hbm>> -> memref<32x128xi32, #tpu.memory_space<hbm>>
        tpu.wait_dma2 semaphore(%run_scoped3A : memref<!tpu.dma_semaphore, #tpu.memory_space<semaphore_mem>>) src(%dma_wait3A_143 : memref<32x128xi32, #tpu.memory_space<hbm>>) dst(%arg7 : memref<32x128xi32, #tpu.memory_space<vmem>>)
        tpu.yield
      }) : () -> ()
      %dma_start3A = arith.constant 0 : i32
      %dma_start3A_21 = arith.constant 0 : i32
      %dma_start3A_22 = tpu.memref_slice %arg6[%dma_start3A, %dma_start3A_21] : memref<32x128xi32, #tpu.memory_space<vmem>> -> memref<1x128xi32, #tpu.memory_space<vmem>>
      %dma_start3A_23 = tpu.memref_squeeze %dma_start3A_22 : memref<1x128xi32, #tpu.memory_space<vmem>> -> memref<128xi32, #tpu.memory_space<vmem>>
      %dma_start3A_24 = arith.constant 0 : i32
      %dma_start3A_25 = arith.constant 0 : i32
      %dma_start3A_26 = tpu.memref_slice %arg4[%dma_start3A_24, %dma_start3A_25] : memref<10240x128xf32, #tpu.memory_space<hbm>> -> memref<10240x128xf32, #tpu.memory_space<hbm>>
      tpu.enqueue_indirect_dma source(%dma_start3A_26 : memref<10240x128xf32, #tpu.memory_space<hbm>>) target(%arg8 : memref<128x128xf32, #tpu.memory_space<vmem>>) offsets(%dma_start3A_23 : memref<128xi32, #tpu.memory_space<vmem>>) semaphore(%arg11 : memref<!tpu.dma_semaphore, #tpu.memory_space<semaphore_mem>>)
      %dma_start3A_27 = arith.constant 1 : i32
      %dma_start3A_28 = arith.constant 0 : i32
      %dma_start3A_29 = tpu.memref_slice %arg6[%dma_start3A_27, %dma_start3A_28] : memref<32x128xi32, #tpu.memory_space<vmem>> -> memref<1x128xi32, #tpu.memory_space<vmem>>
      %dma_start3A_30 = tpu.memref_squeeze %dma_start3A_29 : memref<1x128xi32, #tpu.memory_space<vmem>> -> memref<128xi32, #tpu.memory_space<vmem>>
      %dma_start3A_31 = arith.constant 0 : i32
      %dma_start3A_32 = arith.constant 0 : i32
      %dma_start3A_33 = tpu.memref_slice %arg4[%dma_start3A_31, %dma_start3A_32] : memref<10240x128xf32, #tpu.memory_space<hbm>> -> memref<10240x128xf32, #tpu.memory_space<hbm>>
      tpu.enqueue_indirect_dma source(%dma_start3A_33 : memref<10240x128xf32, #tpu.memory_space<hbm>>) target(%arg9 : memref<128x128xf32, #tpu.memory_space<vmem>>) offsets(%dma_start3A_30 : memref<128xi32, #tpu.memory_space<vmem>>) semaphore(%arg12 : memref<!tpu.dma_semaphore, #tpu.memory_space<semaphore_mem>>)
      %scan3A_34 = arith.constant 0 : i32
      %scan3A_35 = arith.constant 0 : i32
      %scan3A_36 = arith.constant 16 : i32
      %scan3A_37 = arith.addi %scan3A_35, %scan3A_36 : i32
      %scan3A_38 = arith.constant 1 : i32
      scf.for %scan3A_137 = %scan3A_35 to %scan3A_37 step %scan3A_38  : i32 {
        %mul3A_138 = arith.constant 2 : i32
        %mul3A_139 = arith.muli %scan3A_137, %mul3A_138 : i32
        %add3A_140 = arith.constant 0 : i32
        %add3A_141 = arith.addi %mul3A_139, %add3A_140 : i32
        %dma_wait3A = arith.constant 0 : i32
        %dma_wait3A_142 = tpu.memref_slice %arg6[%add3A_141, %dma_wait3A] : memref<32x128xi32, #tpu.memory_space<vmem>> -> memref<1x128xi32, #tpu.memory_space<vmem>>
        %dma_wait3A_143 = tpu.memref_squeeze %dma_wait3A_142 : memref<1x128xi32, #tpu.memory_space<vmem>> -> memref<128xi32, #tpu.memory_space<vmem>>
        %dma_wait3A_144 = arith.constant 0 : i32
        %dma_wait3A_145 = arith.constant 0 : i32
        %dma_wait3A_146 = tpu.memref_slice %arg4[%dma_wait3A_144, %dma_wait3A_145] : memref<10240x128xf32, #tpu.memory_space<hbm>> -> memref<10240x128xf32, #tpu.memory_space<hbm>>
        tpu.wait_indirect_dma semaphore(%arg11 : memref<!tpu.dma_semaphore, #tpu.memory_space<semaphore_mem>>) src(%dma_wait3A_146 : memref<10240x128xf32, #tpu.memory_space<hbm>>) dst(%arg8 : memref<128x128xf32, #tpu.memory_space<vmem>>)
        "tpu.region"() ({
          %run_scoped3A = tpu.sem_alloc : memref<!tpu.dma_semaphore, #tpu.memory_space<semaphore_mem>>
          %dma_start3A_170 = arith.constant 0 : i32
          %dma_start3A_171 = tpu.memref_slice %arg7[%add3A_141, %dma_start3A_170] : memref<32x128xi32, #tpu.memory_space<vmem>> -> memref<1x128xi32, #tpu.memory_space<vmem>>
          %dma_start3A_172 = tpu.memref_squeeze %dma_start3A_171 : memref<1x128xi32, #tpu.memory_space<vmem>> -> memref<128xi32, #tpu.memory_space<vmem>>
          %dma_start3A_173 = arith.constant 0 : i32
          %dma_start3A_174 = arith.constant 0 : i32
          %dma_start3A_175 = tpu.memref_slice %arg10[%dma_start3A_173, %dma_start3A_174] : memref<10240x128xf32, #tpu.memory_space<vmem_shared>> -> memref<10240x128xf32, #tpu.memory_space<vmem_shared>>
          tpu.enqueue_indirect_dma source(%arg8 : memref<128x128xf32, #tpu.memory_space<vmem>>) target(%dma_start3A_175 : memref<10240x128xf32, #tpu.memory_space<vmem_shared>>) offsets(%dma_start3A_172 : memref<128xi32, #tpu.memory_space<vmem>>) semaphore(%run_scoped3A : memref<!tpu.dma_semaphore, #tpu.memory_space<semaphore_mem>>) {add = true}
          %dma_wait3A_176 = arith.constant 0 : i32
          %dma_wait3A_177 = tpu.memref_slice %arg7[%add3A_141, %dma_wait3A_176] : memref<32x128xi32, #tpu.memory_space<vmem>> -> memref<1x128xi32, #tpu.memory_space<vmem>>
          %dma_wait3A_178 = tpu.memref_squeeze %dma_wait3A_177 : memref<1x128xi32, #tpu.memory_space<vmem>> -> memref<128xi32, #tpu.memory_space<vmem>>
          %dma_wait3A_179 = arith.constant 0 : i32
          %dma_wait3A_180 = arith.constant 0 : i32
          %dma_wait3A_181 = tpu.memref_slice %arg10[%dma_wait3A_179, %dma_wait3A_180] : memref<10240x128xf32, #tpu.memory_space<vmem_shared>> -> memref<10240x128xf32, #tpu.memory_space<vmem_shared>>
          tpu.wait_indirect_dma semaphore(%run_scoped3A : memref<!tpu.dma_semaphore, #tpu.memory_space<semaphore_mem>>) src(%arg8 : memref<128x128xf32, #tpu.memory_space<vmem>>) dst(%dma_wait3A_181 : memref<10240x128xf32, #tpu.memory_space<vmem_shared>>)
          tpu.yield
        }) : () -> ()
        %add3A_147 = arith.constant 2 : i32
        %add3A_148 = arith.addi %add3A_141, %add3A_147 : i32
        %lt3A = arith.constant 32 : i32
        %lt3A_149 = arith.cmpi slt, %add3A_148, %lt3A : i32
        %convert_element_type3A_150 = arith.extui %lt3A_149 : i1 to i32
        %cond3A_151 = arith.constant 0 : i32
        %cond3A_152 = arith.cmpi ne, %convert_element_type3A_150, %cond3A_151 : i32
        scf.if %cond3A_152 {
          %dma_start3A_170 = arith.constant 0 : i32
          %dma_start3A_171 = tpu.memref_slice %arg6[%add3A_148, %dma_start3A_170] : memref<32x128xi32, #tpu.memory_space<vmem>> -> memref<1x128xi32, #tpu.memory_space<vmem>>
          %dma_start3A_172 = tpu.memref_squeeze %dma_start3A_171 : memref<1x128xi32, #tpu.memory_space<vmem>> -> memref<128xi32, #tpu.memory_space<vmem>>
          %dma_start3A_173 = arith.constant 0 : i32
          %dma_start3A_174 = arith.constant 0 : i32
          %dma_start3A_175 = tpu.memref_slice %arg4[%dma_start3A_173, %dma_start3A_174] : memref<10240x128xf32, #tpu.memory_space<hbm>> -> memref<10240x128xf32, #tpu.memory_space<hbm>>
          tpu.enqueue_indirect_dma source(%dma_start3A_175 : memref<10240x128xf32, #tpu.memory_space<hbm>>) target(%arg8 : memref<128x128xf32, #tpu.memory_space<vmem>>) offsets(%dma_start3A_172 : memref<128xi32, #tpu.memory_space<vmem>>) semaphore(%arg11 : memref<!tpu.dma_semaphore, #tpu.memory_space<semaphore_mem>>)
        } else {
        }
        %mul3A_153 = arith.constant 2 : i32
        %mul3A_154 = arith.muli %scan3A_137, %mul3A_153 : i32
        %add3A_155 = arith.constant 1 : i32
        %add3A_156 = arith.addi %mul3A_154, %add3A_155 : i32
        %dma_wait3A_157 = arith.constant 0 : i32
        %dma_wait3A_158 = tpu.memref_slice %arg6[%add3A_156, %dma_wait3A_157] : memref<32x128xi32, #tpu.memory_space<vmem>> -> memref<1x128xi32, #tpu.memory_space<vmem>>
        %dma_wait3A_159 = tpu.memref_squeeze %dma_wait3A_158 : memref<1x128xi32, #tpu.memory_space<vmem>> -> memref<128xi32, #tpu.memory_space<vmem>>
        %dma_wait3A_160 = arith.constant 0 : i32
        %dma_wait3A_161 = arith.constant 0 : i32
        %dma_wait3A_162 = tpu.memref_slice %arg4[%dma_wait3A_160, %dma_wait3A_161] : memref<10240x128xf32, #tpu.memory_space<hbm>> -> memref<10240x128xf32, #tpu.memory_space<hbm>>
        tpu.wait_indirect_dma semaphore(%arg12 : memref<!tpu.dma_semaphore, #tpu.memory_space<semaphore_mem>>) src(%dma_wait3A_162 : memref<10240x128xf32, #tpu.memory_space<hbm>>) dst(%arg9 : memref<128x128xf32, #tpu.memory_space<vmem>>)
        "tpu.region"() ({
          %run_scoped3A = tpu.sem_alloc : memref<!tpu.dma_semaphore, #tpu.memory_space<semaphore_mem>>
          %dma_start3A_170 = arith.constant 0 : i32
          %dma_start3A_171 = tpu.memref_slice %arg7[%add3A_156, %dma_start3A_170] : memref<32x128xi32, #tpu.memory_space<vmem>> -> memref<1x128xi32, #tpu.memory_space<vmem>>
          %dma_start3A_172 = tpu.memref_squeeze %dma_start3A_171 : memref<1x128xi32, #tpu.memory_space<vmem>> -> memref<128xi32, #tpu.memory_space<vmem>>
          %dma_start3A_173 = arith.constant 0 : i32
          %dma_start3A_174 = arith.constant 0 : i32
          %dma_start3A_175 = tpu.memref_slice %arg10[%dma_start3A_173, %dma_start3A_174] : memref<10240x128xf32, #tpu.memory_space<vmem_shared>> -> memref<10240x128xf32, #tpu.memory_space<vmem_shared>>
          tpu.enqueue_indirect_dma source(%arg9 : memref<128x128xf32, #tpu.memory_space<vmem>>) target(%dma_start3A_175 : memref<10240x128xf32, #tpu.memory_space<vmem_shared>>) offsets(%dma_start3A_172 : memref<128xi32, #tpu.memory_space<vmem>>) semaphore(%run_scoped3A : memref<!tpu.dma_semaphore, #tpu.memory_space<semaphore_mem>>) {add = true}
          %dma_wait3A_176 = arith.constant 0 : i32
          %dma_wait3A_177 = tpu.memref_slice %arg7[%add3A_156, %dma_wait3A_176] : memref<32x128xi32, #tpu.memory_space<vmem>> -> memref<1x128xi32, #tpu.memory_space<vmem>>
          %dma_wait3A_178 = tpu.memref_squeeze %dma_wait3A_177 : memref<1x128xi32, #tpu.memory_space<vmem>> -> memref<128xi32, #tpu.memory_space<vmem>>
          %dma_wait3A_179 = arith.constant 0 : i32
          %dma_wait3A_180 = arith.constant 0 : i32
          %dma_wait3A_181 = tpu.memref_slice %arg10[%dma_wait3A_179, %dma_wait3A_180] : memref<10240x128xf32, #tpu.memory_space<vmem_shared>> -> memref<10240x128xf32, #tpu.memory_space<vmem_shared>>
          tpu.wait_indirect_dma semaphore(%run_scoped3A : memref<!tpu.dma_semaphore, #tpu.memory_space<semaphore_mem>>) src(%arg9 : memref<128x128xf32, #tpu.memory_space<vmem>>) dst(%dma_wait3A_181 : memref<10240x128xf32, #tpu.memory_space<vmem_shared>>)
          tpu.yield
        }) : () -> ()
        %add3A_163 = arith.constant 2 : i32
        %add3A_164 = arith.addi %add3A_156, %add3A_163 : i32
        %lt3A_165 = arith.constant 32 : i32
        %lt3A_166 = arith.cmpi slt, %add3A_164, %lt3A_165 : i32
        %convert_element_type3A_167 = arith.extui %lt3A_166 : i1 to i32
        %cond3A_168 = arith.constant 0 : i32
        %cond3A_169 = arith.cmpi ne, %convert_element_type3A_167, %cond3A_168 : i32
        scf.if %cond3A_169 {
          %dma_start3A_170 = arith.constant 0 : i32
          %dma_start3A_171 = tpu.memref_slice %arg6[%add3A_164, %dma_start3A_170] : memref<32x128xi32, #tpu.memory_space<vmem>> -> memref<1x128xi32, #tpu.memory_space<vmem>>
          %dma_start3A_172 = tpu.memref_squeeze %dma_start3A_171 : memref<1x128xi32, #tpu.memory_space<vmem>> -> memref<128xi32, #tpu.memory_space<vmem>>
          %dma_start3A_173 = arith.constant 0 : i32
          %dma_start3A_174 = arith.constant 0 : i32
          %dma_start3A_175 = tpu.memref_slice %arg4[%dma_start3A_173, %dma_start3A_174] : memref<10240x128xf32, #tpu.memory_space<hbm>> -> memref<10240x128xf32, #tpu.memory_space<hbm>>
          tpu.enqueue_indirect_dma source(%dma_start3A_175 : memref<10240x128xf32, #tpu.memory_space<hbm>>) target(%arg9 : memref<128x128xf32, #tpu.memory_space<vmem>>) offsets(%dma_start3A_172 : memref<128xi32, #tpu.memory_space<vmem>>) semaphore(%arg12 : memref<!tpu.dma_semaphore, #tpu.memory_space<semaphore_mem>>)
        } else {
        }
      }
      %scan3A_39 = arith.constant 16 : i32
      %mul3A_40 = arith.constant 160 : i32
      %mul3A_41 = arith.muli %arg1, %mul3A_40 : i32
      %add3A_42 = arith.constant 32 : i32
      %add3A_43 = arith.addi %mul3A_41, %add3A_42 : i32
      "tpu.region"() ({
        %run_scoped3A = tpu.sem_alloc : memref<!tpu.dma_semaphore, #tpu.memory_space<semaphore_mem>>
        %dma_start3A_137 = arith.constant 0 : i32
        %dma_start3A_138 = tpu.memref_slice %arg2[%add3A_43, %dma_start3A_137] : memref<2560x128xi32, #tpu.memory_space<hbm>> -> memref<32x128xi32, #tpu.memory_space<hbm>>
        %dma_start3A_139 = arith.constant 0 : i32
        %dma_start3A_140 = tpu.memref_slice %arg2[%add3A_43, %dma_start3A_139] : memref<2560x128xi32, #tpu.memory_space<hbm>> -> memref<32x128xi32, #tpu.memory_space<hbm>>
        tpu.enqueue_dma source(%dma_start3A_140 : memref<32x128xi32, #tpu.memory_space<hbm>>) target(%arg6 : memref<32x128xi32, #tpu.memory_space<vmem>>) target_semaphore(%run_scoped3A : memref<!tpu.dma_semaphore, #tpu.memory_space<semaphore_mem>>)
        %dma_wait3A = arith.constant 0 : i32
        %dma_wait3A_141 = tpu.memref_slice %arg2[%add3A_43, %dma_wait3A] : memref<2560x128xi32, #tpu.memory_space<hbm>> -> memref<32x128xi32, #tpu.memory_space<hbm>>
        %dma_wait3A_142 = arith.constant 0 : i32
        %dma_wait3A_143 = tpu.memref_slice %arg2[%add3A_43, %dma_wait3A_142] : memref<2560x128xi32, #tpu.memory_space<hbm>> -> memref<32x128xi32, #tpu.memory_space<hbm>>
        tpu.wait_dma2 semaphore(%run_scoped3A : memref<!tpu.dma_semaphore, #tpu.memory_space<semaphore_mem>>) src(%dma_wait3A_143 : memref<32x128xi32, #tpu.memory_space<hbm>>) dst(%arg6 : memref<32x128xi32, #tpu.memory_space<vmem>>)
        tpu.yield
      }) : () -> ()
      "tpu.region"() ({
        %run_scoped3A = tpu.sem_alloc : memref<!tpu.dma_semaphore, #tpu.memory_space<semaphore_mem>>
        %dma_start3A_137 = arith.constant 0 : i32
        %dma_start3A_138 = tpu.memref_slice %arg3[%add3A_43, %dma_start3A_137] : memref<2560x128xi32, #tpu.memory_space<hbm>> -> memref<32x128xi32, #tpu.memory_space<hbm>>
        %dma_start3A_139 = arith.constant 0 : i32
        %dma_start3A_140 = tpu.memref_slice %arg3[%add3A_43, %dma_start3A_139] : memref<2560x128xi32, #tpu.memory_space<hbm>> -> memref<32x128xi32, #tpu.memory_space<hbm>>
        tpu.enqueue_dma source(%dma_start3A_140 : memref<32x128xi32, #tpu.memory_space<hbm>>) target(%arg7 : memref<32x128xi32, #tpu.memory_space<vmem>>) target_semaphore(%run_scoped3A : memref<!tpu.dma_semaphore, #tpu.memory_space<semaphore_mem>>)
        %dma_wait3A = arith.constant 0 : i32
        %dma_wait3A_141 = tpu.memref_slice %arg3[%add3A_43, %dma_wait3A] : memref<2560x128xi32, #tpu.memory_space<hbm>> -> memref<32x128xi32, #tpu.memory_space<hbm>>
        %dma_wait3A_142 = arith.constant 0 : i32
        %dma_wait3A_143 = tpu.memref_slice %arg3[%add3A_43, %dma_wait3A_142] : memref<2560x128xi32, #tpu.memory_space<hbm>> -> memref<32x128xi32, #tpu.memory_space<hbm>>
        tpu.wait_dma2 semaphore(%run_scoped3A : memref<!tpu.dma_semaphore, #tpu.memory_space<semaphore_mem>>) src(%dma_wait3A_143 : memref<32x128xi32, #tpu.memory_space<hbm>>) dst(%arg7 : memref<32x128xi32, #tpu.memory_space<vmem>>)
        tpu.yield
      }) : () -> ()
      %dma_start3A_44 = arith.constant 0 : i32
      %dma_start3A_45 = arith.constant 0 : i32
      %dma_start3A_46 = tpu.memref_slice %arg6[%dma_start3A_44, %dma_start3A_45] : memref<32x128xi32, #tpu.memory_space<vmem>> -> memref<1x128xi32, #tpu.memory_space<vmem>>
      %dma_start3A_47 = tpu.memref_squeeze %dma_start3A_46 : memref<1x128xi32, #tpu.memory_space<vmem>> -> memref<128xi32, #tpu.memory_space<vmem>>
      %dma_start3A_48 = arith.constant 0 : i32
      %dma_start3A_49 = arith.constant 0 : i32
      %dma_start3A_50 = tpu.memref_slice %arg4[%dma_start3A_48, %dma_start3A_49] : memref<10240x128xf32, #tpu.memory_space<hbm>> -> memref<10240x128xf32, #tpu.memory_space<hbm>>
      tpu.enqueue_indirect_dma source(%dma_start3A_50 : memref<10240x128xf32, #tpu.memory_space<hbm>>) target(%arg8 : memref<128x128xf32, #tpu.memory_space<vmem>>) offsets(%dma_start3A_47 : memref<128xi32, #tpu.memory_space<vmem>>) semaphore(%arg11 : memref<!tpu.dma_semaphore, #tpu.memory_space<semaphore_mem>>)
      %dma_start3A_51 = arith.constant 1 : i32
      %dma_start3A_52 = arith.constant 0 : i32
      %dma_start3A_53 = tpu.memref_slice %arg6[%dma_start3A_51, %dma_start3A_52] : memref<32x128xi32, #tpu.memory_space<vmem>> -> memref<1x128xi32, #tpu.memory_space<vmem>>
      %dma_start3A_54 = tpu.memref_squeeze %dma_start3A_53 : memref<1x128xi32, #tpu.memory_space<vmem>> -> memref<128xi32, #tpu.memory_space<vmem>>
      %dma_start3A_55 = arith.constant 0 : i32
      %dma_start3A_56 = arith.constant 0 : i32
      %dma_start3A_57 = tpu.memref_slice %arg4[%dma_start3A_55, %dma_start3A_56] : memref<10240x128xf32, #tpu.memory_space<hbm>> -> memref<10240x128xf32, #tpu.memory_space<hbm>>
      tpu.enqueue_indirect_dma source(%dma_start3A_57 : memref<10240x128xf32, #tpu.memory_space<hbm>>) target(%arg9 : memref<128x128xf32, #tpu.memory_space<vmem>>) offsets(%dma_start3A_54 : memref<128xi32, #tpu.memory_space<vmem>>) semaphore(%arg12 : memref<!tpu.dma_semaphore, #tpu.memory_space<semaphore_mem>>)
      %scan3A_58 = arith.constant 0 : i32
      %scan3A_59 = arith.constant 0 : i32
      %scan3A_60 = arith.constant 16 : i32
      %scan3A_61 = arith.addi %scan3A_59, %scan3A_60 : i32
      %scan3A_62 = arith.constant 1 : i32
      scf.for %scan3A_137 = %scan3A_59 to %scan3A_61 step %scan3A_62  : i32 {
        %mul3A_138 = arith.constant 2 : i32
        %mul3A_139 = arith.muli %scan3A_137, %mul3A_138 : i32
        %add3A_140 = arith.constant 0 : i32
        %add3A_141 = arith.addi %mul3A_139, %add3A_140 : i32
        %dma_wait3A = arith.constant 0 : i32
        %dma_wait3A_142 = tpu.memref_slice %arg6[%add3A_141, %dma_wait3A] : memref<32x128xi32, #tpu.memory_space<vmem>> -> memref<1x128xi32, #tpu.memory_space<vmem>>
        %dma_wait3A_143 = tpu.memref_squeeze %dma_wait3A_142 : memref<1x128xi32, #tpu.memory_space<vmem>> -> memref<128xi32, #tpu.memory_space<vmem>>
        %dma_wait3A_144 = arith.constant 0 : i32
        %dma_wait3A_145 = arith.constant 0 : i32
        %dma_wait3A_146 = tpu.memref_slice %arg4[%dma_wait3A_144, %dma_wait3A_145] : memref<10240x128xf32, #tpu.memory_space<hbm>> -> memref<10240x128xf32, #tpu.memory_space<hbm>>
        tpu.wait_indirect_dma semaphore(%arg11 : memref<!tpu.dma_semaphore, #tpu.memory_space<semaphore_mem>>) src(%dma_wait3A_146 : memref<10240x128xf32, #tpu.memory_space<hbm>>) dst(%arg8 : memref<128x128xf32, #tpu.memory_space<vmem>>)
        "tpu.region"() ({
          %run_scoped3A = tpu.sem_alloc : memref<!tpu.dma_semaphore, #tpu.memory_space<semaphore_mem>>
          %dma_start3A_170 = arith.constant 0 : i32
          %dma_start3A_171 = tpu.memref_slice %arg7[%add3A_141, %dma_start3A_170] : memref<32x128xi32, #tpu.memory_space<vmem>> -> memref<1x128xi32, #tpu.memory_space<vmem>>
          %dma_start3A_172 = tpu.memref_squeeze %dma_start3A_171 : memref<1x128xi32, #tpu.memory_space<vmem>> -> memref<128xi32, #tpu.memory_space<vmem>>
          %dma_start3A_173 = arith.constant 0 : i32
          %dma_start3A_174 = arith.constant 0 : i32
          %dma_start3A_175 = tpu.memref_slice %arg10[%dma_start3A_173, %dma_start3A_174] : memref<10240x128xf32, #tpu.memory_space<vmem_shared>> -> memref<10240x128xf32, #tpu.memory_space<vmem_shared>>
          tpu.enqueue_indirect_dma source(%arg8 : memref<128x128xf32, #tpu.memory_space<vmem>>) target(%dma_start3A_175 : memref<10240x128xf32, #tpu.memory_space<vmem_shared>>) offsets(%dma_start3A_172 : memref<128xi32, #tpu.memory_space<vmem>>) semaphore(%run_scoped3A : memref<!tpu.dma_semaphore, #tpu.memory_space<semaphore_mem>>) {add = true}
          %dma_wait3A_176 = arith.constant 0 : i32
          %dma_wait3A_177 = tpu.memref_slice %arg7[%add3A_141, %dma_wait3A_176] : memref<32x128xi32, #tpu.memory_space<vmem>> -> memref<1x128xi32, #tpu.memory_space<vmem>>
          %dma_wait3A_178 = tpu.memref_squeeze %dma_wait3A_177 : memref<1x128xi32, #tpu.memory_space<vmem>> -> memref<128xi32, #tpu.memory_space<vmem>>
          %dma_wait3A_179 = arith.constant 0 : i32
          %dma_wait3A_180 = arith.constant 0 : i32
          %dma_wait3A_181 = tpu.memref_slice %arg10[%dma_wait3A_179, %dma_wait3A_180] : memref<10240x128xf32, #tpu.memory_space<vmem_shared>> -> memref<10240x128xf32, #tpu.memory_space<vmem_shared>>
          tpu.wait_indirect_dma semaphore(%run_scoped3A : memref<!tpu.dma_semaphore, #tpu.memory_space<semaphore_mem>>) src(%arg8 : memref<128x128xf32, #tpu.memory_space<vmem>>) dst(%dma_wait3A_181 : memref<10240x128xf32, #tpu.memory_space<vmem_shared>>)
          tpu.yield
        }) : () -> ()
        %add3A_147 = arith.constant 2 : i32
        %add3A_148 = arith.addi %add3A_141, %add3A_147 : i32
        %lt3A = arith.constant 32 : i32
        %lt3A_149 = arith.cmpi slt, %add3A_148, %lt3A : i32
        %convert_element_type3A_150 = arith.extui %lt3A_149 : i1 to i32
        %cond3A_151 = arith.constant 0 : i32
        %cond3A_152 = arith.cmpi ne, %convert_element_type3A_150, %cond3A_151 : i32
        scf.if %cond3A_152 {
          %dma_start3A_170 = arith.constant 0 : i32
          %dma_start3A_171 = tpu.memref_slice %arg6[%add3A_148, %dma_start3A_170] : memref<32x128xi32, #tpu.memory_space<vmem>> -> memref<1x128xi32, #tpu.memory_space<vmem>>
          %dma_start3A_172 = tpu.memref_squeeze %dma_start3A_171 : memref<1x128xi32, #tpu.memory_space<vmem>> -> memref<128xi32, #tpu.memory_space<vmem>>
          %dma_start3A_173 = arith.constant 0 : i32
          %dma_start3A_174 = arith.constant 0 : i32
          %dma_start3A_175 = tpu.memref_slice %arg4[%dma_start3A_173, %dma_start3A_174] : memref<10240x128xf32, #tpu.memory_space<hbm>> -> memref<10240x128xf32, #tpu.memory_space<hbm>>
          tpu.enqueue_indirect_dma source(%dma_start3A_175 : memref<10240x128xf32, #tpu.memory_space<hbm>>) target(%arg8 : memref<128x128xf32, #tpu.memory_space<vmem>>) offsets(%dma_start3A_172 : memref<128xi32, #tpu.memory_space<vmem>>) semaphore(%arg11 : memref<!tpu.dma_semaphore, #tpu.memory_space<semaphore_mem>>)
        } else {
        }
        %mul3A_153 = arith.constant 2 : i32
        %mul3A_154 = arith.muli %scan3A_137, %mul3A_153 : i32
        %add3A_155 = arith.constant 1 : i32
        %add3A_156 = arith.addi %mul3A_154, %add3A_155 : i32
        %dma_wait3A_157 = arith.constant 0 : i32
        %dma_wait3A_158 = tpu.memref_slice %arg6[%add3A_156, %dma_wait3A_157] : memref<32x128xi32, #tpu.memory_space<vmem>> -> memref<1x128xi32, #tpu.memory_space<vmem>>
        %dma_wait3A_159 = tpu.memref_squeeze %dma_wait3A_158 : memref<1x128xi32, #tpu.memory_space<vmem>> -> memref<128xi32, #tpu.memory_space<vmem>>
        %dma_wait3A_160 = arith.constant 0 : i32
        %dma_wait3A_161 = arith.constant 0 : i32
        %dma_wait3A_162 = tpu.memref_slice %arg4[%dma_wait3A_160, %dma_wait3A_161] : memref<10240x128xf32, #tpu.memory_space<hbm>> -> memref<10240x128xf32, #tpu.memory_space<hbm>>
        tpu.wait_indirect_dma semaphore(%arg12 : memref<!tpu.dma_semaphore, #tpu.memory_space<semaphore_mem>>) src(%dma_wait3A_162 : memref<10240x128xf32, #tpu.memory_space<hbm>>) dst(%arg9 : memref<128x128xf32, #tpu.memory_space<vmem>>)
        "tpu.region"() ({
          %run_scoped3A = tpu.sem_alloc : memref<!tpu.dma_semaphore, #tpu.memory_space<semaphore_mem>>
          %dma_start3A_170 = arith.constant 0 : i32
          %dma_start3A_171 = tpu.memref_slice %arg7[%add3A_156, %dma_start3A_170] : memref<32x128xi32, #tpu.memory_space<vmem>> -> memref<1x128xi32, #tpu.memory_space<vmem>>
          %dma_start3A_172 = tpu.memref_squeeze %dma_start3A_171 : memref<1x128xi32, #tpu.memory_space<vmem>> -> memref<128xi32, #tpu.memory_space<vmem>>
          %dma_start3A_173 = arith.constant 0 : i32
          %dma_start3A_174 = arith.constant 0 : i32
          %dma_start3A_175 = tpu.memref_slice %arg10[%dma_start3A_173, %dma_start3A_174] : memref<10240x128xf32, #tpu.memory_space<vmem_shared>> -> memref<10240x128xf32, #tpu.memory_space<vmem_shared>>
          tpu.enqueue_indirect_dma source(%arg9 : memref<128x128xf32, #tpu.memory_space<vmem>>) target(%dma_start3A_175 : memref<10240x128xf32, #tpu.memory_space<vmem_shared>>) offsets(%dma_start3A_172 : memref<128xi32, #tpu.memory_space<vmem>>) semaphore(%run_scoped3A : memref<!tpu.dma_semaphore, #tpu.memory_space<semaphore_mem>>) {add = true}
          %dma_wait3A_176 = arith.constant 0 : i32
          %dma_wait3A_177 = tpu.memref_slice %arg7[%add3A_156, %dma_wait3A_176] : memref<32x128xi32, #tpu.memory_space<vmem>> -> memref<1x128xi32, #tpu.memory_space<vmem>>
          %dma_wait3A_178 = tpu.memref_squeeze %dma_wait3A_177 : memref<1x128xi32, #tpu.memory_space<vmem>> -> memref<128xi32, #tpu.memory_space<vmem>>
          %dma_wait3A_179 = arith.constant 0 : i32
          %dma_wait3A_180 = arith.constant 0 : i32
          %dma_wait3A_181 = tpu.memref_slice %arg10[%dma_wait3A_179, %dma_wait3A_180] : memref<10240x128xf32, #tpu.memory_space<vmem_shared>> -> memref<10240x128xf32, #tpu.memory_space<vmem_shared>>
          tpu.wait_indirect_dma semaphore(%run_scoped3A : memref<!tpu.dma_semaphore, #tpu.memory_space<semaphore_mem>>) src(%arg9 : memref<128x128xf32, #tpu.memory_space<vmem>>) dst(%dma_wait3A_181 : memref<10240x128xf32, #tpu.memory_space<vmem_shared>>)
          tpu.yield
        }) : () -> ()
        %add3A_163 = arith.constant 2 : i32
        %add3A_164 = arith.addi %add3A_156, %add3A_163 : i32
        %lt3A_165 = arith.constant 32 : i32
        %lt3A_166 = arith.cmpi slt, %add3A_164, %lt3A_165 : i32
        %convert_element_type3A_167 = arith.extui %lt3A_166 : i1 to i32
        %cond3A_168 = arith.constant 0 : i32
        %cond3A_169 = arith.cmpi ne, %convert_element_type3A_167, %cond3A_168 : i32
        scf.if %cond3A_169 {
          %dma_start3A_170 = arith.constant 0 : i32
          %dma_start3A_171 = tpu.memref_slice %arg6[%add3A_164, %dma_start3A_170] : memref<32x128xi32, #tpu.memory_space<vmem>> -> memref<1x128xi32, #tpu.memory_space<vmem>>
          %dma_start3A_172 = tpu.memref_squeeze %dma_start3A_171 : memref<1x128xi32, #tpu.memory_space<vmem>> -> memref<128xi32, #tpu.memory_space<vmem>>
          %dma_start3A_173 = arith.constant 0 : i32
          %dma_start3A_174 = arith.constant 0 : i32
          %dma_start3A_175 = tpu.memref_slice %arg4[%dma_start3A_173, %dma_start3A_174] : memref<10240x128xf32, #tpu.memory_space<hbm>> -> memref<10240x128xf32, #tpu.memory_space<hbm>>
          tpu.enqueue_indirect_dma source(%dma_start3A_175 : memref<10240x128xf32, #tpu.memory_space<hbm>>) target(%arg9 : memref<128x128xf32, #tpu.memory_space<vmem>>) offsets(%dma_start3A_172 : memref<128xi32, #tpu.memory_space<vmem>>) semaphore(%arg12 : memref<!tpu.dma_semaphore, #tpu.memory_space<semaphore_mem>>)
        } else {
        }
      }
      %scan3A_63 = arith.constant 16 : i32
      %mul3A_64 = arith.constant 160 : i32
      %mul3A_65 = arith.muli %arg1, %mul3A_64 : i32
      %add3A_66 = arith.constant 64 : i32
      %add3A_67 = arith.addi %mul3A_65, %add3A_66 : i32
      "tpu.region"() ({
        %run_scoped3A = tpu.sem_alloc : memref<!tpu.dma_semaphore, #tpu.memory_space<semaphore_mem>>
        %dma_start3A_137 = arith.constant 0 : i32
        %dma_start3A_138 = tpu.memref_slice %arg2[%add3A_67, %dma_start3A_137] : memref<2560x128xi32, #tpu.memory_space<hbm>> -> memref<32x128xi32, #tpu.memory_space<hbm>>
        %dma_start3A_139 = arith.constant 0 : i32
        %dma_start3A_140 = tpu.memref_slice %arg2[%add3A_67, %dma_start3A_139] : memref<2560x128xi32, #tpu.memory_space<hbm>> -> memref<32x128xi32, #tpu.memory_space<hbm>>
        tpu.enqueue_dma source(%dma_start3A_140 : memref<32x128xi32, #tpu.memory_space<hbm>>) target(%arg6 : memref<32x128xi32, #tpu.memory_space<vmem>>) target_semaphore(%run_scoped3A : memref<!tpu.dma_semaphore, #tpu.memory_space<semaphore_mem>>)
        %dma_wait3A = arith.constant 0 : i32
        %dma_wait3A_141 = tpu.memref_slice %arg2[%add3A_67, %dma_wait3A] : memref<2560x128xi32, #tpu.memory_space<hbm>> -> memref<32x128xi32, #tpu.memory_space<hbm>>
        %dma_wait3A_142 = arith.constant 0 : i32
        %dma_wait3A_143 = tpu.memref_slice %arg2[%add3A_67, %dma_wait3A_142] : memref<2560x128xi32, #tpu.memory_space<hbm>> -> memref<32x128xi32, #tpu.memory_space<hbm>>
        tpu.wait_dma2 semaphore(%run_scoped3A : memref<!tpu.dma_semaphore, #tpu.memory_space<semaphore_mem>>) src(%dma_wait3A_143 : memref<32x128xi32, #tpu.memory_space<hbm>>) dst(%arg6 : memref<32x128xi32, #tpu.memory_space<vmem>>)
        tpu.yield
      }) : () -> ()
      "tpu.region"() ({
        %run_scoped3A = tpu.sem_alloc : memref<!tpu.dma_semaphore, #tpu.memory_space<semaphore_mem>>
        %dma_start3A_137 = arith.constant 0 : i32
        %dma_start3A_138 = tpu.memref_slice %arg3[%add3A_67, %dma_start3A_137] : memref<2560x128xi32, #tpu.memory_space<hbm>> -> memref<32x128xi32, #tpu.memory_space<hbm>>
        %dma_start3A_139 = arith.constant 0 : i32
        %dma_start3A_140 = tpu.memref_slice %arg3[%add3A_67, %dma_start3A_139] : memref<2560x128xi32, #tpu.memory_space<hbm>> -> memref<32x128xi32, #tpu.memory_space<hbm>>
        tpu.enqueue_dma source(%dma_start3A_140 : memref<32x128xi32, #tpu.memory_space<hbm>>) target(%arg7 : memref<32x128xi32, #tpu.memory_space<vmem>>) target_semaphore(%run_scoped3A : memref<!tpu.dma_semaphore, #tpu.memory_space<semaphore_mem>>)
        %dma_wait3A = arith.constant 0 : i32
        %dma_wait3A_141 = tpu.memref_slice %arg3[%add3A_67, %dma_wait3A] : memref<2560x128xi32, #tpu.memory_space<hbm>> -> memref<32x128xi32, #tpu.memory_space<hbm>>
        %dma_wait3A_142 = arith.constant 0 : i32
        %dma_wait3A_143 = tpu.memref_slice %arg3[%add3A_67, %dma_wait3A_142] : memref<2560x128xi32, #tpu.memory_space<hbm>> -> memref<32x128xi32, #tpu.memory_space<hbm>>
        tpu.wait_dma2 semaphore(%run_scoped3A : memref<!tpu.dma_semaphore, #tpu.memory_space<semaphore_mem>>) src(%dma_wait3A_143 : memref<32x128xi32, #tpu.memory_space<hbm>>) dst(%arg7 : memref<32x128xi32, #tpu.memory_space<vmem>>)
        tpu.yield
      }) : () -> ()
      %dma_start3A_68 = arith.constant 0 : i32
      %dma_start3A_69 = arith.constant 0 : i32
      %dma_start3A_70 = tpu.memref_slice %arg6[%dma_start3A_68, %dma_start3A_69] : memref<32x128xi32, #tpu.memory_space<vmem>> -> memref<1x128xi32, #tpu.memory_space<vmem>>
      %dma_start3A_71 = tpu.memref_squeeze %dma_start3A_70 : memref<1x128xi32, #tpu.memory_space<vmem>> -> memref<128xi32, #tpu.memory_space<vmem>>
      %dma_start3A_72 = arith.constant 0 : i32
      %dma_start3A_73 = arith.constant 0 : i32
      %dma_start3A_74 = tpu.memref_slice %arg4[%dma_start3A_72, %dma_start3A_73] : memref<10240x128xf32, #tpu.memory_space<hbm>> -> memref<10240x128xf32, #tpu.memory_space<hbm>>
      tpu.enqueue_indirect_dma source(%dma_start3A_74 : memref<10240x128xf32, #tpu.memory_space<hbm>>) target(%arg8 : memref<128x128xf32, #tpu.memory_space<vmem>>) offsets(%dma_start3A_71 : memref<128xi32, #tpu.memory_space<vmem>>) semaphore(%arg11 : memref<!tpu.dma_semaphore, #tpu.memory_space<semaphore_mem>>)
      %dma_start3A_75 = arith.constant 1 : i32
      %dma_start3A_76 = arith.constant 0 : i32
      %dma_start3A_77 = tpu.memref_slice %arg6[%dma_start3A_75, %dma_start3A_76] : memref<32x128xi32, #tpu.memory_space<vmem>> -> memref<1x128xi32, #tpu.memory_space<vmem>>
      %dma_start3A_78 = tpu.memref_squeeze %dma_start3A_77 : memref<1x128xi32, #tpu.memory_space<vmem>> -> memref<128xi32, #tpu.memory_space<vmem>>
      %dma_start3A_79 = arith.constant 0 : i32
      %dma_start3A_80 = arith.constant 0 : i32
      %dma_start3A_81 = tpu.memref_slice %arg4[%dma_start3A_79, %dma_start3A_80] : memref<10240x128xf32, #tpu.memory_space<hbm>> -> memref<10240x128xf32, #tpu.memory_space<hbm>>
      tpu.enqueue_indirect_dma source(%dma_start3A_81 : memref<10240x128xf32, #tpu.memory_space<hbm>>) target(%arg9 : memref<128x128xf32, #tpu.memory_space<vmem>>) offsets(%dma_start3A_78 : memref<128xi32, #tpu.memory_space<vmem>>) semaphore(%arg12 : memref<!tpu.dma_semaphore, #tpu.memory_space<semaphore_mem>>)
      %scan3A_82 = arith.constant 0 : i32
      %scan3A_83 = arith.constant 0 : i32
      %scan3A_84 = arith.constant 16 : i32
      %scan3A_85 = arith.addi %scan3A_83, %scan3A_84 : i32
      %scan3A_86 = arith.constant 1 : i32
      scf.for %scan3A_137 = %scan3A_83 to %scan3A_85 step %scan3A_86  : i32 {
        %mul3A_138 = arith.constant 2 : i32
        %mul3A_139 = arith.muli %scan3A_137, %mul3A_138 : i32
        %add3A_140 = arith.constant 0 : i32
        %add3A_141 = arith.addi %mul3A_139, %add3A_140 : i32
        %dma_wait3A = arith.constant 0 : i32
        %dma_wait3A_142 = tpu.memref_slice %arg6[%add3A_141, %dma_wait3A] : memref<32x128xi32, #tpu.memory_space<vmem>> -> memref<1x128xi32, #tpu.memory_space<vmem>>
        %dma_wait3A_143 = tpu.memref_squeeze %dma_wait3A_142 : memref<1x128xi32, #tpu.memory_space<vmem>> -> memref<128xi32, #tpu.memory_space<vmem>>
        %dma_wait3A_144 = arith.constant 0 : i32
        %dma_wait3A_145 = arith.constant 0 : i32
        %dma_wait3A_146 = tpu.memref_slice %arg4[%dma_wait3A_144, %dma_wait3A_145] : memref<10240x128xf32, #tpu.memory_space<hbm>> -> memref<10240x128xf32, #tpu.memory_space<hbm>>
        tpu.wait_indirect_dma semaphore(%arg11 : memref<!tpu.dma_semaphore, #tpu.memory_space<semaphore_mem>>) src(%dma_wait3A_146 : memref<10240x128xf32, #tpu.memory_space<hbm>>) dst(%arg8 : memref<128x128xf32, #tpu.memory_space<vmem>>)
        "tpu.region"() ({
          %run_scoped3A = tpu.sem_alloc : memref<!tpu.dma_semaphore, #tpu.memory_space<semaphore_mem>>
          %dma_start3A_170 = arith.constant 0 : i32
          %dma_start3A_171 = tpu.memref_slice %arg7[%add3A_141, %dma_start3A_170] : memref<32x128xi32, #tpu.memory_space<vmem>> -> memref<1x128xi32, #tpu.memory_space<vmem>>
          %dma_start3A_172 = tpu.memref_squeeze %dma_start3A_171 : memref<1x128xi32, #tpu.memory_space<vmem>> -> memref<128xi32, #tpu.memory_space<vmem>>
          %dma_start3A_173 = arith.constant 0 : i32
          %dma_start3A_174 = arith.constant 0 : i32
          %dma_start3A_175 = tpu.memref_slice %arg10[%dma_start3A_173, %dma_start3A_174] : memref<10240x128xf32, #tpu.memory_space<vmem_shared>> -> memref<10240x128xf32, #tpu.memory_space<vmem_shared>>
          tpu.enqueue_indirect_dma source(%arg8 : memref<128x128xf32, #tpu.memory_space<vmem>>) target(%dma_start3A_175 : memref<10240x128xf32, #tpu.memory_space<vmem_shared>>) offsets(%dma_start3A_172 : memref<128xi32, #tpu.memory_space<vmem>>) semaphore(%run_scoped3A : memref<!tpu.dma_semaphore, #tpu.memory_space<semaphore_mem>>) {add = true}
          %dma_wait3A_176 = arith.constant 0 : i32
          %dma_wait3A_177 = tpu.memref_slice %arg7[%add3A_141, %dma_wait3A_176] : memref<32x128xi32, #tpu.memory_space<vmem>> -> memref<1x128xi32, #tpu.memory_space<vmem>>
          %dma_wait3A_178 = tpu.memref_squeeze %dma_wait3A_177 : memref<1x128xi32, #tpu.memory_space<vmem>> -> memref<128xi32, #tpu.memory_space<vmem>>
          %dma_wait3A_179 = arith.constant 0 : i32
          %dma_wait3A_180 = arith.constant 0 : i32
          %dma_wait3A_181 = tpu.memref_slice %arg10[%dma_wait3A_179, %dma_wait3A_180] : memref<10240x128xf32, #tpu.memory_space<vmem_shared>> -> memref<10240x128xf32, #tpu.memory_space<vmem_shared>>
          tpu.wait_indirect_dma semaphore(%run_scoped3A : memref<!tpu.dma_semaphore, #tpu.memory_space<semaphore_mem>>) src(%arg8 : memref<128x128xf32, #tpu.memory_space<vmem>>) dst(%dma_wait3A_181 : memref<10240x128xf32, #tpu.memory_space<vmem_shared>>)
          tpu.yield
        }) : () -> ()
        %add3A_147 = arith.constant 2 : i32
        %add3A_148 = arith.addi %add3A_141, %add3A_147 : i32
        %lt3A = arith.constant 32 : i32
        %lt3A_149 = arith.cmpi slt, %add3A_148, %lt3A : i32
        %convert_element_type3A_150 = arith.extui %lt3A_149 : i1 to i32
        %cond3A_151 = arith.constant 0 : i32
        %cond3A_152 = arith.cmpi ne, %convert_element_type3A_150, %cond3A_151 : i32
        scf.if %cond3A_152 {
          %dma_start3A_170 = arith.constant 0 : i32
          %dma_start3A_171 = tpu.memref_slice %arg6[%add3A_148, %dma_start3A_170] : memref<32x128xi32, #tpu.memory_space<vmem>> -> memref<1x128xi32, #tpu.memory_space<vmem>>
          %dma_start3A_172 = tpu.memref_squeeze %dma_start3A_171 : memref<1x128xi32, #tpu.memory_space<vmem>> -> memref<128xi32, #tpu.memory_space<vmem>>
          %dma_start3A_173 = arith.constant 0 : i32
          %dma_start3A_174 = arith.constant 0 : i32
          %dma_start3A_175 = tpu.memref_slice %arg4[%dma_start3A_173, %dma_start3A_174] : memref<10240x128xf32, #tpu.memory_space<hbm>> -> memref<10240x128xf32, #tpu.memory_space<hbm>>
          tpu.enqueue_indirect_dma source(%dma_start3A_175 : memref<10240x128xf32, #tpu.memory_space<hbm>>) target(%arg8 : memref<128x128xf32, #tpu.memory_space<vmem>>) offsets(%dma_start3A_172 : memref<128xi32, #tpu.memory_space<vmem>>) semaphore(%arg11 : memref<!tpu.dma_semaphore, #tpu.memory_space<semaphore_mem>>)
        } else {
        }
        %mul3A_153 = arith.constant 2 : i32
        %mul3A_154 = arith.muli %scan3A_137, %mul3A_153 : i32
        %add3A_155 = arith.constant 1 : i32
        %add3A_156 = arith.addi %mul3A_154, %add3A_155 : i32
        %dma_wait3A_157 = arith.constant 0 : i32
        %dma_wait3A_158 = tpu.memref_slice %arg6[%add3A_156, %dma_wait3A_157] : memref<32x128xi32, #tpu.memory_space<vmem>> -> memref<1x128xi32, #tpu.memory_space<vmem>>
        %dma_wait3A_159 = tpu.memref_squeeze %dma_wait3A_158 : memref<1x128xi32, #tpu.memory_space<vmem>> -> memref<128xi32, #tpu.memory_space<vmem>>
        %dma_wait3A_160 = arith.constant 0 : i32
        %dma_wait3A_161 = arith.constant 0 : i32
        %dma_wait3A_162 = tpu.memref_slice %arg4[%dma_wait3A_160, %dma_wait3A_161] : memref<10240x128xf32, #tpu.memory_space<hbm>> -> memref<10240x128xf32, #tpu.memory_space<hbm>>
        tpu.wait_indirect_dma semaphore(%arg12 : memref<!tpu.dma_semaphore, #tpu.memory_space<semaphore_mem>>) src(%dma_wait3A_162 : memref<10240x128xf32, #tpu.memory_space<hbm>>) dst(%arg9 : memref<128x128xf32, #tpu.memory_space<vmem>>)
        "tpu.region"() ({
          %run_scoped3A = tpu.sem_alloc : memref<!tpu.dma_semaphore, #tpu.memory_space<semaphore_mem>>
          %dma_start3A_170 = arith.constant 0 : i32
          %dma_start3A_171 = tpu.memref_slice %arg7[%add3A_156, %dma_start3A_170] : memref<32x128xi32, #tpu.memory_space<vmem>> -> memref<1x128xi32, #tpu.memory_space<vmem>>
          %dma_start3A_172 = tpu.memref_squeeze %dma_start3A_171 : memref<1x128xi32, #tpu.memory_space<vmem>> -> memref<128xi32, #tpu.memory_space<vmem>>
          %dma_start3A_173 = arith.constant 0 : i32
          %dma_start3A_174 = arith.constant 0 : i32
          %dma_start3A_175 = tpu.memref_slice %arg10[%dma_start3A_173, %dma_start3A_174] : memref<10240x128xf32, #tpu.memory_space<vmem_shared>> -> memref<10240x128xf32, #tpu.memory_space<vmem_shared>>
          tpu.enqueue_indirect_dma source(%arg9 : memref<128x128xf32, #tpu.memory_space<vmem>>) target(%dma_start3A_175 : memref<10240x128xf32, #tpu.memory_space<vmem_shared>>) offsets(%dma_start3A_172 : memref<128xi32, #tpu.memory_space<vmem>>) semaphore(%run_scoped3A : memref<!tpu.dma_semaphore, #tpu.memory_space<semaphore_mem>>) {add = true}
          %dma_wait3A_176 = arith.constant 0 : i32
          %dma_wait3A_177 = tpu.memref_slice %arg7[%add3A_156, %dma_wait3A_176] : memref<32x128xi32, #tpu.memory_space<vmem>> -> memref<1x128xi32, #tpu.memory_space<vmem>>
          %dma_wait3A_178 = tpu.memref_squeeze %dma_wait3A_177 : memref<1x128xi32, #tpu.memory_space<vmem>> -> memref<128xi32, #tpu.memory_space<vmem>>
          %dma_wait3A_179 = arith.constant 0 : i32
          %dma_wait3A_180 = arith.constant 0 : i32
          %dma_wait3A_181 = tpu.memref_slice %arg10[%dma_wait3A_179, %dma_wait3A_180] : memref<10240x128xf32, #tpu.memory_space<vmem_shared>> -> memref<10240x128xf32, #tpu.memory_space<vmem_shared>>
          tpu.wait_indirect_dma semaphore(%run_scoped3A : memref<!tpu.dma_semaphore, #tpu.memory_space<semaphore_mem>>) src(%arg9 : memref<128x128xf32, #tpu.memory_space<vmem>>) dst(%dma_wait3A_181 : memref<10240x128xf32, #tpu.memory_space<vmem_shared>>)
          tpu.yield
        }) : () -> ()
        %add3A_163 = arith.constant 2 : i32
        %add3A_164 = arith.addi %add3A_156, %add3A_163 : i32
        %lt3A_165 = arith.constant 32 : i32
        %lt3A_166 = arith.cmpi slt, %add3A_164, %lt3A_165 : i32
        %convert_element_type3A_167 = arith.extui %lt3A_166 : i1 to i32
        %cond3A_168 = arith.constant 0 : i32
        %cond3A_169 = arith.cmpi ne, %convert_element_type3A_167, %cond3A_168 : i32
        scf.if %cond3A_169 {
          %dma_start3A_170 = arith.constant 0 : i32
          %dma_start3A_171 = tpu.memref_slice %arg6[%add3A_164, %dma_start3A_170] : memref<32x128xi32, #tpu.memory_space<vmem>> -> memref<1x128xi32, #tpu.memory_space<vmem>>
          %dma_start3A_172 = tpu.memref_squeeze %dma_start3A_171 : memref<1x128xi32, #tpu.memory_space<vmem>> -> memref<128xi32, #tpu.memory_space<vmem>>
          %dma_start3A_173 = arith.constant 0 : i32
          %dma_start3A_174 = arith.constant 0 : i32
          %dma_start3A_175 = tpu.memref_slice %arg4[%dma_start3A_173, %dma_start3A_174] : memref<10240x128xf32, #tpu.memory_space<hbm>> -> memref<10240x128xf32, #tpu.memory_space<hbm>>
          tpu.enqueue_indirect_dma source(%dma_start3A_175 : memref<10240x128xf32, #tpu.memory_space<hbm>>) target(%arg9 : memref<128x128xf32, #tpu.memory_space<vmem>>) offsets(%dma_start3A_172 : memref<128xi32, #tpu.memory_space<vmem>>) semaphore(%arg12 : memref<!tpu.dma_semaphore, #tpu.memory_space<semaphore_mem>>)
        } else {
        }
      }
      %scan3A_87 = arith.constant 16 : i32
      %mul3A_88 = arith.constant 160 : i32
      %mul3A_89 = arith.muli %arg1, %mul3A_88 : i32
      %add3A_90 = arith.constant 96 : i32
      %add3A_91 = arith.addi %mul3A_89, %add3A_90 : i32
      "tpu.region"() ({
        %run_scoped3A = tpu.sem_alloc : memref<!tpu.dma_semaphore, #tpu.memory_space<semaphore_mem>>
        %dma_start3A_137 = arith.constant 0 : i32
        %dma_start3A_138 = tpu.memref_slice %arg2[%add3A_91, %dma_start3A_137] : memref<2560x128xi32, #tpu.memory_space<hbm>> -> memref<32x128xi32, #tpu.memory_space<hbm>>
        %dma_start3A_139 = arith.constant 0 : i32
        %dma_start3A_140 = tpu.memref_slice %arg2[%add3A_91, %dma_start3A_139] : memref<2560x128xi32, #tpu.memory_space<hbm>> -> memref<32x128xi32, #tpu.memory_space<hbm>>
        tpu.enqueue_dma source(%dma_start3A_140 : memref<32x128xi32, #tpu.memory_space<hbm>>) target(%arg6 : memref<32x128xi32, #tpu.memory_space<vmem>>) target_semaphore(%run_scoped3A : memref<!tpu.dma_semaphore, #tpu.memory_space<semaphore_mem>>)
        %dma_wait3A = arith.constant 0 : i32
        %dma_wait3A_141 = tpu.memref_slice %arg2[%add3A_91, %dma_wait3A] : memref<2560x128xi32, #tpu.memory_space<hbm>> -> memref<32x128xi32, #tpu.memory_space<hbm>>
        %dma_wait3A_142 = arith.constant 0 : i32
        %dma_wait3A_143 = tpu.memref_slice %arg2[%add3A_91, %dma_wait3A_142] : memref<2560x128xi32, #tpu.memory_space<hbm>> -> memref<32x128xi32, #tpu.memory_space<hbm>>
        tpu.wait_dma2 semaphore(%run_scoped3A : memref<!tpu.dma_semaphore, #tpu.memory_space<semaphore_mem>>) src(%dma_wait3A_143 : memref<32x128xi32, #tpu.memory_space<hbm>>) dst(%arg6 : memref<32x128xi32, #tpu.memory_space<vmem>>)
        tpu.yield
      }) : () -> ()
      "tpu.region"() ({
        %run_scoped3A = tpu.sem_alloc : memref<!tpu.dma_semaphore, #tpu.memory_space<semaphore_mem>>
        %dma_start3A_137 = arith.constant 0 : i32
        %dma_start3A_138 = tpu.memref_slice %arg3[%add3A_91, %dma_start3A_137] : memref<2560x128xi32, #tpu.memory_space<hbm>> -> memref<32x128xi32, #tpu.memory_space<hbm>>
        %dma_start3A_139 = arith.constant 0 : i32
        %dma_start3A_140 = tpu.memref_slice %arg3[%add3A_91, %dma_start3A_139] : memref<2560x128xi32, #tpu.memory_space<hbm>> -> memref<32x128xi32, #tpu.memory_space<hbm>>
        tpu.enqueue_dma source(%dma_start3A_140 : memref<32x128xi32, #tpu.memory_space<hbm>>) target(%arg7 : memref<32x128xi32, #tpu.memory_space<vmem>>) target_semaphore(%run_scoped3A : memref<!tpu.dma_semaphore, #tpu.memory_space<semaphore_mem>>)
        %dma_wait3A = arith.constant 0 : i32
        %dma_wait3A_141 = tpu.memref_slice %arg3[%add3A_91, %dma_wait3A] : memref<2560x128xi32, #tpu.memory_space<hbm>> -> memref<32x128xi32, #tpu.memory_space<hbm>>
        %dma_wait3A_142 = arith.constant 0 : i32
        %dma_wait3A_143 = tpu.memref_slice %arg3[%add3A_91, %dma_wait3A_142] : memref<2560x128xi32, #tpu.memory_space<hbm>> -> memref<32x128xi32, #tpu.memory_space<hbm>>
        tpu.wait_dma2 semaphore(%run_scoped3A : memref<!tpu.dma_semaphore, #tpu.memory_space<semaphore_mem>>) src(%dma_wait3A_143 : memref<32x128xi32, #tpu.memory_space<hbm>>) dst(%arg7 : memref<32x128xi32, #tpu.memory_space<vmem>>)
        tpu.yield
      }) : () -> ()
      %dma_start3A_92 = arith.constant 0 : i32
      %dma_start3A_93 = arith.constant 0 : i32
      %dma_start3A_94 = tpu.memref_slice %arg6[%dma_start3A_92, %dma_start3A_93] : memref<32x128xi32, #tpu.memory_space<vmem>> -> memref<1x128xi32, #tpu.memory_space<vmem>>
      %dma_start3A_95 = tpu.memref_squeeze %dma_start3A_94 : memref<1x128xi32, #tpu.memory_space<vmem>> -> memref<128xi32, #tpu.memory_space<vmem>>
      %dma_start3A_96 = arith.constant 0 : i32
      %dma_start3A_97 = arith.constant 0 : i32
      %dma_start3A_98 = tpu.memref_slice %arg4[%dma_start3A_96, %dma_start3A_97] : memref<10240x128xf32, #tpu.memory_space<hbm>> -> memref<10240x128xf32, #tpu.memory_space<hbm>>
      tpu.enqueue_indirect_dma source(%dma_start3A_98 : memref<10240x128xf32, #tpu.memory_space<hbm>>) target(%arg8 : memref<128x128xf32, #tpu.memory_space<vmem>>) offsets(%dma_start3A_95 : memref<128xi32, #tpu.memory_space<vmem>>) semaphore(%arg11 : memref<!tpu.dma_semaphore, #tpu.memory_space<semaphore_mem>>)
      %dma_start3A_99 = arith.constant 1 : i32
      %dma_start3A_100 = arith.constant 0 : i32
      %dma_start3A_101 = tpu.memref_slice %arg6[%dma_start3A_99, %dma_start3A_100] : memref<32x128xi32, #tpu.memory_space<vmem>> -> memref<1x128xi32, #tpu.memory_space<vmem>>
      %dma_start3A_102 = tpu.memref_squeeze %dma_start3A_101 : memref<1x128xi32, #tpu.memory_space<vmem>> -> memref<128xi32, #tpu.memory_space<vmem>>
      %dma_start3A_103 = arith.constant 0 : i32
      %dma_start3A_104 = arith.constant 0 : i32
      %dma_start3A_105 = tpu.memref_slice %arg4[%dma_start3A_103, %dma_start3A_104] : memref<10240x128xf32, #tpu.memory_space<hbm>> -> memref<10240x128xf32, #tpu.memory_space<hbm>>
      tpu.enqueue_indirect_dma source(%dma_start3A_105 : memref<10240x128xf32, #tpu.memory_space<hbm>>) target(%arg9 : memref<128x128xf32, #tpu.memory_space<vmem>>) offsets(%dma_start3A_102 : memref<128xi32, #tpu.memory_space<vmem>>) semaphore(%arg12 : memref<!tpu.dma_semaphore, #tpu.memory_space<semaphore_mem>>)
      %scan3A_106 = arith.constant 0 : i32
      %scan3A_107 = arith.constant 0 : i32
      %scan3A_108 = arith.constant 16 : i32
      %scan3A_109 = arith.addi %scan3A_107, %scan3A_108 : i32
      %scan3A_110 = arith.constant 1 : i32
      scf.for %scan3A_137 = %scan3A_107 to %scan3A_109 step %scan3A_110  : i32 {
        %mul3A_138 = arith.constant 2 : i32
        %mul3A_139 = arith.muli %scan3A_137, %mul3A_138 : i32
        %add3A_140 = arith.constant 0 : i32
        %add3A_141 = arith.addi %mul3A_139, %add3A_140 : i32
        %dma_wait3A = arith.constant 0 : i32
        %dma_wait3A_142 = tpu.memref_slice %arg6[%add3A_141, %dma_wait3A] : memref<32x128xi32, #tpu.memory_space<vmem>> -> memref<1x128xi32, #tpu.memory_space<vmem>>
        %dma_wait3A_143 = tpu.memref_squeeze %dma_wait3A_142 : memref<1x128xi32, #tpu.memory_space<vmem>> -> memref<128xi32, #tpu.memory_space<vmem>>
        %dma_wait3A_144 = arith.constant 0 : i32
        %dma_wait3A_145 = arith.constant 0 : i32
        %dma_wait3A_146 = tpu.memref_slice %arg4[%dma_wait3A_144, %dma_wait3A_145] : memref<10240x128xf32, #tpu.memory_space<hbm>> -> memref<10240x128xf32, #tpu.memory_space<hbm>>
        tpu.wait_indirect_dma semaphore(%arg11 : memref<!tpu.dma_semaphore, #tpu.memory_space<semaphore_mem>>) src(%dma_wait3A_146 : memref<10240x128xf32, #tpu.memory_space<hbm>>) dst(%arg8 : memref<128x128xf32, #tpu.memory_space<vmem>>)
        "tpu.region"() ({
          %run_scoped3A = tpu.sem_alloc : memref<!tpu.dma_semaphore, #tpu.memory_space<semaphore_mem>>
          %dma_start3A_170 = arith.constant 0 : i32
          %dma_start3A_171 = tpu.memref_slice %arg7[%add3A_141, %dma_start3A_170] : memref<32x128xi32, #tpu.memory_space<vmem>> -> memref<1x128xi32, #tpu.memory_space<vmem>>
          %dma_start3A_172 = tpu.memref_squeeze %dma_start3A_171 : memref<1x128xi32, #tpu.memory_space<vmem>> -> memref<128xi32, #tpu.memory_space<vmem>>
          %dma_start3A_173 = arith.constant 0 : i32
          %dma_start3A_174 = arith.constant 0 : i32
          %dma_start3A_175 = tpu.memref_slice %arg10[%dma_start3A_173, %dma_start3A_174] : memref<10240x128xf32, #tpu.memory_space<vmem_shared>> -> memref<10240x128xf32, #tpu.memory_space<vmem_shared>>
          tpu.enqueue_indirect_dma source(%arg8 : memref<128x128xf32, #tpu.memory_space<vmem>>) target(%dma_start3A_175 : memref<10240x128xf32, #tpu.memory_space<vmem_shared>>) offsets(%dma_start3A_172 : memref<128xi32, #tpu.memory_space<vmem>>) semaphore(%run_scoped3A : memref<!tpu.dma_semaphore, #tpu.memory_space<semaphore_mem>>) {add = true}
          %dma_wait3A_176 = arith.constant 0 : i32
          %dma_wait3A_177 = tpu.memref_slice %arg7[%add3A_141, %dma_wait3A_176] : memref<32x128xi32, #tpu.memory_space<vmem>> -> memref<1x128xi32, #tpu.memory_space<vmem>>
          %dma_wait3A_178 = tpu.memref_squeeze %dma_wait3A_177 : memref<1x128xi32, #tpu.memory_space<vmem>> -> memref<128xi32, #tpu.memory_space<vmem>>
          %dma_wait3A_179 = arith.constant 0 : i32
          %dma_wait3A_180 = arith.constant 0 : i32
          %dma_wait3A_181 = tpu.memref_slice %arg10[%dma_wait3A_179, %dma_wait3A_180] : memref<10240x128xf32, #tpu.memory_space<vmem_shared>> -> memref<10240x128xf32, #tpu.memory_space<vmem_shared>>
          tpu.wait_indirect_dma semaphore(%run_scoped3A : memref<!tpu.dma_semaphore, #tpu.memory_space<semaphore_mem>>) src(%arg8 : memref<128x128xf32, #tpu.memory_space<vmem>>) dst(%dma_wait3A_181 : memref<10240x128xf32, #tpu.memory_space<vmem_shared>>)
          tpu.yield
        }) : () -> ()
        %add3A_147 = arith.constant 2 : i32
        %add3A_148 = arith.addi %add3A_141, %add3A_147 : i32
        %lt3A = arith.constant 32 : i32
        %lt3A_149 = arith.cmpi slt, %add3A_148, %lt3A : i32
        %convert_element_type3A_150 = arith.extui %lt3A_149 : i1 to i32
        %cond3A_151 = arith.constant 0 : i32
        %cond3A_152 = arith.cmpi ne, %convert_element_type3A_150, %cond3A_151 : i32
        scf.if %cond3A_152 {
          %dma_start3A_170 = arith.constant 0 : i32
          %dma_start3A_171 = tpu.memref_slice %arg6[%add3A_148, %dma_start3A_170] : memref<32x128xi32, #tpu.memory_space<vmem>> -> memref<1x128xi32, #tpu.memory_space<vmem>>
          %dma_start3A_172 = tpu.memref_squeeze %dma_start3A_171 : memref<1x128xi32, #tpu.memory_space<vmem>> -> memref<128xi32, #tpu.memory_space<vmem>>
          %dma_start3A_173 = arith.constant 0 : i32
          %dma_start3A_174 = arith.constant 0 : i32
          %dma_start3A_175 = tpu.memref_slice %arg4[%dma_start3A_173, %dma_start3A_174] : memref<10240x128xf32, #tpu.memory_space<hbm>> -> memref<10240x128xf32, #tpu.memory_space<hbm>>
          tpu.enqueue_indirect_dma source(%dma_start3A_175 : memref<10240x128xf32, #tpu.memory_space<hbm>>) target(%arg8 : memref<128x128xf32, #tpu.memory_space<vmem>>) offsets(%dma_start3A_172 : memref<128xi32, #tpu.memory_space<vmem>>) semaphore(%arg11 : memref<!tpu.dma_semaphore, #tpu.memory_space<semaphore_mem>>)
        } else {
        }
        %mul3A_153 = arith.constant 2 : i32
        %mul3A_154 = arith.muli %scan3A_137, %mul3A_153 : i32
        %add3A_155 = arith.constant 1 : i32
        %add3A_156 = arith.addi %mul3A_154, %add3A_155 : i32
        %dma_wait3A_157 = arith.constant 0 : i32
        %dma_wait3A_158 = tpu.memref_slice %arg6[%add3A_156, %dma_wait3A_157] : memref<32x128xi32, #tpu.memory_space<vmem>> -> memref<1x128xi32, #tpu.memory_space<vmem>>
        %dma_wait3A_159 = tpu.memref_squeeze %dma_wait3A_158 : memref<1x128xi32, #tpu.memory_space<vmem>> -> memref<128xi32, #tpu.memory_space<vmem>>
        %dma_wait3A_160 = arith.constant 0 : i32
        %dma_wait3A_161 = arith.constant 0 : i32
        %dma_wait3A_162 = tpu.memref_slice %arg4[%dma_wait3A_160, %dma_wait3A_161] : memref<10240x128xf32, #tpu.memory_space<hbm>> -> memref<10240x128xf32, #tpu.memory_space<hbm>>
        tpu.wait_indirect_dma semaphore(%arg12 : memref<!tpu.dma_semaphore, #tpu.memory_space<semaphore_mem>>) src(%dma_wait3A_162 : memref<10240x128xf32, #tpu.memory_space<hbm>>) dst(%arg9 : memref<128x128xf32, #tpu.memory_space<vmem>>)
        "tpu.region"() ({
          %run_scoped3A = tpu.sem_alloc : memref<!tpu.dma_semaphore, #tpu.memory_space<semaphore_mem>>
          %dma_start3A_170 = arith.constant 0 : i32
          %dma_start3A_171 = tpu.memref_slice %arg7[%add3A_156, %dma_start3A_170] : memref<32x128xi32, #tpu.memory_space<vmem>> -> memref<1x128xi32, #tpu.memory_space<vmem>>
          %dma_start3A_172 = tpu.memref_squeeze %dma_start3A_171 : memref<1x128xi32, #tpu.memory_space<vmem>> -> memref<128xi32, #tpu.memory_space<vmem>>
          %dma_start3A_173 = arith.constant 0 : i32
          %dma_start3A_174 = arith.constant 0 : i32
          %dma_start3A_175 = tpu.memref_slice %arg10[%dma_start3A_173, %dma_start3A_174] : memref<10240x128xf32, #tpu.memory_space<vmem_shared>> -> memref<10240x128xf32, #tpu.memory_space<vmem_shared>>
          tpu.enqueue_indirect_dma source(%arg9 : memref<128x128xf32, #tpu.memory_space<vmem>>) target(%dma_start3A_175 : memref<10240x128xf32, #tpu.memory_space<vmem_shared>>) offsets(%dma_start3A_172 : memref<128xi32, #tpu.memory_space<vmem>>) semaphore(%run_scoped3A : memref<!tpu.dma_semaphore, #tpu.memory_space<semaphore_mem>>) {add = true}
          %dma_wait3A_176 = arith.constant 0 : i32
          %dma_wait3A_177 = tpu.memref_slice %arg7[%add3A_156, %dma_wait3A_176] : memref<32x128xi32, #tpu.memory_space<vmem>> -> memref<1x128xi32, #tpu.memory_space<vmem>>
          %dma_wait3A_178 = tpu.memref_squeeze %dma_wait3A_177 : memref<1x128xi32, #tpu.memory_space<vmem>> -> memref<128xi32, #tpu.memory_space<vmem>>
          %dma_wait3A_179 = arith.constant 0 : i32
          %dma_wait3A_180 = arith.constant 0 : i32
          %dma_wait3A_181 = tpu.memref_slice %arg10[%dma_wait3A_179, %dma_wait3A_180] : memref<10240x128xf32, #tpu.memory_space<vmem_shared>> -> memref<10240x128xf32, #tpu.memory_space<vmem_shared>>
          tpu.wait_indirect_dma semaphore(%run_scoped3A : memref<!tpu.dma_semaphore, #tpu.memory_space<semaphore_mem>>) src(%arg9 : memref<128x128xf32, #tpu.memory_space<vmem>>) dst(%dma_wait3A_181 : memref<10240x128xf32, #tpu.memory_space<vmem_shared>>)
          tpu.yield
        }) : () -> ()
        %add3A_163 = arith.constant 2 : i32
        %add3A_164 = arith.addi %add3A_156, %add3A_163 : i32
        %lt3A_165 = arith.constant 32 : i32
        %lt3A_166 = arith.cmpi slt, %add3A_164, %lt3A_165 : i32
        %convert_element_type3A_167 = arith.extui %lt3A_166 : i1 to i32
        %cond3A_168 = arith.constant 0 : i32
        %cond3A_169 = arith.cmpi ne, %convert_element_type3A_167, %cond3A_168 : i32
        scf.if %cond3A_169 {
          %dma_start3A_170 = arith.constant 0 : i32
          %dma_start3A_171 = tpu.memref_slice %arg6[%add3A_164, %dma_start3A_170] : memref<32x128xi32, #tpu.memory_space<vmem>> -> memref<1x128xi32, #tpu.memory_space<vmem>>
          %dma_start3A_172 = tpu.memref_squeeze %dma_start3A_171 : memref<1x128xi32, #tpu.memory_space<vmem>> -> memref<128xi32, #tpu.memory_space<vmem>>
          %dma_start3A_173 = arith.constant 0 : i32
          %dma_start3A_174 = arith.constant 0 : i32
          %dma_start3A_175 = tpu.memref_slice %arg4[%dma_start3A_173, %dma_start3A_174] : memref<10240x128xf32, #tpu.memory_space<hbm>> -> memref<10240x128xf32, #tpu.memory_space<hbm>>
          tpu.enqueue_indirect_dma source(%dma_start3A_175 : memref<10240x128xf32, #tpu.memory_space<hbm>>) target(%arg9 : memref<128x128xf32, #tpu.memory_space<vmem>>) offsets(%dma_start3A_172 : memref<128xi32, #tpu.memory_space<vmem>>) semaphore(%arg12 : memref<!tpu.dma_semaphore, #tpu.memory_space<semaphore_mem>>)
        } else {
        }
      }
      %scan3A_111 = arith.constant 16 : i32
      %mul3A_112 = arith.constant 160 : i32
      %mul3A_113 = arith.muli %arg1, %mul3A_112 : i32
      %add3A_114 = arith.constant 128 : i32
      %add3A_115 = arith.addi %mul3A_113, %add3A_114 : i32
      "tpu.region"() ({
        %run_scoped3A = tpu.sem_alloc : memref<!tpu.dma_semaphore, #tpu.memory_space<semaphore_mem>>
        %dma_start3A_137 = arith.constant 0 : i32
        %dma_start3A_138 = tpu.memref_slice %arg2[%add3A_115, %dma_start3A_137] : memref<2560x128xi32, #tpu.memory_space<hbm>> -> memref<32x128xi32, #tpu.memory_space<hbm>>
        %dma_start3A_139 = arith.constant 0 : i32
        %dma_start3A_140 = tpu.memref_slice %arg2[%add3A_115, %dma_start3A_139] : memref<2560x128xi32, #tpu.memory_space<hbm>> -> memref<32x128xi32, #tpu.memory_space<hbm>>
        tpu.enqueue_dma source(%dma_start3A_140 : memref<32x128xi32, #tpu.memory_space<hbm>>) target(%arg6 : memref<32x128xi32, #tpu.memory_space<vmem>>) target_semaphore(%run_scoped3A : memref<!tpu.dma_semaphore, #tpu.memory_space<semaphore_mem>>)
        %dma_wait3A = arith.constant 0 : i32
        %dma_wait3A_141 = tpu.memref_slice %arg2[%add3A_115, %dma_wait3A] : memref<2560x128xi32, #tpu.memory_space<hbm>> -> memref<32x128xi32, #tpu.memory_space<hbm>>
        %dma_wait3A_142 = arith.constant 0 : i32
        %dma_wait3A_143 = tpu.memref_slice %arg2[%add3A_115, %dma_wait3A_142] : memref<2560x128xi32, #tpu.memory_space<hbm>> -> memref<32x128xi32, #tpu.memory_space<hbm>>
        tpu.wait_dma2 semaphore(%run_scoped3A : memref<!tpu.dma_semaphore, #tpu.memory_space<semaphore_mem>>) src(%dma_wait3A_143 : memref<32x128xi32, #tpu.memory_space<hbm>>) dst(%arg6 : memref<32x128xi32, #tpu.memory_space<vmem>>)
        tpu.yield
      }) : () -> ()
      "tpu.region"() ({
        %run_scoped3A = tpu.sem_alloc : memref<!tpu.dma_semaphore, #tpu.memory_space<semaphore_mem>>
        %dma_start3A_137 = arith.constant 0 : i32
        %dma_start3A_138 = tpu.memref_slice %arg3[%add3A_115, %dma_start3A_137] : memref<2560x128xi32, #tpu.memory_space<hbm>> -> memref<32x128xi32, #tpu.memory_space<hbm>>
        %dma_start3A_139 = arith.constant 0 : i32
        %dma_start3A_140 = tpu.memref_slice %arg3[%add3A_115, %dma_start3A_139] : memref<2560x128xi32, #tpu.memory_space<hbm>> -> memref<32x128xi32, #tpu.memory_space<hbm>>
        tpu.enqueue_dma source(%dma_start3A_140 : memref<32x128xi32, #tpu.memory_space<hbm>>) target(%arg7 : memref<32x128xi32, #tpu.memory_space<vmem>>) target_semaphore(%run_scoped3A : memref<!tpu.dma_semaphore, #tpu.memory_space<semaphore_mem>>)
        %dma_wait3A = arith.constant 0 : i32
        %dma_wait3A_141 = tpu.memref_slice %arg3[%add3A_115, %dma_wait3A] : memref<2560x128xi32, #tpu.memory_space<hbm>> -> memref<32x128xi32, #tpu.memory_space<hbm>>
        %dma_wait3A_142 = arith.constant 0 : i32
        %dma_wait3A_143 = tpu.memref_slice %arg3[%add3A_115, %dma_wait3A_142] : memref<2560x128xi32, #tpu.memory_space<hbm>> -> memref<32x128xi32, #tpu.memory_space<hbm>>
        tpu.wait_dma2 semaphore(%run_scoped3A : memref<!tpu.dma_semaphore, #tpu.memory_space<semaphore_mem>>) src(%dma_wait3A_143 : memref<32x128xi32, #tpu.memory_space<hbm>>) dst(%arg7 : memref<32x128xi32, #tpu.memory_space<vmem>>)
        tpu.yield
      }) : () -> ()
      %dma_start3A_116 = arith.constant 0 : i32
      %dma_start3A_117 = arith.constant 0 : i32
      %dma_start3A_118 = tpu.memref_slice %arg6[%dma_start3A_116, %dma_start3A_117] : memref<32x128xi32, #tpu.memory_space<vmem>> -> memref<1x128xi32, #tpu.memory_space<vmem>>
      %dma_start3A_119 = tpu.memref_squeeze %dma_start3A_118 : memref<1x128xi32, #tpu.memory_space<vmem>> -> memref<128xi32, #tpu.memory_space<vmem>>
      %dma_start3A_120 = arith.constant 0 : i32
      %dma_start3A_121 = arith.constant 0 : i32
      %dma_start3A_122 = tpu.memref_slice %arg4[%dma_start3A_120, %dma_start3A_121] : memref<10240x128xf32, #tpu.memory_space<hbm>> -> memref<10240x128xf32, #tpu.memory_space<hbm>>
      tpu.enqueue_indirect_dma source(%dma_start3A_122 : memref<10240x128xf32, #tpu.memory_space<hbm>>) target(%arg8 : memref<128x128xf32, #tpu.memory_space<vmem>>) offsets(%dma_start3A_119 : memref<128xi32, #tpu.memory_space<vmem>>) semaphore(%arg11 : memref<!tpu.dma_semaphore, #tpu.memory_space<semaphore_mem>>)
      %dma_start3A_123 = arith.constant 1 : i32
      %dma_start3A_124 = arith.constant 0 : i32
      %dma_start3A_125 = tpu.memref_slice %arg6[%dma_start3A_123, %dma_start3A_124] : memref<32x128xi32, #tpu.memory_space<vmem>> -> memref<1x128xi32, #tpu.memory_space<vmem>>
      %dma_start3A_126 = tpu.memref_squeeze %dma_start3A_125 : memref<1x128xi32, #tpu.memory_space<vmem>> -> memref<128xi32, #tpu.memory_space<vmem>>
      %dma_start3A_127 = arith.constant 0 : i32
      %dma_start3A_128 = arith.constant 0 : i32
      %dma_start3A_129 = tpu.memref_slice %arg4[%dma_start3A_127, %dma_start3A_128] : memref<10240x128xf32, #tpu.memory_space<hbm>> -> memref<10240x128xf32, #tpu.memory_space<hbm>>
      tpu.enqueue_indirect_dma source(%dma_start3A_129 : memref<10240x128xf32, #tpu.memory_space<hbm>>) target(%arg9 : memref<128x128xf32, #tpu.memory_space<vmem>>) offsets(%dma_start3A_126 : memref<128xi32, #tpu.memory_space<vmem>>) semaphore(%arg12 : memref<!tpu.dma_semaphore, #tpu.memory_space<semaphore_mem>>)
      %scan3A_130 = arith.constant 0 : i32
      %scan3A_131 = arith.constant 0 : i32
      %scan3A_132 = arith.constant 16 : i32
      %scan3A_133 = arith.addi %scan3A_131, %scan3A_132 : i32
      %scan3A_134 = arith.constant 1 : i32
      scf.for %scan3A_137 = %scan3A_131 to %scan3A_133 step %scan3A_134  : i32 {
        %mul3A_138 = arith.constant 2 : i32
        %mul3A_139 = arith.muli %scan3A_137, %mul3A_138 : i32
        %add3A_140 = arith.constant 0 : i32
        %add3A_141 = arith.addi %mul3A_139, %add3A_140 : i32
        %dma_wait3A = arith.constant 0 : i32
        %dma_wait3A_142 = tpu.memref_slice %arg6[%add3A_141, %dma_wait3A] : memref<32x128xi32, #tpu.memory_space<vmem>> -> memref<1x128xi32, #tpu.memory_space<vmem>>
        %dma_wait3A_143 = tpu.memref_squeeze %dma_wait3A_142 : memref<1x128xi32, #tpu.memory_space<vmem>> -> memref<128xi32, #tpu.memory_space<vmem>>
        %dma_wait3A_144 = arith.constant 0 : i32
        %dma_wait3A_145 = arith.constant 0 : i32
        %dma_wait3A_146 = tpu.memref_slice %arg4[%dma_wait3A_144, %dma_wait3A_145] : memref<10240x128xf32, #tpu.memory_space<hbm>> -> memref<10240x128xf32, #tpu.memory_space<hbm>>
        tpu.wait_indirect_dma semaphore(%arg11 : memref<!tpu.dma_semaphore, #tpu.memory_space<semaphore_mem>>) src(%dma_wait3A_146 : memref<10240x128xf32, #tpu.memory_space<hbm>>) dst(%arg8 : memref<128x128xf32, #tpu.memory_space<vmem>>)
        "tpu.region"() ({
          %run_scoped3A = tpu.sem_alloc : memref<!tpu.dma_semaphore, #tpu.memory_space<semaphore_mem>>
          %dma_start3A_170 = arith.constant 0 : i32
          %dma_start3A_171 = tpu.memref_slice %arg7[%add3A_141, %dma_start3A_170] : memref<32x128xi32, #tpu.memory_space<vmem>> -> memref<1x128xi32, #tpu.memory_space<vmem>>
          %dma_start3A_172 = tpu.memref_squeeze %dma_start3A_171 : memref<1x128xi32, #tpu.memory_space<vmem>> -> memref<128xi32, #tpu.memory_space<vmem>>
          %dma_start3A_173 = arith.constant 0 : i32
          %dma_start3A_174 = arith.constant 0 : i32
          %dma_start3A_175 = tpu.memref_slice %arg10[%dma_start3A_173, %dma_start3A_174] : memref<10240x128xf32, #tpu.memory_space<vmem_shared>> -> memref<10240x128xf32, #tpu.memory_space<vmem_shared>>
          tpu.enqueue_indirect_dma source(%arg8 : memref<128x128xf32, #tpu.memory_space<vmem>>) target(%dma_start3A_175 : memref<10240x128xf32, #tpu.memory_space<vmem_shared>>) offsets(%dma_start3A_172 : memref<128xi32, #tpu.memory_space<vmem>>) semaphore(%run_scoped3A : memref<!tpu.dma_semaphore, #tpu.memory_space<semaphore_mem>>) {add = true}
          %dma_wait3A_176 = arith.constant 0 : i32
          %dma_wait3A_177 = tpu.memref_slice %arg7[%add3A_141, %dma_wait3A_176] : memref<32x128xi32, #tpu.memory_space<vmem>> -> memref<1x128xi32, #tpu.memory_space<vmem>>
          %dma_wait3A_178 = tpu.memref_squeeze %dma_wait3A_177 : memref<1x128xi32, #tpu.memory_space<vmem>> -> memref<128xi32, #tpu.memory_space<vmem>>
          %dma_wait3A_179 = arith.constant 0 : i32
          %dma_wait3A_180 = arith.constant 0 : i32
          %dma_wait3A_181 = tpu.memref_slice %arg10[%dma_wait3A_179, %dma_wait3A_180] : memref<10240x128xf32, #tpu.memory_space<vmem_shared>> -> memref<10240x128xf32, #tpu.memory_space<vmem_shared>>
          tpu.wait_indirect_dma semaphore(%run_scoped3A : memref<!tpu.dma_semaphore, #tpu.memory_space<semaphore_mem>>) src(%arg8 : memref<128x128xf32, #tpu.memory_space<vmem>>) dst(%dma_wait3A_181 : memref<10240x128xf32, #tpu.memory_space<vmem_shared>>)
          tpu.yield
        }) : () -> ()
        %add3A_147 = arith.constant 2 : i32
        %add3A_148 = arith.addi %add3A_141, %add3A_147 : i32
        %lt3A = arith.constant 32 : i32
        %lt3A_149 = arith.cmpi slt, %add3A_148, %lt3A : i32
        %convert_element_type3A_150 = arith.extui %lt3A_149 : i1 to i32
        %cond3A_151 = arith.constant 0 : i32
        %cond3A_152 = arith.cmpi ne, %convert_element_type3A_150, %cond3A_151 : i32
        scf.if %cond3A_152 {
          %dma_start3A_170 = arith.constant 0 : i32
          %dma_start3A_171 = tpu.memref_slice %arg6[%add3A_148, %dma_start3A_170] : memref<32x128xi32, #tpu.memory_space<vmem>> -> memref<1x128xi32, #tpu.memory_space<vmem>>
          %dma_start3A_172 = tpu.memref_squeeze %dma_start3A_171 : memref<1x128xi32, #tpu.memory_space<vmem>> -> memref<128xi32, #tpu.memory_space<vmem>>
          %dma_start3A_173 = arith.constant 0 : i32
          %dma_start3A_174 = arith.constant 0 : i32
          %dma_start3A_175 = tpu.memref_slice %arg4[%dma_start3A_173, %dma_start3A_174] : memref<10240x128xf32, #tpu.memory_space<hbm>> -> memref<10240x128xf32, #tpu.memory_space<hbm>>
          tpu.enqueue_indirect_dma source(%dma_start3A_175 : memref<10240x128xf32, #tpu.memory_space<hbm>>) target(%arg8 : memref<128x128xf32, #tpu.memory_space<vmem>>) offsets(%dma_start3A_172 : memref<128xi32, #tpu.memory_space<vmem>>) semaphore(%arg11 : memref<!tpu.dma_semaphore, #tpu.memory_space<semaphore_mem>>)
        } else {
        }
        %mul3A_153 = arith.constant 2 : i32
        %mul3A_154 = arith.muli %scan3A_137, %mul3A_153 : i32
        %add3A_155 = arith.constant 1 : i32
        %add3A_156 = arith.addi %mul3A_154, %add3A_155 : i32
        %dma_wait3A_157 = arith.constant 0 : i32
        %dma_wait3A_158 = tpu.memref_slice %arg6[%add3A_156, %dma_wait3A_157] : memref<32x128xi32, #tpu.memory_space<vmem>> -> memref<1x128xi32, #tpu.memory_space<vmem>>
        %dma_wait3A_159 = tpu.memref_squeeze %dma_wait3A_158 : memref<1x128xi32, #tpu.memory_space<vmem>> -> memref<128xi32, #tpu.memory_space<vmem>>
        %dma_wait3A_160 = arith.constant 0 : i32
        %dma_wait3A_161 = arith.constant 0 : i32
        %dma_wait3A_162 = tpu.memref_slice %arg4[%dma_wait3A_160, %dma_wait3A_161] : memref<10240x128xf32, #tpu.memory_space<hbm>> -> memref<10240x128xf32, #tpu.memory_space<hbm>>
        tpu.wait_indirect_dma semaphore(%arg12 : memref<!tpu.dma_semaphore, #tpu.memory_space<semaphore_mem>>) src(%dma_wait3A_162 : memref<10240x128xf32, #tpu.memory_space<hbm>>) dst(%arg9 : memref<128x128xf32, #tpu.memory_space<vmem>>)
        "tpu.region"() ({
          %run_scoped3A = tpu.sem_alloc : memref<!tpu.dma_semaphore, #tpu.memory_space<semaphore_mem>>
          %dma_start3A_170 = arith.constant 0 : i32
          %dma_start3A_171 = tpu.memref_slice %arg7[%add3A_156, %dma_start3A_170] : memref<32x128xi32, #tpu.memory_space<vmem>> -> memref<1x128xi32, #tpu.memory_space<vmem>>
          %dma_start3A_172 = tpu.memref_squeeze %dma_start3A_171 : memref<1x128xi32, #tpu.memory_space<vmem>> -> memref<128xi32, #tpu.memory_space<vmem>>
          %dma_start3A_173 = arith.constant 0 : i32
          %dma_start3A_174 = arith.constant 0 : i32
          %dma_start3A_175 = tpu.memref_slice %arg10[%dma_start3A_173, %dma_start3A_174] : memref<10240x128xf32, #tpu.memory_space<vmem_shared>> -> memref<10240x128xf32, #tpu.memory_space<vmem_shared>>
          tpu.enqueue_indirect_dma source(%arg9 : memref<128x128xf32, #tpu.memory_space<vmem>>) target(%dma_start3A_175 : memref<10240x128xf32, #tpu.memory_space<vmem_shared>>) offsets(%dma_start3A_172 : memref<128xi32, #tpu.memory_space<vmem>>) semaphore(%run_scoped3A : memref<!tpu.dma_semaphore, #tpu.memory_space<semaphore_mem>>) {add = true}
          %dma_wait3A_176 = arith.constant 0 : i32
          %dma_wait3A_177 = tpu.memref_slice %arg7[%add3A_156, %dma_wait3A_176] : memref<32x128xi32, #tpu.memory_space<vmem>> -> memref<1x128xi32, #tpu.memory_space<vmem>>
          %dma_wait3A_178 = tpu.memref_squeeze %dma_wait3A_177 : memref<1x128xi32, #tpu.memory_space<vmem>> -> memref<128xi32, #tpu.memory_space<vmem>>
          %dma_wait3A_179 = arith.constant 0 : i32
          %dma_wait3A_180 = arith.constant 0 : i32
          %dma_wait3A_181 = tpu.memref_slice %arg10[%dma_wait3A_179, %dma_wait3A_180] : memref<10240x128xf32, #tpu.memory_space<vmem_shared>> -> memref<10240x128xf32, #tpu.memory_space<vmem_shared>>
          tpu.wait_indirect_dma semaphore(%run_scoped3A : memref<!tpu.dma_semaphore, #tpu.memory_space<semaphore_mem>>) src(%arg9 : memref<128x128xf32, #tpu.memory_space<vmem>>) dst(%dma_wait3A_181 : memref<10240x128xf32, #tpu.memory_space<vmem_shared>>)
          tpu.yield
        }) : () -> ()
        %add3A_163 = arith.constant 2 : i32
        %add3A_164 = arith.addi %add3A_156, %add3A_163 : i32
        %lt3A_165 = arith.constant 32 : i32
        %lt3A_166 = arith.cmpi slt, %add3A_164, %lt3A_165 : i32
        %convert_element_type3A_167 = arith.extui %lt3A_166 : i1 to i32
        %cond3A_168 = arith.constant 0 : i32
        %cond3A_169 = arith.cmpi ne, %convert_element_type3A_167, %cond3A_168 : i32
        scf.if %cond3A_169 {
          %dma_start3A_170 = arith.constant 0 : i32
          %dma_start3A_171 = tpu.memref_slice %arg6[%add3A_164, %dma_start3A_170] : memref<32x128xi32, #tpu.memory_space<vmem>> -> memref<1x128xi32, #tpu.memory_space<vmem>>
          %dma_start3A_172 = tpu.memref_squeeze %dma_start3A_171 : memref<1x128xi32, #tpu.memory_space<vmem>> -> memref<128xi32, #tpu.memory_space<vmem>>
          %dma_start3A_173 = arith.constant 0 : i32
          %dma_start3A_174 = arith.constant 0 : i32
          %dma_start3A_175 = tpu.memref_slice %arg4[%dma_start3A_173, %dma_start3A_174] : memref<10240x128xf32, #tpu.memory_space<hbm>> -> memref<10240x128xf32, #tpu.memory_space<hbm>>
          tpu.enqueue_indirect_dma source(%dma_start3A_175 : memref<10240x128xf32, #tpu.memory_space<hbm>>) target(%arg9 : memref<128x128xf32, #tpu.memory_space<vmem>>) offsets(%dma_start3A_172 : memref<128xi32, #tpu.memory_space<vmem>>) semaphore(%arg12 : memref<!tpu.dma_semaphore, #tpu.memory_space<semaphore_mem>>)
        } else {
        }
      }
      %scan3A_135 = arith.constant 16 : i32
      %barrier3A_136 = arith.constant 0 : index
      tpu.barrier barrier_id(%barrier3A_136)
      "tpu.region"() ({
        %run_scoped3A = tpu.sem_alloc : memref<!tpu.dma_semaphore, #tpu.memory_space<semaphore_mem>>
        %dma_start3A_137 = arith.constant 0 : i32
        %dma_start3A_138 = tpu.memref_slice %arg5[%mul3A_0, %dma_start3A_137] : memref<10240x128xf32, #tpu.memory_space<hbm>> -> memref<640x128xf32, #tpu.memory_space<hbm>>
        %dma_start3A_139 = arith.constant 0 : i32
        %dma_start3A_140 = tpu.memref_slice %arg10[%mul3A_0, %dma_start3A_139] : memref<10240x128xf32, #tpu.memory_space<vmem_shared>> -> memref<640x128xf32, #tpu.memory_space<vmem_shared>>
        tpu.enqueue_dma source(%dma_start3A_140 : memref<640x128xf32, #tpu.memory_space<vmem_shared>>) target(%dma_start3A_138 : memref<640x128xf32, #tpu.memory_space<hbm>>) target_semaphore(%run_scoped3A : memref<!tpu.dma_semaphore, #tpu.memory_space<semaphore_mem>>)
        %dma_wait3A = arith.constant 0 : i32
        %dma_wait3A_141 = tpu.memref_slice %arg5[%mul3A_0, %dma_wait3A] : memref<10240x128xf32, #tpu.memory_space<hbm>> -> memref<640x128xf32, #tpu.memory_space<hbm>>
        %dma_wait3A_142 = arith.constant 0 : i32
        %dma_wait3A_143 = tpu.memref_slice %arg10[%mul3A_0, %dma_wait3A_142] : memref<10240x128xf32, #tpu.memory_space<vmem_shared>> -> memref<640x128xf32, #tpu.memory_space<vmem_shared>>
        tpu.wait_dma2 semaphore(%run_scoped3A : memref<!tpu.dma_semaphore, #tpu.memory_space<semaphore_mem>>) src(%dma_wait3A_143 : memref<640x128xf32, #tpu.memory_space<vmem_shared>>) dst(%dma_wait3A_141 : memref<640x128xf32, #tpu.memory_space<hbm>>)
        tpu.yield
      }) : () -> ()
    } else {
    }
    return
  }
}

#map = affine_map<(d0, d1) -> (0, 0)>
module attributes {stable_mosaic.version = 14 : i64} {
  func.func @_agg_kernel(%arg0: i32, %arg1: i32, %arg2: memref<2560x128xi32, #tpu.memory_space<hbm>>, %arg3: memref<2560x128xi32, #tpu.memory_space<hbm>>, %arg4: memref<10240x128xf32, #tpu.memory_space<hbm>>, %arg5: memref<10240x128xf32, #tpu.memory_space<hbm>>, %arg6: memref<32x128xi32, #tpu.memory_space<vmem>>, %arg7: memref<32x128xi32, #tpu.memory_space<vmem>>, %arg8: memref<128x128xf32, #tpu.memory_space<vmem>>, %arg9: memref<128x128xf32, #tpu.memory_space<vmem>>, %arg10: memref<10240x128xf32, #tpu.memory_space<vmem_shared>>, %arg11: memref<!tpu.dma_semaphore, #tpu.memory_space<semaphore_mem>>, %arg12: memref<!tpu.dma_semaphore, #tpu.memory_space<semaphore_mem>>) attributes {dimension_semantics = [#tpu.dimension_semantics<core_parallel>, #tpu.dimension_semantics<subcore_parallel>], iteration_bounds = array<i64: 2, 16>, scalar_prefetch = 0 : i64, scratch_operands = 7 : i64, tpu.core_type = #tpu.core_type<sc_vector_subcore>, window_params = [{transform_indices = #map}, {transform_indices = #map}, {transform_indices = #map}, {transform_indices = #map}]} {
    %mul3A = arith.constant 640 : i32
    %mul3A_0 = arith.muli %arg1, %mul3A : i32
    %eq3A = arith.constant 0 : i32
    %eq3A_1 = arith.cmpi eq, %arg0, %eq3A : i32
    %convert_element_type3A = arith.extui %eq3A_1 : i1 to i32
    %cond3A = arith.constant 0 : i32
    %cond3A_2 = arith.cmpi ne, %convert_element_type3A, %cond3A : i32
    scf.if %cond3A_2 {
      %scan3A = arith.constant 0 : i32
      %scan3A_3 = arith.constant 0 : i32
      %scan3A_4 = arith.constant 128 : i32
      %scan3A_5 = arith.addi %scan3A_3, %scan3A_4 : i32
      %scan3A_6 = arith.constant 1 : i32
      scf.for %scan3A_137 = %scan3A_3 to %scan3A_5 step %scan3A_6  : i32 {
        %broadcast_in_dim3A = arith.constant 0.000000e+00 : f32
        %broadcast_in_dim3A_138 = vector.broadcast %broadcast_in_dim3A : f32 to vector<16xf32>
        %swap3A = arith.index_cast %scan3A_137 : i32 to index
        %swap3A_139 = arith.constant 0 : index
        %swap3A_140 = tpu.vector_load %arg8[%swap3A, %swap3A_139] {strides = array<i32>} : memref<128x128xf32, #tpu.memory_space<vmem>>, vector<1x16xf32>,
        %swap3A_141 = vector.shape_cast %swap3A_140 : vector<1x16xf32> to vector<16xf32>
        %swap3A_142 = vector.shape_cast %broadcast_in_dim3A_138 : vector<16xf32> to vector<1x16xf32>
        tpu.vector_store %arg8[%swap3A, %swap3A_139], %swap3A_142 {strides = array<i32>} : memref<128x128xf32, #tpu.memory_space<vmem>>, vector<1x16xf32>,
        %broadcast_in_dim3A_143 = arith.constant 0.000000e+00 : f32
        %broadcast_in_dim3A_144 = vector.broadcast %broadcast_in_dim3A_143 : f32 to vector<16xf32>
        %swap3A_145 = arith.index_cast %scan3A_137 : i32 to index
        %swap3A_146 = arith.constant 16 : index
        %swap3A_147 = tpu.vector_load %arg8[%swap3A_145, %swap3A_146] {strides = array<i32>} : memref<128x128xf32, #tpu.memory_space<vmem>>, vector<1x16xf32>,
        %swap3A_148 = vector.shape_cast %swap3A_147 : vector<1x16xf32> to vector<16xf32>
        %swap3A_149 = vector.shape_cast %broadcast_in_dim3A_144 : vector<16xf32> to vector<1x16xf32>
        tpu.vector_store %arg8[%swap3A_145, %swap3A_146], %swap3A_149 {strides = array<i32>} : memref<128x128xf32, #tpu.memory_space<vmem>>, vector<1x16xf32>,
        %broadcast_in_dim3A_150 = arith.constant 0.000000e+00 : f32
        %broadcast_in_dim3A_151 = vector.broadcast %broadcast_in_dim3A_150 : f32 to vector<16xf32>
        %swap3A_152 = arith.index_cast %scan3A_137 : i32 to index
        %swap3A_153 = arith.constant 32 : index
        %swap3A_154 = tpu.vector_load %arg8[%swap3A_152, %swap3A_153] {strides = array<i32>} : memref<128x128xf32, #tpu.memory_space<vmem>>, vector<1x16xf32>,
        %swap3A_155 = vector.shape_cast %swap3A_154 : vector<1x16xf32> to vector<16xf32>
        %swap3A_156 = vector.shape_cast %broadcast_in_dim3A_151 : vector<16xf32> to vector<1x16xf32>
        tpu.vector_store %arg8[%swap3A_152, %swap3A_153], %swap3A_156 {strides = array<i32>} : memref<128x128xf32, #tpu.memory_space<vmem>>, vector<1x16xf32>,
        %broadcast_in_dim3A_157 = arith.constant 0.000000e+00 : f32
        %broadcast_in_dim3A_158 = vector.broadcast %broadcast_in_dim3A_157 : f32 to vector<16xf32>
        %swap3A_159 = arith.index_cast %scan3A_137 : i32 to index
        %swap3A_160 = arith.constant 48 : index
        %swap3A_161 = tpu.vector_load %arg8[%swap3A_159, %swap3A_160] {strides = array<i32>} : memref<128x128xf32, #tpu.memory_space<vmem>>, vector<1x16xf32>,
        %swap3A_162 = vector.shape_cast %swap3A_161 : vector<1x16xf32> to vector<16xf32>
        %swap3A_163 = vector.shape_cast %broadcast_in_dim3A_158 : vector<16xf32> to vector<1x16xf32>
        tpu.vector_store %arg8[%swap3A_159, %swap3A_160], %swap3A_163 {strides = array<i32>} : memref<128x128xf32, #tpu.memory_space<vmem>>, vector<1x16xf32>,
        %broadcast_in_dim3A_164 = arith.constant 0.000000e+00 : f32
        %broadcast_in_dim3A_165 = vector.broadcast %broadcast_in_dim3A_164 : f32 to vector<16xf32>
        %swap3A_166 = arith.index_cast %scan3A_137 : i32 to index
        %swap3A_167 = arith.constant 64 : index
        %swap3A_168 = tpu.vector_load %arg8[%swap3A_166, %swap3A_167] {strides = array<i32>} : memref<128x128xf32, #tpu.memory_space<vmem>>, vector<1x16xf32>,
        %swap3A_169 = vector.shape_cast %swap3A_168 : vector<1x16xf32> to vector<16xf32>
        %swap3A_170 = vector.shape_cast %broadcast_in_dim3A_165 : vector<16xf32> to vector<1x16xf32>
        tpu.vector_store %arg8[%swap3A_166, %swap3A_167], %swap3A_170 {strides = array<i32>} : memref<128x128xf32, #tpu.memory_space<vmem>>, vector<1x16xf32>,
        %broadcast_in_dim3A_171 = arith.constant 0.000000e+00 : f32
        %broadcast_in_dim3A_172 = vector.broadcast %broadcast_in_dim3A_171 : f32 to vector<16xf32>
        %swap3A_173 = arith.index_cast %scan3A_137 : i32 to index
        %swap3A_174 = arith.constant 80 : index
        %swap3A_175 = tpu.vector_load %arg8[%swap3A_173, %swap3A_174] {strides = array<i32>} : memref<128x128xf32, #tpu.memory_space<vmem>>, vector<1x16xf32>,
        %swap3A_176 = vector.shape_cast %swap3A_175 : vector<1x16xf32> to vector<16xf32>
        %swap3A_177 = vector.shape_cast %broadcast_in_dim3A_172 : vector<16xf32> to vector<1x16xf32>
        tpu.vector_store %arg8[%swap3A_173, %swap3A_174], %swap3A_177 {strides = array<i32>} : memref<128x128xf32, #tpu.memory_space<vmem>>, vector<1x16xf32>,
        %broadcast_in_dim3A_178 = arith.constant 0.000000e+00 : f32
        %broadcast_in_dim3A_179 = vector.broadcast %broadcast_in_dim3A_178 : f32 to vector<16xf32>
        %swap3A_180 = arith.index_cast %scan3A_137 : i32 to index
        %swap3A_181 = arith.constant 96 : index
        %swap3A_182 = tpu.vector_load %arg8[%swap3A_180, %swap3A_181] {strides = array<i32>} : memref<128x128xf32, #tpu.memory_space<vmem>>, vector<1x16xf32>,
        %swap3A_183 = vector.shape_cast %swap3A_182 : vector<1x16xf32> to vector<16xf32>
        %swap3A_184 = vector.shape_cast %broadcast_in_dim3A_179 : vector<16xf32> to vector<1x16xf32>
        tpu.vector_store %arg8[%swap3A_180, %swap3A_181], %swap3A_184 {strides = array<i32>} : memref<128x128xf32, #tpu.memory_space<vmem>>, vector<1x16xf32>,
        %broadcast_in_dim3A_185 = arith.constant 0.000000e+00 : f32
        %broadcast_in_dim3A_186 = vector.broadcast %broadcast_in_dim3A_185 : f32 to vector<16xf32>
        %swap3A_187 = arith.index_cast %scan3A_137 : i32 to index
        %swap3A_188 = arith.constant 112 : index
        %swap3A_189 = tpu.vector_load %arg8[%swap3A_187, %swap3A_188] {strides = array<i32>} : memref<128x128xf32, #tpu.memory_space<vmem>>, vector<1x16xf32>,
        %swap3A_190 = vector.shape_cast %swap3A_189 : vector<1x16xf32> to vector<16xf32>
        %swap3A_191 = vector.shape_cast %broadcast_in_dim3A_186 : vector<16xf32> to vector<1x16xf32>
        tpu.vector_store %arg8[%swap3A_187, %swap3A_188], %swap3A_191 {strides = array<i32>} : memref<128x128xf32, #tpu.memory_space<vmem>>, vector<1x16xf32>,
      }
      %scan3A_7 = arith.constant 128 : i32
      %add3A = arith.constant 0 : i32
      %add3A_8 = arith.addi %mul3A_0, %add3A : i32
      "tpu.region"() ({
        %run_scoped3A = tpu.sem_alloc : memref<!tpu.dma_semaphore, #tpu.memory_space<semaphore_mem>>
        %dma_start3A_137 = arith.constant 0 : i32
        %dma_start3A_138 = tpu.memref_slice %arg10[%add3A_8, %dma_start3A_137] : memref<10240x128xf32, #tpu.memory_space<vmem_shared>> -> memref<128x128xf32, #tpu.memory_space<vmem_shared>>
        %dma_start3A_139 = arith.constant 0 : i32
        %dma_start3A_140 = tpu.memref_slice %arg10[%add3A_8, %dma_start3A_139] : memref<10240x128xf32, #tpu.memory_space<vmem_shared>> -> memref<128x128xf32, #tpu.memory_space<vmem_shared>>
        tpu.enqueue_dma source(%arg8 : memref<128x128xf32, #tpu.memory_space<vmem>>) target(%dma_start3A_140 : memref<128x128xf32, #tpu.memory_space<vmem_shared>>) target_semaphore(%run_scoped3A : memref<!tpu.dma_semaphore, #tpu.memory_space<semaphore_mem>>)
        %dma_wait3A = arith.constant 0 : i32
        %dma_wait3A_141 = tpu.memref_slice %arg10[%add3A_8, %dma_wait3A] : memref<10240x128xf32, #tpu.memory_space<vmem_shared>> -> memref<128x128xf32, #tpu.memory_space<vmem_shared>>
        %dma_wait3A_142 = arith.constant 0 : i32
        %dma_wait3A_143 = tpu.memref_slice %arg10[%add3A_8, %dma_wait3A_142] : memref<10240x128xf32, #tpu.memory_space<vmem_shared>> -> memref<128x128xf32, #tpu.memory_space<vmem_shared>>
        tpu.wait_dma2 semaphore(%run_scoped3A : memref<!tpu.dma_semaphore, #tpu.memory_space<semaphore_mem>>) src(%arg8 : memref<128x128xf32, #tpu.memory_space<vmem>>) dst(%dma_wait3A_143 : memref<128x128xf32, #tpu.memory_space<vmem_shared>>)
        tpu.yield
      }) : () -> ()
      %add3A_9 = arith.constant 128 : i32
      %add3A_10 = arith.addi %mul3A_0, %add3A_9 : i32
      "tpu.region"() ({
        %run_scoped3A = tpu.sem_alloc : memref<!tpu.dma_semaphore, #tpu.memory_space<semaphore_mem>>
        %dma_start3A_137 = arith.constant 0 : i32
        %dma_start3A_138 = tpu.memref_slice %arg10[%add3A_10, %dma_start3A_137] : memref<10240x128xf32, #tpu.memory_space<vmem_shared>> -> memref<128x128xf32, #tpu.memory_space<vmem_shared>>
        %dma_start3A_139 = arith.constant 0 : i32
        %dma_start3A_140 = tpu.memref_slice %arg10[%add3A_10, %dma_start3A_139] : memref<10240x128xf32, #tpu.memory_space<vmem_shared>> -> memref<128x128xf32, #tpu.memory_space<vmem_shared>>
        tpu.enqueue_dma source(%arg8 : memref<128x128xf32, #tpu.memory_space<vmem>>) target(%dma_start3A_140 : memref<128x128xf32, #tpu.memory_space<vmem_shared>>) target_semaphore(%run_scoped3A : memref<!tpu.dma_semaphore, #tpu.memory_space<semaphore_mem>>)
        %dma_wait3A = arith.constant 0 : i32
        %dma_wait3A_141 = tpu.memref_slice %arg10[%add3A_10, %dma_wait3A] : memref<10240x128xf32, #tpu.memory_space<vmem_shared>> -> memref<128x128xf32, #tpu.memory_space<vmem_shared>>
        %dma_wait3A_142 = arith.constant 0 : i32
        %dma_wait3A_143 = tpu.memref_slice %arg10[%add3A_10, %dma_wait3A_142] : memref<10240x128xf32, #tpu.memory_space<vmem_shared>> -> memref<128x128xf32, #tpu.memory_space<vmem_shared>>
        tpu.wait_dma2 semaphore(%run_scoped3A : memref<!tpu.dma_semaphore, #tpu.memory_space<semaphore_mem>>) src(%arg8 : memref<128x128xf32, #tpu.memory_space<vmem>>) dst(%dma_wait3A_143 : memref<128x128xf32, #tpu.memory_space<vmem_shared>>)
        tpu.yield
      }) : () -> ()
      %add3A_11 = arith.constant 256 : i32
      %add3A_12 = arith.addi %mul3A_0, %add3A_11 : i32
      "tpu.region"() ({
        %run_scoped3A = tpu.sem_alloc : memref<!tpu.dma_semaphore, #tpu.memory_space<semaphore_mem>>
        %dma_start3A_137 = arith.constant 0 : i32
        %dma_start3A_138 = tpu.memref_slice %arg10[%add3A_12, %dma_start3A_137] : memref<10240x128xf32, #tpu.memory_space<vmem_shared>> -> memref<128x128xf32, #tpu.memory_space<vmem_shared>>
        %dma_start3A_139 = arith.constant 0 : i32
        %dma_start3A_140 = tpu.memref_slice %arg10[%add3A_12, %dma_start3A_139] : memref<10240x128xf32, #tpu.memory_space<vmem_shared>> -> memref<128x128xf32, #tpu.memory_space<vmem_shared>>
        tpu.enqueue_dma source(%arg8 : memref<128x128xf32, #tpu.memory_space<vmem>>) target(%dma_start3A_140 : memref<128x128xf32, #tpu.memory_space<vmem_shared>>) target_semaphore(%run_scoped3A : memref<!tpu.dma_semaphore, #tpu.memory_space<semaphore_mem>>)
        %dma_wait3A = arith.constant 0 : i32
        %dma_wait3A_141 = tpu.memref_slice %arg10[%add3A_12, %dma_wait3A] : memref<10240x128xf32, #tpu.memory_space<vmem_shared>> -> memref<128x128xf32, #tpu.memory_space<vmem_shared>>
        %dma_wait3A_142 = arith.constant 0 : i32
        %dma_wait3A_143 = tpu.memref_slice %arg10[%add3A_12, %dma_wait3A_142] : memref<10240x128xf32, #tpu.memory_space<vmem_shared>> -> memref<128x128xf32, #tpu.memory_space<vmem_shared>>
        tpu.wait_dma2 semaphore(%run_scoped3A : memref<!tpu.dma_semaphore, #tpu.memory_space<semaphore_mem>>) src(%arg8 : memref<128x128xf32, #tpu.memory_space<vmem>>) dst(%dma_wait3A_143 : memref<128x128xf32, #tpu.memory_space<vmem_shared>>)
        tpu.yield
      }) : () -> ()
      %add3A_13 = arith.constant 384 : i32
      %add3A_14 = arith.addi %mul3A_0, %add3A_13 : i32
      "tpu.region"() ({
        %run_scoped3A = tpu.sem_alloc : memref<!tpu.dma_semaphore, #tpu.memory_space<semaphore_mem>>
        %dma_start3A_137 = arith.constant 0 : i32
        %dma_start3A_138 = tpu.memref_slice %arg10[%add3A_14, %dma_start3A_137] : memref<10240x128xf32, #tpu.memory_space<vmem_shared>> -> memref<128x128xf32, #tpu.memory_space<vmem_shared>>
        %dma_start3A_139 = arith.constant 0 : i32
        %dma_start3A_140 = tpu.memref_slice %arg10[%add3A_14, %dma_start3A_139] : memref<10240x128xf32, #tpu.memory_space<vmem_shared>> -> memref<128x128xf32, #tpu.memory_space<vmem_shared>>
        tpu.enqueue_dma source(%arg8 : memref<128x128xf32, #tpu.memory_space<vmem>>) target(%dma_start3A_140 : memref<128x128xf32, #tpu.memory_space<vmem_shared>>) target_semaphore(%run_scoped3A : memref<!tpu.dma_semaphore, #tpu.memory_space<semaphore_mem>>)
        %dma_wait3A = arith.constant 0 : i32
        %dma_wait3A_141 = tpu.memref_slice %arg10[%add3A_14, %dma_wait3A] : memref<10240x128xf32, #tpu.memory_space<vmem_shared>> -> memref<128x128xf32, #tpu.memory_space<vmem_shared>>
        %dma_wait3A_142 = arith.constant 0 : i32
        %dma_wait3A_143 = tpu.memref_slice %arg10[%add3A_14, %dma_wait3A_142] : memref<10240x128xf32, #tpu.memory_space<vmem_shared>> -> memref<128x128xf32, #tpu.memory_space<vmem_shared>>
        tpu.wait_dma2 semaphore(%run_scoped3A : memref<!tpu.dma_semaphore, #tpu.memory_space<semaphore_mem>>) src(%arg8 : memref<128x128xf32, #tpu.memory_space<vmem>>) dst(%dma_wait3A_143 : memref<128x128xf32, #tpu.memory_space<vmem_shared>>)
        tpu.yield
      }) : () -> ()
      %add3A_15 = arith.constant 512 : i32
      %add3A_16 = arith.addi %mul3A_0, %add3A_15 : i32
      "tpu.region"() ({
        %run_scoped3A = tpu.sem_alloc : memref<!tpu.dma_semaphore, #tpu.memory_space<semaphore_mem>>
        %dma_start3A_137 = arith.constant 0 : i32
        %dma_start3A_138 = tpu.memref_slice %arg10[%add3A_16, %dma_start3A_137] : memref<10240x128xf32, #tpu.memory_space<vmem_shared>> -> memref<128x128xf32, #tpu.memory_space<vmem_shared>>
        %dma_start3A_139 = arith.constant 0 : i32
        %dma_start3A_140 = tpu.memref_slice %arg10[%add3A_16, %dma_start3A_139] : memref<10240x128xf32, #tpu.memory_space<vmem_shared>> -> memref<128x128xf32, #tpu.memory_space<vmem_shared>>
        tpu.enqueue_dma source(%arg8 : memref<128x128xf32, #tpu.memory_space<vmem>>) target(%dma_start3A_140 : memref<128x128xf32, #tpu.memory_space<vmem_shared>>) target_semaphore(%run_scoped3A : memref<!tpu.dma_semaphore, #tpu.memory_space<semaphore_mem>>)
        %dma_wait3A = arith.constant 0 : i32
        %dma_wait3A_141 = tpu.memref_slice %arg10[%add3A_16, %dma_wait3A] : memref<10240x128xf32, #tpu.memory_space<vmem_shared>> -> memref<128x128xf32, #tpu.memory_space<vmem_shared>>
        %dma_wait3A_142 = arith.constant 0 : i32
        %dma_wait3A_143 = tpu.memref_slice %arg10[%add3A_16, %dma_wait3A_142] : memref<10240x128xf32, #tpu.memory_space<vmem_shared>> -> memref<128x128xf32, #tpu.memory_space<vmem_shared>>
        tpu.wait_dma2 semaphore(%run_scoped3A : memref<!tpu.dma_semaphore, #tpu.memory_space<semaphore_mem>>) src(%arg8 : memref<128x128xf32, #tpu.memory_space<vmem>>) dst(%dma_wait3A_143 : memref<128x128xf32, #tpu.memory_space<vmem_shared>>)
        tpu.yield
      }) : () -> ()
      %barrier3A = arith.constant 0 : index
      tpu.barrier barrier_id(%barrier3A)
      %mul3A_17 = arith.constant 160 : i32
      %mul3A_18 = arith.muli %arg1, %mul3A_17 : i32
      %add3A_19 = arith.constant 0 : i32
      %add3A_20 = arith.addi %mul3A_18, %add3A_19 : i32
      "tpu.region"() ({
        %run_scoped3A = tpu.sem_alloc : memref<!tpu.dma_semaphore, #tpu.memory_space<semaphore_mem>>
        %dma_start3A_137 = arith.constant 0 : i32
        %dma_start3A_138 = tpu.memref_slice %arg2[%add3A_20, %dma_start3A_137] : memref<2560x128xi32, #tpu.memory_space<hbm>> -> memref<32x128xi32, #tpu.memory_space<hbm>>
        %dma_start3A_139 = arith.constant 0 : i32
        %dma_start3A_140 = tpu.memref_slice %arg2[%add3A_20, %dma_start3A_139] : memref<2560x128xi32, #tpu.memory_space<hbm>> -> memref<32x128xi32, #tpu.memory_space<hbm>>
        tpu.enqueue_dma source(%dma_start3A_140 : memref<32x128xi32, #tpu.memory_space<hbm>>) target(%arg6 : memref<32x128xi32, #tpu.memory_space<vmem>>) target_semaphore(%run_scoped3A : memref<!tpu.dma_semaphore, #tpu.memory_space<semaphore_mem>>)
        %dma_wait3A = arith.constant 0 : i32
        %dma_wait3A_141 = tpu.memref_slice %arg2[%add3A_20, %dma_wait3A] : memref<2560x128xi32, #tpu.memory_space<hbm>> -> memref<32x128xi32, #tpu.memory_space<hbm>>
        %dma_wait3A_142 = arith.constant 0 : i32
        %dma_wait3A_143 = tpu.memref_slice %arg2[%add3A_20, %dma_wait3A_142] : memref<2560x128xi32, #tpu.memory_space<hbm>> -> memref<32x128xi32, #tpu.memory_space<hbm>>
        tpu.wait_dma2 semaphore(%run_scoped3A : memref<!tpu.dma_semaphore, #tpu.memory_space<semaphore_mem>>) src(%dma_wait3A_143 : memref<32x128xi32, #tpu.memory_space<hbm>>) dst(%arg6 : memref<32x128xi32, #tpu.memory_space<vmem>>)
        tpu.yield
      }) : () -> ()
      "tpu.region"() ({
        %run_scoped3A = tpu.sem_alloc : memref<!tpu.dma_semaphore, #tpu.memory_space<semaphore_mem>>
        %dma_start3A_137 = arith.constant 0 : i32
        %dma_start3A_138 = tpu.memref_slice %arg3[%add3A_20, %dma_start3A_137] : memref<2560x128xi32, #tpu.memory_space<hbm>> -> memref<32x128xi32, #tpu.memory_space<hbm>>
        %dma_start3A_139 = arith.constant 0 : i32
        %dma_start3A_140 = tpu.memref_slice %arg3[%add3A_20, %dma_start3A_139] : memref<2560x128xi32, #tpu.memory_space<hbm>> -> memref<32x128xi32, #tpu.memory_space<hbm>>
        tpu.enqueue_dma source(%dma_start3A_140 : memref<32x128xi32, #tpu.memory_space<hbm>>) target(%arg7 : memref<32x128xi32, #tpu.memory_space<vmem>>) target_semaphore(%run_scoped3A : memref<!tpu.dma_semaphore, #tpu.memory_space<semaphore_mem>>)
        %dma_wait3A = arith.constant 0 : i32
        %dma_wait3A_141 = tpu.memref_slice %arg3[%add3A_20, %dma_wait3A] : memref<2560x128xi32, #tpu.memory_space<hbm>> -> memref<32x128xi32, #tpu.memory_space<hbm>>
        %dma_wait3A_142 = arith.constant 0 : i32
        %dma_wait3A_143 = tpu.memref_slice %arg3[%add3A_20, %dma_wait3A_142] : memref<2560x128xi32, #tpu.memory_space<hbm>> -> memref<32x128xi32, #tpu.memory_space<hbm>>
        tpu.wait_dma2 semaphore(%run_scoped3A : memref<!tpu.dma_semaphore, #tpu.memory_space<semaphore_mem>>) src(%dma_wait3A_143 : memref<32x128xi32, #tpu.memory_space<hbm>>) dst(%arg7 : memref<32x128xi32, #tpu.memory_space<vmem>>)
        tpu.yield
      }) : () -> ()
      %dma_start3A = arith.constant 0 : i32
      %dma_start3A_21 = arith.constant 0 : i32
      %dma_start3A_22 = tpu.memref_slice %arg6[%dma_start3A, %dma_start3A_21] : memref<32x128xi32, #tpu.memory_space<vmem>> -> memref<1x128xi32, #tpu.memory_space<vmem>>
      %dma_start3A_23 = tpu.memref_squeeze %dma_start3A_22 : memref<1x128xi32, #tpu.memory_space<vmem>> -> memref<128xi32, #tpu.memory_space<vmem>>
      %dma_start3A_24 = arith.constant 0 : i32
      %dma_start3A_25 = arith.constant 0 : i32
      %dma_start3A_26 = tpu.memref_slice %arg4[%dma_start3A_24, %dma_start3A_25] : memref<10240x128xf32, #tpu.memory_space<hbm>> -> memref<10240x128xf32, #tpu.memory_space<hbm>>
      tpu.enqueue_indirect_dma source(%dma_start3A_26 : memref<10240x128xf32, #tpu.memory_space<hbm>>) target(%arg8 : memref<128x128xf32, #tpu.memory_space<vmem>>) offsets(%dma_start3A_23 : memref<128xi32, #tpu.memory_space<vmem>>) semaphore(%arg11 : memref<!tpu.dma_semaphore, #tpu.memory_space<semaphore_mem>>)
      %dma_start3A_27 = arith.constant 1 : i32
      %dma_start3A_28 = arith.constant 0 : i32
      %dma_start3A_29 = tpu.memref_slice %arg6[%dma_start3A_27, %dma_start3A_28] : memref<32x128xi32, #tpu.memory_space<vmem>> -> memref<1x128xi32, #tpu.memory_space<vmem>>
      %dma_start3A_30 = tpu.memref_squeeze %dma_start3A_29 : memref<1x128xi32, #tpu.memory_space<vmem>> -> memref<128xi32, #tpu.memory_space<vmem>>
      %dma_start3A_31 = arith.constant 0 : i32
      %dma_start3A_32 = arith.constant 0 : i32
      %dma_start3A_33 = tpu.memref_slice %arg4[%dma_start3A_31, %dma_start3A_32] : memref<10240x128xf32, #tpu.memory_space<hbm>> -> memref<10240x128xf32, #tpu.memory_space<hbm>>
      tpu.enqueue_indirect_dma source(%dma_start3A_33 : memref<10240x128xf32, #tpu.memory_space<hbm>>) target(%arg9 : memref<128x128xf32, #tpu.memory_space<vmem>>) offsets(%dma_start3A_30 : memref<128xi32, #tpu.memory_space<vmem>>) semaphore(%arg12 : memref<!tpu.dma_semaphore, #tpu.memory_space<semaphore_mem>>)
      %scan3A_34 = arith.constant 0 : i32
      %scan3A_35 = arith.constant 0 : i32
      %scan3A_36 = arith.constant 16 : i32
      %scan3A_37 = arith.addi %scan3A_35, %scan3A_36 : i32
      %scan3A_38 = arith.constant 1 : i32
      scf.for %scan3A_137 = %scan3A_35 to %scan3A_37 step %scan3A_38  : i32 {
        %mul3A_138 = arith.constant 2 : i32
        %mul3A_139 = arith.muli %scan3A_137, %mul3A_138 : i32
        %add3A_140 = arith.constant 0 : i32
        %add3A_141 = arith.addi %mul3A_139, %add3A_140 : i32
        %dma_wait3A = arith.constant 0 : i32
        %dma_wait3A_142 = tpu.memref_slice %arg6[%add3A_141, %dma_wait3A] : memref<32x128xi32, #tpu.memory_space<vmem>> -> memref<1x128xi32, #tpu.memory_space<vmem>>
        %dma_wait3A_143 = tpu.memref_squeeze %dma_wait3A_142 : memref<1x128xi32, #tpu.memory_space<vmem>> -> memref<128xi32, #tpu.memory_space<vmem>>
        %dma_wait3A_144 = arith.constant 0 : i32
        %dma_wait3A_145 = arith.constant 0 : i32
        %dma_wait3A_146 = tpu.memref_slice %arg4[%dma_wait3A_144, %dma_wait3A_145] : memref<10240x128xf32, #tpu.memory_space<hbm>> -> memref<10240x128xf32, #tpu.memory_space<hbm>>
        tpu.wait_indirect_dma semaphore(%arg11 : memref<!tpu.dma_semaphore, #tpu.memory_space<semaphore_mem>>) src(%dma_wait3A_146 : memref<10240x128xf32, #tpu.memory_space<hbm>>) dst(%arg8 : memref<128x128xf32, #tpu.memory_space<vmem>>)
        "tpu.region"() ({
          %run_scoped3A = tpu.sem_alloc : memref<!tpu.dma_semaphore, #tpu.memory_space<semaphore_mem>>
          %dma_start3A_170 = arith.constant 0 : i32
          %dma_start3A_171 = tpu.memref_slice %arg7[%add3A_141, %dma_start3A_170] : memref<32x128xi32, #tpu.memory_space<vmem>> -> memref<1x128xi32, #tpu.memory_space<vmem>>
          %dma_start3A_172 = tpu.memref_squeeze %dma_start3A_171 : memref<1x128xi32, #tpu.memory_space<vmem>> -> memref<128xi32, #tpu.memory_space<vmem>>
          %dma_start3A_173 = arith.constant 0 : i32
          %dma_start3A_174 = arith.constant 0 : i32
          %dma_start3A_175 = tpu.memref_slice %arg10[%dma_start3A_173, %dma_start3A_174] : memref<10240x128xf32, #tpu.memory_space<vmem_shared>> -> memref<10240x128xf32, #tpu.memory_space<vmem_shared>>
          tpu.enqueue_indirect_dma source(%arg8 : memref<128x128xf32, #tpu.memory_space<vmem>>) target(%dma_start3A_175 : memref<10240x128xf32, #tpu.memory_space<vmem_shared>>) offsets(%dma_start3A_172 : memref<128xi32, #tpu.memory_space<vmem>>) semaphore(%run_scoped3A : memref<!tpu.dma_semaphore, #tpu.memory_space<semaphore_mem>>) {add = true}
          %dma_wait3A_176 = arith.constant 0 : i32
          %dma_wait3A_177 = tpu.memref_slice %arg7[%add3A_141, %dma_wait3A_176] : memref<32x128xi32, #tpu.memory_space<vmem>> -> memref<1x128xi32, #tpu.memory_space<vmem>>
          %dma_wait3A_178 = tpu.memref_squeeze %dma_wait3A_177 : memref<1x128xi32, #tpu.memory_space<vmem>> -> memref<128xi32, #tpu.memory_space<vmem>>
          %dma_wait3A_179 = arith.constant 0 : i32
          %dma_wait3A_180 = arith.constant 0 : i32
          %dma_wait3A_181 = tpu.memref_slice %arg10[%dma_wait3A_179, %dma_wait3A_180] : memref<10240x128xf32, #tpu.memory_space<vmem_shared>> -> memref<10240x128xf32, #tpu.memory_space<vmem_shared>>
          tpu.wait_indirect_dma semaphore(%run_scoped3A : memref<!tpu.dma_semaphore, #tpu.memory_space<semaphore_mem>>) src(%arg8 : memref<128x128xf32, #tpu.memory_space<vmem>>) dst(%dma_wait3A_181 : memref<10240x128xf32, #tpu.memory_space<vmem_shared>>)
          tpu.yield
        }) : () -> ()
        %add3A_147 = arith.constant 2 : i32
        %add3A_148 = arith.addi %add3A_141, %add3A_147 : i32
        %lt3A = arith.constant 32 : i32
        %lt3A_149 = arith.cmpi slt, %add3A_148, %lt3A : i32
        %convert_element_type3A_150 = arith.extui %lt3A_149 : i1 to i32
        %cond3A_151 = arith.constant 0 : i32
        %cond3A_152 = arith.cmpi ne, %convert_element_type3A_150, %cond3A_151 : i32
        scf.if %cond3A_152 {
          %dma_start3A_170 = arith.constant 0 : i32
          %dma_start3A_171 = tpu.memref_slice %arg6[%add3A_148, %dma_start3A_170] : memref<32x128xi32, #tpu.memory_space<vmem>> -> memref<1x128xi32, #tpu.memory_space<vmem>>
          %dma_start3A_172 = tpu.memref_squeeze %dma_start3A_171 : memref<1x128xi32, #tpu.memory_space<vmem>> -> memref<128xi32, #tpu.memory_space<vmem>>
          %dma_start3A_173 = arith.constant 0 : i32
          %dma_start3A_174 = arith.constant 0 : i32
          %dma_start3A_175 = tpu.memref_slice %arg4[%dma_start3A_173, %dma_start3A_174] : memref<10240x128xf32, #tpu.memory_space<hbm>> -> memref<10240x128xf32, #tpu.memory_space<hbm>>
          tpu.enqueue_indirect_dma source(%dma_start3A_175 : memref<10240x128xf32, #tpu.memory_space<hbm>>) target(%arg8 : memref<128x128xf32, #tpu.memory_space<vmem>>) offsets(%dma_start3A_172 : memref<128xi32, #tpu.memory_space<vmem>>) semaphore(%arg11 : memref<!tpu.dma_semaphore, #tpu.memory_space<semaphore_mem>>)
        } else {
        }
        %mul3A_153 = arith.constant 2 : i32
        %mul3A_154 = arith.muli %scan3A_137, %mul3A_153 : i32
        %add3A_155 = arith.constant 1 : i32
        %add3A_156 = arith.addi %mul3A_154, %add3A_155 : i32
        %dma_wait3A_157 = arith.constant 0 : i32
        %dma_wait3A_158 = tpu.memref_slice %arg6[%add3A_156, %dma_wait3A_157] : memref<32x128xi32, #tpu.memory_space<vmem>> -> memref<1x128xi32, #tpu.memory_space<vmem>>
        %dma_wait3A_159 = tpu.memref_squeeze %dma_wait3A_158 : memref<1x128xi32, #tpu.memory_space<vmem>> -> memref<128xi32, #tpu.memory_space<vmem>>
        %dma_wait3A_160 = arith.constant 0 : i32
        %dma_wait3A_161 = arith.constant 0 : i32
        %dma_wait3A_162 = tpu.memref_slice %arg4[%dma_wait3A_160, %dma_wait3A_161] : memref<10240x128xf32, #tpu.memory_space<hbm>> -> memref<10240x128xf32, #tpu.memory_space<hbm>>
        tpu.wait_indirect_dma semaphore(%arg12 : memref<!tpu.dma_semaphore, #tpu.memory_space<semaphore_mem>>) src(%dma_wait3A_162 : memref<10240x128xf32, #tpu.memory_space<hbm>>) dst(%arg9 : memref<128x128xf32, #tpu.memory_space<vmem>>)
        "tpu.region"() ({
          %run_scoped3A = tpu.sem_alloc : memref<!tpu.dma_semaphore, #tpu.memory_space<semaphore_mem>>
          %dma_start3A_170 = arith.constant 0 : i32
          %dma_start3A_171 = tpu.memref_slice %arg7[%add3A_156, %dma_start3A_170] : memref<32x128xi32, #tpu.memory_space<vmem>> -> memref<1x128xi32, #tpu.memory_space<vmem>>
          %dma_start3A_172 = tpu.memref_squeeze %dma_start3A_171 : memref<1x128xi32, #tpu.memory_space<vmem>> -> memref<128xi32, #tpu.memory_space<vmem>>
          %dma_start3A_173 = arith.constant 0 : i32
          %dma_start3A_174 = arith.constant 0 : i32
          %dma_start3A_175 = tpu.memref_slice %arg10[%dma_start3A_173, %dma_start3A_174] : memref<10240x128xf32, #tpu.memory_space<vmem_shared>> -> memref<10240x128xf32, #tpu.memory_space<vmem_shared>>
          tpu.enqueue_indirect_dma source(%arg9 : memref<128x128xf32, #tpu.memory_space<vmem>>) target(%dma_start3A_175 : memref<10240x128xf32, #tpu.memory_space<vmem_shared>>) offsets(%dma_start3A_172 : memref<128xi32, #tpu.memory_space<vmem>>) semaphore(%run_scoped3A : memref<!tpu.dma_semaphore, #tpu.memory_space<semaphore_mem>>) {add = true}
          %dma_wait3A_176 = arith.constant 0 : i32
          %dma_wait3A_177 = tpu.memref_slice %arg7[%add3A_156, %dma_wait3A_176] : memref<32x128xi32, #tpu.memory_space<vmem>> -> memref<1x128xi32, #tpu.memory_space<vmem>>
          %dma_wait3A_178 = tpu.memref_squeeze %dma_wait3A_177 : memref<1x128xi32, #tpu.memory_space<vmem>> -> memref<128xi32, #tpu.memory_space<vmem>>
          %dma_wait3A_179 = arith.constant 0 : i32
          %dma_wait3A_180 = arith.constant 0 : i32
          %dma_wait3A_181 = tpu.memref_slice %arg10[%dma_wait3A_179, %dma_wait3A_180] : memref<10240x128xf32, #tpu.memory_space<vmem_shared>> -> memref<10240x128xf32, #tpu.memory_space<vmem_shared>>
          tpu.wait_indirect_dma semaphore(%run_scoped3A : memref<!tpu.dma_semaphore, #tpu.memory_space<semaphore_mem>>) src(%arg9 : memref<128x128xf32, #tpu.memory_space<vmem>>) dst(%dma_wait3A_181 : memref<10240x128xf32, #tpu.memory_space<vmem_shared>>)
          tpu.yield
        }) : () -> ()
        %add3A_163 = arith.constant 2 : i32
        %add3A_164 = arith.addi %add3A_156, %add3A_163 : i32
        %lt3A_165 = arith.constant 32 : i32
        %lt3A_166 = arith.cmpi slt, %add3A_164, %lt3A_165 : i32
        %convert_element_type3A_167 = arith.extui %lt3A_166 : i1 to i32
        %cond3A_168 = arith.constant 0 : i32
        %cond3A_169 = arith.cmpi ne, %convert_element_type3A_167, %cond3A_168 : i32
        scf.if %cond3A_169 {
          %dma_start3A_170 = arith.constant 0 : i32
          %dma_start3A_171 = tpu.memref_slice %arg6[%add3A_164, %dma_start3A_170] : memref<32x128xi32, #tpu.memory_space<vmem>> -> memref<1x128xi32, #tpu.memory_space<vmem>>
          %dma_start3A_172 = tpu.memref_squeeze %dma_start3A_171 : memref<1x128xi32, #tpu.memory_space<vmem>> -> memref<128xi32, #tpu.memory_space<vmem>>
          %dma_start3A_173 = arith.constant 0 : i32
          %dma_start3A_174 = arith.constant 0 : i32
          %dma_start3A_175 = tpu.memref_slice %arg4[%dma_start3A_173, %dma_start3A_174] : memref<10240x128xf32, #tpu.memory_space<hbm>> -> memref<10240x128xf32, #tpu.memory_space<hbm>>
          tpu.enqueue_indirect_dma source(%dma_start3A_175 : memref<10240x128xf32, #tpu.memory_space<hbm>>) target(%arg9 : memref<128x128xf32, #tpu.memory_space<vmem>>) offsets(%dma_start3A_172 : memref<128xi32, #tpu.memory_space<vmem>>) semaphore(%arg12 : memref<!tpu.dma_semaphore, #tpu.memory_space<semaphore_mem>>)
        } else {
        }
      }
      %scan3A_39 = arith.constant 16 : i32
      %mul3A_40 = arith.constant 160 : i32
      %mul3A_41 = arith.muli %arg1, %mul3A_40 : i32
      %add3A_42 = arith.constant 32 : i32
      %add3A_43 = arith.addi %mul3A_41, %add3A_42 : i32
      "tpu.region"() ({
        %run_scoped3A = tpu.sem_alloc : memref<!tpu.dma_semaphore, #tpu.memory_space<semaphore_mem>>
        %dma_start3A_137 = arith.constant 0 : i32
        %dma_start3A_138 = tpu.memref_slice %arg2[%add3A_43, %dma_start3A_137] : memref<2560x128xi32, #tpu.memory_space<hbm>> -> memref<32x128xi32, #tpu.memory_space<hbm>>
        %dma_start3A_139 = arith.constant 0 : i32
        %dma_start3A_140 = tpu.memref_slice %arg2[%add3A_43, %dma_start3A_139] : memref<2560x128xi32, #tpu.memory_space<hbm>> -> memref<32x128xi32, #tpu.memory_space<hbm>>
        tpu.enqueue_dma source(%dma_start3A_140 : memref<32x128xi32, #tpu.memory_space<hbm>>) target(%arg6 : memref<32x128xi32, #tpu.memory_space<vmem>>) target_semaphore(%run_scoped3A : memref<!tpu.dma_semaphore, #tpu.memory_space<semaphore_mem>>)
        %dma_wait3A = arith.constant 0 : i32
        %dma_wait3A_141 = tpu.memref_slice %arg2[%add3A_43, %dma_wait3A] : memref<2560x128xi32, #tpu.memory_space<hbm>> -> memref<32x128xi32, #tpu.memory_space<hbm>>
        %dma_wait3A_142 = arith.constant 0 : i32
        %dma_wait3A_143 = tpu.memref_slice %arg2[%add3A_43, %dma_wait3A_142] : memref<2560x128xi32, #tpu.memory_space<hbm>> -> memref<32x128xi32, #tpu.memory_space<hbm>>
        tpu.wait_dma2 semaphore(%run_scoped3A : memref<!tpu.dma_semaphore, #tpu.memory_space<semaphore_mem>>) src(%dma_wait3A_143 : memref<32x128xi32, #tpu.memory_space<hbm>>) dst(%arg6 : memref<32x128xi32, #tpu.memory_space<vmem>>)
        tpu.yield
      }) : () -> ()
      "tpu.region"() ({
        %run_scoped3A = tpu.sem_alloc : memref<!tpu.dma_semaphore, #tpu.memory_space<semaphore_mem>>
        %dma_start3A_137 = arith.constant 0 : i32
        %dma_start3A_138 = tpu.memref_slice %arg3[%add3A_43, %dma_start3A_137] : memref<2560x128xi32, #tpu.memory_space<hbm>> -> memref<32x128xi32, #tpu.memory_space<hbm>>
        %dma_start3A_139 = arith.constant 0 : i32
        %dma_start3A_140 = tpu.memref_slice %arg3[%add3A_43, %dma_start3A_139] : memref<2560x128xi32, #tpu.memory_space<hbm>> -> memref<32x128xi32, #tpu.memory_space<hbm>>
        tpu.enqueue_dma source(%dma_start3A_140 : memref<32x128xi32, #tpu.memory_space<hbm>>) target(%arg7 : memref<32x128xi32, #tpu.memory_space<vmem>>) target_semaphore(%run_scoped3A : memref<!tpu.dma_semaphore, #tpu.memory_space<semaphore_mem>>)
        %dma_wait3A = arith.constant 0 : i32
        %dma_wait3A_141 = tpu.memref_slice %arg3[%add3A_43, %dma_wait3A] : memref<2560x128xi32, #tpu.memory_space<hbm>> -> memref<32x128xi32, #tpu.memory_space<hbm>>
        %dma_wait3A_142 = arith.constant 0 : i32
        %dma_wait3A_143 = tpu.memref_slice %arg3[%add3A_43, %dma_wait3A_142] : memref<2560x128xi32, #tpu.memory_space<hbm>> -> memref<32x128xi32, #tpu.memory_space<hbm>>
        tpu.wait_dma2 semaphore(%run_scoped3A : memref<!tpu.dma_semaphore, #tpu.memory_space<semaphore_mem>>) src(%dma_wait3A_143 : memref<32x128xi32, #tpu.memory_space<hbm>>) dst(%arg7 : memref<32x128xi32, #tpu.memory_space<vmem>>)
        tpu.yield
      }) : () -> ()
      %dma_start3A_44 = arith.constant 0 : i32
      %dma_start3A_45 = arith.constant 0 : i32
      %dma_start3A_46 = tpu.memref_slice %arg6[%dma_start3A_44, %dma_start3A_45] : memref<32x128xi32, #tpu.memory_space<vmem>> -> memref<1x128xi32, #tpu.memory_space<vmem>>
      %dma_start3A_47 = tpu.memref_squeeze %dma_start3A_46 : memref<1x128xi32, #tpu.memory_space<vmem>> -> memref<128xi32, #tpu.memory_space<vmem>>
      %dma_start3A_48 = arith.constant 0 : i32
      %dma_start3A_49 = arith.constant 0 : i32
      %dma_start3A_50 = tpu.memref_slice %arg4[%dma_start3A_48, %dma_start3A_49] : memref<10240x128xf32, #tpu.memory_space<hbm>> -> memref<10240x128xf32, #tpu.memory_space<hbm>>
      tpu.enqueue_indirect_dma source(%dma_start3A_50 : memref<10240x128xf32, #tpu.memory_space<hbm>>) target(%arg8 : memref<128x128xf32, #tpu.memory_space<vmem>>) offsets(%dma_start3A_47 : memref<128xi32, #tpu.memory_space<vmem>>) semaphore(%arg11 : memref<!tpu.dma_semaphore, #tpu.memory_space<semaphore_mem>>)
      %dma_start3A_51 = arith.constant 1 : i32
      %dma_start3A_52 = arith.constant 0 : i32
      %dma_start3A_53 = tpu.memref_slice %arg6[%dma_start3A_51, %dma_start3A_52] : memref<32x128xi32, #tpu.memory_space<vmem>> -> memref<1x128xi32, #tpu.memory_space<vmem>>
      %dma_start3A_54 = tpu.memref_squeeze %dma_start3A_53 : memref<1x128xi32, #tpu.memory_space<vmem>> -> memref<128xi32, #tpu.memory_space<vmem>>
      %dma_start3A_55 = arith.constant 0 : i32
      %dma_start3A_56 = arith.constant 0 : i32
      %dma_start3A_57 = tpu.memref_slice %arg4[%dma_start3A_55, %dma_start3A_56] : memref<10240x128xf32, #tpu.memory_space<hbm>> -> memref<10240x128xf32, #tpu.memory_space<hbm>>
      tpu.enqueue_indirect_dma source(%dma_start3A_57 : memref<10240x128xf32, #tpu.memory_space<hbm>>) target(%arg9 : memref<128x128xf32, #tpu.memory_space<vmem>>) offsets(%dma_start3A_54 : memref<128xi32, #tpu.memory_space<vmem>>) semaphore(%arg12 : memref<!tpu.dma_semaphore, #tpu.memory_space<semaphore_mem>>)
      %scan3A_58 = arith.constant 0 : i32
      %scan3A_59 = arith.constant 0 : i32
      %scan3A_60 = arith.constant 16 : i32
      %scan3A_61 = arith.addi %scan3A_59, %scan3A_60 : i32
      %scan3A_62 = arith.constant 1 : i32
      scf.for %scan3A_137 = %scan3A_59 to %scan3A_61 step %scan3A_62  : i32 {
        %mul3A_138 = arith.constant 2 : i32
        %mul3A_139 = arith.muli %scan3A_137, %mul3A_138 : i32
        %add3A_140 = arith.constant 0 : i32
        %add3A_141 = arith.addi %mul3A_139, %add3A_140 : i32
        %dma_wait3A = arith.constant 0 : i32
        %dma_wait3A_142 = tpu.memref_slice %arg6[%add3A_141, %dma_wait3A] : memref<32x128xi32, #tpu.memory_space<vmem>> -> memref<1x128xi32, #tpu.memory_space<vmem>>
        %dma_wait3A_143 = tpu.memref_squeeze %dma_wait3A_142 : memref<1x128xi32, #tpu.memory_space<vmem>> -> memref<128xi32, #tpu.memory_space<vmem>>
        %dma_wait3A_144 = arith.constant 0 : i32
        %dma_wait3A_145 = arith.constant 0 : i32
        %dma_wait3A_146 = tpu.memref_slice %arg4[%dma_wait3A_144, %dma_wait3A_145] : memref<10240x128xf32, #tpu.memory_space<hbm>> -> memref<10240x128xf32, #tpu.memory_space<hbm>>
        tpu.wait_indirect_dma semaphore(%arg11 : memref<!tpu.dma_semaphore, #tpu.memory_space<semaphore_mem>>) src(%dma_wait3A_146 : memref<10240x128xf32, #tpu.memory_space<hbm>>) dst(%arg8 : memref<128x128xf32, #tpu.memory_space<vmem>>)
        "tpu.region"() ({
          %run_scoped3A = tpu.sem_alloc : memref<!tpu.dma_semaphore, #tpu.memory_space<semaphore_mem>>
          %dma_start3A_170 = arith.constant 0 : i32
          %dma_start3A_171 = tpu.memref_slice %arg7[%add3A_141, %dma_start3A_170] : memref<32x128xi32, #tpu.memory_space<vmem>> -> memref<1x128xi32, #tpu.memory_space<vmem>>
          %dma_start3A_172 = tpu.memref_squeeze %dma_start3A_171 : memref<1x128xi32, #tpu.memory_space<vmem>> -> memref<128xi32, #tpu.memory_space<vmem>>
          %dma_start3A_173 = arith.constant 0 : i32
          %dma_start3A_174 = arith.constant 0 : i32
          %dma_start3A_175 = tpu.memref_slice %arg10[%dma_start3A_173, %dma_start3A_174] : memref<10240x128xf32, #tpu.memory_space<vmem_shared>> -> memref<10240x128xf32, #tpu.memory_space<vmem_shared>>
          tpu.enqueue_indirect_dma source(%arg8 : memref<128x128xf32, #tpu.memory_space<vmem>>) target(%dma_start3A_175 : memref<10240x128xf32, #tpu.memory_space<vmem_shared>>) offsets(%dma_start3A_172 : memref<128xi32, #tpu.memory_space<vmem>>) semaphore(%run_scoped3A : memref<!tpu.dma_semaphore, #tpu.memory_space<semaphore_mem>>) {add = true}
          %dma_wait3A_176 = arith.constant 0 : i32
          %dma_wait3A_177 = tpu.memref_slice %arg7[%add3A_141, %dma_wait3A_176] : memref<32x128xi32, #tpu.memory_space<vmem>> -> memref<1x128xi32, #tpu.memory_space<vmem>>
          %dma_wait3A_178 = tpu.memref_squeeze %dma_wait3A_177 : memref<1x128xi32, #tpu.memory_space<vmem>> -> memref<128xi32, #tpu.memory_space<vmem>>
          %dma_wait3A_179 = arith.constant 0 : i32
          %dma_wait3A_180 = arith.constant 0 : i32
          %dma_wait3A_181 = tpu.memref_slice %arg10[%dma_wait3A_179, %dma_wait3A_180] : memref<10240x128xf32, #tpu.memory_space<vmem_shared>> -> memref<10240x128xf32, #tpu.memory_space<vmem_shared>>
          tpu.wait_indirect_dma semaphore(%run_scoped3A : memref<!tpu.dma_semaphore, #tpu.memory_space<semaphore_mem>>) src(%arg8 : memref<128x128xf32, #tpu.memory_space<vmem>>) dst(%dma_wait3A_181 : memref<10240x128xf32, #tpu.memory_space<vmem_shared>>)
          tpu.yield
        }) : () -> ()
        %add3A_147 = arith.constant 2 : i32
        %add3A_148 = arith.addi %add3A_141, %add3A_147 : i32
        %lt3A = arith.constant 32 : i32
        %lt3A_149 = arith.cmpi slt, %add3A_148, %lt3A : i32
        %convert_element_type3A_150 = arith.extui %lt3A_149 : i1 to i32
        %cond3A_151 = arith.constant 0 : i32
        %cond3A_152 = arith.cmpi ne, %convert_element_type3A_150, %cond3A_151 : i32
        scf.if %cond3A_152 {
          %dma_start3A_170 = arith.constant 0 : i32
          %dma_start3A_171 = tpu.memref_slice %arg6[%add3A_148, %dma_start3A_170] : memref<32x128xi32, #tpu.memory_space<vmem>> -> memref<1x128xi32, #tpu.memory_space<vmem>>
          %dma_start3A_172 = tpu.memref_squeeze %dma_start3A_171 : memref<1x128xi32, #tpu.memory_space<vmem>> -> memref<128xi32, #tpu.memory_space<vmem>>
          %dma_start3A_173 = arith.constant 0 : i32
          %dma_start3A_174 = arith.constant 0 : i32
          %dma_start3A_175 = tpu.memref_slice %arg4[%dma_start3A_173, %dma_start3A_174] : memref<10240x128xf32, #tpu.memory_space<hbm>> -> memref<10240x128xf32, #tpu.memory_space<hbm>>
          tpu.enqueue_indirect_dma source(%dma_start3A_175 : memref<10240x128xf32, #tpu.memory_space<hbm>>) target(%arg8 : memref<128x128xf32, #tpu.memory_space<vmem>>) offsets(%dma_start3A_172 : memref<128xi32, #tpu.memory_space<vmem>>) semaphore(%arg11 : memref<!tpu.dma_semaphore, #tpu.memory_space<semaphore_mem>>)
        } else {
        }
        %mul3A_153 = arith.constant 2 : i32
        %mul3A_154 = arith.muli %scan3A_137, %mul3A_153 : i32
        %add3A_155 = arith.constant 1 : i32
        %add3A_156 = arith.addi %mul3A_154, %add3A_155 : i32
        %dma_wait3A_157 = arith.constant 0 : i32
        %dma_wait3A_158 = tpu.memref_slice %arg6[%add3A_156, %dma_wait3A_157] : memref<32x128xi32, #tpu.memory_space<vmem>> -> memref<1x128xi32, #tpu.memory_space<vmem>>
        %dma_wait3A_159 = tpu.memref_squeeze %dma_wait3A_158 : memref<1x128xi32, #tpu.memory_space<vmem>> -> memref<128xi32, #tpu.memory_space<vmem>>
        %dma_wait3A_160 = arith.constant 0 : i32
        %dma_wait3A_161 = arith.constant 0 : i32
        %dma_wait3A_162 = tpu.memref_slice %arg4[%dma_wait3A_160, %dma_wait3A_161] : memref<10240x128xf32, #tpu.memory_space<hbm>> -> memref<10240x128xf32, #tpu.memory_space<hbm>>
        tpu.wait_indirect_dma semaphore(%arg12 : memref<!tpu.dma_semaphore, #tpu.memory_space<semaphore_mem>>) src(%dma_wait3A_162 : memref<10240x128xf32, #tpu.memory_space<hbm>>) dst(%arg9 : memref<128x128xf32, #tpu.memory_space<vmem>>)
        "tpu.region"() ({
          %run_scoped3A = tpu.sem_alloc : memref<!tpu.dma_semaphore, #tpu.memory_space<semaphore_mem>>
          %dma_start3A_170 = arith.constant 0 : i32
          %dma_start3A_171 = tpu.memref_slice %arg7[%add3A_156, %dma_start3A_170] : memref<32x128xi32, #tpu.memory_space<vmem>> -> memref<1x128xi32, #tpu.memory_space<vmem>>
          %dma_start3A_172 = tpu.memref_squeeze %dma_start3A_171 : memref<1x128xi32, #tpu.memory_space<vmem>> -> memref<128xi32, #tpu.memory_space<vmem>>
          %dma_start3A_173 = arith.constant 0 : i32
          %dma_start3A_174 = arith.constant 0 : i32
          %dma_start3A_175 = tpu.memref_slice %arg10[%dma_start3A_173, %dma_start3A_174] : memref<10240x128xf32, #tpu.memory_space<vmem_shared>> -> memref<10240x128xf32, #tpu.memory_space<vmem_shared>>
          tpu.enqueue_indirect_dma source(%arg9 : memref<128x128xf32, #tpu.memory_space<vmem>>) target(%dma_start3A_175 : memref<10240x128xf32, #tpu.memory_space<vmem_shared>>) offsets(%dma_start3A_172 : memref<128xi32, #tpu.memory_space<vmem>>) semaphore(%run_scoped3A : memref<!tpu.dma_semaphore, #tpu.memory_space<semaphore_mem>>) {add = true}
          %dma_wait3A_176 = arith.constant 0 : i32
          %dma_wait3A_177 = tpu.memref_slice %arg7[%add3A_156, %dma_wait3A_176] : memref<32x128xi32, #tpu.memory_space<vmem>> -> memref<1x128xi32, #tpu.memory_space<vmem>>
          %dma_wait3A_178 = tpu.memref_squeeze %dma_wait3A_177 : memref<1x128xi32, #tpu.memory_space<vmem>> -> memref<128xi32, #tpu.memory_space<vmem>>
          %dma_wait3A_179 = arith.constant 0 : i32
          %dma_wait3A_180 = arith.constant 0 : i32
          %dma_wait3A_181 = tpu.memref_slice %arg10[%dma_wait3A_179, %dma_wait3A_180] : memref<10240x128xf32, #tpu.memory_space<vmem_shared>> -> memref<10240x128xf32, #tpu.memory_space<vmem_shared>>
          tpu.wait_indirect_dma semaphore(%run_scoped3A : memref<!tpu.dma_semaphore, #tpu.memory_space<semaphore_mem>>) src(%arg9 : memref<128x128xf32, #tpu.memory_space<vmem>>) dst(%dma_wait3A_181 : memref<10240x128xf32, #tpu.memory_space<vmem_shared>>)
          tpu.yield
        }) : () -> ()
        %add3A_163 = arith.constant 2 : i32
        %add3A_164 = arith.addi %add3A_156, %add3A_163 : i32
        %lt3A_165 = arith.constant 32 : i32
        %lt3A_166 = arith.cmpi slt, %add3A_164, %lt3A_165 : i32
        %convert_element_type3A_167 = arith.extui %lt3A_166 : i1 to i32
        %cond3A_168 = arith.constant 0 : i32
        %cond3A_169 = arith.cmpi ne, %convert_element_type3A_167, %cond3A_168 : i32
        scf.if %cond3A_169 {
          %dma_start3A_170 = arith.constant 0 : i32
          %dma_start3A_171 = tpu.memref_slice %arg6[%add3A_164, %dma_start3A_170] : memref<32x128xi32, #tpu.memory_space<vmem>> -> memref<1x128xi32, #tpu.memory_space<vmem>>
          %dma_start3A_172 = tpu.memref_squeeze %dma_start3A_171 : memref<1x128xi32, #tpu.memory_space<vmem>> -> memref<128xi32, #tpu.memory_space<vmem>>
          %dma_start3A_173 = arith.constant 0 : i32
          %dma_start3A_174 = arith.constant 0 : i32
          %dma_start3A_175 = tpu.memref_slice %arg4[%dma_start3A_173, %dma_start3A_174] : memref<10240x128xf32, #tpu.memory_space<hbm>> -> memref<10240x128xf32, #tpu.memory_space<hbm>>
          tpu.enqueue_indirect_dma source(%dma_start3A_175 : memref<10240x128xf32, #tpu.memory_space<hbm>>) target(%arg9 : memref<128x128xf32, #tpu.memory_space<vmem>>) offsets(%dma_start3A_172 : memref<128xi32, #tpu.memory_space<vmem>>) semaphore(%arg12 : memref<!tpu.dma_semaphore, #tpu.memory_space<semaphore_mem>>)
        } else {
        }
      }
      %scan3A_63 = arith.constant 16 : i32
      %mul3A_64 = arith.constant 160 : i32
      %mul3A_65 = arith.muli %arg1, %mul3A_64 : i32
      %add3A_66 = arith.constant 64 : i32
      %add3A_67 = arith.addi %mul3A_65, %add3A_66 : i32
      "tpu.region"() ({
        %run_scoped3A = tpu.sem_alloc : memref<!tpu.dma_semaphore, #tpu.memory_space<semaphore_mem>>
        %dma_start3A_137 = arith.constant 0 : i32
        %dma_start3A_138 = tpu.memref_slice %arg2[%add3A_67, %dma_start3A_137] : memref<2560x128xi32, #tpu.memory_space<hbm>> -> memref<32x128xi32, #tpu.memory_space<hbm>>
        %dma_start3A_139 = arith.constant 0 : i32
        %dma_start3A_140 = tpu.memref_slice %arg2[%add3A_67, %dma_start3A_139] : memref<2560x128xi32, #tpu.memory_space<hbm>> -> memref<32x128xi32, #tpu.memory_space<hbm>>
        tpu.enqueue_dma source(%dma_start3A_140 : memref<32x128xi32, #tpu.memory_space<hbm>>) target(%arg6 : memref<32x128xi32, #tpu.memory_space<vmem>>) target_semaphore(%run_scoped3A : memref<!tpu.dma_semaphore, #tpu.memory_space<semaphore_mem>>)
        %dma_wait3A = arith.constant 0 : i32
        %dma_wait3A_141 = tpu.memref_slice %arg2[%add3A_67, %dma_wait3A] : memref<2560x128xi32, #tpu.memory_space<hbm>> -> memref<32x128xi32, #tpu.memory_space<hbm>>
        %dma_wait3A_142 = arith.constant 0 : i32
        %dma_wait3A_143 = tpu.memref_slice %arg2[%add3A_67, %dma_wait3A_142] : memref<2560x128xi32, #tpu.memory_space<hbm>> -> memref<32x128xi32, #tpu.memory_space<hbm>>
        tpu.wait_dma2 semaphore(%run_scoped3A : memref<!tpu.dma_semaphore, #tpu.memory_space<semaphore_mem>>) src(%dma_wait3A_143 : memref<32x128xi32, #tpu.memory_space<hbm>>) dst(%arg6 : memref<32x128xi32, #tpu.memory_space<vmem>>)
        tpu.yield
      }) : () -> ()
      "tpu.region"() ({
        %run_scoped3A = tpu.sem_alloc : memref<!tpu.dma_semaphore, #tpu.memory_space<semaphore_mem>>
        %dma_start3A_137 = arith.constant 0 : i32
        %dma_start3A_138 = tpu.memref_slice %arg3[%add3A_67, %dma_start3A_137] : memref<2560x128xi32, #tpu.memory_space<hbm>> -> memref<32x128xi32, #tpu.memory_space<hbm>>
        %dma_start3A_139 = arith.constant 0 : i32
        %dma_start3A_140 = tpu.memref_slice %arg3[%add3A_67, %dma_start3A_139] : memref<2560x128xi32, #tpu.memory_space<hbm>> -> memref<32x128xi32, #tpu.memory_space<hbm>>
        tpu.enqueue_dma source(%dma_start3A_140 : memref<32x128xi32, #tpu.memory_space<hbm>>) target(%arg7 : memref<32x128xi32, #tpu.memory_space<vmem>>) target_semaphore(%run_scoped3A : memref<!tpu.dma_semaphore, #tpu.memory_space<semaphore_mem>>)
        %dma_wait3A = arith.constant 0 : i32
        %dma_wait3A_141 = tpu.memref_slice %arg3[%add3A_67, %dma_wait3A] : memref<2560x128xi32, #tpu.memory_space<hbm>> -> memref<32x128xi32, #tpu.memory_space<hbm>>
        %dma_wait3A_142 = arith.constant 0 : i32
        %dma_wait3A_143 = tpu.memref_slice %arg3[%add3A_67, %dma_wait3A_142] : memref<2560x128xi32, #tpu.memory_space<hbm>> -> memref<32x128xi32, #tpu.memory_space<hbm>>
        tpu.wait_dma2 semaphore(%run_scoped3A : memref<!tpu.dma_semaphore, #tpu.memory_space<semaphore_mem>>) src(%dma_wait3A_143 : memref<32x128xi32, #tpu.memory_space<hbm>>) dst(%arg7 : memref<32x128xi32, #tpu.memory_space<vmem>>)
        tpu.yield
      }) : () -> ()
      %dma_start3A_68 = arith.constant 0 : i32
      %dma_start3A_69 = arith.constant 0 : i32
      %dma_start3A_70 = tpu.memref_slice %arg6[%dma_start3A_68, %dma_start3A_69] : memref<32x128xi32, #tpu.memory_space<vmem>> -> memref<1x128xi32, #tpu.memory_space<vmem>>
      %dma_start3A_71 = tpu.memref_squeeze %dma_start3A_70 : memref<1x128xi32, #tpu.memory_space<vmem>> -> memref<128xi32, #tpu.memory_space<vmem>>
      %dma_start3A_72 = arith.constant 0 : i32
      %dma_start3A_73 = arith.constant 0 : i32
      %dma_start3A_74 = tpu.memref_slice %arg4[%dma_start3A_72, %dma_start3A_73] : memref<10240x128xf32, #tpu.memory_space<hbm>> -> memref<10240x128xf32, #tpu.memory_space<hbm>>
      tpu.enqueue_indirect_dma source(%dma_start3A_74 : memref<10240x128xf32, #tpu.memory_space<hbm>>) target(%arg8 : memref<128x128xf32, #tpu.memory_space<vmem>>) offsets(%dma_start3A_71 : memref<128xi32, #tpu.memory_space<vmem>>) semaphore(%arg11 : memref<!tpu.dma_semaphore, #tpu.memory_space<semaphore_mem>>)
      %dma_start3A_75 = arith.constant 1 : i32
      %dma_start3A_76 = arith.constant 0 : i32
      %dma_start3A_77 = tpu.memref_slice %arg6[%dma_start3A_75, %dma_start3A_76] : memref<32x128xi32, #tpu.memory_space<vmem>> -> memref<1x128xi32, #tpu.memory_space<vmem>>
      %dma_start3A_78 = tpu.memref_squeeze %dma_start3A_77 : memref<1x128xi32, #tpu.memory_space<vmem>> -> memref<128xi32, #tpu.memory_space<vmem>>
      %dma_start3A_79 = arith.constant 0 : i32
      %dma_start3A_80 = arith.constant 0 : i32
      %dma_start3A_81 = tpu.memref_slice %arg4[%dma_start3A_79, %dma_start3A_80] : memref<10240x128xf32, #tpu.memory_space<hbm>> -> memref<10240x128xf32, #tpu.memory_space<hbm>>
      tpu.enqueue_indirect_dma source(%dma_start3A_81 : memref<10240x128xf32, #tpu.memory_space<hbm>>) target(%arg9 : memref<128x128xf32, #tpu.memory_space<vmem>>) offsets(%dma_start3A_78 : memref<128xi32, #tpu.memory_space<vmem>>) semaphore(%arg12 : memref<!tpu.dma_semaphore, #tpu.memory_space<semaphore_mem>>)
      %scan3A_82 = arith.constant 0 : i32
      %scan3A_83 = arith.constant 0 : i32
      %scan3A_84 = arith.constant 16 : i32
      %scan3A_85 = arith.addi %scan3A_83, %scan3A_84 : i32
      %scan3A_86 = arith.constant 1 : i32
      scf.for %scan3A_137 = %scan3A_83 to %scan3A_85 step %scan3A_86  : i32 {
        %mul3A_138 = arith.constant 2 : i32
        %mul3A_139 = arith.muli %scan3A_137, %mul3A_138 : i32
        %add3A_140 = arith.constant 0 : i32
        %add3A_141 = arith.addi %mul3A_139, %add3A_140 : i32
        %dma_wait3A = arith.constant 0 : i32
        %dma_wait3A_142 = tpu.memref_slice %arg6[%add3A_141, %dma_wait3A] : memref<32x128xi32, #tpu.memory_space<vmem>> -> memref<1x128xi32, #tpu.memory_space<vmem>>
        %dma_wait3A_143 = tpu.memref_squeeze %dma_wait3A_142 : memref<1x128xi32, #tpu.memory_space<vmem>> -> memref<128xi32, #tpu.memory_space<vmem>>
        %dma_wait3A_144 = arith.constant 0 : i32
        %dma_wait3A_145 = arith.constant 0 : i32
        %dma_wait3A_146 = tpu.memref_slice %arg4[%dma_wait3A_144, %dma_wait3A_145] : memref<10240x128xf32, #tpu.memory_space<hbm>> -> memref<10240x128xf32, #tpu.memory_space<hbm>>
        tpu.wait_indirect_dma semaphore(%arg11 : memref<!tpu.dma_semaphore, #tpu.memory_space<semaphore_mem>>) src(%dma_wait3A_146 : memref<10240x128xf32, #tpu.memory_space<hbm>>) dst(%arg8 : memref<128x128xf32, #tpu.memory_space<vmem>>)
        "tpu.region"() ({
          %run_scoped3A = tpu.sem_alloc : memref<!tpu.dma_semaphore, #tpu.memory_space<semaphore_mem>>
          %dma_start3A_170 = arith.constant 0 : i32
          %dma_start3A_171 = tpu.memref_slice %arg7[%add3A_141, %dma_start3A_170] : memref<32x128xi32, #tpu.memory_space<vmem>> -> memref<1x128xi32, #tpu.memory_space<vmem>>
          %dma_start3A_172 = tpu.memref_squeeze %dma_start3A_171 : memref<1x128xi32, #tpu.memory_space<vmem>> -> memref<128xi32, #tpu.memory_space<vmem>>
          %dma_start3A_173 = arith.constant 0 : i32
          %dma_start3A_174 = arith.constant 0 : i32
          %dma_start3A_175 = tpu.memref_slice %arg10[%dma_start3A_173, %dma_start3A_174] : memref<10240x128xf32, #tpu.memory_space<vmem_shared>> -> memref<10240x128xf32, #tpu.memory_space<vmem_shared>>
          tpu.enqueue_indirect_dma source(%arg8 : memref<128x128xf32, #tpu.memory_space<vmem>>) target(%dma_start3A_175 : memref<10240x128xf32, #tpu.memory_space<vmem_shared>>) offsets(%dma_start3A_172 : memref<128xi32, #tpu.memory_space<vmem>>) semaphore(%run_scoped3A : memref<!tpu.dma_semaphore, #tpu.memory_space<semaphore_mem>>) {add = true}
          %dma_wait3A_176 = arith.constant 0 : i32
          %dma_wait3A_177 = tpu.memref_slice %arg7[%add3A_141, %dma_wait3A_176] : memref<32x128xi32, #tpu.memory_space<vmem>> -> memref<1x128xi32, #tpu.memory_space<vmem>>
          %dma_wait3A_178 = tpu.memref_squeeze %dma_wait3A_177 : memref<1x128xi32, #tpu.memory_space<vmem>> -> memref<128xi32, #tpu.memory_space<vmem>>
          %dma_wait3A_179 = arith.constant 0 : i32
          %dma_wait3A_180 = arith.constant 0 : i32
          %dma_wait3A_181 = tpu.memref_slice %arg10[%dma_wait3A_179, %dma_wait3A_180] : memref<10240x128xf32, #tpu.memory_space<vmem_shared>> -> memref<10240x128xf32, #tpu.memory_space<vmem_shared>>
          tpu.wait_indirect_dma semaphore(%run_scoped3A : memref<!tpu.dma_semaphore, #tpu.memory_space<semaphore_mem>>) src(%arg8 : memref<128x128xf32, #tpu.memory_space<vmem>>) dst(%dma_wait3A_181 : memref<10240x128xf32, #tpu.memory_space<vmem_shared>>)
          tpu.yield
        }) : () -> ()
        %add3A_147 = arith.constant 2 : i32
        %add3A_148 = arith.addi %add3A_141, %add3A_147 : i32
        %lt3A = arith.constant 32 : i32
        %lt3A_149 = arith.cmpi slt, %add3A_148, %lt3A : i32
        %convert_element_type3A_150 = arith.extui %lt3A_149 : i1 to i32
        %cond3A_151 = arith.constant 0 : i32
        %cond3A_152 = arith.cmpi ne, %convert_element_type3A_150, %cond3A_151 : i32
        scf.if %cond3A_152 {
          %dma_start3A_170 = arith.constant 0 : i32
          %dma_start3A_171 = tpu.memref_slice %arg6[%add3A_148, %dma_start3A_170] : memref<32x128xi32, #tpu.memory_space<vmem>> -> memref<1x128xi32, #tpu.memory_space<vmem>>
          %dma_start3A_172 = tpu.memref_squeeze %dma_start3A_171 : memref<1x128xi32, #tpu.memory_space<vmem>> -> memref<128xi32, #tpu.memory_space<vmem>>
          %dma_start3A_173 = arith.constant 0 : i32
          %dma_start3A_174 = arith.constant 0 : i32
          %dma_start3A_175 = tpu.memref_slice %arg4[%dma_start3A_173, %dma_start3A_174] : memref<10240x128xf32, #tpu.memory_space<hbm>> -> memref<10240x128xf32, #tpu.memory_space<hbm>>
          tpu.enqueue_indirect_dma source(%dma_start3A_175 : memref<10240x128xf32, #tpu.memory_space<hbm>>) target(%arg8 : memref<128x128xf32, #tpu.memory_space<vmem>>) offsets(%dma_start3A_172 : memref<128xi32, #tpu.memory_space<vmem>>) semaphore(%arg11 : memref<!tpu.dma_semaphore, #tpu.memory_space<semaphore_mem>>)
        } else {
        }
        %mul3A_153 = arith.constant 2 : i32
        %mul3A_154 = arith.muli %scan3A_137, %mul3A_153 : i32
        %add3A_155 = arith.constant 1 : i32
        %add3A_156 = arith.addi %mul3A_154, %add3A_155 : i32
        %dma_wait3A_157 = arith.constant 0 : i32
        %dma_wait3A_158 = tpu.memref_slice %arg6[%add3A_156, %dma_wait3A_157] : memref<32x128xi32, #tpu.memory_space<vmem>> -> memref<1x128xi32, #tpu.memory_space<vmem>>
        %dma_wait3A_159 = tpu.memref_squeeze %dma_wait3A_158 : memref<1x128xi32, #tpu.memory_space<vmem>> -> memref<128xi32, #tpu.memory_space<vmem>>
        %dma_wait3A_160 = arith.constant 0 : i32
        %dma_wait3A_161 = arith.constant 0 : i32
        %dma_wait3A_162 = tpu.memref_slice %arg4[%dma_wait3A_160, %dma_wait3A_161] : memref<10240x128xf32, #tpu.memory_space<hbm>> -> memref<10240x128xf32, #tpu.memory_space<hbm>>
        tpu.wait_indirect_dma semaphore(%arg12 : memref<!tpu.dma_semaphore, #tpu.memory_space<semaphore_mem>>) src(%dma_wait3A_162 : memref<10240x128xf32, #tpu.memory_space<hbm>>) dst(%arg9 : memref<128x128xf32, #tpu.memory_space<vmem>>)
        "tpu.region"() ({
          %run_scoped3A = tpu.sem_alloc : memref<!tpu.dma_semaphore, #tpu.memory_space<semaphore_mem>>
          %dma_start3A_170 = arith.constant 0 : i32
          %dma_start3A_171 = tpu.memref_slice %arg7[%add3A_156, %dma_start3A_170] : memref<32x128xi32, #tpu.memory_space<vmem>> -> memref<1x128xi32, #tpu.memory_space<vmem>>
          %dma_start3A_172 = tpu.memref_squeeze %dma_start3A_171 : memref<1x128xi32, #tpu.memory_space<vmem>> -> memref<128xi32, #tpu.memory_space<vmem>>
          %dma_start3A_173 = arith.constant 0 : i32
          %dma_start3A_174 = arith.constant 0 : i32
          %dma_start3A_175 = tpu.memref_slice %arg10[%dma_start3A_173, %dma_start3A_174] : memref<10240x128xf32, #tpu.memory_space<vmem_shared>> -> memref<10240x128xf32, #tpu.memory_space<vmem_shared>>
          tpu.enqueue_indirect_dma source(%arg9 : memref<128x128xf32, #tpu.memory_space<vmem>>) target(%dma_start3A_175 : memref<10240x128xf32, #tpu.memory_space<vmem_shared>>) offsets(%dma_start3A_172 : memref<128xi32, #tpu.memory_space<vmem>>) semaphore(%run_scoped3A : memref<!tpu.dma_semaphore, #tpu.memory_space<semaphore_mem>>) {add = true}
          %dma_wait3A_176 = arith.constant 0 : i32
          %dma_wait3A_177 = tpu.memref_slice %arg7[%add3A_156, %dma_wait3A_176] : memref<32x128xi32, #tpu.memory_space<vmem>> -> memref<1x128xi32, #tpu.memory_space<vmem>>
          %dma_wait3A_178 = tpu.memref_squeeze %dma_wait3A_177 : memref<1x128xi32, #tpu.memory_space<vmem>> -> memref<128xi32, #tpu.memory_space<vmem>>
          %dma_wait3A_179 = arith.constant 0 : i32
          %dma_wait3A_180 = arith.constant 0 : i32
          %dma_wait3A_181 = tpu.memref_slice %arg10[%dma_wait3A_179, %dma_wait3A_180] : memref<10240x128xf32, #tpu.memory_space<vmem_shared>> -> memref<10240x128xf32, #tpu.memory_space<vmem_shared>>
          tpu.wait_indirect_dma semaphore(%run_scoped3A : memref<!tpu.dma_semaphore, #tpu.memory_space<semaphore_mem>>) src(%arg9 : memref<128x128xf32, #tpu.memory_space<vmem>>) dst(%dma_wait3A_181 : memref<10240x128xf32, #tpu.memory_space<vmem_shared>>)
          tpu.yield
        }) : () -> ()
        %add3A_163 = arith.constant 2 : i32
        %add3A_164 = arith.addi %add3A_156, %add3A_163 : i32
        %lt3A_165 = arith.constant 32 : i32
        %lt3A_166 = arith.cmpi slt, %add3A_164, %lt3A_165 : i32
        %convert_element_type3A_167 = arith.extui %lt3A_166 : i1 to i32
        %cond3A_168 = arith.constant 0 : i32
        %cond3A_169 = arith.cmpi ne, %convert_element_type3A_167, %cond3A_168 : i32
        scf.if %cond3A_169 {
          %dma_start3A_170 = arith.constant 0 : i32
          %dma_start3A_171 = tpu.memref_slice %arg6[%add3A_164, %dma_start3A_170] : memref<32x128xi32, #tpu.memory_space<vmem>> -> memref<1x128xi32, #tpu.memory_space<vmem>>
          %dma_start3A_172 = tpu.memref_squeeze %dma_start3A_171 : memref<1x128xi32, #tpu.memory_space<vmem>> -> memref<128xi32, #tpu.memory_space<vmem>>
          %dma_start3A_173 = arith.constant 0 : i32
          %dma_start3A_174 = arith.constant 0 : i32
          %dma_start3A_175 = tpu.memref_slice %arg4[%dma_start3A_173, %dma_start3A_174] : memref<10240x128xf32, #tpu.memory_space<hbm>> -> memref<10240x128xf32, #tpu.memory_space<hbm>>
          tpu.enqueue_indirect_dma source(%dma_start3A_175 : memref<10240x128xf32, #tpu.memory_space<hbm>>) target(%arg9 : memref<128x128xf32, #tpu.memory_space<vmem>>) offsets(%dma_start3A_172 : memref<128xi32, #tpu.memory_space<vmem>>) semaphore(%arg12 : memref<!tpu.dma_semaphore, #tpu.memory_space<semaphore_mem>>)
        } else {
        }
      }
      %scan3A_87 = arith.constant 16 : i32
      %mul3A_88 = arith.constant 160 : i32
      %mul3A_89 = arith.muli %arg1, %mul3A_88 : i32
      %add3A_90 = arith.constant 96 : i32
      %add3A_91 = arith.addi %mul3A_89, %add3A_90 : i32
      "tpu.region"() ({
        %run_scoped3A = tpu.sem_alloc : memref<!tpu.dma_semaphore, #tpu.memory_space<semaphore_mem>>
        %dma_start3A_137 = arith.constant 0 : i32
        %dma_start3A_138 = tpu.memref_slice %arg2[%add3A_91, %dma_start3A_137] : memref<2560x128xi32, #tpu.memory_space<hbm>> -> memref<32x128xi32, #tpu.memory_space<hbm>>
        %dma_start3A_139 = arith.constant 0 : i32
        %dma_start3A_140 = tpu.memref_slice %arg2[%add3A_91, %dma_start3A_139] : memref<2560x128xi32, #tpu.memory_space<hbm>> -> memref<32x128xi32, #tpu.memory_space<hbm>>
        tpu.enqueue_dma source(%dma_start3A_140 : memref<32x128xi32, #tpu.memory_space<hbm>>) target(%arg6 : memref<32x128xi32, #tpu.memory_space<vmem>>) target_semaphore(%run_scoped3A : memref<!tpu.dma_semaphore, #tpu.memory_space<semaphore_mem>>)
        %dma_wait3A = arith.constant 0 : i32
        %dma_wait3A_141 = tpu.memref_slice %arg2[%add3A_91, %dma_wait3A] : memref<2560x128xi32, #tpu.memory_space<hbm>> -> memref<32x128xi32, #tpu.memory_space<hbm>>
        %dma_wait3A_142 = arith.constant 0 : i32
        %dma_wait3A_143 = tpu.memref_slice %arg2[%add3A_91, %dma_wait3A_142] : memref<2560x128xi32, #tpu.memory_space<hbm>> -> memref<32x128xi32, #tpu.memory_space<hbm>>
        tpu.wait_dma2 semaphore(%run_scoped3A : memref<!tpu.dma_semaphore, #tpu.memory_space<semaphore_mem>>) src(%dma_wait3A_143 : memref<32x128xi32, #tpu.memory_space<hbm>>) dst(%arg6 : memref<32x128xi32, #tpu.memory_space<vmem>>)
        tpu.yield
      }) : () -> ()
      "tpu.region"() ({
        %run_scoped3A = tpu.sem_alloc : memref<!tpu.dma_semaphore, #tpu.memory_space<semaphore_mem>>
        %dma_start3A_137 = arith.constant 0 : i32
        %dma_start3A_138 = tpu.memref_slice %arg3[%add3A_91, %dma_start3A_137] : memref<2560x128xi32, #tpu.memory_space<hbm>> -> memref<32x128xi32, #tpu.memory_space<hbm>>
        %dma_start3A_139 = arith.constant 0 : i32
        %dma_start3A_140 = tpu.memref_slice %arg3[%add3A_91, %dma_start3A_139] : memref<2560x128xi32, #tpu.memory_space<hbm>> -> memref<32x128xi32, #tpu.memory_space<hbm>>
        tpu.enqueue_dma source(%dma_start3A_140 : memref<32x128xi32, #tpu.memory_space<hbm>>) target(%arg7 : memref<32x128xi32, #tpu.memory_space<vmem>>) target_semaphore(%run_scoped3A : memref<!tpu.dma_semaphore, #tpu.memory_space<semaphore_mem>>)
        %dma_wait3A = arith.constant 0 : i32
        %dma_wait3A_141 = tpu.memref_slice %arg3[%add3A_91, %dma_wait3A] : memref<2560x128xi32, #tpu.memory_space<hbm>> -> memref<32x128xi32, #tpu.memory_space<hbm>>
        %dma_wait3A_142 = arith.constant 0 : i32
        %dma_wait3A_143 = tpu.memref_slice %arg3[%add3A_91, %dma_wait3A_142] : memref<2560x128xi32, #tpu.memory_space<hbm>> -> memref<32x128xi32, #tpu.memory_space<hbm>>
        tpu.wait_dma2 semaphore(%run_scoped3A : memref<!tpu.dma_semaphore, #tpu.memory_space<semaphore_mem>>) src(%dma_wait3A_143 : memref<32x128xi32, #tpu.memory_space<hbm>>) dst(%arg7 : memref<32x128xi32, #tpu.memory_space<vmem>>)
        tpu.yield
      }) : () -> ()
      %dma_start3A_92 = arith.constant 0 : i32
      %dma_start3A_93 = arith.constant 0 : i32
      %dma_start3A_94 = tpu.memref_slice %arg6[%dma_start3A_92, %dma_start3A_93] : memref<32x128xi32, #tpu.memory_space<vmem>> -> memref<1x128xi32, #tpu.memory_space<vmem>>
      %dma_start3A_95 = tpu.memref_squeeze %dma_start3A_94 : memref<1x128xi32, #tpu.memory_space<vmem>> -> memref<128xi32, #tpu.memory_space<vmem>>
      %dma_start3A_96 = arith.constant 0 : i32
      %dma_start3A_97 = arith.constant 0 : i32
      %dma_start3A_98 = tpu.memref_slice %arg4[%dma_start3A_96, %dma_start3A_97] : memref<10240x128xf32, #tpu.memory_space<hbm>> -> memref<10240x128xf32, #tpu.memory_space<hbm>>
      tpu.enqueue_indirect_dma source(%dma_start3A_98 : memref<10240x128xf32, #tpu.memory_space<hbm>>) target(%arg8 : memref<128x128xf32, #tpu.memory_space<vmem>>) offsets(%dma_start3A_95 : memref<128xi32, #tpu.memory_space<vmem>>) semaphore(%arg11 : memref<!tpu.dma_semaphore, #tpu.memory_space<semaphore_mem>>)
      %dma_start3A_99 = arith.constant 1 : i32
      %dma_start3A_100 = arith.constant 0 : i32
      %dma_start3A_101 = tpu.memref_slice %arg6[%dma_start3A_99, %dma_start3A_100] : memref<32x128xi32, #tpu.memory_space<vmem>> -> memref<1x128xi32, #tpu.memory_space<vmem>>
      %dma_start3A_102 = tpu.memref_squeeze %dma_start3A_101 : memref<1x128xi32, #tpu.memory_space<vmem>> -> memref<128xi32, #tpu.memory_space<vmem>>
      %dma_start3A_103 = arith.constant 0 : i32
      %dma_start3A_104 = arith.constant 0 : i32
      %dma_start3A_105 = tpu.memref_slice %arg4[%dma_start3A_103, %dma_start3A_104] : memref<10240x128xf32, #tpu.memory_space<hbm>> -> memref<10240x128xf32, #tpu.memory_space<hbm>>
      tpu.enqueue_indirect_dma source(%dma_start3A_105 : memref<10240x128xf32, #tpu.memory_space<hbm>>) target(%arg9 : memref<128x128xf32, #tpu.memory_space<vmem>>) offsets(%dma_start3A_102 : memref<128xi32, #tpu.memory_space<vmem>>) semaphore(%arg12 : memref<!tpu.dma_semaphore, #tpu.memory_space<semaphore_mem>>)
      %scan3A_106 = arith.constant 0 : i32
      %scan3A_107 = arith.constant 0 : i32
      %scan3A_108 = arith.constant 16 : i32
      %scan3A_109 = arith.addi %scan3A_107, %scan3A_108 : i32
      %scan3A_110 = arith.constant 1 : i32
      scf.for %scan3A_137 = %scan3A_107 to %scan3A_109 step %scan3A_110  : i32 {
        %mul3A_138 = arith.constant 2 : i32
        %mul3A_139 = arith.muli %scan3A_137, %mul3A_138 : i32
        %add3A_140 = arith.constant 0 : i32
        %add3A_141 = arith.addi %mul3A_139, %add3A_140 : i32
        %dma_wait3A = arith.constant 0 : i32
        %dma_wait3A_142 = tpu.memref_slice %arg6[%add3A_141, %dma_wait3A] : memref<32x128xi32, #tpu.memory_space<vmem>> -> memref<1x128xi32, #tpu.memory_space<vmem>>
        %dma_wait3A_143 = tpu.memref_squeeze %dma_wait3A_142 : memref<1x128xi32, #tpu.memory_space<vmem>> -> memref<128xi32, #tpu.memory_space<vmem>>
        %dma_wait3A_144 = arith.constant 0 : i32
        %dma_wait3A_145 = arith.constant 0 : i32
        %dma_wait3A_146 = tpu.memref_slice %arg4[%dma_wait3A_144, %dma_wait3A_145] : memref<10240x128xf32, #tpu.memory_space<hbm>> -> memref<10240x128xf32, #tpu.memory_space<hbm>>
        tpu.wait_indirect_dma semaphore(%arg11 : memref<!tpu.dma_semaphore, #tpu.memory_space<semaphore_mem>>) src(%dma_wait3A_146 : memref<10240x128xf32, #tpu.memory_space<hbm>>) dst(%arg8 : memref<128x128xf32, #tpu.memory_space<vmem>>)
        "tpu.region"() ({
          %run_scoped3A = tpu.sem_alloc : memref<!tpu.dma_semaphore, #tpu.memory_space<semaphore_mem>>
          %dma_start3A_170 = arith.constant 0 : i32
          %dma_start3A_171 = tpu.memref_slice %arg7[%add3A_141, %dma_start3A_170] : memref<32x128xi32, #tpu.memory_space<vmem>> -> memref<1x128xi32, #tpu.memory_space<vmem>>
          %dma_start3A_172 = tpu.memref_squeeze %dma_start3A_171 : memref<1x128xi32, #tpu.memory_space<vmem>> -> memref<128xi32, #tpu.memory_space<vmem>>
          %dma_start3A_173 = arith.constant 0 : i32
          %dma_start3A_174 = arith.constant 0 : i32
          %dma_start3A_175 = tpu.memref_slice %arg10[%dma_start3A_173, %dma_start3A_174] : memref<10240x128xf32, #tpu.memory_space<vmem_shared>> -> memref<10240x128xf32, #tpu.memory_space<vmem_shared>>
          tpu.enqueue_indirect_dma source(%arg8 : memref<128x128xf32, #tpu.memory_space<vmem>>) target(%dma_start3A_175 : memref<10240x128xf32, #tpu.memory_space<vmem_shared>>) offsets(%dma_start3A_172 : memref<128xi32, #tpu.memory_space<vmem>>) semaphore(%run_scoped3A : memref<!tpu.dma_semaphore, #tpu.memory_space<semaphore_mem>>) {add = true}
          %dma_wait3A_176 = arith.constant 0 : i32
          %dma_wait3A_177 = tpu.memref_slice %arg7[%add3A_141, %dma_wait3A_176] : memref<32x128xi32, #tpu.memory_space<vmem>> -> memref<1x128xi32, #tpu.memory_space<vmem>>
          %dma_wait3A_178 = tpu.memref_squeeze %dma_wait3A_177 : memref<1x128xi32, #tpu.memory_space<vmem>> -> memref<128xi32, #tpu.memory_space<vmem>>
          %dma_wait3A_179 = arith.constant 0 : i32
          %dma_wait3A_180 = arith.constant 0 : i32
          %dma_wait3A_181 = tpu.memref_slice %arg10[%dma_wait3A_179, %dma_wait3A_180] : memref<10240x128xf32, #tpu.memory_space<vmem_shared>> -> memref<10240x128xf32, #tpu.memory_space<vmem_shared>>
          tpu.wait_indirect_dma semaphore(%run_scoped3A : memref<!tpu.dma_semaphore, #tpu.memory_space<semaphore_mem>>) src(%arg8 : memref<128x128xf32, #tpu.memory_space<vmem>>) dst(%dma_wait3A_181 : memref<10240x128xf32, #tpu.memory_space<vmem_shared>>)
          tpu.yield
        }) : () -> ()
        %add3A_147 = arith.constant 2 : i32
        %add3A_148 = arith.addi %add3A_141, %add3A_147 : i32
        %lt3A = arith.constant 32 : i32
        %lt3A_149 = arith.cmpi slt, %add3A_148, %lt3A : i32
        %convert_element_type3A_150 = arith.extui %lt3A_149 : i1 to i32
        %cond3A_151 = arith.constant 0 : i32
        %cond3A_152 = arith.cmpi ne, %convert_element_type3A_150, %cond3A_151 : i32
        scf.if %cond3A_152 {
          %dma_start3A_170 = arith.constant 0 : i32
          %dma_start3A_171 = tpu.memref_slice %arg6[%add3A_148, %dma_start3A_170] : memref<32x128xi32, #tpu.memory_space<vmem>> -> memref<1x128xi32, #tpu.memory_space<vmem>>
          %dma_start3A_172 = tpu.memref_squeeze %dma_start3A_171 : memref<1x128xi32, #tpu.memory_space<vmem>> -> memref<128xi32, #tpu.memory_space<vmem>>
          %dma_start3A_173 = arith.constant 0 : i32
          %dma_start3A_174 = arith.constant 0 : i32
          %dma_start3A_175 = tpu.memref_slice %arg4[%dma_start3A_173, %dma_start3A_174] : memref<10240x128xf32, #tpu.memory_space<hbm>> -> memref<10240x128xf32, #tpu.memory_space<hbm>>
          tpu.enqueue_indirect_dma source(%dma_start3A_175 : memref<10240x128xf32, #tpu.memory_space<hbm>>) target(%arg8 : memref<128x128xf32, #tpu.memory_space<vmem>>) offsets(%dma_start3A_172 : memref<128xi32, #tpu.memory_space<vmem>>) semaphore(%arg11 : memref<!tpu.dma_semaphore, #tpu.memory_space<semaphore_mem>>)
        } else {
        }
        %mul3A_153 = arith.constant 2 : i32
        %mul3A_154 = arith.muli %scan3A_137, %mul3A_153 : i32
        %add3A_155 = arith.constant 1 : i32
        %add3A_156 = arith.addi %mul3A_154, %add3A_155 : i32
        %dma_wait3A_157 = arith.constant 0 : i32
        %dma_wait3A_158 = tpu.memref_slice %arg6[%add3A_156, %dma_wait3A_157] : memref<32x128xi32, #tpu.memory_space<vmem>> -> memref<1x128xi32, #tpu.memory_space<vmem>>
        %dma_wait3A_159 = tpu.memref_squeeze %dma_wait3A_158 : memref<1x128xi32, #tpu.memory_space<vmem>> -> memref<128xi32, #tpu.memory_space<vmem>>
        %dma_wait3A_160 = arith.constant 0 : i32
        %dma_wait3A_161 = arith.constant 0 : i32
        %dma_wait3A_162 = tpu.memref_slice %arg4[%dma_wait3A_160, %dma_wait3A_161] : memref<10240x128xf32, #tpu.memory_space<hbm>> -> memref<10240x128xf32, #tpu.memory_space<hbm>>
        tpu.wait_indirect_dma semaphore(%arg12 : memref<!tpu.dma_semaphore, #tpu.memory_space<semaphore_mem>>) src(%dma_wait3A_162 : memref<10240x128xf32, #tpu.memory_space<hbm>>) dst(%arg9 : memref<128x128xf32, #tpu.memory_space<vmem>>)
        "tpu.region"() ({
          %run_scoped3A = tpu.sem_alloc : memref<!tpu.dma_semaphore, #tpu.memory_space<semaphore_mem>>
          %dma_start3A_170 = arith.constant 0 : i32
          %dma_start3A_171 = tpu.memref_slice %arg7[%add3A_156, %dma_start3A_170] : memref<32x128xi32, #tpu.memory_space<vmem>> -> memref<1x128xi32, #tpu.memory_space<vmem>>
          %dma_start3A_172 = tpu.memref_squeeze %dma_start3A_171 : memref<1x128xi32, #tpu.memory_space<vmem>> -> memref<128xi32, #tpu.memory_space<vmem>>
          %dma_start3A_173 = arith.constant 0 : i32
          %dma_start3A_174 = arith.constant 0 : i32
          %dma_start3A_175 = tpu.memref_slice %arg10[%dma_start3A_173, %dma_start3A_174] : memref<10240x128xf32, #tpu.memory_space<vmem_shared>> -> memref<10240x128xf32, #tpu.memory_space<vmem_shared>>
          tpu.enqueue_indirect_dma source(%arg9 : memref<128x128xf32, #tpu.memory_space<vmem>>) target(%dma_start3A_175 : memref<10240x128xf32, #tpu.memory_space<vmem_shared>>) offsets(%dma_start3A_172 : memref<128xi32, #tpu.memory_space<vmem>>) semaphore(%run_scoped3A : memref<!tpu.dma_semaphore, #tpu.memory_space<semaphore_mem>>) {add = true}
          %dma_wait3A_176 = arith.constant 0 : i32
          %dma_wait3A_177 = tpu.memref_slice %arg7[%add3A_156, %dma_wait3A_176] : memref<32x128xi32, #tpu.memory_space<vmem>> -> memref<1x128xi32, #tpu.memory_space<vmem>>
          %dma_wait3A_178 = tpu.memref_squeeze %dma_wait3A_177 : memref<1x128xi32, #tpu.memory_space<vmem>> -> memref<128xi32, #tpu.memory_space<vmem>>
          %dma_wait3A_179 = arith.constant 0 : i32
          %dma_wait3A_180 = arith.constant 0 : i32
          %dma_wait3A_181 = tpu.memref_slice %arg10[%dma_wait3A_179, %dma_wait3A_180] : memref<10240x128xf32, #tpu.memory_space<vmem_shared>> -> memref<10240x128xf32, #tpu.memory_space<vmem_shared>>
          tpu.wait_indirect_dma semaphore(%run_scoped3A : memref<!tpu.dma_semaphore, #tpu.memory_space<semaphore_mem>>) src(%arg9 : memref<128x128xf32, #tpu.memory_space<vmem>>) dst(%dma_wait3A_181 : memref<10240x128xf32, #tpu.memory_space<vmem_shared>>)
          tpu.yield
        }) : () -> ()
        %add3A_163 = arith.constant 2 : i32
        %add3A_164 = arith.addi %add3A_156, %add3A_163 : i32
        %lt3A_165 = arith.constant 32 : i32
        %lt3A_166 = arith.cmpi slt, %add3A_164, %lt3A_165 : i32
        %convert_element_type3A_167 = arith.extui %lt3A_166 : i1 to i32
        %cond3A_168 = arith.constant 0 : i32
        %cond3A_169 = arith.cmpi ne, %convert_element_type3A_167, %cond3A_168 : i32
        scf.if %cond3A_169 {
          %dma_start3A_170 = arith.constant 0 : i32
          %dma_start3A_171 = tpu.memref_slice %arg6[%add3A_164, %dma_start3A_170] : memref<32x128xi32, #tpu.memory_space<vmem>> -> memref<1x128xi32, #tpu.memory_space<vmem>>
          %dma_start3A_172 = tpu.memref_squeeze %dma_start3A_171 : memref<1x128xi32, #tpu.memory_space<vmem>> -> memref<128xi32, #tpu.memory_space<vmem>>
          %dma_start3A_173 = arith.constant 0 : i32
          %dma_start3A_174 = arith.constant 0 : i32
          %dma_start3A_175 = tpu.memref_slice %arg4[%dma_start3A_173, %dma_start3A_174] : memref<10240x128xf32, #tpu.memory_space<hbm>> -> memref<10240x128xf32, #tpu.memory_space<hbm>>
          tpu.enqueue_indirect_dma source(%dma_start3A_175 : memref<10240x128xf32, #tpu.memory_space<hbm>>) target(%arg9 : memref<128x128xf32, #tpu.memory_space<vmem>>) offsets(%dma_start3A_172 : memref<128xi32, #tpu.memory_space<vmem>>) semaphore(%arg12 : memref<!tpu.dma_semaphore, #tpu.memory_space<semaphore_mem>>)
        } else {
        }
      }
      %scan3A_111 = arith.constant 16 : i32
      %mul3A_112 = arith.constant 160 : i32
      %mul3A_113 = arith.muli %arg1, %mul3A_112 : i32
      %add3A_114 = arith.constant 128 : i32
      %add3A_115 = arith.addi %mul3A_113, %add3A_114 : i32
      "tpu.region"() ({
        %run_scoped3A = tpu.sem_alloc : memref<!tpu.dma_semaphore, #tpu.memory_space<semaphore_mem>>
        %dma_start3A_137 = arith.constant 0 : i32
        %dma_start3A_138 = tpu.memref_slice %arg2[%add3A_115, %dma_start3A_137] : memref<2560x128xi32, #tpu.memory_space<hbm>> -> memref<32x128xi32, #tpu.memory_space<hbm>>
        %dma_start3A_139 = arith.constant 0 : i32
        %dma_start3A_140 = tpu.memref_slice %arg2[%add3A_115, %dma_start3A_139] : memref<2560x128xi32, #tpu.memory_space<hbm>> -> memref<32x128xi32, #tpu.memory_space<hbm>>
        tpu.enqueue_dma source(%dma_start3A_140 : memref<32x128xi32, #tpu.memory_space<hbm>>) target(%arg6 : memref<32x128xi32, #tpu.memory_space<vmem>>) target_semaphore(%run_scoped3A : memref<!tpu.dma_semaphore, #tpu.memory_space<semaphore_mem>>)
        %dma_wait3A = arith.constant 0 : i32
        %dma_wait3A_141 = tpu.memref_slice %arg2[%add3A_115, %dma_wait3A] : memref<2560x128xi32, #tpu.memory_space<hbm>> -> memref<32x128xi32, #tpu.memory_space<hbm>>
        %dma_wait3A_142 = arith.constant 0 : i32
        %dma_wait3A_143 = tpu.memref_slice %arg2[%add3A_115, %dma_wait3A_142] : memref<2560x128xi32, #tpu.memory_space<hbm>> -> memref<32x128xi32, #tpu.memory_space<hbm>>
        tpu.wait_dma2 semaphore(%run_scoped3A : memref<!tpu.dma_semaphore, #tpu.memory_space<semaphore_mem>>) src(%dma_wait3A_143 : memref<32x128xi32, #tpu.memory_space<hbm>>) dst(%arg6 : memref<32x128xi32, #tpu.memory_space<vmem>>)
        tpu.yield
      }) : () -> ()
      "tpu.region"() ({
        %run_scoped3A = tpu.sem_alloc : memref<!tpu.dma_semaphore, #tpu.memory_space<semaphore_mem>>
        %dma_start3A_137 = arith.constant 0 : i32
        %dma_start3A_138 = tpu.memref_slice %arg3[%add3A_115, %dma_start3A_137] : memref<2560x128xi32, #tpu.memory_space<hbm>> -> memref<32x128xi32, #tpu.memory_space<hbm>>
        %dma_start3A_139 = arith.constant 0 : i32
        %dma_start3A_140 = tpu.memref_slice %arg3[%add3A_115, %dma_start3A_139] : memref<2560x128xi32, #tpu.memory_space<hbm>> -> memref<32x128xi32, #tpu.memory_space<hbm>>
        tpu.enqueue_dma source(%dma_start3A_140 : memref<32x128xi32, #tpu.memory_space<hbm>>) target(%arg7 : memref<32x128xi32, #tpu.memory_space<vmem>>) target_semaphore(%run_scoped3A : memref<!tpu.dma_semaphore, #tpu.memory_space<semaphore_mem>>)
        %dma_wait3A = arith.constant 0 : i32
        %dma_wait3A_141 = tpu.memref_slice %arg3[%add3A_115, %dma_wait3A] : memref<2560x128xi32, #tpu.memory_space<hbm>> -> memref<32x128xi32, #tpu.memory_space<hbm>>
        %dma_wait3A_142 = arith.constant 0 : i32
        %dma_wait3A_143 = tpu.memref_slice %arg3[%add3A_115, %dma_wait3A_142] : memref<2560x128xi32, #tpu.memory_space<hbm>> -> memref<32x128xi32, #tpu.memory_space<hbm>>
        tpu.wait_dma2 semaphore(%run_scoped3A : memref<!tpu.dma_semaphore, #tpu.memory_space<semaphore_mem>>) src(%dma_wait3A_143 : memref<32x128xi32, #tpu.memory_space<hbm>>) dst(%arg7 : memref<32x128xi32, #tpu.memory_space<vmem>>)
        tpu.yield
      }) : () -> ()
      %dma_start3A_116 = arith.constant 0 : i32
      %dma_start3A_117 = arith.constant 0 : i32
      %dma_start3A_118 = tpu.memref_slice %arg6[%dma_start3A_116, %dma_start3A_117] : memref<32x128xi32, #tpu.memory_space<vmem>> -> memref<1x128xi32, #tpu.memory_space<vmem>>
      %dma_start3A_119 = tpu.memref_squeeze %dma_start3A_118 : memref<1x128xi32, #tpu.memory_space<vmem>> -> memref<128xi32, #tpu.memory_space<vmem>>
      %dma_start3A_120 = arith.constant 0 : i32
      %dma_start3A_121 = arith.constant 0 : i32
      %dma_start3A_122 = tpu.memref_slice %arg4[%dma_start3A_120, %dma_start3A_121] : memref<10240x128xf32, #tpu.memory_space<hbm>> -> memref<10240x128xf32, #tpu.memory_space<hbm>>
      tpu.enqueue_indirect_dma source(%dma_start3A_122 : memref<10240x128xf32, #tpu.memory_space<hbm>>) target(%arg8 : memref<128x128xf32, #tpu.memory_space<vmem>>) offsets(%dma_start3A_119 : memref<128xi32, #tpu.memory_space<vmem>>) semaphore(%arg11 : memref<!tpu.dma_semaphore, #tpu.memory_space<semaphore_mem>>)
      %dma_start3A_123 = arith.constant 1 : i32
      %dma_start3A_124 = arith.constant 0 : i32
      %dma_start3A_125 = tpu.memref_slice %arg6[%dma_start3A_123, %dma_start3A_124] : memref<32x128xi32, #tpu.memory_space<vmem>> -> memref<1x128xi32, #tpu.memory_space<vmem>>
      %dma_start3A_126 = tpu.memref_squeeze %dma_start3A_125 : memref<1x128xi32, #tpu.memory_space<vmem>> -> memref<128xi32, #tpu.memory_space<vmem>>
      %dma_start3A_127 = arith.constant 0 : i32
      %dma_start3A_128 = arith.constant 0 : i32
      %dma_start3A_129 = tpu.memref_slice %arg4[%dma_start3A_127, %dma_start3A_128] : memref<10240x128xf32, #tpu.memory_space<hbm>> -> memref<10240x128xf32, #tpu.memory_space<hbm>>
      tpu.enqueue_indirect_dma source(%dma_start3A_129 : memref<10240x128xf32, #tpu.memory_space<hbm>>) target(%arg9 : memref<128x128xf32, #tpu.memory_space<vmem>>) offsets(%dma_start3A_126 : memref<128xi32, #tpu.memory_space<vmem>>) semaphore(%arg12 : memref<!tpu.dma_semaphore, #tpu.memory_space<semaphore_mem>>)
      %scan3A_130 = arith.constant 0 : i32
      %scan3A_131 = arith.constant 0 : i32
      %scan3A_132 = arith.constant 16 : i32
      %scan3A_133 = arith.addi %scan3A_131, %scan3A_132 : i32
      %scan3A_134 = arith.constant 1 : i32
      scf.for %scan3A_137 = %scan3A_131 to %scan3A_133 step %scan3A_134  : i32 {
        %mul3A_138 = arith.constant 2 : i32
        %mul3A_139 = arith.muli %scan3A_137, %mul3A_138 : i32
        %add3A_140 = arith.constant 0 : i32
        %add3A_141 = arith.addi %mul3A_139, %add3A_140 : i32
        %dma_wait3A = arith.constant 0 : i32
        %dma_wait3A_142 = tpu.memref_slice %arg6[%add3A_141, %dma_wait3A] : memref<32x128xi32, #tpu.memory_space<vmem>> -> memref<1x128xi32, #tpu.memory_space<vmem>>
        %dma_wait3A_143 = tpu.memref_squeeze %dma_wait3A_142 : memref<1x128xi32, #tpu.memory_space<vmem>> -> memref<128xi32, #tpu.memory_space<vmem>>
        %dma_wait3A_144 = arith.constant 0 : i32
        %dma_wait3A_145 = arith.constant 0 : i32
        %dma_wait3A_146 = tpu.memref_slice %arg4[%dma_wait3A_144, %dma_wait3A_145] : memref<10240x128xf32, #tpu.memory_space<hbm>> -> memref<10240x128xf32, #tpu.memory_space<hbm>>
        tpu.wait_indirect_dma semaphore(%arg11 : memref<!tpu.dma_semaphore, #tpu.memory_space<semaphore_mem>>) src(%dma_wait3A_146 : memref<10240x128xf32, #tpu.memory_space<hbm>>) dst(%arg8 : memref<128x128xf32, #tpu.memory_space<vmem>>)
        "tpu.region"() ({
          %run_scoped3A = tpu.sem_alloc : memref<!tpu.dma_semaphore, #tpu.memory_space<semaphore_mem>>
          %dma_start3A_170 = arith.constant 0 : i32
          %dma_start3A_171 = tpu.memref_slice %arg7[%add3A_141, %dma_start3A_170] : memref<32x128xi32, #tpu.memory_space<vmem>> -> memref<1x128xi32, #tpu.memory_space<vmem>>
          %dma_start3A_172 = tpu.memref_squeeze %dma_start3A_171 : memref<1x128xi32, #tpu.memory_space<vmem>> -> memref<128xi32, #tpu.memory_space<vmem>>
          %dma_start3A_173 = arith.constant 0 : i32
          %dma_start3A_174 = arith.constant 0 : i32
          %dma_start3A_175 = tpu.memref_slice %arg10[%dma_start3A_173, %dma_start3A_174] : memref<10240x128xf32, #tpu.memory_space<vmem_shared>> -> memref<10240x128xf32, #tpu.memory_space<vmem_shared>>
          tpu.enqueue_indirect_dma source(%arg8 : memref<128x128xf32, #tpu.memory_space<vmem>>) target(%dma_start3A_175 : memref<10240x128xf32, #tpu.memory_space<vmem_shared>>) offsets(%dma_start3A_172 : memref<128xi32, #tpu.memory_space<vmem>>) semaphore(%run_scoped3A : memref<!tpu.dma_semaphore, #tpu.memory_space<semaphore_mem>>) {add = true}
          %dma_wait3A_176 = arith.constant 0 : i32
          %dma_wait3A_177 = tpu.memref_slice %arg7[%add3A_141, %dma_wait3A_176] : memref<32x128xi32, #tpu.memory_space<vmem>> -> memref<1x128xi32, #tpu.memory_space<vmem>>
          %dma_wait3A_178 = tpu.memref_squeeze %dma_wait3A_177 : memref<1x128xi32, #tpu.memory_space<vmem>> -> memref<128xi32, #tpu.memory_space<vmem>>
          %dma_wait3A_179 = arith.constant 0 : i32
          %dma_wait3A_180 = arith.constant 0 : i32
          %dma_wait3A_181 = tpu.memref_slice %arg10[%dma_wait3A_179, %dma_wait3A_180] : memref<10240x128xf32, #tpu.memory_space<vmem_shared>> -> memref<10240x128xf32, #tpu.memory_space<vmem_shared>>
          tpu.wait_indirect_dma semaphore(%run_scoped3A : memref<!tpu.dma_semaphore, #tpu.memory_space<semaphore_mem>>) src(%arg8 : memref<128x128xf32, #tpu.memory_space<vmem>>) dst(%dma_wait3A_181 : memref<10240x128xf32, #tpu.memory_space<vmem_shared>>)
          tpu.yield
        }) : () -> ()
        %add3A_147 = arith.constant 2 : i32
        %add3A_148 = arith.addi %add3A_141, %add3A_147 : i32
        %lt3A = arith.constant 32 : i32
        %lt3A_149 = arith.cmpi slt, %add3A_148, %lt3A : i32
        %convert_element_type3A_150 = arith.extui %lt3A_149 : i1 to i32
        %cond3A_151 = arith.constant 0 : i32
        %cond3A_152 = arith.cmpi ne, %convert_element_type3A_150, %cond3A_151 : i32
        scf.if %cond3A_152 {
          %dma_start3A_170 = arith.constant 0 : i32
          %dma_start3A_171 = tpu.memref_slice %arg6[%add3A_148, %dma_start3A_170] : memref<32x128xi32, #tpu.memory_space<vmem>> -> memref<1x128xi32, #tpu.memory_space<vmem>>
          %dma_start3A_172 = tpu.memref_squeeze %dma_start3A_171 : memref<1x128xi32, #tpu.memory_space<vmem>> -> memref<128xi32, #tpu.memory_space<vmem>>
          %dma_start3A_173 = arith.constant 0 : i32
          %dma_start3A_174 = arith.constant 0 : i32
          %dma_start3A_175 = tpu.memref_slice %arg4[%dma_start3A_173, %dma_start3A_174] : memref<10240x128xf32, #tpu.memory_space<hbm>> -> memref<10240x128xf32, #tpu.memory_space<hbm>>
          tpu.enqueue_indirect_dma source(%dma_start3A_175 : memref<10240x128xf32, #tpu.memory_space<hbm>>) target(%arg8 : memref<128x128xf32, #tpu.memory_space<vmem>>) offsets(%dma_start3A_172 : memref<128xi32, #tpu.memory_space<vmem>>) semaphore(%arg11 : memref<!tpu.dma_semaphore, #tpu.memory_space<semaphore_mem>>)
        } else {
        }
        %mul3A_153 = arith.constant 2 : i32
        %mul3A_154 = arith.muli %scan3A_137, %mul3A_153 : i32
        %add3A_155 = arith.constant 1 : i32
        %add3A_156 = arith.addi %mul3A_154, %add3A_155 : i32
        %dma_wait3A_157 = arith.constant 0 : i32
        %dma_wait3A_158 = tpu.memref_slice %arg6[%add3A_156, %dma_wait3A_157] : memref<32x128xi32, #tpu.memory_space<vmem>> -> memref<1x128xi32, #tpu.memory_space<vmem>>
        %dma_wait3A_159 = tpu.memref_squeeze %dma_wait3A_158 : memref<1x128xi32, #tpu.memory_space<vmem>> -> memref<128xi32, #tpu.memory_space<vmem>>
        %dma_wait3A_160 = arith.constant 0 : i32
        %dma_wait3A_161 = arith.constant 0 : i32
        %dma_wait3A_162 = tpu.memref_slice %arg4[%dma_wait3A_160, %dma_wait3A_161] : memref<10240x128xf32, #tpu.memory_space<hbm>> -> memref<10240x128xf32, #tpu.memory_space<hbm>>
        tpu.wait_indirect_dma semaphore(%arg12 : memref<!tpu.dma_semaphore, #tpu.memory_space<semaphore_mem>>) src(%dma_wait3A_162 : memref<10240x128xf32, #tpu.memory_space<hbm>>) dst(%arg9 : memref<128x128xf32, #tpu.memory_space<vmem>>)
        "tpu.region"() ({
          %run_scoped3A = tpu.sem_alloc : memref<!tpu.dma_semaphore, #tpu.memory_space<semaphore_mem>>
          %dma_start3A_170 = arith.constant 0 : i32
          %dma_start3A_171 = tpu.memref_slice %arg7[%add3A_156, %dma_start3A_170] : memref<32x128xi32, #tpu.memory_space<vmem>> -> memref<1x128xi32, #tpu.memory_space<vmem>>
          %dma_start3A_172 = tpu.memref_squeeze %dma_start3A_171 : memref<1x128xi32, #tpu.memory_space<vmem>> -> memref<128xi32, #tpu.memory_space<vmem>>
          %dma_start3A_173 = arith.constant 0 : i32
          %dma_start3A_174 = arith.constant 0 : i32
          %dma_start3A_175 = tpu.memref_slice %arg10[%dma_start3A_173, %dma_start3A_174] : memref<10240x128xf32, #tpu.memory_space<vmem_shared>> -> memref<10240x128xf32, #tpu.memory_space<vmem_shared>>
          tpu.enqueue_indirect_dma source(%arg9 : memref<128x128xf32, #tpu.memory_space<vmem>>) target(%dma_start3A_175 : memref<10240x128xf32, #tpu.memory_space<vmem_shared>>) offsets(%dma_start3A_172 : memref<128xi32, #tpu.memory_space<vmem>>) semaphore(%run_scoped3A : memref<!tpu.dma_semaphore, #tpu.memory_space<semaphore_mem>>) {add = true}
          %dma_wait3A_176 = arith.constant 0 : i32
          %dma_wait3A_177 = tpu.memref_slice %arg7[%add3A_156, %dma_wait3A_176] : memref<32x128xi32, #tpu.memory_space<vmem>> -> memref<1x128xi32, #tpu.memory_space<vmem>>
          %dma_wait3A_178 = tpu.memref_squeeze %dma_wait3A_177 : memref<1x128xi32, #tpu.memory_space<vmem>> -> memref<128xi32, #tpu.memory_space<vmem>>
          %dma_wait3A_179 = arith.constant 0 : i32
          %dma_wait3A_180 = arith.constant 0 : i32
          %dma_wait3A_181 = tpu.memref_slice %arg10[%dma_wait3A_179, %dma_wait3A_180] : memref<10240x128xf32, #tpu.memory_space<vmem_shared>> -> memref<10240x128xf32, #tpu.memory_space<vmem_shared>>
          tpu.wait_indirect_dma semaphore(%run_scoped3A : memref<!tpu.dma_semaphore, #tpu.memory_space<semaphore_mem>>) src(%arg9 : memref<128x128xf32, #tpu.memory_space<vmem>>) dst(%dma_wait3A_181 : memref<10240x128xf32, #tpu.memory_space<vmem_shared>>)
          tpu.yield
        }) : () -> ()
        %add3A_163 = arith.constant 2 : i32
        %add3A_164 = arith.addi %add3A_156, %add3A_163 : i32
        %lt3A_165 = arith.constant 32 : i32
        %lt3A_166 = arith.cmpi slt, %add3A_164, %lt3A_165 : i32
        %convert_element_type3A_167 = arith.extui %lt3A_166 : i1 to i32
        %cond3A_168 = arith.constant 0 : i32
        %cond3A_169 = arith.cmpi ne, %convert_element_type3A_167, %cond3A_168 : i32
        scf.if %cond3A_169 {
          %dma_start3A_170 = arith.constant 0 : i32
          %dma_start3A_171 = tpu.memref_slice %arg6[%add3A_164, %dma_start3A_170] : memref<32x128xi32, #tpu.memory_space<vmem>> -> memref<1x128xi32, #tpu.memory_space<vmem>>
          %dma_start3A_172 = tpu.memref_squeeze %dma_start3A_171 : memref<1x128xi32, #tpu.memory_space<vmem>> -> memref<128xi32, #tpu.memory_space<vmem>>
          %dma_start3A_173 = arith.constant 0 : i32
          %dma_start3A_174 = arith.constant 0 : i32
          %dma_start3A_175 = tpu.memref_slice %arg4[%dma_start3A_173, %dma_start3A_174] : memref<10240x128xf32, #tpu.memory_space<hbm>> -> memref<10240x128xf32, #tpu.memory_space<hbm>>
          tpu.enqueue_indirect_dma source(%dma_start3A_175 : memref<10240x128xf32, #tpu.memory_space<hbm>>) target(%arg9 : memref<128x128xf32, #tpu.memory_space<vmem>>) offsets(%dma_start3A_172 : memref<128xi32, #tpu.memory_space<vmem>>) semaphore(%arg12 : memref<!tpu.dma_semaphore, #tpu.memory_space<semaphore_mem>>)
        } else {
        }
      }
      %scan3A_135 = arith.constant 16 : i32
      %barrier3A_136 = arith.constant 0 : index
      tpu.barrier barrier_id(%barrier3A_136)
      "tpu.region"() ({
        %run_scoped3A = tpu.sem_alloc : memref<!tpu.dma_semaphore, #tpu.memory_space<semaphore_mem>>
        %dma_start3A_137 = arith.constant 0 : i32
        %dma_start3A_138 = tpu.memref_slice %arg5[%mul3A_0, %dma_start3A_137] : memref<10240x128xf32, #tpu.memory_space<hbm>> -> memref<640x128xf32, #tpu.memory_space<hbm>>
        %dma_start3A_139 = arith.constant 0 : i32
        %dma_start3A_140 = tpu.memref_slice %arg10[%mul3A_0, %dma_start3A_139] : memref<10240x128xf32, #tpu.memory_space<vmem_shared>> -> memref<640x128xf32, #tpu.memory_space<vmem_shared>>
        tpu.enqueue_dma source(%dma_start3A_140 : memref<640x128xf32, #tpu.memory_space<vmem_shared>>) target(%dma_start3A_138 : memref<640x128xf32, #tpu.memory_space<hbm>>) target_semaphore(%run_scoped3A : memref<!tpu.dma_semaphore, #tpu.memory_space<semaphore_mem>>)
        %dma_wait3A = arith.constant 0 : i32
        %dma_wait3A_141 = tpu.memref_slice %arg5[%mul3A_0, %dma_wait3A] : memref<10240x128xf32, #tpu.memory_space<hbm>> -> memref<640x128xf32, #tpu.memory_space<hbm>>
        %dma_wait3A_142 = arith.constant 0 : i32
        %dma_wait3A_143 = tpu.memref_slice %arg10[%mul3A_0, %dma_wait3A_142] : memref<10240x128xf32, #tpu.memory_space<vmem_shared>> -> memref<640x128xf32, #tpu.memory_space<vmem_shared>>
        tpu.wait_dma2 semaphore(%run_scoped3A : memref<!tpu.dma_semaphore, #tpu.memory_space<semaphore_mem>>) src(%dma_wait3A_143 : memref<640x128xf32, #tpu.memory_space<vmem_shared>>) dst(%dma_wait3A_141 : memref<640x128xf32, #tpu.memory_space<hbm>>)
        tpu.yield
      }) : () -> ()
    } else {
    }
    return
  }
}

module attributes {stable_mosaic.version = 14 : i64} {
  func.func @_scale_body(%arg0: i32, %arg1: memref<1024x128xf32, #tpu.memory_space<vmem>>, %arg2: memref<1x1024x128xf32, #tpu.memory_space<vmem>>, %arg3: memref<1x1024x128xf32, #tpu.memory_space<vmem>>, %arg4: memref<1024x128xf32, #tpu.memory_space<vmem>>, %arg5: memref<1024x128xf32, #tpu.memory_space<vmem>>) attributes {dimension_semantics = [#tpu.dimension_semantics<arbitrary>], iteration_bounds = array<i64: 10>, scalar_prefetch = 0 : i64, scratch_operands = 0 : i64, tpu.core_type = #tpu.core_type<tc>, window_params = [{transform_indices = @transform_0, window_bounds = array<i64: 1024, 128>}, {transform_indices = @transform_1, window_bounds = array<i64: 1, 1024, 128>}, {transform_indices = @transform_2, window_bounds = array<i64: 1, 1024, 128>}, {transform_indices = @transform_3, window_bounds = array<i64: 1024, 128>}, {transform_indices = @transform_4, window_bounds = array<i64: 1024, 128>}]} {
    %get3A = arith.constant 0 : index
    %get3A_0 = arith.constant 0 : index
    %get3A_1 = arith.constant 0 : index
    %get3A_2 = vector.load %arg2[%get3A, %get3A_0, %get3A_1] : memref<1x1024x128xf32, #tpu.memory_space<vmem>>, vector<1x1024x128xf32>
    %get3A_3 = vector.shape_cast %get3A_2 : vector<1x1024x128xf32> to vector<1024x128xf32>
    %get3A_4 = arith.constant 0 : index
    %get3A_5 = arith.constant 0 : index
    %get3A_6 = arith.constant 0 : index
    %get3A_7 = vector.load %arg3[%get3A_4, %get3A_5, %get3A_6] : memref<1x1024x128xf32, #tpu.memory_space<vmem>>, vector<1x1024x128xf32>
    %get3A_8 = vector.shape_cast %get3A_7 : vector<1x1024x128xf32> to vector<1024x128xf32>
    %add3A = arith.addf %get3A_3, %get3A_8 : vector<1024x128xf32>
    %add3A_9 = arith.constant 1.000000e+00 : f32
    %add3A_10 = vector.broadcast %add3A_9 : f32 to vector<1024x128xf32>
    %add3A_11 = arith.addf %add3A, %add3A_10 : vector<1024x128xf32>
    %rsqrt3A = math.rsqrt %add3A_11 : vector<1024x128xf32>
    %get3A_12 = arith.constant 0 : index
    %get3A_13 = arith.constant 0 : index
    %get3A_14 = vector.load %arg1[%get3A_12, %get3A_13] : memref<1024x128xf32, #tpu.memory_space<vmem>>, vector<1024x128xf32>
    %mul3A = arith.mulf %get3A_14, %rsqrt3A : vector<1024x128xf32>
    %swap3A = arith.constant 0 : index
    %swap3A_15 = arith.constant 0 : index
    %swap3A_16 = vector.load %arg4[%swap3A, %swap3A_15] : memref<1024x128xf32, #tpu.memory_space<vmem>>, vector<1024x128xf32>
    tpu.vector_store %arg4[%swap3A, %swap3A_15], %mul3A {strides = array<i32>} : memref<1024x128xf32, #tpu.memory_space<vmem>>, vector<1024x128xf32>,
    %swap3A_17 = arith.constant 0 : index
    %swap3A_18 = arith.constant 0 : index
    %swap3A_19 = vector.load %arg5[%swap3A_17, %swap3A_18] : memref<1024x128xf32, #tpu.memory_space<vmem>>, vector<1024x128xf32>
    tpu.vector_store %arg5[%swap3A_17, %swap3A_18], %rsqrt3A {strides = array<i32>} : memref<1024x128xf32, #tpu.memory_space<vmem>>, vector<1024x128xf32>,
    return
  }
  func.func @transform_0(%arg0: i32) -> (i32, i32) {
    %c0_i32 = arith.constant 0 : i32
    %c0_i32_0 = arith.constant 0 : i32
    return %arg0, %c0_i32 : i32, i32
  }
  func.func @transform_1(%arg0: i32) -> (i32, i32, i32) {
    %c0_i32 = arith.constant 0 : i32
    %c0_i32_0 = arith.constant 0 : i32
    %c0_i32_1 = arith.constant 0 : i32
    return %c0_i32, %arg0, %c0_i32_0 : i32, i32, i32
  }
  func.func @transform_2(%arg0: i32) -> (i32, i32, i32) {
    %c1_i32 = arith.constant 1 : i32
    %c0_i32 = arith.constant 0 : i32
    %c0_i32_0 = arith.constant 0 : i32
    return %c1_i32, %arg0, %c0_i32 : i32, i32, i32
  }
  func.func @transform_3(%arg0: i32) -> (i32, i32) {
    %c0_i32 = arith.constant 0 : i32
    %c0_i32_0 = arith.constant 0 : i32
    return %arg0, %c0_i32 : i32, i32
  }
  func.func @transform_4(%arg0: i32) -> (i32, i32) {
    %c0_i32 = arith.constant 0 : i32
    %c0_i32_0 = arith.constant 0 : i32
    return %arg0, %c0_i32 : i32, i32
  }
}

module attributes {stable_mosaic.version = 14 : i64} {
  func.func @_hidden_body(%arg0: i32, %arg1: memref<1024x128xf32, #tpu.memory_space<vmem>>, %arg2: memref<1024x128xf32, #tpu.memory_space<vmem>>, %arg3: memref<1024x128xf32, #tpu.memory_space<vmem>>, %arg4: memref<128x128xf32, #tpu.memory_space<vmem>>, %arg5: memref<1x128xf32, #tpu.memory_space<vmem>>, %arg6: memref<1024x128xf32, #tpu.memory_space<vmem>>) attributes {dimension_semantics = [#tpu.dimension_semantics<arbitrary>], iteration_bounds = array<i64: 10>, scalar_prefetch = 0 : i64, scratch_operands = 0 : i64, tpu.core_type = #tpu.core_type<tc>, window_params = [{transform_indices = @transform_0, window_bounds = array<i64: 1024, 128>}, {transform_indices = @transform_1, window_bounds = array<i64: 1024, 128>}, {transform_indices = @transform_2, window_bounds = array<i64: 1024, 128>}, {pipeline_mode = #tpu.pipeline_mode<synchronous>, transform_indices = @transform_3, window_bounds = array<i64: 128, 128>}, {pipeline_mode = #tpu.pipeline_mode<synchronous>, transform_indices = @transform_4, window_bounds = array<i64: 1, 128>}, {transform_indices = @transform_5, window_bounds = array<i64: 1024, 128>}]} {
    %get3A = arith.constant 0 : index
    %get3A_0 = arith.constant 0 : index
    %get3A_1 = vector.load %arg3[%get3A, %get3A_0] : memref<1024x128xf32, #tpu.memory_space<vmem>>, vector<1024x128xf32>
    %get3A_2 = arith.constant 0 : index
    %get3A_3 = arith.constant 0 : index
    %get3A_4 = vector.load %arg1[%get3A_2, %get3A_3] : memref<1024x128xf32, #tpu.memory_space<vmem>>, vector<1024x128xf32>
    %get3A_5 = arith.constant 0 : index
    %get3A_6 = arith.constant 0 : index
    %get3A_7 = vector.load %arg2[%get3A_5, %get3A_6] : memref<1024x128xf32, #tpu.memory_space<vmem>>, vector<1024x128xf32>
    %add3A = arith.addf %get3A_4, %get3A_7 : vector<1024x128xf32>
    %mul3A = arith.mulf %add3A, %get3A_1 : vector<1024x128xf32>
    %get3A_8 = arith.constant 0 : index
    %get3A_9 = arith.constant 0 : index
    %get3A_10 = vector.load %arg4[%get3A_8, %get3A_9] : memref<128x128xf32, #tpu.memory_space<vmem>>, vector<128x128xf32>
    %dot_general3A = arith.constant dense<0.000000e+00> : vector<1024x128xf32>
    %dot_general3A_11 = tpu.matmul %mul3A, %get3A_10, %dot_general3A {dimension_numbers = #tpu.dot_dimension_numbers<[1], [0], [0], [1], [0, 0, 1, 1], [], []>, transpose_lhs_hint = false} : vector<1024x128xf32>, vector<128x128xf32>, vector<1024x128xf32> -> vector<1024x128xf32>
    %get3A_12 = arith.constant 0 : index
    %get3A_13 = arith.constant 0 : index
    %get3A_14 = vector.load %arg5[%get3A_12, %get3A_13] : memref<1x128xf32, #tpu.memory_space<vmem>>, vector<1x128xf32>
    %add3A_15 = vector.broadcast %get3A_14 : vector<1x128xf32> to vector<1024x128xf32>
    %add3A_16 = arith.addf %dot_general3A_11, %add3A_15 : vector<1024x128xf32>
    %max3A = arith.constant 0.000000e+00 : f32
    %max3A_17 = vector.broadcast %max3A : f32 to vector<1024x128xf32>
    %max3A_18 = arith.maximumf %add3A_16, %max3A_17 : vector<1024x128xf32>
    %abs3A = math.absf %add3A_16 : vector<1024x128xf32>
    %neg3A = arith.constant 0.000000e+00 : f32
    %neg3A_19 = vector.broadcast %neg3A : f32 to vector<1024x128xf32>
    %neg3A_20 = arith.subf %neg3A_19, %abs3A : vector<1024x128xf32>
    %exp3A = math.exp %neg3A_20 : vector<1024x128xf32>
    %log1p3A = math.log1p %exp3A : vector<1024x128xf32>
    %add3A_21 = arith.addf %max3A_18, %log1p3A : vector<1024x128xf32>
    %mul3A_22 = arith.mulf %add3A_21, %get3A_1 : vector<1024x128xf32>
    %swap3A = arith.constant 0 : index
    %swap3A_23 = arith.constant 0 : index
    %swap3A_24 = vector.load %arg6[%swap3A, %swap3A_23] : memref<1024x128xf32, #tpu.memory_space<vmem>>, vector<1024x128xf32>
    tpu.vector_store %arg6[%swap3A, %swap3A_23], %mul3A_22 {strides = array<i32>} : memref<1024x128xf32, #tpu.memory_space<vmem>>, vector<1024x128xf32>,
    return
  }
  func.func @transform_0(%arg0: i32) -> (i32, i32) {
    %c0_i32 = arith.constant 0 : i32
    %c0_i32_0 = arith.constant 0 : i32
    return %arg0, %c0_i32 : i32, i32
  }
  func.func @transform_1(%arg0: i32) -> (i32, i32) {
    %c0_i32 = arith.constant 0 : i32
    %c0_i32_0 = arith.constant 0 : i32
    return %arg0, %c0_i32 : i32, i32
  }
  func.func @transform_2(%arg0: i32) -> (i32, i32) {
    %c0_i32 = arith.constant 0 : i32
    %c0_i32_0 = arith.constant 0 : i32
    return %arg0, %c0_i32 : i32, i32
  }
  func.func @transform_3(%arg0: i32) -> (i32, i32) {
    %c0_i32 = arith.constant 0 : i32
    %c0_i32_0 = arith.constant 0 : i32
    %c0_i32_1 = arith.constant 0 : i32
    return %c0_i32, %c0_i32_0 : i32, i32
  }
  func.func @transform_4(%arg0: i32) -> (i32, i32) {
    %c0_i32 = arith.constant 0 : i32
    %c0_i32_0 = arith.constant 0 : i32
    %c0_i32_1 = arith.constant 0 : i32
    return %c0_i32, %c0_i32_0 : i32, i32
  }
  func.func @transform_5(%arg0: i32) -> (i32, i32) {
    %c0_i32 = arith.constant 0 : i32
    %c0_i32_0 = arith.constant 0 : i32
    return %arg0, %c0_i32 : i32, i32
  }
}

module attributes {stable_mosaic.version = 14 : i64} {
  func.func @_out_body(%arg0: i32, %arg1: memref<1024x128xf32, #tpu.memory_space<vmem>>, %arg2: memref<1024x128xf32, #tpu.memory_space<vmem>>, %arg3: memref<1024x128xf32, #tpu.memory_space<vmem>>, %arg4: memref<128x64xf32, #tpu.memory_space<vmem>>, %arg5: memref<1x64xf32, #tpu.memory_space<vmem>>, %arg6: memref<128x64xf32, #tpu.memory_space<vmem>>, %arg7: memref<1x64xf32, #tpu.memory_space<vmem>>, %arg8: memref<1024x64xf32, #tpu.memory_space<vmem>>, %arg9: memref<1024x64xf32, #tpu.memory_space<vmem>>) attributes {dimension_semantics = [#tpu.dimension_semantics<arbitrary>], iteration_bounds = array<i64: 10>, scalar_prefetch = 0 : i64, scratch_operands = 0 : i64, tpu.core_type = #tpu.core_type<tc>, window_params = [{transform_indices = @transform_0, window_bounds = array<i64: 1024, 128>}, {transform_indices = @transform_1, window_bounds = array<i64: 1024, 128>}, {transform_indices = @transform_2, window_bounds = array<i64: 1024, 128>}, {pipeline_mode = #tpu.pipeline_mode<synchronous>, transform_indices = @transform_3, window_bounds = array<i64: 128, 64>}, {pipeline_mode = #tpu.pipeline_mode<synchronous>, transform_indices = @transform_4, window_bounds = array<i64: 1, 64>}, {pipeline_mode = #tpu.pipeline_mode<synchronous>, transform_indices = @transform_5, window_bounds = array<i64: 128, 64>}, {pipeline_mode = #tpu.pipeline_mode<synchronous>, transform_indices = @transform_6, window_bounds = array<i64: 1, 64>}, {transform_indices = @transform_7, window_bounds = array<i64: 1024, 64>}, {transform_indices = @transform_8, window_bounds = array<i64: 1024, 64>}]} {
    %get3A = arith.constant 0 : index
    %get3A_0 = arith.constant 0 : index
    %get3A_1 = vector.load %arg1[%get3A, %get3A_0] : memref<1024x128xf32, #tpu.memory_space<vmem>>, vector<1024x128xf32>
    %get3A_2 = arith.constant 0 : index
    %get3A_3 = arith.constant 0 : index
    %get3A_4 = vector.load %arg2[%get3A_2, %get3A_3] : memref<1024x128xf32, #tpu.memory_space<vmem>>, vector<1024x128xf32>
    %add3A = arith.addf %get3A_1, %get3A_4 : vector<1024x128xf32>
    %get3A_5 = arith.constant 0 : index
    %get3A_6 = arith.constant 0 : index
    %get3A_7 = vector.load %arg3[%get3A_5, %get3A_6] : memref<1024x128xf32, #tpu.memory_space<vmem>>, vector<1024x128xf32>
    %mul3A = arith.mulf %add3A, %get3A_7 : vector<1024x128xf32>
    %get3A_8 = arith.constant 0 : index
    %get3A_9 = arith.constant 0 : index
    %get3A_10 = vector.load %arg4[%get3A_8, %get3A_9] : memref<128x64xf32, #tpu.memory_space<vmem>>, vector<128x64xf32>
    %dot_general3A = arith.constant dense<0.000000e+00> : vector<1024x64xf32>
    %dot_general3A_11 = tpu.matmul %mul3A, %get3A_10, %dot_general3A {dimension_numbers = #tpu.dot_dimension_numbers<[1], [0], [0], [1], [0, 0, 1, 1], [], []>, transpose_lhs_hint = false} : vector<1024x128xf32>, vector<128x64xf32>, vector<1024x64xf32> -> vector<1024x64xf32>
    %get3A_12 = arith.constant 0 : index
    %get3A_13 = arith.constant 0 : index
    %get3A_14 = vector.load %arg5[%get3A_12, %get3A_13] : memref<1x64xf32, #tpu.memory_space<vmem>>, vector<1x64xf32>
    %add3A_15 = vector.broadcast %get3A_14 : vector<1x64xf32> to vector<1024x64xf32>
    %add3A_16 = arith.addf %dot_general3A_11, %add3A_15 : vector<1024x64xf32>
    %swap3A = arith.constant 0 : index
    %swap3A_17 = arith.constant 0 : index
    %swap3A_18 = vector.load %arg8[%swap3A, %swap3A_17] : memref<1024x64xf32, #tpu.memory_space<vmem>>, vector<1024x64xf32>
    tpu.vector_store %arg8[%swap3A, %swap3A_17], %add3A_16 {strides = array<i32>} : memref<1024x64xf32, #tpu.memory_space<vmem>>, vector<1024x64xf32>,
    %get3A_19 = arith.constant 0 : index
    %get3A_20 = arith.constant 0 : index
    %get3A_21 = vector.load %arg6[%get3A_19, %get3A_20] : memref<128x64xf32, #tpu.memory_space<vmem>>, vector<128x64xf32>
    %dot_general3A_22 = arith.constant dense<0.000000e+00> : vector<1024x64xf32>
    %dot_general3A_23 = tpu.matmul %mul3A, %get3A_21, %dot_general3A_22 {dimension_numbers = #tpu.dot_dimension_numbers<[1], [0], [0], [1], [0, 0, 1, 1], [], []>, transpose_lhs_hint = false} : vector<1024x128xf32>, vector<128x64xf32>, vector<1024x64xf32> -> vector<1024x64xf32>
    %get3A_24 = arith.constant 0 : index
    %get3A_25 = arith.constant 0 : index
    %get3A_26 = vector.load %arg7[%get3A_24, %get3A_25] : memref<1x64xf32, #tpu.memory_space<vmem>>, vector<1x64xf32>
    %add3A_27 = vector.broadcast %get3A_26 : vector<1x64xf32> to vector<1024x64xf32>
    %add3A_28 = arith.addf %dot_general3A_23, %add3A_27 : vector<1024x64xf32>
    %exp3A = math.exp %add3A_28 : vector<1024x64xf32>
    %swap3A_29 = arith.constant 0 : index
    %swap3A_30 = arith.constant 0 : index
    %swap3A_31 = vector.load %arg9[%swap3A_29, %swap3A_30] : memref<1024x64xf32, #tpu.memory_space<vmem>>, vector<1024x64xf32>
    tpu.vector_store %arg9[%swap3A_29, %swap3A_30], %exp3A {strides = array<i32>} : memref<1024x64xf32, #tpu.memory_space<vmem>>, vector<1024x64xf32>,
    return
  }
  func.func @transform_0(%arg0: i32) -> (i32, i32) {
    %c0_i32 = arith.constant 0 : i32
    %c0_i32_0 = arith.constant 0 : i32
    return %arg0, %c0_i32 : i32, i32
  }
  func.func @transform_1(%arg0: i32) -> (i32, i32) {
    %c0_i32 = arith.constant 0 : i32
    %c0_i32_0 = arith.constant 0 : i32
    return %arg0, %c0_i32 : i32, i32
  }
  func.func @transform_2(%arg0: i32) -> (i32, i32) {
    %c0_i32 = arith.constant 0 : i32
    %c0_i32_0 = arith.constant 0 : i32
    return %arg0, %c0_i32 : i32, i32
  }
  func.func @transform_3(%arg0: i32) -> (i32, i32) {
    %c0_i32 = arith.constant 0 : i32
    %c0_i32_0 = arith.constant 0 : i32
    %c0_i32_1 = arith.constant 0 : i32
    return %c0_i32, %c0_i32_0 : i32, i32
  }
  func.func @transform_4(%arg0: i32) -> (i32, i32) {
    %c0_i32 = arith.constant 0 : i32
    %c0_i32_0 = arith.constant 0 : i32
    %c0_i32_1 = arith.constant 0 : i32
    return %c0_i32, %c0_i32_0 : i32, i32
  }
  func.func @transform_5(%arg0: i32) -> (i32, i32) {
    %c0_i32 = arith.constant 0 : i32
    %c0_i32_0 = arith.constant 0 : i32
    %c0_i32_1 = arith.constant 0 : i32
    return %c0_i32, %c0_i32_0 : i32, i32
  }
  func.func @transform_6(%arg0: i32) -> (i32, i32) {
    %c0_i32 = arith.constant 0 : i32
    %c0_i32_0 = arith.constant 0 : i32
    %c0_i32_1 = arith.constant 0 : i32
    return %c0_i32, %c0_i32_0 : i32, i32
  }
  func.func @transform_7(%arg0: i32) -> (i32, i32) {
    %c0_i32 = arith.constant 0 : i32
    %c0_i32_0 = arith.constant 0 : i32
    return %arg0, %c0_i32 : i32, i32
  }
  func.func @transform_8(%arg0: i32) -> (i32, i32) {
    %c0_i32 = arith.constant 0 : i32
    %c0_i32_0 = arith.constant 0 : i32
    return %arg0, %c0_i32 : i32, i32
  }
}

</mosaic_0001>

<sc_bundles>
// kernel: kernel.11.cloned.1.call-start
scs
__scs_entry_jumppad:
0x0: {  	(pc) =	sbr.rel $0x88, $3  }
0x1: {  	(tag) =	ssettag $0x0;
	lr =	simm.s32 $0x1  }
0x2: {  	[smem:$0x3F99] =	sst lr;
	_ =	strace $0xD0000000  }
0x3: {  	_ = 	snop  }
0x4: {  	_ = 	snop  }
0x5: {  	_ = 	snop  }
0x6: {  	_ = 	snop  }
0x7: {  	_ = 	snop  }
__scs_overlays_trampoline_lowered:
0x8: {  	[smem:$0x3FA8] =	sst s0  }
0x9: {  	[smem:$0x3FA9] =	sst s1  }
0xa: {  	[smem:$0x3FAA] =	sst s2  }
0xb: {  	[smem:$0x3FAB] =	sst s3  }
0xc: {  	[smem:$0x3FAC] =	sst s4  }
0xd: {  	[smem:$0x3FAD] =	sst s5  }
0xe: {  	[smem:$0x3FAE] =	sst s6  }
0xf: {  	[smem:$0x3FAF] =	sst s7  }
0x10: {  	[smem:$0x3FB0] =	sst s8  }
0x11: {  	[smem:$0x3FB1] =	sst s9;
	s0 =	simm.s32 @!p0 $0x0  }
0x12: {  	s1 =	sld [smem:$0x3F97];
	s0 =	simm.s32 @p0 $0x1  }
0x13: {  	[smem:$0x3FB2] =	sst s0;
	s0 =	simm.s32 @!p1 $0x0  }
0x14: {  	s2 =	sld [smem:$0x3F96];
	s0 =	simm.s32 @p1 $0x1  }
0x15: {  	[smem:$0x3FB3] =	sst s0;
	s0 =	simm.s32 @!p2 $0x0  }
0x16: {  	s3 =	sld [smem:$0x3FDB];
	s0 =	simm.s32 @p2 $0x1  }
0x17: {  	s4 =	simm.s32 $0x1BF5;
	[smem:$0x3FB5] =	sst s0  }
0x18: {  	s0 =	sld [smem:$0x3F98];
	_ =	swait.ge [sflag:s4], $0x0  }
0x19: {  	s7 =	sld [smem:$0x3F99]  }
0x1a: {  	s8 =	sadd.s32 $0xFFFFE003, lr  }
0x1b: {  	s9 =	sadd.s32 $0xFFFFFEF7, lr;
	s5 =	simm.s32 $0xFFFFFFFF;
	p2 =	slt.u32 s8, $0xFFFFF086  }
0x1c: {  	p1 =	slt.u32 s9, $0xF7A;
	s5 =	simm.s32 @!p2 $0x0  }
0x1d: {  	s5 =	simm.s32 @p1 $0x1;
	p0 =	seq.s32 s7, s2  }
0x1e: {  	s7 =	smul.u32 @!p0 $0xF7A, s2;
	p2 =	seq.s32 @!p0 s5, $0x0  }
0x1f: {  	s9 =	smul.u32 $0xF7A, s1;
	s8 =	simm.s32 @!p0 $0x1BF5;
	p2 =	por !p2, p0  }
0x20: {  	[sflag:s8] =	ssyncset.s32 @!p0 $0xFFFFF086;
	s6 =	sadd.s32 @!p0 s3, s7;
	s7 =	simm.s32 @!p0 $0x108  }
0x21: {  	s3 =	sadd.s32 s3, s9;
	s6 =	sadd.s32 @!p0 $0x88, s6;
	s7 =	simm.s32 @p2 $0x1082  }
0x22: {  	[simem:s7], [sflag:s8] =	dma.local @!p0 [hbm:s6], $0xF7A  }
0x23: {  	s9 =	sor.u32 $0xD0000000, s2;
	s6 =	simm.s32 $0x108;
	_ =	swait.ge @!p0 [sflag:s8], $0x0  }
0x24: {  	s3 =	sadd.s32 $0x88, s3;
	s6 =	simm.s32 @!p1 $0x1082;
	[sflag:s4] =	ssyncset.s32 $0xFFFFF086  }
0x25: {  	[simem:s6], [sflag:s4] =	dma.local [hbm:s3], $0xF7A  }
0x26: {  	[smem:$0x3F99] =	sst s1;
	(tag) =	ssettag s2;
	_ =	strace s9  }
0x27: {  	s1 =	sld [smem:$0x3FA9]  }
0x28: {  	s2 =	sld [smem:$0x3FAA]  }
0x29: {  	s4 =	sld [smem:$0x3FAC]  }
0x2a: {  	p0 =	seq.s32 s5, $0x0;
	s5 =	sld [smem:$0x3FAD]  }
0x2b: {  	s6 =	sld [smem:$0x3FAE]  }
0x2c: {  	s7 =	sld [smem:$0x3FAF]  }
0x2d: {  	s3 =	simm.s32 $0x108;
	s8 =	sld [smem:$0x3FB0]  }
0x2e: {  	s3 =	simm.s32 @!p0 $0x1082;
	s9 =	sld [smem:$0x3FB1]  }
0x2f: {  	lr =	sadd.s32 s0, s3;
	s0 =	sld [smem:$0x3FA8]  }
0x30: {  	s3 =	sld [smem:$0x3FAB]  }
0x31: {  	[smem:$0x3FB4] =	sst s10  }
0x32: {  	s10 =	sld [smem:$0x3FB2];
	_ =	sdelay $0x3  }
0x33: {  	p0 =	seq.s32 s10, $0x1;
	s10 =	sld [smem:$0x3FB4];
	_ =	sdelay $0x3  }
0x34: {  	[smem:$0x3FB4] =	sst s10  }
0x35: {  	s10 =	sld [smem:$0x3FB3];
	_ =	sdelay $0x3  }
0x36: {  	p1 =	seq.s32 s10, $0x1;
	s10 =	sld [smem:$0x3FB4];
	_ =	sdelay $0x3  }
0x37: {  	[smem:$0x3FB4] =	sst s10  }
0x38: {  	s10 =	sld [smem:$0x3FB5]  }
0x39: {  	_ = 	snop;
	(pc) =	sbr.ind lr, $3  }
0x3a: {  	_ = 	snop  }
0x3b: {  	_ = 	snop  }
0x3c: {  	p2 =	seq.s32 s10, $0x1;
	s10 =	sld [smem:$0x3FB4]  }
0x3d: {  	_ =	shalt  }
0x3e: {  	_ =	shalt  }
0x3f: {  	_ =	shalt  }
0x40: {  	_ =	shalt  }
0x41: {  	_ =	shalt  }
0x42: {  	_ =	shalt  }
0x43: {  	_ =	shalt  }
0x44: {  	_ =	shalt  }
0x45: {  	_ =	shalt  }
0x46: {  	_ =	shalt  }
0x47: {  	_ =	shalt  }
0x48: {  	_ =	shalt  }
0x49: {  	_ =	shalt  }
0x4a: {  	_ =	shalt  }
0x4b: {  	_ =	shalt  }
0x4c: {  	_ =	shalt  }
0x4d: {  	_ =	shalt  }
0x4e: {  	_ =	shalt  }
0x4f: {  	_ =	shalt  }
0x50: {  	_ =	shalt  }
0x51: {  	_ =	shalt  }
0x52: {  	_ =	shalt  }
0x53: {  	_ =	shalt  }
0x54: {  	_ =	shalt  }
0x55: {  	_ =	shalt  }
0x56: {  	_ =	shalt  }
0x57: {  	_ =	shalt  }
0x58: {  	_ =	shalt  }
0x59: {  	_ =	shalt  }
0x5a: {  	_ =	shalt  }
0x5b: {  	_ =	shalt  }
0x5c: {  	_ =	shalt  }
0x5d: {  	_ =	shalt  }
0x5e: {  	_ =	shalt  }
0x5f: {  	_ =	shalt  }
0x60: {  	_ =	shalt  }
0x61: {  	_ =	shalt  }
0x62: {  	_ =	shalt  }
0x63: {  	_ =	shalt  }
0x64: {  	_ =	shalt  }
0x65: {  	_ =	shalt  }
0x66: {  	_ =	shalt  }
0x67: {  	_ =	shalt  }
0x68: {  	_ =	shalt  }
0x69: {  	_ =	shalt  }
0x6a: {  	_ =	shalt  }
0x6b: {  	_ =	shalt  }
0x6c: {  	_ =	shalt  }
0x6d: {  	_ =	shalt  }
0x6e: {  	_ =	shalt  }
0x6f: {  	_ =	shalt  }
0x70: {  	_ =	shalt  }
0x71: {  	_ =	shalt  }
0x72: {  	_ =	shalt  }
0x73: {  	_ =	shalt  }
0x74: {  	_ =	shalt  }
0x75: {  	_ =	shalt  }
0x76: {  	_ =	shalt  }
0x77: {  	_ =	shalt  }
0x78: {  	_ =	shalt  }
0x79: {  	_ =	shalt  }
0x7a: {  	_ =	shalt  }
0x7b: {  	_ =	shalt  }
0x7c: {  	_ =	shalt  }
0x7d: {  	_ =	shalt  }
0x7e: {  	_ =	shalt  }
0x7f: {  	_ =	shalt  }
0x80: {  	_ =	shalt  }
0x81: {  	_ =	shalt  }
0x82: {  	_ =	shalt  }
0x83: {  	_ =	shalt  }
0x84: {  	_ =	shalt  }
0x85: {  	_ =	shalt  }
0x86: {  	_ =	shalt  }
0x87: {  	_ =	shalt  }
.Lfunc_end0:
.L_simem_size_0:
called_computation.1_lowered:
.L_overlay_start_0:
0x88: {  	s2 =	sld [smem:$0x3FD9]  }
0x89: {  	s3 =	sld [smem:$0x3FFE];
	_ =	sdelay $0x1  }
0x8a: {  	s1 =	srdreg.scid  }
0x8b: {  	s0 =	sand.u32 $0x1, s1  }
0x8c: {  	s14 =	sshll.u32 s0, $0xA;
	s2 =	sadd.s32 s3, s2  }
0x8d: {  	s2 =	sadd.s32 s2, s14  }
0x8e: {  	[smem:$0x3FC0] =	sst s2  }
0x8f: {  	_ = 	snop  }
0x90: {  	s2 =	sld [smem:$0x3FD0];
	_ =	sdelay $0x2  }
0x91: {  	s15 =	simm.s32 $0xA;
	s4 =	simm.s32 $0x10  }
0x92: {  	[smem:s4], [sflag:s15] =	dma.local [hbm:s2], $0x1  }
0x93: {  	_ =	swait.eq [sflag:s15], $0x1  }
0x94: {  	[sflag:s15] =	ssyncset.done $0x0  }
0x95: {  	s16 =	sld [smem:$0x10];
	[sflag:s15] =	ssyncadd.s32 $0xFFFFFFFF  }
0x96: {  	s17 =	sld [smem:$0x11];
	(tm) =	ssettm $0x1  }
0x97: {  	s18 =	sld [smem:$0x3FFB];
	_ =	sdelay $0x3  }
0x98: {  	_ =	strace s18  }
0x99: {  	s4 =	sld [smem:$0x3FFC];
	_ =	sdelay $0x3  }
0x9a: {  	_ =	strace s4  }
0x9b: {  	s4 =	sld [smem:$0x3FFD];
	_ =	sdelay $0x3  }
0x9c: {  	_ =	strace s4  }
0x9d: {  	_ =	strace $0x8FFFFFFF  }
0x9e: {  	s19 =	sld [smem:$0x3FDB];
	_ =	sdelay $0x1  }
0x9f: {  	s5 =	simm.s32 $_scs_section_size  }
0xa0: {  	s6 =	simm.s32 $_size__tile_overlayer_lowered;
	s7 =	simm.s32 $_tile_overlayer_lowered  }
0xa1: {  	s22 =	simm.s32 $0x1BFF;
	s21 =	sshll.u32 s7, $0x1;
	s4 =	sadd.s32 s5, s19  }
0xa2: {  	s8 =	simm.s32 $0x0;
	s20 =	sshll.u32 s6, $0x1;
	s6 =	sadd.s32 s21, s4  }
0xa3: {  	[timem:s8], [sflag:s22] =	dma.local [hbm:s6], s20  }
0xa4: {  	_ =	swait.ge [sflag:s22], s20  }
0xa5: {  	s5 =	ssub.s32 $0x0, s20;
	[sflag:s22] =	ssyncset.done $0x0  }
0xa6: {  	[sflag:s22] =	ssyncadd.s32 s5;
	_ =	sdelay $0x1  }
0xa7: {  	s23 =	simm.s32 $0x1B8B  }
0xa8: {  	_ =	swait.ge [sflag:s23], $0x1  }
0xa9: {  	[sflag:s23] =	ssyncset.done $0x0  }
0xaa: {  	s25 =	simm.s32 $0x1B8E;
	s24 =	sld [smem:$0x3FFE];
	[sflag:s23] =	ssyncadd.s32 $0xFFFFFFFF  }
0xab: {  	s26 =	simm.s32 $execute0_lowered;
	[smem:$0x3FD2] =	sst s25  }
0xac: {  	s6 =	sshll.u32 s26, $0x1;
	_ =	strace $0x80000049;
	[dreg:$0x1] =	wrdreg $0xFFFFFFFF  }
0xad: {  	s28 =	simm.s32 $_size_execute0_lowered;
	s4 =	sadd.s32 s4, s6;
	[dreg:$0x0] =	wrdreg $0x0  }
0xae: {  	s6 =	sshll.u32 s28, $0x1;
	[dreg:$0x2] =	wrdreg s4  }
0xaf: {  	[dreg:$0x3] =	wrdreg s6  }
0xb0: {  	[dreg:$0x4] =	wrdreg $0xC0  }
0xb1: {  	_ =	task [dreg:s8], $0x5FFFF  }
0xb2: {  	[dreg:$0x1] =	wrdreg $0xFFFFFFFF  }
0xb3: {  	[dreg:$0x0] =	wrdreg $0x60  }
0xb4: {  	[dreg:$0x2] =	wrdreg s16  }
0xb5: {  	[dreg:$0x3] =	wrdreg s17  }
0xb6: {  	[dreg:$0x4] =	wrdreg s24  }
0xb7: {  	[dreg:$0x5] =	wrdreg $0xA0000  }
0xb8: {  	[dreg:$0x6] =	wrdreg $0x9  }
0xb9: {  	_ =	task.clear_ibuf [dreg:s8], $0x7FFFF;
	_ =	strace $0x90000049  }
0xba: {  	s29 =	simm.s32 $0x9;
	_ =	strace $0x8000004B  }
0xbb: {  	_ =	swait.ge [sflag:s29], $0x1  }
0xbc: {  	[sflag:s29] =	ssyncadd.s32 $0xFFFFFFFF  }
0xbd: {  	_ =	strace $0x9000004B  }
0xbe: {  	_ =	sfence  }
0xbf: {  	s30 =	sld [smem:$0x0];
	_ =	sdelay $0x2  }
0xc0: {  	s31 =	sshll.u32 s1, $0xD;
	s1 =	sshrl.u32 s1, $0x2  }
0xc1: {  	s3 =	sand.u32 $0x4000, s31;
	s1 =	sadd.s32 s1, s30  }
0xc2: {  	s0 =	sor.u32 s3, s0;
	s1 =	sshll.u32 s1, $0x11  }
0xc3: {  	s0 =	sor.u32 s1, s0  }
0xc4: {  	s0 =	sadd.s32 $0x8F2B, s0  }
0xc5: {  	[sflag:s0] =	ssyncadd.remote.s32 $0x1  }
0xc6: {  	_ =	sfence.sel $0xFFFF  }
0xc7: {  	[dreg:$0x0] =	wrdreg $0xFFFFFFFF;
	(pc) =	sbr.abs _section_cstart, $3  }
0xc8: {  	[dreg:$0x1] =	wrdreg $0xFFFFFFFF  }
0xc9: {  	_ =	task.clear_ibuf [dreg:s8], $0x2FFFF;
	_ =	strace $0x9FFFFFFF  }
0xca: {  	(tm) =	ssettm $0x7FFFFFFF  }
0xcb: {  	_ =	shalt  }
tec
execute0_lowered:
.L_overlay_start_1:
0x0: {  	(tag) =	ssettag $0x1  }
0x1: {  	s1 =	srdreg.scid  }
0x2: {  	s1 =	sand.u32 $0x1, s1  }
0x3: {  	s4 =	rddreg [dreg:$0x0];
	p0 =	seq.s32 s1, $0x1  }
.Ltmp0:
0x4: {  	s6 =	rddreg [dreg:$0x1];
	(pc) =	sbr.rel @p0 .LBB2_14-.Ltmp0, $4  }
0x5: {  	s7 =	rddreg [dreg:$0x2]  }
0x6: {  	s2 =	rddreg [dreg:$0x3];
	s3 =	simm.s32 $0x0  }
0x7: {  	[smem:$0x7FF] =	sst s3  }
0x8: {  	s0 =	rddreg [dreg:$0x4];
	_ =	strace $0x8000004A;
	s1 =	stileid.u32  }
0x9: {  	s3 =	smul.u32 $0x50000, s1  }
0xa: {  	s8 =	smul.u32 $0x2800, s1  }
0xb: {  	s9 =	smul.u32 $0x5000, s1  }
0xc: {  	s29 =	smul.u32 $0xA00, s1  }
0xd: {  	s5 =	sadd.s32 $0x3200, s7;
	s3 =	sshrl.u32 s3, $0x2  }
0xe: {  	s14 =	sadd.s32 s8, s7;
	s30 =	sshrl.u32 s9, $0x3;
	s17 =	sadd.s32 s4, s29  }
0xf: {  	s16 =	sadd.s32 s6, s29;
	s3 =	sadd.s32 s3, s2;
	s9 =	sadd.s32 $0x200, s30  }
0x10: {  	s31 =	sadd.s32 $0x400, s30;
	s15 =	sadd.s32 $0x600, s30;
	s22 =	sadd.s32 $0x800, s30  }
0x11: {  	s21 =	sadd.s32 $0x4000, s3;
	s20 =	sadd.s32 $0x8000, s3;
	s19 =	sadd.s32 $0xC000, s3  }
0x12: {  	s18 =	sadd.s32 $0x10000, s3;
	s13 =	sadd.s32 s4, s9;
	s12 =	sadd.s32 s6, s9  }
0x13: {  	s11 =	sadd.s32 s4, s31;
	s10 =	sadd.s32 s6, s31;
	s9 =	sadd.s32 s4, s15  }
0x14: {  	s8 =	sadd.s32 s6, s15;
	s7 =	sadd.s32 s4, s22;
	s6 =	sadd.s32 s6, s22  }
0x15: {  	v0 =	vimm.f32 $0.0e+00;
	s4 =	sadd.s32 $0x53200, s14;
	s14 =	simm.s32 $0x0;
	s15 =	simm.s32 $0x200  }
.LBB2_2:
0x16: {  	p0 =	sne.s32 s15, $0xFE00;
	[tilespmem:s14+$0x2070] =	vst v0  }
0x17: {  	[tilespmem:s14+$0x2000] =	vst v0  }
0x18: {  	[tilespmem:s14+$0x2010] =	vst v0  }
.Ltmp1:
0x19: {  	[tilespmem:s14+$0x2020] =	vst v0;
	(pc) =	sbr.rel @p0 .LBB2_2-.Ltmp1, $4  }
0x1a: {  	[tilespmem:s14+$0x2030] =	vst v0  }
0x1b: {  	[tilespmem:s14+$0x2040] =	vst v0  }
0x1c: {  	[tilespmem:s14+$0x2050] =	vst v0  }
0x1d: {  	[tilespmem:s14+$0x2060] =	vst v0;
	s14 =	sshra.s32 s15, $0x2;
	s15 =	sadd.s32 $0x200, s15  }
0x1e: {  	[tilespmem:s14+$0x2070] =	vst v0  }
0x1f: {  	[tilespmem:s14+$0x2000] =	vst v0  }
0x20: {  	[tilespmem:s14+$0x2010] =	vst v0  }
0x21: {  	[tilespmem:s14+$0x2020] =	vst v0  }
0x22: {  	[tilespmem:s14+$0x2030] =	vst v0  }
0x23: {  	[tilespmem:s14+$0x2040] =	vst v0  }
0x24: {  	[tilespmem:s14+$0x2050] =	vst v0  }
0x25: {  	[tilespmem:s14+$0x2060] =	vst v0;
	s14 =	simm.s32 $0x2000;
	s15 =	simm.s32 $0x3  }
0x26: {  	[spmem:s3] =	stream.linear.scatter [tilespmem:s14], [sflag:$0x3], $0x4000, $0x38;
	[tilespmem:$0x1E000] =	vst v63  }
0x27: {  	_ =	swait.ge [sflag:s15], $0x4000  }
0x28: {  	[sflag:s15] =	ssyncset.done $0x0  }
0x29: {  	[sflag:s15] =	ssyncadd.s32 $0xFFFFC000  }
0x2a: {  	[spmem:s21] =	stream.linear.scatter [tilespmem:s14], [sflag:$0x3], $0x4000, $0x38;
	[tilespmem:$0x1E000] =	vst v63  }
0x2b: {  	_ =	swait.ge [sflag:s15], $0x4000  }
0x2c: {  	[sflag:s15] =	ssyncset.done $0x0  }
0x2d: {  	[sflag:s15] =	ssyncadd.s32 $0xFFFFC000  }
0x2e: {  	[spmem:s20] =	stream.linear.scatter [tilespmem:s14], [sflag:$0x3], $0x4000, $0x38;
	[tilespmem:$0x1E000] =	vst v63  }
0x2f: {  	_ =	swait.ge [sflag:s15], $0x4000  }
0x30: {  	[sflag:s15] =	ssyncset.done $0x0  }
0x31: {  	[sflag:s15] =	ssyncadd.s32 $0xFFFFC000  }
0x32: {  	[spmem:s19] =	stream.linear.scatter [tilespmem:s14], [sflag:$0x3], $0x4000, $0x38;
	[tilespmem:$0x1E000] =	vst v63  }
0x33: {  	_ =	swait.ge [sflag:s15], $0x4000  }
0x34: {  	[sflag:s15] =	ssyncset.done $0x0  }
0x35: {  	[sflag:s15] =	ssyncadd.s32 $0xFFFFC000  }
0x36: {  	[spmem:s18] =	stream.linear.scatter [tilespmem:s14], [sflag:$0x3], $0x4000, $0x38;
	[tilespmem:$0x1E000] =	vst v63  }
0x37: {  	_ =	swait.ge [sflag:s15], $0x4000  }
0x38: {  	[sflag:s15] =	ssyncset.done $0x0  }
0x39: {  	[sflag:s15] =	ssyncadd.s32 $0xFFFFC000  }
0x3a: {  	s26 =	simm.s32 $0x0;
	[bflag:$0x0] =	sbarrier.arrive $0xFFFF  }
0x3b: {  	[tilespmem:s26], [sflag:$0x3] =	stream.linear.gather [hbm4b:s17+s26], $0x1000, $0x38;
	[tilespmem:$0x1E000] =	vst v63  }
0x3c: {  	_ =	swait.ge [sflag:s15], $0x1000  }
0x3d: {  	[sflag:s15] =	ssyncset.done $0x0  }
0x3e: {  	s28 =	simm.s32 $0x1000;
	[sflag:s15] =	ssyncadd.s32 $0xFFFFF000  }
0x3f: {  	[tilespmem:s28], [sflag:$0x3] =	stream.linear.gather [hbm4b:s16+s26], $0x1000, $0x38;
	[tilespmem:$0x1E000] =	vst v63  }
0x40: {  	_ =	swait.ge [sflag:s15], $0x1000  }
0x41: {  	[sflag:s15] =	ssyncset.done $0x0  }
0x42: {  	s16 =	simm.s32 $0x80;
	[sflag:s15] =	ssyncadd.s32 $0xFFFFF000  }
0x43: {  	[tilespmem:s14], [sflag:$0x1] =	stream.indirect.gather [hbm4b:s5+s16], $0x80, s26, s16, $0xb8;
	[tilespmem:$0x1E000] =	vst v63  }
0x44: {  	s18 =	simm.s32 $0x1;
	s17 =	simm.s32 $0x6000  }
0x45: {  	[tilespmem:s17], [sflag:$0x2] =	stream.indirect.gather [hbm4b:s5+s16], $0x80, s16, s16, $0xb8;
	[tilespmem:$0x1E000] =	vst v63  }
0x46: {  	_ =	swait.ge [sflag:s18], $0x4000  }
0x47: {  	[sflag:s18] =	ssyncset.done $0x0  }
0x48: {  	s29 =	simm.s32 $0x1000;
	[sflag:s18] =	ssyncadd.s32 $0xFFFFC000  }
0x49: {  	[spmem:s2] =	stream.indirect.scatter.add.f32 [tilespmem:s14], [sflag:$0x3], $0x80, s29, s16, $0xb8;
	[tilespmem:$0x1E000] =	vst v63  }
0x4a: {  	_ =	swait.ge [sflag:s15], $0x4000  }
0x4b: {  	[sflag:s15] =	ssyncset.done $0x0  }
0x4c: {  	s30 =	simm.s32 $0x100;
	s19 =	simm.s32 $0x2;
	[sflag:s15] =	ssyncadd.s32 $0xFFFFC000  }
0x4d: {  	[tilespmem:s14], [sflag:$0x1] =	stream.indirect.gather [hbm4b:s5+s16], $0x80, s30, s16, $0xb8;
	[tilespmem:$0x1E000] =	vst v63  }
0x4e: {  	_ =	swait.ge [sflag:s19], $0x4000  }
0x4f: {  	[sflag:s19] =	ssyncset.done $0x0  }
0x50: {  	s31 =	simm.s32 $0x1080;
	[sflag:s19] =	ssyncadd.s32 $0xFFFFC000  }
0x51: {  	[spmem:s2] =	stream.indirect.scatter.add.f32 [tilespmem:s17], [sflag:$0x3], $0x80, s31, s16, $0xb8;
	[tilespmem:$0x1E000] =	vst v63  }
0x52: {  	_ =	swait.ge [sflag:s15], $0x4000  }
0x53: {  	[sflag:s15] =	ssyncset.done $0x0  }
0x54: {  	s21 =	simm.s32 $0x180;
	s20 =	simm.s32 $0x400;
	[sflag:s15] =	ssyncadd.s32 $0xFFFFC000  }
.LBB2_4:
0x55: {  	[tilespmem:s17], [sflag:$0x2] =	stream.indirect.gather [hbm4b:s5+s16], $0x80, s21, s16, $0xb8;
	[tilespmem:$0x1E000] =	vst v63  }
0x56: {  	s21 =	smov.u32 s20  }
0x57: {  	p0 =	sne.s32 s20, $0x3800;
	s20 =	sadd.s32 $0x400, s20;
	_ =	swait.ge [sflag:s18], $0x4000  }
0x58: {  	s21 =	sshra.s32 s21, $0x2;
	[sflag:s18] =	ssyncset.done $0x0  }
0x59: {  	s22 =	sadd.s32 $0x1000, s21;
	[sflag:s18] =	ssyncadd.s32 $0xFFFFC000  }
0x5a: {  	[spmem:s2] =	stream.indirect.scatter.add.f32 [tilespmem:s14], [sflag:$0x3], $0x80, s22, s16, $0xb8;
	[tilespmem:$0x1E000] =	vst v63  }
0x5b: {  	_ =	swait.ge [sflag:s15], $0x4000  }
0x5c: {  	[sflag:s15] =	ssyncset.done $0x0  }
0x5d: {  	s22 =	sadd.s32 $0x100, s21;
	[sflag:s15] =	ssyncadd.s32 $0xFFFFC000  }
0x5e: {  	[tilespmem:s14], [sflag:$0x1] =	stream.indirect.gather [hbm4b:s5+s16], $0x80, s22, s16, $0xb8;
	[tilespmem:$0x1E000] =	vst v63  }
0x5f: {  	_ =	swait.ge [sflag:s19], $0x4000  }
0x60: {  	[sflag:s19] =	ssyncset.done $0x0  }
.Ltmp2:
0x61: {  	s22 =	sadd.s32 $0x1080, s21;
	[sflag:s19] =	ssyncadd.s32 $0xFFFFC000;
	(pc) =	sbr.rel @p0 .LBB2_4-.Ltmp2, $4  }
0x62: {  	[spmem:s2] =	stream.indirect.scatter.add.f32 [tilespmem:s17], [sflag:$0x3], $0x80, s22, s16, $0xb8;
	[tilespmem:$0x1E000] =	vst v63  }
0x63: {  	_ =	swait.ge [sflag:s15], $0x4000  }
0x64: {  	[sflag:s15] =	ssyncset.done $0x0  }
0x65: {  	s21 =	sadd.s32 $0x180, s21;
	[sflag:s15] =	ssyncadd.s32 $0xFFFFC000  }
0x66: {  	[tilespmem:s17], [sflag:$0x2] =	stream.indirect.gather [hbm4b:s5+s16], $0x80, s21, s16, $0xb8;
	[tilespmem:$0x1E000] =	vst v63  }
0x67: {  	s14 =	simm.s32 $0x1  }
0x68: {  	_ =	swait.ge [sflag:s14], $0x4000  }
0x69: {  	s15 =	simm.s32 $0x80;
	s25 =	simm.s32 $0x1F00;
	[sflag:s14] =	ssyncset.done $0x0  }
0x6a: {  	s16 =	simm.s32 $0x2000;
	s17 =	simm.s32 $0x3;
	[sflag:s14] =	ssyncadd.s32 $0xFFFFC000  }
0x6b: {  	[spmem:s2] =	stream.indirect.scatter.add.f32 [tilespmem:s16], [sflag:$0x3], $0x80, s25, s15, $0xb8;
	[tilespmem:$0x1E000] =	vst v63  }
0x6c: {  	_ =	swait.ge [sflag:s17], $0x4000  }
0x6d: {  	[sflag:s17] =	ssyncset.done $0x0  }
0x6e: {  	s18 =	simm.s32 $0x2;
	[sflag:s17] =	ssyncadd.s32 $0xFFFFC000  }
0x6f: {  	_ =	swait.ge [sflag:s18], $0x4000  }
0x70: {  	[sflag:s18] =	ssyncset.done $0x0  }
0x71: {  	s20 =	simm.s32 $0x1F80;
	s19 =	simm.s32 $0x6000;
	[sflag:s18] =	ssyncadd.s32 $0xFFFFC000  }
0x72: {  	[spmem:s2] =	stream.indirect.scatter.add.f32 [tilespmem:s19], [sflag:$0x3], $0x80, s20, s15, $0xb8;
	[tilespmem:$0x1E000] =	vst v63  }
0x73: {  	_ =	swait.ge [sflag:s17], $0x4000  }
0x74: {  	[sflag:s17] =	ssyncset.done $0x0  }
0x75: {  	s26 =	simm.s32 $0x0;
	[sflag:s17] =	ssyncadd.s32 $0xFFFFC000  }
0x76: {  	[tilespmem:s26], [sflag:$0x3] =	stream.linear.gather [hbm4b:s13+s26], $0x1000, $0x38;
	[tilespmem:$0x1E000] =	vst v63  }
0x77: {  	_ =	swait.ge [sflag:s17], $0x1000  }
0x78: {  	[sflag:s17] =	ssyncset.done $0x0  }
0x79: {  	s28 =	simm.s32 $0x1000;
	[sflag:s17] =	ssyncadd.s32 $0xFFFFF000  }
0x7a: {  	[tilespmem:s28], [sflag:$0x3] =	stream.linear.gather [hbm4b:s12+s26], $0x1000, $0x38;
	[tilespmem:$0x1E000] =	vst v63  }
0x7b: {  	_ =	swait.ge [sflag:s17], $0x1000  }
0x7c: {  	[sflag:s17] =	ssyncset.done $0x0  }
0x7d: {  	[sflag:s17] =	ssyncadd.s32 $0xFFFFF000  }
0x7e: {  	[tilespmem:s16], [sflag:$0x1] =	stream.indirect.gather [hbm4b:s5+s15], $0x80, s26, s15, $0xb8;
	[tilespmem:$0x1E000] =	vst v63  }
0x7f: {  	_ = 	snop  }
0x80: {  	[tilespmem:s19], [sflag:$0x2] =	stream.indirect.gather [hbm4b:s5+s15], $0x80, s15, s15, $0xb8;
	[tilespmem:$0x1E000] =	vst v63  }
0x81: {  	_ =	swait.ge [sflag:s14], $0x4000  }
0x82: {  	[sflag:s14] =	ssyncset.done $0x0  }
0x83: {  	s29 =	simm.s32 $0x1000;
	[sflag:s14] =	ssyncadd.s32 $0xFFFFC000  }
0x84: {  	[spmem:s2] =	stream.indirect.scatter.add.f32 [tilespmem:s16], [sflag:$0x3], $0x80, s29, s15, $0xb8;
	[tilespmem:$0x1E000] =	vst v63  }
0x85: {  	_ =	swait.ge [sflag:s17], $0x4000  }
0x86: {  	[sflag:s17] =	ssyncset.done $0x0  }
0x87: {  	s30 =	simm.s32 $0x100;
	[sflag:s17] =	ssyncadd.s32 $0xFFFFC000  }
0x88: {  	[tilespmem:s16], [sflag:$0x1] =	stream.indirect.gather [hbm4b:s5+s15], $0x80, s30, s15, $0xb8;
	[tilespmem:$0x1E000] =	vst v63  }
0x89: {  	_ =	swait.ge [sflag:s18], $0x4000  }
0x8a: {  	[sflag:s18] =	ssyncset.done $0x0  }
0x8b: {  	s31 =	simm.s32 $0x1080;
	[sflag:s18] =	ssyncadd.s32 $0xFFFFC000  }
0x8c: {  	[spmem:s2] =	stream.indirect.scatter.add.f32 [tilespmem:s19], [sflag:$0x3], $0x80, s31, s15, $0xb8;
	[tilespmem:$0x1E000] =	vst v63  }
0x8d: {  	_ =	swait.ge [sflag:s17], $0x4000  }
0x8e: {  	[sflag:s17] =	ssyncset.done $0x0  }
0x8f: {  	s13 =	simm.s32 $0x180;
	s12 =	simm.s32 $0x400;
	[sflag:s17] =	ssyncadd.s32 $0xFFFFC000  }
.LBB2_6:
0x90: {  	[tilespmem:s19], [sflag:$0x2] =	stream.indirect.gather [hbm4b:s5+s15], $0x80, s13, s15, $0xb8;
	[tilespmem:$0x1E000] =	vst v63  }
0x91: {  	s13 =	smov.u32 s12  }
0x92: {  	p0 =	sne.s32 s12, $0x3800;
	s12 =	sadd.s32 $0x400, s12;
	_ =	swait.ge [sflag:s14], $0x4000  }
0x93: {  	s13 =	sshra.s32 s13, $0x2;
	[sflag:s14] =	ssyncset.done $0x0  }
0x94: {  	s20 =	sadd.s32 $0x1000, s13;
	[sflag:s14] =	ssyncadd.s32 $0xFFFFC000  }
0x95: {  	[spmem:s2] =	stream.indirect.scatter.add.f32 [tilespmem:s16], [sflag:$0x3], $0x80, s20, s15, $0xb8;
	[tilespmem:$0x1E000] =	vst v63  }
0x96: {  	_ =	swait.ge [sflag:s17], $0x4000  }
0x97: {  	[sflag:s17] =	ssyncset.done $0x0  }
0x98: {  	s20 =	sadd.s32 $0x100, s13;
	[sflag:s17] =	ssyncadd.s32 $0xFFFFC000  }
0x99: {  	[tilespmem:s16], [sflag:$0x1] =	stream.indirect.gather [hbm4b:s5+s15], $0x80, s20, s15, $0xb8;
	[tilespmem:$0x1E000] =	vst v63  }
0x9a: {  	_ =	swait.ge [sflag:s18], $0x4000  }
0x9b: {  	[sflag:s18] =	ssyncset.done $0x0  }
.Ltmp3:
0x9c: {  	s20 =	sadd.s32 $0x1080, s13;
	[sflag:s18] =	ssyncadd.s32 $0xFFFFC000;
	(pc) =	sbr.rel @p0 .LBB2_6-.Ltmp3, $4  }
0x9d: {  	[spmem:s2] =	stream.indirect.scatter.add.f32 [tilespmem:s19], [sflag:$0x3], $0x80, s20, s15, $0xb8;
	[tilespmem:$0x1E000] =	vst v63  }
0x9e: {  	_ =	swait.ge [sflag:s17], $0x4000  }
0x9f: {  	[sflag:s17] =	ssyncset.done $0x0  }
0xa0: {  	s13 =	sadd.s32 $0x180, s13;
	[sflag:s17] =	ssyncadd.s32 $0xFFFFC000  }
0xa1: {  	[tilespmem:s19], [sflag:$0x2] =	stream.indirect.gather [hbm4b:s5+s15], $0x80, s13, s15, $0xb8;
	[tilespmem:$0x1E000] =	vst v63  }
0xa2: {  	s12 =	simm.s32 $0x1  }
0xa3: {  	_ =	swait.ge [sflag:s12], $0x4000  }
0xa4: {  	s13 =	simm.s32 $0x80;
	s25 =	simm.s32 $0x1F00;
	[sflag:s12] =	ssyncset.done $0x0  }
0xa5: {  	s14 =	simm.s32 $0x2000;
	s15 =	simm.s32 $0x3;
	[sflag:s12] =	ssyncadd.s32 $0xFFFFC000  }
0xa6: {  	[spmem:s2] =	stream.indirect.scatter.add.f32 [tilespmem:s14], [sflag:$0x3], $0x80, s25, s13, $0xb8;
	[tilespmem:$0x1E000] =	vst v63  }
0xa7: {  	_ =	swait.ge [sflag:s15], $0x4000  }
0xa8: {  	[sflag:s15] =	ssyncset.done $0x0  }
0xa9: {  	s16 =	simm.s32 $0x2;
	[sflag:s15] =	ssyncadd.s32 $0xFFFFC000  }
0xaa: {  	_ =	swait.ge [sflag:s16], $0x4000  }
0xab: {  	[sflag:s16] =	ssyncset.done $0x0  }
0xac: {  	s18 =	simm.s32 $0x1F80;
	s17 =	simm.s32 $0x6000;
	[sflag:s16] =	ssyncadd.s32 $0xFFFFC000  }
0xad: {  	[spmem:s2] =	stream.indirect.scatter.add.f32 [tilespmem:s17], [sflag:$0x3], $0x80, s18, s13, $0xb8;
	[tilespmem:$0x1E000] =	vst v63  }
0xae: {  	_ =	swait.ge [sflag:s15], $0x4000  }
0xaf: {  	[sflag:s15] =	ssyncset.done $0x0  }
0xb0: {  	s26 =	simm.s32 $0x0;
	[sflag:s15] =	ssyncadd.s32 $0xFFFFC000  }
0xb1: {  	[tilespmem:s26], [sflag:$0x3] =	stream.linear.gather [hbm4b:s11+s26], $0x1000, $0x38;
	[tilespmem:$0x1E000] =	vst v63  }
0xb2: {  	_ =	swait.ge [sflag:s15], $0x1000  }
0xb3: {  	[sflag:s15] =	ssyncset.done $0x0  }
0xb4: {  	s28 =	simm.s32 $0x1000;
	[sflag:s15] =	ssyncadd.s32 $0xFFFFF000  }
0xb5: {  	[tilespmem:s28], [sflag:$0x3] =	stream.linear.gather [hbm4b:s10+s26], $0x1000, $0x38;
	[tilespmem:$0x1E000] =	vst v63  }
0xb6: {  	_ =	swait.ge [sflag:s15], $0x1000  }
0xb7: {  	[sflag:s15] =	ssyncset.done $0x0  }
0xb8: {  	[sflag:s15] =	ssyncadd.s32 $0xFFFFF000  }
0xb9: {  	[tilespmem:s14], [sflag:$0x1] =	stream.indirect.gather [hbm4b:s5+s13], $0x80, s26, s13, $0xb8;
	[tilespmem:$0x1E000] =	vst v63  }
0xba: {  	_ = 	snop  }
0xbb: {  	[tilespmem:s17], [sflag:$0x2] =	stream.indirect.gather [hbm4b:s5+s13], $0x80, s13, s13, $0xb8;
	[tilespmem:$0x1E000] =	vst v63  }
0xbc: {  	_ =	swait.ge [sflag:s12], $0x4000  }
0xbd: {  	[sflag:s12] =	ssyncset.done $0x0  }
0xbe: {  	s29 =	simm.s32 $0x1000;
	[sflag:s12] =	ssyncadd.s32 $0xFFFFC000  }
0xbf: {  	[spmem:s2] =	stream.indirect.scatter.add.f32 [tilespmem:s14], [sflag:$0x3], $0x80, s29, s13, $0xb8;
	[tilespmem:$0x1E000] =	vst v63  }
0xc0: {  	_ =	swait.ge [sflag:s15], $0x4000  }
0xc1: {  	[sflag:s15] =	ssyncset.done $0x0  }
0xc2: {  	s30 =	simm.s32 $0x100;
	[sflag:s15] =	ssyncadd.s32 $0xFFFFC000  }
0xc3: {  	[tilespmem:s14], [sflag:$0x1] =	stream.indirect.gather [hbm4b:s5+s13], $0x80, s30, s13, $0xb8;
	[tilespmem:$0x1E000] =	vst v63  }
0xc4: {  	_ =	swait.ge [sflag:s16], $0x4000  }
0xc5: {  	[sflag:s16] =	ssyncset.done $0x0  }
0xc6: {  	s31 =	simm.s32 $0x1080;
	[sflag:s16] =	ssyncadd.s32 $0xFFFFC000  }
0xc7: {  	[spmem:s2] =	stream.indirect.scatter.add.f32 [tilespmem:s17], [sflag:$0x3], $0x80, s31, s13, $0xb8;
	[tilespmem:$0x1E000] =	vst v63  }
0xc8: {  	_ =	swait.ge [sflag:s15], $0x4000  }
0xc9: {  	[sflag:s15] =	ssyncset.done $0x0  }
0xca: {  	s11 =	simm.s32 $0x180;
	s10 =	simm.s32 $0x400;
	[sflag:s15] =	ssyncadd.s32 $0xFFFFC000  }
.LBB2_8:
0xcb: {  	[tilespmem:s17], [sflag:$0x2] =	stream.indirect.gather [hbm4b:s5+s13], $0x80, s11, s13, $0xb8;
	[tilespmem:$0x1E000] =	vst v63  }
0xcc: {  	s11 =	smov.u32 s10  }
0xcd: {  	p0 =	sne.s32 s10, $0x3800;
	s10 =	sadd.s32 $0x400, s10;
	_ =	swait.ge [sflag:s12], $0x4000  }
0xce: {  	s11 =	sshra.s32 s11, $0x2;
	[sflag:s12] =	ssyncset.done $0x0  }
0xcf: {  	s18 =	sadd.s32 $0x1000, s11;
	[sflag:s12] =	ssyncadd.s32 $0xFFFFC000  }
0xd0: {  	[spmem:s2] =	stream.indirect.scatter.add.f32 [tilespmem:s14], [sflag:$0x3], $0x80, s18, s13, $0xb8;
	[tilespmem:$0x1E000] =	vst v63  }
0xd1: {  	_ =	swait.ge [sflag:s15], $0x4000  }
0xd2: {  	[sflag:s15] =	ssyncset.done $0x0  }
0xd3: {  	s18 =	sadd.s32 $0x100, s11;
	[sflag:s15] =	ssyncadd.s32 $0xFFFFC000  }
0xd4: {  	[tilespmem:s14], [sflag:$0x1] =	stream.indirect.gather [hbm4b:s5+s13], $0x80, s18, s13, $0xb8;
	[tilespmem:$0x1E000] =	vst v63  }
0xd5: {  	_ =	swait.ge [sflag:s16], $0x4000  }
0xd6: {  	[sflag:s16] =	ssyncset.done $0x0  }
.Ltmp4:
0xd7: {  	s18 =	sadd.s32 $0x1080, s11;
	[sflag:s16] =	ssyncadd.s32 $0xFFFFC000;
	(pc) =	sbr.rel @p0 .LBB2_8-.Ltmp4, $4  }
0xd8: {  	[spmem:s2] =	stream.indirect.scatter.add.f32 [tilespmem:s17], [sflag:$0x3], $0x80, s18, s13, $0xb8;
	[tilespmem:$0x1E000] =	vst v63  }
0xd9: {  	_ =	swait.ge [sflag:s15], $0x4000  }
0xda: {  	[sflag:s15] =	ssyncset.done $0x0  }
0xdb: {  	s11 =	sadd.s32 $0x180, s11;
	[sflag:s15] =	ssyncadd.s32 $0xFFFFC000  }
0xdc: {  	[tilespmem:s17], [sflag:$0x2] =	stream.indirect.gather [hbm4b:s5+s13], $0x80, s11, s13, $0xb8;
	[tilespmem:$0x1E000] =	vst v63  }
0xdd: {  	s10 =	simm.s32 $0x1  }
0xde: {  	_ =	swait.ge [sflag:s10], $0x4000  }
0xdf: {  	s11 =	simm.s32 $0x80;
	s25 =	simm.s32 $0x1F00;
	[sflag:s10] =	ssyncset.done $0x0  }
0xe0: {  	s12 =	simm.s32 $0x2000;
	s13 =	simm.s32 $0x3;
	[sflag:s10] =	ssyncadd.s32 $0xFFFFC000  }
0xe1: {  	[spmem:s2] =	stream.indirect.scatter.add.f32 [tilespmem:s12], [sflag:$0x3], $0x80, s25, s11, $0xb8;
	[tilespmem:$0x1E000] =	vst v63  }
0xe2: {  	_ =	swait.ge [sflag:s13], $0x4000  }
0xe3: {  	[sflag:s13] =	ssyncset.done $0x0  }
0xe4: {  	s14 =	simm.s32 $0x2;
	[sflag:s13] =	ssyncadd.s32 $0xFFFFC000  }
0xe5: {  	_ =	swait.ge [sflag:s14], $0x4000  }
0xe6: {  	[sflag:s14] =	ssyncset.done $0x0  }
0xe7: {  	s16 =	simm.s32 $0x1F80;
	s15 =	simm.s32 $0x6000;
	[sflag:s14] =	ssyncadd.s32 $0xFFFFC000  }
0xe8: {  	[spmem:s2] =	stream.indirect.scatter.add.f32 [tilespmem:s15], [sflag:$0x3], $0x80, s16, s11, $0xb8;
	[tilespmem:$0x1E000] =	vst v63  }
0xe9: {  	_ =	swait.ge [sflag:s13], $0x4000  }
0xea: {  	[sflag:s13] =	ssyncset.done $0x0  }
0xeb: {  	s26 =	simm.s32 $0x0;
	[sflag:s13] =	ssyncadd.s32 $0xFFFFC000  }
0xec: {  	[tilespmem:s26], [sflag:$0x3] =	stream.linear.gather [hbm4b:s9+s26], $0x1000, $0x38;
	[tilespmem:$0x1E000] =	vst v63  }
0xed: {  	_ =	swait.ge [sflag:s13], $0x1000  }
0xee: {  	[sflag:s13] =	ssyncset.done $0x0  }
0xef: {  	s28 =	simm.s32 $0x1000;
	[sflag:s13] =	ssyncadd.s32 $0xFFFFF000  }
0xf0: {  	[tilespmem:s28], [sflag:$0x3] =	stream.linear.gather [hbm4b:s8+s26], $0x1000, $0x38;
	[tilespmem:$0x1E000] =	vst v63  }
0xf1: {  	_ =	swait.ge [sflag:s13], $0x1000  }
0xf2: {  	[sflag:s13] =	ssyncset.done $0x0  }
0xf3: {  	[sflag:s13] =	ssyncadd.s32 $0xFFFFF000  }
0xf4: {  	[tilespmem:s12], [sflag:$0x1] =	stream.indirect.gather [hbm4b:s5+s11], $0x80, s26, s11, $0xb8;
	[tilespmem:$0x1E000] =	vst v63  }
0xf5: {  	_ = 	snop  }
0xf6: {  	[tilespmem:s15], [sflag:$0x2] =	stream.indirect.gather [hbm4b:s5+s11], $0x80, s11, s11, $0xb8;
	[tilespmem:$0x1E000] =	vst v63  }
0xf7: {  	_ =	swait.ge [sflag:s10], $0x4000  }
0xf8: {  	[sflag:s10] =	ssyncset.done $0x0  }
0xf9: {  	s29 =	simm.s32 $0x1000;
	[sflag:s10] =	ssyncadd.s32 $0xFFFFC000  }
0xfa: {  	[spmem:s2] =	stream.indirect.scatter.add.f32 [tilespmem:s12], [sflag:$0x3], $0x80, s29, s11, $0xb8;
	[tilespmem:$0x1E000] =	vst v63  }
0xfb: {  	_ =	swait.ge [sflag:s13], $0x4000  }
0xfc: {  	[sflag:s13] =	ssyncset.done $0x0  }
0xfd: {  	s30 =	simm.s32 $0x100;
	[sflag:s13] =	ssyncadd.s32 $0xFFFFC000  }
0xfe: {  	[tilespmem:s12], [sflag:$0x1] =	stream.indirect.gather [hbm4b:s5+s11], $0x80, s30, s11, $0xb8;
	[tilespmem:$0x1E000] =	vst v63  }
0xff: {  	_ =	swait.ge [sflag:s14], $0x4000  }
0x100: {  	[sflag:s14] =	ssyncset.done $0x0  }
0x101: {  	s31 =	simm.s32 $0x1080;
	[sflag:s14] =	ssyncadd.s32 $0xFFFFC000  }
0x102: {  	[spmem:s2] =	stream.indirect.scatter.add.f32 [tilespmem:s15], [sflag:$0x3], $0x80, s31, s11, $0xb8;
	[tilespmem:$0x1E000] =	vst v63  }
0x103: {  	_ =	swait.ge [sflag:s13], $0x4000  }
0x104: {  	[sflag:s13] =	ssyncset.done $0x0  }
0x105: {  	s9 =	simm.s32 $0x180;
	s8 =	simm.s32 $0x400;
	[sflag:s13] =	ssyncadd.s32 $0xFFFFC000  }
.LBB2_10:
0x106: {  	[tilespmem:s15], [sflag:$0x2] =	stream.indirect.gather [hbm4b:s5+s11], $0x80, s9, s11, $0xb8;
	[tilespmem:$0x1E000] =	vst v63  }
0x107: {  	s9 =	smov.u32 s8  }
0x108: {  	p0 =	sne.s32 s8, $0x3800;
	s8 =	sadd.s32 $0x400, s8;
	_ =	swait.ge [sflag:s10], $0x4000  }
0x109: {  	s9 =	sshra.s32 s9, $0x2;
	[sflag:s10] =	ssyncset.done $0x0  }
0x10a: {  	s16 =	sadd.s32 $0x1000, s9;
	[sflag:s10] =	ssyncadd.s32 $0xFFFFC000  }
0x10b: {  	[spmem:s2] =	stream.indirect.scatter.add.f32 [tilespmem:s12], [sflag:$0x3], $0x80, s16, s11, $0xb8;
	[tilespmem:$0x1E000] =	vst v63  }
0x10c: {  	_ =	swait.ge [sflag:s13], $0x4000  }
0x10d: {  	[sflag:s13] =	ssyncset.done $0x0  }
0x10e: {  	s16 =	sadd.s32 $0x100, s9;
	[sflag:s13] =	ssyncadd.s32 $0xFFFFC000  }
0x10f: {  	[tilespmem:s12], [sflag:$0x1] =	stream.indirect.gather [hbm4b:s5+s11], $0x80, s16, s11, $0xb8;
	[tilespmem:$0x1E000] =	vst v63  }
0x110: {  	_ =	swait.ge [sflag:s14], $0x4000  }
0x111: {  	[sflag:s14] =	ssyncset.done $0x0  }
.Ltmp5:
0x112: {  	s16 =	sadd.s32 $0x1080, s9;
	[sflag:s14] =	ssyncadd.s32 $0xFFFFC000;
	(pc) =	sbr.rel @p0 .LBB2_10-.Ltmp5, $4  }
0x113: {  	[spmem:s2] =	stream.indirect.scatter.add.f32 [tilespmem:s15], [sflag:$0x3], $0x80, s16, s11, $0xb8;
	[tilespmem:$0x1E000] =	vst v63  }
0x114: {  	_ =	swait.ge [sflag:s13], $0x4000  }
0x115: {  	[sflag:s13] =	ssyncset.done $0x0  }
0x116: {  	s9 =	sadd.s32 $0x180, s9;
	[sflag:s13] =	ssyncadd.s32 $0xFFFFC000  }
0x117: {  	[tilespmem:s15], [sflag:$0x2] =	stream.indirect.gather [hbm4b:s5+s11], $0x80, s9, s11, $0xb8;
	[tilespmem:$0x1E000] =	vst v63  }
0x118: {  	s8 =	simm.s32 $0x1  }
0x119: {  	_ =	swait.ge [sflag:s8], $0x4000  }
0x11a: {  	s9 =	simm.s32 $0x80;
	s25 =	simm.s32 $0x1F00;
	[sflag:s8] =	ssyncset.done $0x0  }
0x11b: {  	s10 =	simm.s32 $0x2000;
	s11 =	simm.s32 $0x3;
	[sflag:s8] =	ssyncadd.s32 $0xFFFFC000  }
0x11c: {  	[spmem:s2] =	stream.indirect.scatter.add.f32 [tilespmem:s10], [sflag:$0x3], $0x80, s25, s9, $0xb8;
	[tilespmem:$0x1E000] =	vst v63  }
0x11d: {  	_ =	swait.ge [sflag:s11], $0x4000  }
0x11e: {  	[sflag:s11] =	ssyncset.done $0x0  }
0x11f: {  	s12 =	simm.s32 $0x2;
	[sflag:s11] =	ssyncadd.s32 $0xFFFFC000  }
0x120: {  	_ =	swait.ge [sflag:s12], $0x4000  }
0x121: {  	[sflag:s12] =	ssyncset.done $0x0  }
0x122: {  	s14 =	simm.s32 $0x1F80;
	s13 =	simm.s32 $0x6000;
	[sflag:s12] =	ssyncadd.s32 $0xFFFFC000  }
0x123: {  	[spmem:s2] =	stream.indirect.scatter.add.f32 [tilespmem:s13], [sflag:$0x3], $0x80, s14, s9, $0xb8;
	[tilespmem:$0x1E000] =	vst v63  }
0x124: {  	_ =	swait.ge [sflag:s11], $0x4000  }
0x125: {  	[sflag:s11] =	ssyncset.done $0x0  }
0x126: {  	s26 =	simm.s32 $0x0;
	[sflag:s11] =	ssyncadd.s32 $0xFFFFC000  }
0x127: {  	[tilespmem:s26], [sflag:$0x3] =	stream.linear.gather [hbm4b:s7+s26], $0x1000, $0x38;
	[tilespmem:$0x1E000] =	vst v63  }
0x128: {  	_ =	swait.ge [sflag:s11], $0x1000  }
0x129: {  	[sflag:s11] =	ssyncset.done $0x0  }
0x12a: {  	s28 =	simm.s32 $0x1000;
	[sflag:s11] =	ssyncadd.s32 $0xFFFFF000  }
0x12b: {  	[tilespmem:s28], [sflag:$0x3] =	stream.linear.gather [hbm4b:s6+s26], $0x1000, $0x38;
	[tilespmem:$0x1E000] =	vst v63  }
0x12c: {  	_ =	swait.ge [sflag:s11], $0x1000  }
0x12d: {  	[sflag:s11] =	ssyncset.done $0x0  }
0x12e: {  	[sflag:s11] =	ssyncadd.s32 $0xFFFFF000  }
0x12f: {  	[tilespmem:s10], [sflag:$0x1] =	stream.indirect.gather [hbm4b:s5+s9], $0x80, s26, s9, $0xb8;
	[tilespmem:$0x1E000] =	vst v63  }
0x130: {  	_ = 	snop  }
0x131: {  	[tilespmem:s13], [sflag:$0x2] =	stream.indirect.gather [hbm4b:s5+s9], $0x80, s9, s9, $0xb8;
	[tilespmem:$0x1E000] =	vst v63  }
0x132: {  	_ =	swait.ge [sflag:s8], $0x4000  }
0x133: {  	[sflag:s8] =	ssyncset.done $0x0  }
0x134: {  	s29 =	simm.s32 $0x1000;
	[sflag:s8] =	ssyncadd.s32 $0xFFFFC000  }
0x135: {  	[spmem:s2] =	stream.indirect.scatter.add.f32 [tilespmem:s10], [sflag:$0x3], $0x80, s29, s9, $0xb8;
	[tilespmem:$0x1E000] =	vst v63  }
0x136: {  	_ =	swait.ge [sflag:s11], $0x4000  }
0x137: {  	[sflag:s11] =	ssyncset.done $0x0  }
0x138: {  	s30 =	simm.s32 $0x100;
	[sflag:s11] =	ssyncadd.s32 $0xFFFFC000  }
0x139: {  	[tilespmem:s10], [sflag:$0x1] =	stream.indirect.gather [hbm4b:s5+s9], $0x80, s30, s9, $0xb8;
	[tilespmem:$0x1E000] =	vst v63  }
0x13a: {  	_ =	swait.ge [sflag:s12], $0x4000  }
0x13b: {  	[sflag:s12] =	ssyncset.done $0x0  }
0x13c: {  	s31 =	simm.s32 $0x1080;
	[sflag:s12] =	ssyncadd.s32 $0xFFFFC000  }
0x13d: {  	[spmem:s2] =	stream.indirect.scatter.add.f32 [tilespmem:s13], [sflag:$0x3], $0x80, s31, s9, $0xb8;
	[tilespmem:$0x1E000] =	vst v63  }
0x13e: {  	_ =	swait.ge [sflag:s11], $0x4000  }
0x13f: {  	[sflag:s11] =	ssyncset.done $0x0  }
0x140: {  	s7 =	simm.s32 $0x180;
	s6 =	simm.s32 $0x400;
	[sflag:s11] =	ssyncadd.s32 $0xFFFFC000  }
.LBB2_12:
0x141: {  	[tilespmem:s13], [sflag:$0x2] =	stream.indirect.gather [hbm4b:s5+s9], $0x80, s7, s9, $0xb8;
	[tilespmem:$0x1E000] =	vst v63  }
0x142: {  	s7 =	smov.u32 s6  }
0x143: {  	p0 =	sne.s32 s6, $0x3800;
	s6 =	sadd.s32 $0x400, s6;
	_ =	swait.ge [sflag:s8], $0x4000  }
0x144: {  	s7 =	sshra.s32 s7, $0x2;
	[sflag:s8] =	ssyncset.done $0x0  }
0x145: {  	s14 =	sadd.s32 $0x1000, s7;
	[sflag:s8] =	ssyncadd.s32 $0xFFFFC000  }
0x146: {  	[spmem:s2] =	stream.indirect.scatter.add.f32 [tilespmem:s10], [sflag:$0x3], $0x80, s14, s9, $0xb8;
	[tilespmem:$0x1E000] =	vst v63  }
0x147: {  	_ =	swait.ge [sflag:s11], $0x4000  }
0x148: {  	[sflag:s11] =	ssyncset.done $0x0  }
0x149: {  	s14 =	sadd.s32 $0x100, s7;
	[sflag:s11] =	ssyncadd.s32 $0xFFFFC000  }
0x14a: {  	[tilespmem:s10], [sflag:$0x1] =	stream.indirect.gather [hbm4b:s5+s9], $0x80, s14, s9, $0xb8;
	[tilespmem:$0x1E000] =	vst v63  }
0x14b: {  	_ =	swait.ge [sflag:s12], $0x4000  }
0x14c: {  	[sflag:s12] =	ssyncset.done $0x0  }
.Ltmp6:
0x14d: {  	s14 =	sadd.s32 $0x1080, s7;
	[sflag:s12] =	ssyncadd.s32 $0xFFFFC000;
	(pc) =	sbr.rel @p0 .LBB2_12-.Ltmp6, $4  }
0x14e: {  	[spmem:s2] =	stream.indirect.scatter.add.f32 [tilespmem:s13], [sflag:$0x3], $0x80, s14, s9, $0xb8;
	[tilespmem:$0x1E000] =	vst v63  }
0x14f: {  	_ =	swait.ge [sflag:s11], $0x4000  }
0x150: {  	[sflag:s11] =	ssyncset.done $0x0  }
0x151: {  	s7 =	sadd.s32 $0x180, s7;
	[sflag:s11] =	ssyncadd.s32 $0xFFFFC000  }
0x152: {  	[tilespmem:s13], [sflag:$0x2] =	stream.indirect.gather [hbm4b:s5+s9], $0x80, s7, s9, $0xb8;
	[tilespmem:$0x1E000] =	vst v63  }
0x153: {  	s24 =	simm.s32 $0x1  }
0x154: {  	_ =	swait.ge [sflag:s24], $0x4000  }
0x155: {  	s25 =	simm.s32 $0x80;
	s6 =	simm.s32 $0x1F00;
	[sflag:s24] =	ssyncset.done $0x0  }
0x156: {  	s26 =	simm.s32 $0x2000;
	s28 =	simm.s32 $0x3;
	[sflag:s24] =	ssyncadd.s32 $0xFFFFC000  }
0x157: {  	[spmem:s2] =	stream.indirect.scatter.add.f32 [tilespmem:s26], [sflag:$0x3], $0x80, s6, s25, $0xb8;
	[tilespmem:$0x1E000] =	vst v63  }
0x158: {  	_ =	swait.ge [sflag:s28], $0x4000  }
0x159: {  	[sflag:s28] =	ssyncset.done $0x0  }
0x15a: {  	s29 =	simm.s32 $0x2;
	[sflag:s28] =	ssyncadd.s32 $0xFFFFC000  }
0x15b: {  	_ =	swait.ge [sflag:s29], $0x4000  }
0x15c: {  	[sflag:s29] =	ssyncset.done $0x0  }
0x15d: {  	s30 =	simm.s32 $0x1F80;
	s8 =	simm.s32 $0x6000;
	[sflag:s29] =	ssyncadd.s32 $0xFFFFC000  }
0x15e: {  	[spmem:s2] =	stream.indirect.scatter.add.f32 [tilespmem:s8], [sflag:$0x3], $0x80, s30, s25, $0xb8;
	[tilespmem:$0x1E000] =	vst v63  }
0x15f: {  	_ =	swait.ge [sflag:s28], $0x4000  }
0x160: {  	[sflag:s28] =	ssyncset.done $0x0  }
0x161: {  	s31 =	sshll.u32 s1, $0x6;
	[sflag:s28] =	ssyncadd.s32 $0xFFFFC000  }
0x162: {  	s3 =	sshrl.u32 s3, $0x3;
	s2 =	sor.u32 $0x1C03, s31;
	[bflag:$0x0] =	sbarrier.arrive $0xFFFF  }
0x163: {  	[hbm:s4], [sflag:s2] =	dma.local [spmem:s3], $0x2800  }
0x164: {  	_ =	swait.ge [sflag:s28], $0x2800  }
0x165: {  	[sflag:s28] =	ssyncset.done $0x0  }
0x166: {  	[sflag:s28] =	ssyncadd.s32 $0xFFFFD800  }
.LBB2_14:
0x167: {  	_ =	sfence.sel $0x180000  }
0x168: {  	[bflag:$0x0] =	sbarrier.arrive $0xFFFF  }
0x169: {  	p0 =	sne.s32 s1, $0x0;
	_ =	strace $0x9000004A  }
0x16a: {  	s0 =	sadd.s32 @!p0 $0x100000, s0;
	[bflag:$0x2] =	sbarrier.arrive $0xFFFF  }
0x16b: {  	[sflag:s0] =	ssyncadd.tile.s32 @!p0 $0x1;
	_ =	shalt  }
.Lfunc_end2:
_tile_overlayer_lowered:
.L_overlay_start_2:
0x16c: {  	(tag) =	ssettag $0x2  }
0x16d: {  	s0 =	rddreg [dreg:$0x0];
	s2 =	stileid.u32  }
0x16e: {  	s1 =	rddreg [dreg:$0x1];
	p0 =	sne.s32 s2, $0x0  }
0x16f: {  	s3 =	rddreg [dreg:$0x2];
	[bflag:$0x3] =	sbarrier.arrive $0xFFFF;
	s2 =	simm.s32 @!p0 $0x1C03  }
0x170: {  	[timem:s3], [sflag:s2] =	dma.local @!p0 [hbm:s0], s1  }
0x171: {  	s0 =	simm.s32 @!p0 $0x3  }
0x172: {  	_ =	swait.ge @!p0 [sflag:s0], s1  }
0x173: {  	s1 =	ssub.s32 @!p0 $0x0, s1;
	[sflag:s0] =	ssyncset.done @!p0 $0x0  }
0x174: {  	[sflag:s0] =	ssyncadd.s32 @!p0 s1  }
0x175: {  	[bflag:$0x3] =	sbarrier.arrive $0xFFFF  }
0x176: {  	_ =	shalt  }

// kernel: kernel.14.cloned.1.call-start
scs
__scs_entry_jumppad:
0x0: {  	(pc) =	sbr.rel $0x88, $3  }
0x1: {  	(tag) =	ssettag $0x0;
	lr =	simm.s32 $0x1  }
0x2: {  	[smem:$0x3F99] =	sst lr;
	_ =	strace $0xD0000000  }
0x3: {  	_ = 	snop  }
0x4: {  	_ = 	snop  }
0x5: {  	_ = 	snop  }
0x6: {  	_ = 	snop  }
0x7: {  	_ = 	snop  }
__scs_overlays_trampoline_lowered:
0x8: {  	[smem:$0x3FA8] =	sst s0  }
0x9: {  	[smem:$0x3FA9] =	sst s1  }
0xa: {  	[smem:$0x3FAA] =	sst s2  }
0xb: {  	[smem:$0x3FAB] =	sst s3  }
0xc: {  	[smem:$0x3FAC] =	sst s4  }
0xd: {  	[smem:$0x3FAD] =	sst s5  }
0xe: {  	[smem:$0x3FAE] =	sst s6  }
0xf: {  	[smem:$0x3FAF] =	sst s7  }
0x10: {  	[smem:$0x3FB0] =	sst s8  }
0x11: {  	[smem:$0x3FB1] =	sst s9;
	s0 =	simm.s32 @!p0 $0x0  }
0x12: {  	s1 =	sld [smem:$0x3F97];
	s0 =	simm.s32 @p0 $0x1  }
0x13: {  	[smem:$0x3FB2] =	sst s0;
	s0 =	simm.s32 @!p1 $0x0  }
0x14: {  	s2 =	sld [smem:$0x3F96];
	s0 =	simm.s32 @p1 $0x1  }
0x15: {  	[smem:$0x3FB3] =	sst s0;
	s0 =	simm.s32 @!p2 $0x0  }
0x16: {  	s3 =	sld [smem:$0x3FDB];
	s0 =	simm.s32 @p2 $0x1  }
0x17: {  	s4 =	simm.s32 $0x1BF5;
	[smem:$0x3FB5] =	sst s0  }
0x18: {  	s0 =	sld [smem:$0x3F98];
	_ =	swait.ge [sflag:s4], $0x0  }
0x19: {  	s7 =	sld [smem:$0x3F99]  }
0x1a: {  	s8 =	sadd.s32 $0xFFFFE003, lr  }
0x1b: {  	s9 =	sadd.s32 $0xFFFFFEF7, lr;
	s5 =	simm.s32 $0xFFFFFFFF;
	p2 =	slt.u32 s8, $0xFFFFF086  }
0x1c: {  	p1 =	slt.u32 s9, $0xF7A;
	s5 =	simm.s32 @!p2 $0x0  }
0x1d: {  	s5 =	simm.s32 @p1 $0x1;
	p0 =	seq.s32 s7, s2  }
0x1e: {  	s7 =	smul.u32 @!p0 $0xF7A, s2;
	p2 =	seq.s32 @!p0 s5, $0x0  }
0x1f: {  	s9 =	smul.u32 $0xF7A, s1;
	s8 =	simm.s32 @!p0 $0x1BF5;
	p2 =	por !p2, p0  }
0x20: {  	[sflag:s8] =	ssyncset.s32 @!p0 $0xFFFFF086;
	s6 =	sadd.s32 @!p0 s3, s7;
	s7 =	simm.s32 @!p0 $0x108  }
0x21: {  	s3 =	sadd.s32 s3, s9;
	s6 =	sadd.s32 @!p0 $0x88, s6;
	s7 =	simm.s32 @p2 $0x1082  }
0x22: {  	[simem:s7], [sflag:s8] =	dma.local @!p0 [hbm:s6], $0xF7A  }
0x23: {  	s9 =	sor.u32 $0xD0000000, s2;
	s6 =	simm.s32 $0x108;
	_ =	swait.ge @!p0 [sflag:s8], $0x0  }
0x24: {  	s3 =	sadd.s32 $0x88, s3;
	s6 =	simm.s32 @!p1 $0x1082;
	[sflag:s4] =	ssyncset.s32 $0xFFFFF086  }
0x25: {  	[simem:s6], [sflag:s4] =	dma.local [hbm:s3], $0xF7A  }
0x26: {  	[smem:$0x3F99] =	sst s1;
	(tag) =	ssettag s2;
	_ =	strace s9  }
0x27: {  	s1 =	sld [smem:$0x3FA9]  }
0x28: {  	s2 =	sld [smem:$0x3FAA]  }
0x29: {  	s4 =	sld [smem:$0x3FAC]  }
0x2a: {  	p0 =	seq.s32 s5, $0x0;
	s5 =	sld [smem:$0x3FAD]  }
0x2b: {  	s6 =	sld [smem:$0x3FAE]  }
0x2c: {  	s7 =	sld [smem:$0x3FAF]  }
0x2d: {  	s3 =	simm.s32 $0x108;
	s8 =	sld [smem:$0x3FB0]  }
0x2e: {  	s3 =	simm.s32 @!p0 $0x1082;
	s9 =	sld [smem:$0x3FB1]  }
0x2f: {  	lr =	sadd.s32 s0, s3;
	s0 =	sld [smem:$0x3FA8]  }
0x30: {  	s3 =	sld [smem:$0x3FAB]  }
0x31: {  	[smem:$0x3FB4] =	sst s10  }
0x32: {  	s10 =	sld [smem:$0x3FB2];
	_ =	sdelay $0x3  }
0x33: {  	p0 =	seq.s32 s10, $0x1;
	s10 =	sld [smem:$0x3FB4];
	_ =	sdelay $0x3  }
0x34: {  	[smem:$0x3FB4] =	sst s10  }
0x35: {  	s10 =	sld [smem:$0x3FB3];
	_ =	sdelay $0x3  }
0x36: {  	p1 =	seq.s32 s10, $0x1;
	s10 =	sld [smem:$0x3FB4];
	_ =	sdelay $0x3  }
0x37: {  	[smem:$0x3FB4] =	sst s10  }
0x38: {  	s10 =	sld [smem:$0x3FB5]  }
0x39: {  	_ = 	snop;
	(pc) =	sbr.ind lr, $3  }
0x3a: {  	_ = 	snop  }
0x3b: {  	_ = 	snop  }
0x3c: {  	p2 =	seq.s32 s10, $0x1;
	s10 =	sld [smem:$0x3FB4]  }
0x3d: {  	_ =	shalt  }
0x3e: {  	_ =	shalt  }
0x3f: {  	_ =	shalt  }
0x40: {  	_ =	shalt  }
0x41: {  	_ =	shalt  }
0x42: {  	_ =	shalt  }
0x43: {  	_ =	shalt  }
0x44: {  	_ =	shalt  }
0x45: {  	_ =	shalt  }
0x46: {  	_ =	shalt  }
0x47: {  	_ =	shalt  }
0x48: {  	_ =	shalt  }
0x49: {  	_ =	shalt  }
0x4a: {  	_ =	shalt  }
0x4b: {  	_ =	shalt  }
0x4c: {  	_ =	shalt  }
0x4d: {  	_ =	shalt  }
0x4e: {  	_ =	shalt  }
0x4f: {  	_ =	shalt  }
0x50: {  	_ =	shalt  }
0x51: {  	_ =	shalt  }
0x52: {  	_ =	shalt  }
0x53: {  	_ =	shalt  }
0x54: {  	_ =	shalt  }
0x55: {  	_ =	shalt  }
0x56: {  	_ =	shalt  }
0x57: {  	_ =	shalt  }
0x58: {  	_ =	shalt  }
0x59: {  	_ =	shalt  }
0x5a: {  	_ =	shalt  }
0x5b: {  	_ =	shalt  }
0x5c: {  	_ =	shalt  }
0x5d: {  	_ =	shalt  }
0x5e: {  	_ =	shalt  }
0x5f: {  	_ =	shalt  }
0x60: {  	_ =	shalt  }
0x61: {  	_ =	shalt  }
0x62: {  	_ =	shalt  }
0x63: {  	_ =	shalt  }
0x64: {  	_ =	shalt  }
0x65: {  	_ =	shalt  }
0x66: {  	_ =	shalt  }
0x67: {  	_ =	shalt  }
0x68: {  	_ =	shalt  }
0x69: {  	_ =	shalt  }
0x6a: {  	_ =	shalt  }
0x6b: {  	_ =	shalt  }
0x6c: {  	_ =	shalt  }
0x6d: {  	_ =	shalt  }
0x6e: {  	_ =	shalt  }
0x6f: {  	_ =	shalt  }
0x70: {  	_ =	shalt  }
0x71: {  	_ =	shalt  }
0x72: {  	_ =	shalt  }
0x73: {  	_ =	shalt  }
0x74: {  	_ =	shalt  }
0x75: {  	_ =	shalt  }
0x76: {  	_ =	shalt  }
0x77: {  	_ =	shalt  }
0x78: {  	_ =	shalt  }
0x79: {  	_ =	shalt  }
0x7a: {  	_ =	shalt  }
0x7b: {  	_ =	shalt  }
0x7c: {  	_ =	shalt  }
0x7d: {  	_ =	shalt  }
0x7e: {  	_ =	shalt  }
0x7f: {  	_ =	shalt  }
0x80: {  	_ =	shalt  }
0x81: {  	_ =	shalt  }
0x82: {  	_ =	shalt  }
0x83: {  	_ =	shalt  }
0x84: {  	_ =	shalt  }
0x85: {  	_ =	shalt  }
0x86: {  	_ =	shalt  }
0x87: {  	_ =	shalt  }
.Lfunc_end0:
.L_simem_size_0:
called_computation.2_lowered:
.L_overlay_start_0:
0x88: {  	s2 =	sld [smem:$0x3FD9]  }
0x89: {  	s3 =	sld [smem:$0x3FFE];
	_ =	sdelay $0x1  }
0x8a: {  	s1 =	srdreg.scid  }
0x8b: {  	s0 =	sand.u32 $0x1, s1  }
0x8c: {  	s14 =	sshll.u32 s0, $0xA;
	s2 =	sadd.s32 s3, s2  }
0x8d: {  	s2 =	sadd.s32 s2, s14  }
0x8e: {  	[smem:$0x3FC0] =	sst s2  }
0x8f: {  	_ = 	snop  }
0x90: {  	s2 =	sld [smem:$0x3FD0];
	_ =	sdelay $0x2  }
0x91: {  	s15 =	simm.s32 $0xA;
	s4 =	simm.s32 $0x10  }
0x92: {  	[smem:s4], [sflag:s15] =	dma.local [hbm:s2], $0x1  }
0x93: {  	_ =	swait.eq [sflag:s15], $0x1  }
0x94: {  	[sflag:s15] =	ssyncset.done $0x0  }
0x95: {  	s16 =	sld [smem:$0x10];
	[sflag:s15] =	ssyncadd.s32 $0xFFFFFFFF  }
0x96: {  	s17 =	sld [smem:$0x11];
	(tm) =	ssettm $0x1  }
0x97: {  	s18 =	sld [smem:$0x3FFB];
	_ =	sdelay $0x3  }
0x98: {  	_ =	strace s18  }
0x99: {  	s4 =	sld [smem:$0x3FFC];
	_ =	sdelay $0x3  }
0x9a: {  	_ =	strace s4  }
0x9b: {  	s4 =	sld [smem:$0x3FFD];
	_ =	sdelay $0x3  }
0x9c: {  	_ =	strace s4  }
0x9d: {  	_ =	strace $0x8FFFFFFF  }
0x9e: {  	s19 =	sld [smem:$0x3FDB];
	_ =	sdelay $0x1  }
0x9f: {  	s5 =	simm.s32 $_scs_section_size  }
0xa0: {  	s6 =	simm.s32 $_size__tile_overlayer_lowered;
	s7 =	simm.s32 $_tile_overlayer_lowered  }
0xa1: {  	s22 =	simm.s32 $0x1BFF;
	s21 =	sshll.u32 s7, $0x1;
	s4 =	sadd.s32 s5, s19  }
0xa2: {  	s8 =	simm.s32 $0x0;
	s20 =	sshll.u32 s6, $0x1;
	s6 =	sadd.s32 s21, s4  }
0xa3: {  	[timem:s8], [sflag:s22] =	dma.local [hbm:s6], s20  }
0xa4: {  	_ =	swait.ge [sflag:s22], s20  }
0xa5: {  	s5 =	ssub.s32 $0x0, s20;
	[sflag:s22] =	ssyncset.done $0x0  }
0xa6: {  	[sflag:s22] =	ssyncadd.s32 s5;
	_ =	sdelay $0x1  }
0xa7: {  	s23 =	simm.s32 $0x1B8B  }
0xa8: {  	_ =	swait.ge [sflag:s23], $0x1  }
0xa9: {  	[sflag:s23] =	ssyncset.done $0x0  }
0xaa: {  	s25 =	simm.s32 $0x1B8E;
	s24 =	sld [smem:$0x3FFE];
	[sflag:s23] =	ssyncadd.s32 $0xFFFFFFFF  }
0xab: {  	s26 =	simm.s32 $execute0_lowered;
	[smem:$0x3FD2] =	sst s25  }
0xac: {  	s6 =	sshll.u32 s26, $0x1;
	_ =	strace $0x8000004C;
	[dreg:$0x1] =	wrdreg $0xFFFFFFFF  }
0xad: {  	s28 =	simm.s32 $_size_execute0_lowered;
	s4 =	sadd.s32 s4, s6;
	[dreg:$0x0] =	wrdreg $0x0  }
0xae: {  	s6 =	sshll.u32 s28, $0x1;
	[dreg:$0x2] =	wrdreg s4  }
0xaf: {  	[dreg:$0x3] =	wrdreg s6  }
0xb0: {  	[dreg:$0x4] =	wrdreg $0xC0  }
0xb1: {  	_ =	task [dreg:s8], $0x5FFFF  }
0xb2: {  	[dreg:$0x1] =	wrdreg $0xFFFFFFFF  }
0xb3: {  	[dreg:$0x0] =	wrdreg $0x60  }
0xb4: {  	[dreg:$0x2] =	wrdreg s16  }
0xb5: {  	[dreg:$0x3] =	wrdreg s17  }
0xb6: {  	[dreg:$0x4] =	wrdreg s24  }
0xb7: {  	[dreg:$0x5] =	wrdreg $0xA0000  }
0xb8: {  	[dreg:$0x6] =	wrdreg $0x9  }
0xb9: {  	_ =	task.clear_ibuf [dreg:s8], $0x7FFFF;
	_ =	strace $0x9000004C  }
0xba: {  	s29 =	simm.s32 $0x9;
	_ =	strace $0x8000004E  }
0xbb: {  	_ =	swait.ge [sflag:s29], $0x1  }
0xbc: {  	[sflag:s29] =	ssyncadd.s32 $0xFFFFFFFF  }
0xbd: {  	_ =	strace $0x9000004E  }
0xbe: {  	_ =	sfence  }
0xbf: {  	s30 =	sld [smem:$0x0];
	_ =	sdelay $0x2  }
0xc0: {  	s31 =	sshll.u32 s1, $0xD;
	s1 =	sshrl.u32 s1, $0x2  }
0xc1: {  	s3 =	sand.u32 $0x4000, s31;
	s1 =	sadd.s32 s1, s30  }
0xc2: {  	s0 =	sor.u32 s3, s0;
	s1 =	sshll.u32 s1, $0x11  }
0xc3: {  	s0 =	sor.u32 s1, s0  }
0xc4: {  	s0 =	sadd.s32 $0x8F2B, s0  }
0xc5: {  	[sflag:s0] =	ssyncadd.remote.s32 $0x1  }
0xc6: {  	_ =	sfence.sel $0xFFFF  }
0xc7: {  	[dreg:$0x0] =	wrdreg $0xFFFFFFFF;
	(pc) =	sbr.abs _section_cstart, $3  }
0xc8: {  	[dreg:$0x1] =	wrdreg $0xFFFFFFFF  }
0xc9: {  	_ =	task.clear_ibuf [dreg:s8], $0x2FFFF;
	_ =	strace $0x9FFFFFFF  }
0xca: {  	(tm) =	ssettm $0x7FFFFFFF  }
0xcb: {  	_ =	shalt  }
tec
execute0_lowered:
.L_overlay_start_1:
0x0: {  	(tag) =	ssettag $0x1  }
0x1: {  	s1 =	srdreg.scid  }
0x2: {  	s1 =	sand.u32 $0x1, s1  }
0x3: {  	s4 =	rddreg [dreg:$0x0];
	p0 =	seq.s32 s1, $0x1  }
.Ltmp0:
0x4: {  	s6 =	rddreg [dreg:$0x1];
	(pc) =	sbr.rel @p0 .LBB2_14-.Ltmp0, $4  }
0x5: {  	s7 =	rddreg [dreg:$0x2]  }
0x6: {  	s2 =	rddreg [dreg:$0x3];
	s3 =	simm.s32 $0x0  }
0x7: {  	[smem:$0x7FF] =	sst s3  }
0x8: {  	s0 =	rddreg [dreg:$0x4];
	_ =	strace $0x8000004D;
	s1 =	stileid.u32  }
0x9: {  	s3 =	smul.u32 $0x50000, s1  }
0xa: {  	s8 =	smul.u32 $0x2800, s1  }
0xb: {  	s9 =	smul.u32 $0x5000, s1  }
0xc: {  	s29 =	smul.u32 $0xA00, s1  }
0xd: {  	s5 =	sadd.s32 $0x3200, s7;
	s3 =	sshrl.u32 s3, $0x2  }
0xe: {  	s14 =	sadd.s32 s8, s7;
	s30 =	sshrl.u32 s9, $0x3;
	s17 =	sadd.s32 s4, s29  }
0xf: {  	s16 =	sadd.s32 s6, s29;
	s3 =	sadd.s32 s3, s2;
	s9 =	sadd.s32 $0x200, s30  }
0x10: {  	s31 =	sadd.s32 $0x400, s30;
	s15 =	sadd.s32 $0x600, s30;
	s22 =	sadd.s32 $0x800, s30  }
0x11: {  	s21 =	sadd.s32 $0x4000, s3;
	s20 =	sadd.s32 $0x8000, s3;
	s19 =	sadd.s32 $0xC000, s3  }
0x12: {  	s18 =	sadd.s32 $0x10000, s3;
	s13 =	sadd.s32 s4, s9;
	s12 =	sadd.s32 s6, s9  }
0x13: {  	s11 =	sadd.s32 s4, s31;
	s10 =	sadd.s32 s6, s31;
	s9 =	sadd.s32 s4, s15  }
0x14: {  	s8 =	sadd.s32 s6, s15;
	s7 =	sadd.s32 s4, s22;
	s6 =	sadd.s32 s6, s22  }
0x15: {  	v0 =	vimm.f32 $0.0e+00;
	s4 =	sadd.s32 $0x53200, s14;
	s14 =	simm.s32 $0x0;
	s15 =	simm.s32 $0x200  }
.LBB2_2:
0x16: {  	p0 =	sne.s32 s15, $0xFE00;
	[tilespmem:s14+$0x2070] =	vst v0  }
0x17: {  	[tilespmem:s14+$0x2000] =	vst v0  }
0x18: {  	[tilespmem:s14+$0x2010] =	vst v0  }
.Ltmp1:
0x19: {  	[tilespmem:s14+$0x2020] =	vst v0;
	(pc) =	sbr.rel @p0 .LBB2_2-.Ltmp1, $4  }
0x1a: {  	[tilespmem:s14+$0x2030] =	vst v0  }
0x1b: {  	[tilespmem:s14+$0x2040] =	vst v0  }
0x1c: {  	[tilespmem:s14+$0x2050] =	vst v0  }
0x1d: {  	[tilespmem:s14+$0x2060] =	vst v0;
	s14 =	sshra.s32 s15, $0x2;
	s15 =	sadd.s32 $0x200, s15  }
0x1e: {  	[tilespmem:s14+$0x2070] =	vst v0  }
0x1f: {  	[tilespmem:s14+$0x2000] =	vst v0  }
0x20: {  	[tilespmem:s14+$0x2010] =	vst v0  }
0x21: {  	[tilespmem:s14+$0x2020] =	vst v0  }
0x22: {  	[tilespmem:s14+$0x2030] =	vst v0  }
0x23: {  	[tilespmem:s14+$0x2040] =	vst v0  }
0x24: {  	[tilespmem:s14+$0x2050] =	vst v0  }
0x25: {  	[tilespmem:s14+$0x2060] =	vst v0;
	s14 =	simm.s32 $0x2000;
	s15 =	simm.s32 $0x3  }
0x26: {  	[spmem:s3] =	stream.linear.scatter [tilespmem:s14], [sflag:$0x3], $0x4000, $0x38;
	[tilespmem:$0x1E000] =	vst v63  }
0x27: {  	_ =	swait.ge [sflag:s15], $0x4000  }
0x28: {  	[sflag:s15] =	ssyncset.done $0x0  }
0x29: {  	[sflag:s15] =	ssyncadd.s32 $0xFFFFC000  }
0x2a: {  	[spmem:s21] =	stream.linear.scatter [tilespmem:s14], [sflag:$0x3], $0x4000, $0x38;
	[tilespmem:$0x1E000] =	vst v63  }
0x2b: {  	_ =	swait.ge [sflag:s15], $0x4000  }
0x2c: {  	[sflag:s15] =	ssyncset.done $0x0  }
0x2d: {  	[sflag:s15] =	ssyncadd.s32 $0xFFFFC000  }
0x2e: {  	[spmem:s20] =	stream.linear.scatter [tilespmem:s14], [sflag:$0x3], $0x4000, $0x38;
	[tilespmem:$0x1E000] =	vst v63  }
0x2f: {  	_ =	swait.ge [sflag:s15], $0x4000  }
0x30: {  	[sflag:s15] =	ssyncset.done $0x0  }
0x31: {  	[sflag:s15] =	ssyncadd.s32 $0xFFFFC000  }
0x32: {  	[spmem:s19] =	stream.linear.scatter [tilespmem:s14], [sflag:$0x3], $0x4000, $0x38;
	[tilespmem:$0x1E000] =	vst v63  }
0x33: {  	_ =	swait.ge [sflag:s15], $0x4000  }
0x34: {  	[sflag:s15] =	ssyncset.done $0x0  }
0x35: {  	[sflag:s15] =	ssyncadd.s32 $0xFFFFC000  }
0x36: {  	[spmem:s18] =	stream.linear.scatter [tilespmem:s14], [sflag:$0x3], $0x4000, $0x38;
	[tilespmem:$0x1E000] =	vst v63  }
0x37: {  	_ =	swait.ge [sflag:s15], $0x4000  }
0x38: {  	[sflag:s15] =	ssyncset.done $0x0  }
0x39: {  	[sflag:s15] =	ssyncadd.s32 $0xFFFFC000  }
0x3a: {  	s26 =	simm.s32 $0x0;
	[bflag:$0x0] =	sbarrier.arrive $0xFFFF  }
0x3b: {  	[tilespmem:s26], [sflag:$0x3] =	stream.linear.gather [hbm4b:s17+s26], $0x1000, $0x38;
	[tilespmem:$0x1E000] =	vst v63  }
0x3c: {  	_ =	swait.ge [sflag:s15], $0x1000  }
0x3d: {  	[sflag:s15] =	ssyncset.done $0x0  }
0x3e: {  	s28 =	simm.s32 $0x1000;
	[sflag:s15] =	ssyncadd.s32 $0xFFFFF000  }
0x3f: {  	[tilespmem:s28], [sflag:$0x3] =	stream.linear.gather [hbm4b:s16+s26], $0x1000, $0x38;
	[tilespmem:$0x1E000] =	vst v63  }
0x40: {  	_ =	swait.ge [sflag:s15], $0x1000  }
0x41: {  	[sflag:s15] =	ssyncset.done $0x0  }
0x42: {  	s16 =	simm.s32 $0x80;
	[sflag:s15] =	ssyncadd.s32 $0xFFFFF000  }
0x43: {  	[tilespmem:s14], [sflag:$0x1] =	stream.indirect.gather [hbm4b:s5+s16], $0x80, s26, s16, $0xb8;
	[tilespmem:$0x1E000] =	vst v63  }
0x44: {  	s18 =	simm.s32 $0x1;
	s17 =	simm.s32 $0x6000  }
0x45: {  	[tilespmem:s17], [sflag:$0x2] =	stream.indirect.gather [hbm4b:s5+s16], $0x80, s16, s16, $0xb8;
	[tilespmem:$0x1E000] =	vst v63  }
0x46: {  	_ =	swait.ge [sflag:s18], $0x4000  }
0x47: {  	[sflag:s18] =	ssyncset.done $0x0  }
0x48: {  	s29 =	simm.s32 $0x1000;
	[sflag:s18] =	ssyncadd.s32 $0xFFFFC000  }
0x49: {  	[spmem:s2] =	stream.indirect.scatter.add.f32 [tilespmem:s14], [sflag:$0x3], $0x80, s29, s16, $0xb8;
	[tilespmem:$0x1E000] =	vst v63  }
0x4a: {  	_ =	swait.ge [sflag:s15], $0x4000  }
0x4b: {  	[sflag:s15] =	ssyncset.done $0x0  }
0x4c: {  	s30 =	simm.s32 $0x100;
	s19 =	simm.s32 $0x2;
	[sflag:s15] =	ssyncadd.s32 $0xFFFFC000  }
0x4d: {  	[tilespmem:s14], [sflag:$0x1] =	stream.indirect.gather [hbm4b:s5+s16], $0x80, s30, s16, $0xb8;
	[tilespmem:$0x1E000] =	vst v63  }
0x4e: {  	_ =	swait.ge [sflag:s19], $0x4000  }
0x4f: {  	[sflag:s19] =	ssyncset.done $0x0  }
0x50: {  	s31 =	simm.s32 $0x1080;
	[sflag:s19] =	ssyncadd.s32 $0xFFFFC000  }
0x51: {  	[spmem:s2] =	stream.indirect.scatter.add.f32 [tilespmem:s17], [sflag:$0x3], $0x80, s31, s16, $0xb8;
	[tilespmem:$0x1E000] =	vst v63  }
0x52: {  	_ =	swait.ge [sflag:s15], $0x4000  }
0x53: {  	[sflag:s15] =	ssyncset.done $0x0  }
0x54: {  	s21 =	simm.s32 $0x180;
	s20 =	simm.s32 $0x400;
	[sflag:s15] =	ssyncadd.s32 $0xFFFFC000  }
.LBB2_4:
0x55: {  	[tilespmem:s17], [sflag:$0x2] =	stream.indirect.gather [hbm4b:s5+s16], $0x80, s21, s16, $0xb8;
	[tilespmem:$0x1E000] =	vst v63  }
0x56: {  	s21 =	smov.u32 s20  }
0x57: {  	p0 =	sne.s32 s20, $0x3800;
	s20 =	sadd.s32 $0x400, s20;
	_ =	swait.ge [sflag:s18], $0x4000  }
0x58: {  	s21 =	sshra.s32 s21, $0x2;
	[sflag:s18] =	ssyncset.done $0x0  }
0x59: {  	s22 =	sadd.s32 $0x1000, s21;
	[sflag:s18] =	ssyncadd.s32 $0xFFFFC000  }
0x5a: {  	[spmem:s2] =	stream.indirect.scatter.add.f32 [tilespmem:s14], [sflag:$0x3], $0x80, s22, s16, $0xb8;
	[tilespmem:$0x1E000] =	vst v63  }
0x5b: {  	_ =	swait.ge [sflag:s15], $0x4000  }
0x5c: {  	[sflag:s15] =	ssyncset.done $0x0  }
0x5d: {  	s22 =	sadd.s32 $0x100, s21;
	[sflag:s15] =	ssyncadd.s32 $0xFFFFC000  }
0x5e: {  	[tilespmem:s14], [sflag:$0x1] =	stream.indirect.gather [hbm4b:s5+s16], $0x80, s22, s16, $0xb8;
	[tilespmem:$0x1E000] =	vst v63  }
0x5f: {  	_ =	swait.ge [sflag:s19], $0x4000  }
0x60: {  	[sflag:s19] =	ssyncset.done $0x0  }
.Ltmp2:
0x61: {  	s22 =	sadd.s32 $0x1080, s21;
	[sflag:s19] =	ssyncadd.s32 $0xFFFFC000;
	(pc) =	sbr.rel @p0 .LBB2_4-.Ltmp2, $4  }
0x62: {  	[spmem:s2] =	stream.indirect.scatter.add.f32 [tilespmem:s17], [sflag:$0x3], $0x80, s22, s16, $0xb8;
	[tilespmem:$0x1E000] =	vst v63  }
0x63: {  	_ =	swait.ge [sflag:s15], $0x4000  }
0x64: {  	[sflag:s15] =	ssyncset.done $0x0  }
0x65: {  	s21 =	sadd.s32 $0x180, s21;
	[sflag:s15] =	ssyncadd.s32 $0xFFFFC000  }
0x66: {  	[tilespmem:s17], [sflag:$0x2] =	stream.indirect.gather [hbm4b:s5+s16], $0x80, s21, s16, $0xb8;
	[tilespmem:$0x1E000] =	vst v63  }
0x67: {  	s14 =	simm.s32 $0x1  }
0x68: {  	_ =	swait.ge [sflag:s14], $0x4000  }
0x69: {  	s15 =	simm.s32 $0x80;
	s25 =	simm.s32 $0x1F00;
	[sflag:s14] =	ssyncset.done $0x0  }
0x6a: {  	s16 =	simm.s32 $0x2000;
	s17 =	simm.s32 $0x3;
	[sflag:s14] =	ssyncadd.s32 $0xFFFFC000  }
0x6b: {  	[spmem:s2] =	stream.indirect.scatter.add.f32 [tilespmem:s16], [sflag:$0x3], $0x80, s25, s15, $0xb8;
	[tilespmem:$0x1E000] =	vst v63  }
0x6c: {  	_ =	swait.ge [sflag:s17], $0x4000  }
0x6d: {  	[sflag:s17] =	ssyncset.done $0x0  }
0x6e: {  	s18 =	simm.s32 $0x2;
	[sflag:s17] =	ssyncadd.s32 $0xFFFFC000  }
0x6f: {  	_ =	swait.ge [sflag:s18], $0x4000  }
0x70: {  	[sflag:s18] =	ssyncset.done $0x0  }
0x71: {  	s20 =	simm.s32 $0x1F80;
	s19 =	simm.s32 $0x6000;
	[sflag:s18] =	ssyncadd.s32 $0xFFFFC000  }
0x72: {  	[spmem:s2] =	stream.indirect.scatter.add.f32 [tilespmem:s19], [sflag:$0x3], $0x80, s20, s15, $0xb8;
	[tilespmem:$0x1E000] =	vst v63  }
0x73: {  	_ =	swait.ge [sflag:s17], $0x4000  }
0x74: {  	[sflag:s17] =	ssyncset.done $0x0  }
0x75: {  	s26 =	simm.s32 $0x0;
	[sflag:s17] =	ssyncadd.s32 $0xFFFFC000  }
0x76: {  	[tilespmem:s26], [sflag:$0x3] =	stream.linear.gather [hbm4b:s13+s26], $0x1000, $0x38;
	[tilespmem:$0x1E000] =	vst v63  }
0x77: {  	_ =	swait.ge [sflag:s17], $0x1000  }
0x78: {  	[sflag:s17] =	ssyncset.done $0x0  }
0x79: {  	s28 =	simm.s32 $0x1000;
	[sflag:s17] =	ssyncadd.s32 $0xFFFFF000  }
0x7a: {  	[tilespmem:s28], [sflag:$0x3] =	stream.linear.gather [hbm4b:s12+s26], $0x1000, $0x38;
	[tilespmem:$0x1E000] =	vst v63  }
0x7b: {  	_ =	swait.ge [sflag:s17], $0x1000  }
0x7c: {  	[sflag:s17] =	ssyncset.done $0x0  }
0x7d: {  	[sflag:s17] =	ssyncadd.s32 $0xFFFFF000  }
0x7e: {  	[tilespmem:s16], [sflag:$0x1] =	stream.indirect.gather [hbm4b:s5+s15], $0x80, s26, s15, $0xb8;
	[tilespmem:$0x1E000] =	vst v63  }
0x7f: {  	_ = 	snop  }
0x80: {  	[tilespmem:s19], [sflag:$0x2] =	stream.indirect.gather [hbm4b:s5+s15], $0x80, s15, s15, $0xb8;
	[tilespmem:$0x1E000] =	vst v63  }
0x81: {  	_ =	swait.ge [sflag:s14], $0x4000  }
0x82: {  	[sflag:s14] =	ssyncset.done $0x0  }
0x83: {  	s29 =	simm.s32 $0x1000;
	[sflag:s14] =	ssyncadd.s32 $0xFFFFC000  }
0x84: {  	[spmem:s2] =	stream.indirect.scatter.add.f32 [tilespmem:s16], [sflag:$0x3], $0x80, s29, s15, $0xb8;
	[tilespmem:$0x1E000] =	vst v63  }
0x85: {  	_ =	swait.ge [sflag:s17], $0x4000  }
0x86: {  	[sflag:s17] =	ssyncset.done $0x0  }
0x87: {  	s30 =	simm.s32 $0x100;
	[sflag:s17] =	ssyncadd.s32 $0xFFFFC000  }
0x88: {  	[tilespmem:s16], [sflag:$0x1] =	stream.indirect.gather [hbm4b:s5+s15], $0x80, s30, s15, $0xb8;
	[tilespmem:$0x1E000] =	vst v63  }
0x89: {  	_ =	swait.ge [sflag:s18], $0x4000  }
0x8a: {  	[sflag:s18] =	ssyncset.done $0x0  }
0x8b: {  	s31 =	simm.s32 $0x1080;
	[sflag:s18] =	ssyncadd.s32 $0xFFFFC000  }
0x8c: {  	[spmem:s2] =	stream.indirect.scatter.add.f32 [tilespmem:s19], [sflag:$0x3], $0x80, s31, s15, $0xb8;
	[tilespmem:$0x1E000] =	vst v63  }
0x8d: {  	_ =	swait.ge [sflag:s17], $0x4000  }
0x8e: {  	[sflag:s17] =	ssyncset.done $0x0  }
0x8f: {  	s13 =	simm.s32 $0x180;
	s12 =	simm.s32 $0x400;
	[sflag:s17] =	ssyncadd.s32 $0xFFFFC000  }
.LBB2_6:
0x90: {  	[tilespmem:s19], [sflag:$0x2] =	stream.indirect.gather [hbm4b:s5+s15], $0x80, s13, s15, $0xb8;
	[tilespmem:$0x1E000] =	vst v63  }
0x91: {  	s13 =	smov.u32 s12  }
0x92: {  	p0 =	sne.s32 s12, $0x3800;
	s12 =	sadd.s32 $0x400, s12;
	_ =	swait.ge [sflag:s14], $0x4000  }
0x93: {  	s13 =	sshra.s32 s13, $0x2;
	[sflag:s14] =	ssyncset.done $0x0  }
0x94: {  	s20 =	sadd.s32 $0x1000, s13;
	[sflag:s14] =	ssyncadd.s32 $0xFFFFC000  }
0x95: {  	[spmem:s2] =	stream.indirect.scatter.add.f32 [tilespmem:s16], [sflag:$0x3], $0x80, s20, s15, $0xb8;
	[tilespmem:$0x1E000] =	vst v63  }
0x96: {  	_ =	swait.ge [sflag:s17], $0x4000  }
0x97: {  	[sflag:s17] =	ssyncset.done $0x0  }
0x98: {  	s20 =	sadd.s32 $0x100, s13;
	[sflag:s17] =	ssyncadd.s32 $0xFFFFC000  }
0x99: {  	[tilespmem:s16], [sflag:$0x1] =	stream.indirect.gather [hbm4b:s5+s15], $0x80, s20, s15, $0xb8;
	[tilespmem:$0x1E000] =	vst v63  }
0x9a: {  	_ =	swait.ge [sflag:s18], $0x4000  }
0x9b: {  	[sflag:s18] =	ssyncset.done $0x0  }
.Ltmp3:
0x9c: {  	s20 =	sadd.s32 $0x1080, s13;
	[sflag:s18] =	ssyncadd.s32 $0xFFFFC000;
	(pc) =	sbr.rel @p0 .LBB2_6-.Ltmp3, $4  }
0x9d: {  	[spmem:s2] =	stream.indirect.scatter.add.f32 [tilespmem:s19], [sflag:$0x3], $0x80, s20, s15, $0xb8;
	[tilespmem:$0x1E000] =	vst v63  }
0x9e: {  	_ =	swait.ge [sflag:s17], $0x4000  }
0x9f: {  	[sflag:s17] =	ssyncset.done $0x0  }
0xa0: {  	s13 =	sadd.s32 $0x180, s13;
	[sflag:s17] =	ssyncadd.s32 $0xFFFFC000  }
0xa1: {  	[tilespmem:s19], [sflag:$0x2] =	stream.indirect.gather [hbm4b:s5+s15], $0x80, s13, s15, $0xb8;
	[tilespmem:$0x1E000] =	vst v63  }
0xa2: {  	s12 =	simm.s32 $0x1  }
0xa3: {  	_ =	swait.ge [sflag:s12], $0x4000  }
0xa4: {  	s13 =	simm.s32 $0x80;
	s25 =	simm.s32 $0x1F00;
	[sflag:s12] =	ssyncset.done $0x0  }
0xa5: {  	s14 =	simm.s32 $0x2000;
	s15 =	simm.s32 $0x3;
	[sflag:s12] =	ssyncadd.s32 $0xFFFFC000  }
0xa6: {  	[spmem:s2] =	stream.indirect.scatter.add.f32 [tilespmem:s14], [sflag:$0x3], $0x80, s25, s13, $0xb8;
	[tilespmem:$0x1E000] =	vst v63  }
0xa7: {  	_ =	swait.ge [sflag:s15], $0x4000  }
0xa8: {  	[sflag:s15] =	ssyncset.done $0x0  }
0xa9: {  	s16 =	simm.s32 $0x2;
	[sflag:s15] =	ssyncadd.s32 $0xFFFFC000  }
0xaa: {  	_ =	swait.ge [sflag:s16], $0x4000  }
0xab: {  	[sflag:s16] =	ssyncset.done $0x0  }
0xac: {  	s18 =	simm.s32 $0x1F80;
	s17 =	simm.s32 $0x6000;
	[sflag:s16] =	ssyncadd.s32 $0xFFFFC000  }
0xad: {  	[spmem:s2] =	stream.indirect.scatter.add.f32 [tilespmem:s17], [sflag:$0x3], $0x80, s18, s13, $0xb8;
	[tilespmem:$0x1E000] =	vst v63  }
0xae: {  	_ =	swait.ge [sflag:s15], $0x4000  }
0xaf: {  	[sflag:s15] =	ssyncset.done $0x0  }
0xb0: {  	s26 =	simm.s32 $0x0;
	[sflag:s15] =	ssyncadd.s32 $0xFFFFC000  }
0xb1: {  	[tilespmem:s26], [sflag:$0x3] =	stream.linear.gather [hbm4b:s11+s26], $0x1000, $0x38;
	[tilespmem:$0x1E000] =	vst v63  }
0xb2: {  	_ =	swait.ge [sflag:s15], $0x1000  }
0xb3: {  	[sflag:s15] =	ssyncset.done $0x0  }
0xb4: {  	s28 =	simm.s32 $0x1000;
	[sflag:s15] =	ssyncadd.s32 $0xFFFFF000  }
0xb5: {  	[tilespmem:s28], [sflag:$0x3] =	stream.linear.gather [hbm4b:s10+s26], $0x1000, $0x38;
	[tilespmem:$0x1E000] =	vst v63  }
0xb6: {  	_ =	swait.ge [sflag:s15], $0x1000  }
0xb7: {  	[sflag:s15] =	ssyncset.done $0x0  }
0xb8: {  	[sflag:s15] =	ssyncadd.s32 $0xFFFFF000  }
0xb9: {  	[tilespmem:s14], [sflag:$0x1] =	stream.indirect.gather [hbm4b:s5+s13], $0x80, s26, s13, $0xb8;
	[tilespmem:$0x1E000] =	vst v63  }
0xba: {  	_ = 	snop  }
0xbb: {  	[tilespmem:s17], [sflag:$0x2] =	stream.indirect.gather [hbm4b:s5+s13], $0x80, s13, s13, $0xb8;
	[tilespmem:$0x1E000] =	vst v63  }
0xbc: {  	_ =	swait.ge [sflag:s12], $0x4000  }
0xbd: {  	[sflag:s12] =	ssyncset.done $0x0  }
0xbe: {  	s29 =	simm.s32 $0x1000;
	[sflag:s12] =	ssyncadd.s32 $0xFFFFC000  }
0xbf: {  	[spmem:s2] =	stream.indirect.scatter.add.f32 [tilespmem:s14], [sflag:$0x3], $0x80, s29, s13, $0xb8;
	[tilespmem:$0x1E000] =	vst v63  }
0xc0: {  	_ =	swait.ge [sflag:s15], $0x4000  }
0xc1: {  	[sflag:s15] =	ssyncset.done $0x0  }
0xc2: {  	s30 =	simm.s32 $0x100;
	[sflag:s15] =	ssyncadd.s32 $0xFFFFC000  }
0xc3: {  	[tilespmem:s14], [sflag:$0x1] =	stream.indirect.gather [hbm4b:s5+s13], $0x80, s30, s13, $0xb8;
	[tilespmem:$0x1E000] =	vst v63  }
0xc4: {  	_ =	swait.ge [sflag:s16], $0x4000  }
0xc5: {  	[sflag:s16] =	ssyncset.done $0x0  }
0xc6: {  	s31 =	simm.s32 $0x1080;
	[sflag:s16] =	ssyncadd.s32 $0xFFFFC000  }
0xc7: {  	[spmem:s2] =	stream.indirect.scatter.add.f32 [tilespmem:s17], [sflag:$0x3], $0x80, s31, s13, $0xb8;
	[tilespmem:$0x1E000] =	vst v63  }
0xc8: {  	_ =	swait.ge [sflag:s15], $0x4000  }
0xc9: {  	[sflag:s15] =	ssyncset.done $0x0  }
0xca: {  	s11 =	simm.s32 $0x180;
	s10 =	simm.s32 $0x400;
	[sflag:s15] =	ssyncadd.s32 $0xFFFFC000  }
.LBB2_8:
0xcb: {  	[tilespmem:s17], [sflag:$0x2] =	stream.indirect.gather [hbm4b:s5+s13], $0x80, s11, s13, $0xb8;
	[tilespmem:$0x1E000] =	vst v63  }
0xcc: {  	s11 =	smov.u32 s10  }
0xcd: {  	p0 =	sne.s32 s10, $0x3800;
	s10 =	sadd.s32 $0x400, s10;
	_ =	swait.ge [sflag:s12], $0x4000  }
0xce: {  	s11 =	sshra.s32 s11, $0x2;
	[sflag:s12] =	ssyncset.done $0x0  }
0xcf: {  	s18 =	sadd.s32 $0x1000, s11;
	[sflag:s12] =	ssyncadd.s32 $0xFFFFC000  }
0xd0: {  	[spmem:s2] =	stream.indirect.scatter.add.f32 [tilespmem:s14], [sflag:$0x3], $0x80, s18, s13, $0xb8;
	[tilespmem:$0x1E000] =	vst v63  }
0xd1: {  	_ =	swait.ge [sflag:s15], $0x4000  }
0xd2: {  	[sflag:s15] =	ssyncset.done $0x0  }
0xd3: {  	s18 =	sadd.s32 $0x100, s11;
	[sflag:s15] =	ssyncadd.s32 $0xFFFFC000  }
0xd4: {  	[tilespmem:s14], [sflag:$0x1] =	stream.indirect.gather [hbm4b:s5+s13], $0x80, s18, s13, $0xb8;
	[tilespmem:$0x1E000] =	vst v63  }
0xd5: {  	_ =	swait.ge [sflag:s16], $0x4000  }
0xd6: {  	[sflag:s16] =	ssyncset.done $0x0  }
.Ltmp4:
0xd7: {  	s18 =	sadd.s32 $0x1080, s11;
	[sflag:s16] =	ssyncadd.s32 $0xFFFFC000;
	(pc) =	sbr.rel @p0 .LBB2_8-.Ltmp4, $4  }
0xd8: {  	[spmem:s2] =	stream.indirect.scatter.add.f32 [tilespmem:s17], [sflag:$0x3], $0x80, s18, s13, $0xb8;
	[tilespmem:$0x1E000] =	vst v63  }
0xd9: {  	_ =	swait.ge [sflag:s15], $0x4000  }
0xda: {  	[sflag:s15] =	ssyncset.done $0x0  }
0xdb: {  	s11 =	sadd.s32 $0x180, s11;
	[sflag:s15] =	ssyncadd.s32 $0xFFFFC000  }
0xdc: {  	[tilespmem:s17], [sflag:$0x2] =	stream.indirect.gather [hbm4b:s5+s13], $0x80, s11, s13, $0xb8;
	[tilespmem:$0x1E000] =	vst v63  }
0xdd: {  	s10 =	simm.s32 $0x1  }
0xde: {  	_ =	swait.ge [sflag:s10], $0x4000  }
0xdf: {  	s11 =	simm.s32 $0x80;
	s25 =	simm.s32 $0x1F00;
	[sflag:s10] =	ssyncset.done $0x0  }
0xe0: {  	s12 =	simm.s32 $0x2000;
	s13 =	simm.s32 $0x3;
	[sflag:s10] =	ssyncadd.s32 $0xFFFFC000  }
0xe1: {  	[spmem:s2] =	stream.indirect.scatter.add.f32 [tilespmem:s12], [sflag:$0x3], $0x80, s25, s11, $0xb8;
	[tilespmem:$0x1E000] =	vst v63  }
0xe2: {  	_ =	swait.ge [sflag:s13], $0x4000  }
0xe3: {  	[sflag:s13] =	ssyncset.done $0x0  }
0xe4: {  	s14 =	simm.s32 $0x2;
	[sflag:s13] =	ssyncadd.s32 $0xFFFFC000  }
0xe5: {  	_ =	swait.ge [sflag:s14], $0x4000  }
0xe6: {  	[sflag:s14] =	ssyncset.done $0x0  }
0xe7: {  	s16 =	simm.s32 $0x1F80;
	s15 =	simm.s32 $0x6000;
	[sflag:s14] =	ssyncadd.s32 $0xFFFFC000  }
0xe8: {  	[spmem:s2] =	stream.indirect.scatter.add.f32 [tilespmem:s15], [sflag:$0x3], $0x80, s16, s11, $0xb8;
	[tilespmem:$0x1E000] =	vst v63  }
0xe9: {  	_ =	swait.ge [sflag:s13], $0x4000  }
0xea: {  	[sflag:s13] =	ssyncset.done $0x0  }
0xeb: {  	s26 =	simm.s32 $0x0;
	[sflag:s13] =	ssyncadd.s32 $0xFFFFC000  }
0xec: {  	[tilespmem:s26], [sflag:$0x3] =	stream.linear.gather [hbm4b:s9+s26], $0x1000, $0x38;
	[tilespmem:$0x1E000] =	vst v63  }
0xed: {  	_ =	swait.ge [sflag:s13], $0x1000  }
0xee: {  	[sflag:s13] =	ssyncset.done $0x0  }
0xef: {  	s28 =	simm.s32 $0x1000;
	[sflag:s13] =	ssyncadd.s32 $0xFFFFF000  }
0xf0: {  	[tilespmem:s28], [sflag:$0x3] =	stream.linear.gather [hbm4b:s8+s26], $0x1000, $0x38;
	[tilespmem:$0x1E000] =	vst v63  }
0xf1: {  	_ =	swait.ge [sflag:s13], $0x1000  }
0xf2: {  	[sflag:s13] =	ssyncset.done $0x0  }
0xf3: {  	[sflag:s13] =	ssyncadd.s32 $0xFFFFF000  }
0xf4: {  	[tilespmem:s12], [sflag:$0x1] =	stream.indirect.gather [hbm4b:s5+s11], $0x80, s26, s11, $0xb8;
	[tilespmem:$0x1E000] =	vst v63  }
0xf5: {  	_ = 	snop  }
0xf6: {  	[tilespmem:s15], [sflag:$0x2] =	stream.indirect.gather [hbm4b:s5+s11], $0x80, s11, s11, $0xb8;
	[tilespmem:$0x1E000] =	vst v63  }
0xf7: {  	_ =	swait.ge [sflag:s10], $0x4000  }
0xf8: {  	[sflag:s10] =	ssyncset.done $0x0  }
0xf9: {  	s29 =	simm.s32 $0x1000;
	[sflag:s10] =	ssyncadd.s32 $0xFFFFC000  }
0xfa: {  	[spmem:s2] =	stream.indirect.scatter.add.f32 [tilespmem:s12], [sflag:$0x3], $0x80, s29, s11, $0xb8;
	[tilespmem:$0x1E000] =	vst v63  }
0xfb: {  	_ =	swait.ge [sflag:s13], $0x4000  }
0xfc: {  	[sflag:s13] =	ssyncset.done $0x0  }
0xfd: {  	s30 =	simm.s32 $0x100;
	[sflag:s13] =	ssyncadd.s32 $0xFFFFC000  }
0xfe: {  	[tilespmem:s12], [sflag:$0x1] =	stream.indirect.gather [hbm4b:s5+s11], $0x80, s30, s11, $0xb8;
	[tilespmem:$0x1E000] =	vst v63  }
0xff: {  	_ =	swait.ge [sflag:s14], $0x4000  }
0x100: {  	[sflag:s14] =	ssyncset.done $0x0  }
0x101: {  	s31 =	simm.s32 $0x1080;
	[sflag:s14] =	ssyncadd.s32 $0xFFFFC000  }
0x102: {  	[spmem:s2] =	stream.indirect.scatter.add.f32 [tilespmem:s15], [sflag:$0x3], $0x80, s31, s11, $0xb8;
	[tilespmem:$0x1E000] =	vst v63  }
0x103: {  	_ =	swait.ge [sflag:s13], $0x4000  }
0x104: {  	[sflag:s13] =	ssyncset.done $0x0  }
0x105: {  	s9 =	simm.s32 $0x180;
	s8 =	simm.s32 $0x400;
	[sflag:s13] =	ssyncadd.s32 $0xFFFFC000  }
.LBB2_10:
0x106: {  	[tilespmem:s15], [sflag:$0x2] =	stream.indirect.gather [hbm4b:s5+s11], $0x80, s9, s11, $0xb8;
	[tilespmem:$0x1E000] =	vst v63  }
0x107: {  	s9 =	smov.u32 s8  }
0x108: {  	p0 =	sne.s32 s8, $0x3800;
	s8 =	sadd.s32 $0x400, s8;
	_ =	swait.ge [sflag:s10], $0x4000  }
0x109: {  	s9 =	sshra.s32 s9, $0x2;
	[sflag:s10] =	ssyncset.done $0x0  }
0x10a: {  	s16 =	sadd.s32 $0x1000, s9;
	[sflag:s10] =	ssyncadd.s32 $0xFFFFC000  }
0x10b: {  	[spmem:s2] =	stream.indirect.scatter.add.f32 [tilespmem:s12], [sflag:$0x3], $0x80, s16, s11, $0xb8;
	[tilespmem:$0x1E000] =	vst v63  }
0x10c: {  	_ =	swait.ge [sflag:s13], $0x4000  }
0x10d: {  	[sflag:s13] =	ssyncset.done $0x0  }
0x10e: {  	s16 =	sadd.s32 $0x100, s9;
	[sflag:s13] =	ssyncadd.s32 $0xFFFFC000  }
0x10f: {  	[tilespmem:s12], [sflag:$0x1] =	stream.indirect.gather [hbm4b:s5+s11], $0x80, s16, s11, $0xb8;
	[tilespmem:$0x1E000] =	vst v63  }
0x110: {  	_ =	swait.ge [sflag:s14], $0x4000  }
0x111: {  	[sflag:s14] =	ssyncset.done $0x0  }
.Ltmp5:
0x112: {  	s16 =	sadd.s32 $0x1080, s9;
	[sflag:s14] =	ssyncadd.s32 $0xFFFFC000;
	(pc) =	sbr.rel @p0 .LBB2_10-.Ltmp5, $4  }
0x113: {  	[spmem:s2] =	stream.indirect.scatter.add.f32 [tilespmem:s15], [sflag:$0x3], $0x80, s16, s11, $0xb8;
	[tilespmem:$0x1E000] =	vst v63  }
0x114: {  	_ =	swait.ge [sflag:s13], $0x4000  }
0x115: {  	[sflag:s13] =	ssyncset.done $0x0  }
0x116: {  	s9 =	sadd.s32 $0x180, s9;
	[sflag:s13] =	ssyncadd.s32 $0xFFFFC000  }
0x117: {  	[tilespmem:s15], [sflag:$0x2] =	stream.indirect.gather [hbm4b:s5+s11], $0x80, s9, s11, $0xb8;
	[tilespmem:$0x1E000] =	vst v63  }
0x118: {  	s8 =	simm.s32 $0x1  }
0x119: {  	_ =	swait.ge [sflag:s8], $0x4000  }
0x11a: {  	s9 =	simm.s32 $0x80;
	s25 =	simm.s32 $0x1F00;
	[sflag:s8] =	ssyncset.done $0x0  }
0x11b: {  	s10 =	simm.s32 $0x2000;
	s11 =	simm.s32 $0x3;
	[sflag:s8] =	ssyncadd.s32 $0xFFFFC000  }
0x11c: {  	[spmem:s2] =	stream.indirect.scatter.add.f32 [tilespmem:s10], [sflag:$0x3], $0x80, s25, s9, $0xb8;
	[tilespmem:$0x1E000] =	vst v63  }
0x11d: {  	_ =	swait.ge [sflag:s11], $0x4000  }
0x11e: {  	[sflag:s11] =	ssyncset.done $0x0  }
0x11f: {  	s12 =	simm.s32 $0x2;
	[sflag:s11] =	ssyncadd.s32 $0xFFFFC000  }
0x120: {  	_ =	swait.ge [sflag:s12], $0x4000  }
0x121: {  	[sflag:s12] =	ssyncset.done $0x0  }
0x122: {  	s14 =	simm.s32 $0x1F80;
	s13 =	simm.s32 $0x6000;
	[sflag:s12] =	ssyncadd.s32 $0xFFFFC000  }
0x123: {  	[spmem:s2] =	stream.indirect.scatter.add.f32 [tilespmem:s13], [sflag:$0x3], $0x80, s14, s9, $0xb8;
	[tilespmem:$0x1E000] =	vst v63  }
0x124: {  	_ =	swait.ge [sflag:s11], $0x4000  }
0x125: {  	[sflag:s11] =	ssyncset.done $0x0  }
0x126: {  	s26 =	simm.s32 $0x0;
	[sflag:s11] =	ssyncadd.s32 $0xFFFFC000  }
0x127: {  	[tilespmem:s26], [sflag:$0x3] =	stream.linear.gather [hbm4b:s7+s26], $0x1000, $0x38;
	[tilespmem:$0x1E000] =	vst v63  }
0x128: {  	_ =	swait.ge [sflag:s11], $0x1000  }
0x129: {  	[sflag:s11] =	ssyncset.done $0x0  }
0x12a: {  	s28 =	simm.s32 $0x1000;
	[sflag:s11] =	ssyncadd.s32 $0xFFFFF000  }
0x12b: {  	[tilespmem:s28], [sflag:$0x3] =	stream.linear.gather [hbm4b:s6+s26], $0x1000, $0x38;
	[tilespmem:$0x1E000] =	vst v63  }
0x12c: {  	_ =	swait.ge [sflag:s11], $0x1000  }
0x12d: {  	[sflag:s11] =	ssyncset.done $0x0  }
0x12e: {  	[sflag:s11] =	ssyncadd.s32 $0xFFFFF000  }
0x12f: {  	[tilespmem:s10], [sflag:$0x1] =	stream.indirect.gather [hbm4b:s5+s9], $0x80, s26, s9, $0xb8;
	[tilespmem:$0x1E000] =	vst v63  }
0x130: {  	_ = 	snop  }
0x131: {  	[tilespmem:s13], [sflag:$0x2] =	stream.indirect.gather [hbm4b:s5+s9], $0x80, s9, s9, $0xb8;
	[tilespmem:$0x1E000] =	vst v63  }
0x132: {  	_ =	swait.ge [sflag:s8], $0x4000  }
0x133: {  	[sflag:s8] =	ssyncset.done $0x0  }
0x134: {  	s29 =	simm.s32 $0x1000;
	[sflag:s8] =	ssyncadd.s32 $0xFFFFC000  }
0x135: {  	[spmem:s2] =	stream.indirect.scatter.add.f32 [tilespmem:s10], [sflag:$0x3], $0x80, s29, s9, $0xb8;
	[tilespmem:$0x1E000] =	vst v63  }
0x136: {  	_ =	swait.ge [sflag:s11], $0x4000  }
0x137: {  	[sflag:s11] =	ssyncset.done $0x0  }
0x138: {  	s30 =	simm.s32 $0x100;
	[sflag:s11] =	ssyncadd.s32 $0xFFFFC000  }
0x139: {  	[tilespmem:s10], [sflag:$0x1] =	stream.indirect.gather [hbm4b:s5+s9], $0x80, s30, s9, $0xb8;
	[tilespmem:$0x1E000] =	vst v63  }
0x13a: {  	_ =	swait.ge [sflag:s12], $0x4000  }
0x13b: {  	[sflag:s12] =	ssyncset.done $0x0  }
0x13c: {  	s31 =	simm.s32 $0x1080;
	[sflag:s12] =	ssyncadd.s32 $0xFFFFC000  }
0x13d: {  	[spmem:s2] =	stream.indirect.scatter.add.f32 [tilespmem:s13], [sflag:$0x3], $0x80, s31, s9, $0xb8;
	[tilespmem:$0x1E000] =	vst v63  }
0x13e: {  	_ =	swait.ge [sflag:s11], $0x4000  }
0x13f: {  	[sflag:s11] =	ssyncset.done $0x0  }
0x140: {  	s7 =	simm.s32 $0x180;
	s6 =	simm.s32 $0x400;
	[sflag:s11] =	ssyncadd.s32 $0xFFFFC000  }
.LBB2_12:
0x141: {  	[tilespmem:s13], [sflag:$0x2] =	stream.indirect.gather [hbm4b:s5+s9], $0x80, s7, s9, $0xb8;
	[tilespmem:$0x1E000] =	vst v63  }
0x142: {  	s7 =	smov.u32 s6  }
0x143: {  	p0 =	sne.s32 s6, $0x3800;
	s6 =	sadd.s32 $0x400, s6;
	_ =	swait.ge [sflag:s8], $0x4000  }
0x144: {  	s7 =	sshra.s32 s7, $0x2;
	[sflag:s8] =	ssyncset.done $0x0  }
0x145: {  	s14 =	sadd.s32 $0x1000, s7;
	[sflag:s8] =	ssyncadd.s32 $0xFFFFC000  }
0x146: {  	[spmem:s2] =	stream.indirect.scatter.add.f32 [tilespmem:s10], [sflag:$0x3], $0x80, s14, s9, $0xb8;
	[tilespmem:$0x1E000] =	vst v63  }
0x147: {  	_ =	swait.ge [sflag:s11], $0x4000  }
0x148: {  	[sflag:s11] =	ssyncset.done $0x0  }
0x149: {  	s14 =	sadd.s32 $0x100, s7;
	[sflag:s11] =	ssyncadd.s32 $0xFFFFC000  }
0x14a: {  	[tilespmem:s10], [sflag:$0x1] =	stream.indirect.gather [hbm4b:s5+s9], $0x80, s14, s9, $0xb8;
	[tilespmem:$0x1E000] =	vst v63  }
0x14b: {  	_ =	swait.ge [sflag:s12], $0x4000  }
0x14c: {  	[sflag:s12] =	ssyncset.done $0x0  }
.Ltmp6:
0x14d: {  	s14 =	sadd.s32 $0x1080, s7;
	[sflag:s12] =	ssyncadd.s32 $0xFFFFC000;
	(pc) =	sbr.rel @p0 .LBB2_12-.Ltmp6, $4  }
0x14e: {  	[spmem:s2] =	stream.indirect.scatter.add.f32 [tilespmem:s13], [sflag:$0x3], $0x80, s14, s9, $0xb8;
	[tilespmem:$0x1E000] =	vst v63  }
0x14f: {  	_ =	swait.ge [sflag:s11], $0x4000  }
0x150: {  	[sflag:s11] =	ssyncset.done $0x0  }
0x151: {  	s7 =	sadd.s32 $0x180, s7;
	[sflag:s11] =	ssyncadd.s32 $0xFFFFC000  }
0x152: {  	[tilespmem:s13], [sflag:$0x2] =	stream.indirect.gather [hbm4b:s5+s9], $0x80, s7, s9, $0xb8;
	[tilespmem:$0x1E000] =	vst v63  }
0x153: {  	s24 =	simm.s32 $0x1  }
0x154: {  	_ =	swait.ge [sflag:s24], $0x4000  }
0x155: {  	s25 =	simm.s32 $0x80;
	s6 =	simm.s32 $0x1F00;
	[sflag:s24] =	ssyncset.done $0x0  }
0x156: {  	s26 =	simm.s32 $0x2000;
	s28 =	simm.s32 $0x3;
	[sflag:s24] =	ssyncadd.s32 $0xFFFFC000  }
0x157: {  	[spmem:s2] =	stream.indirect.scatter.add.f32 [tilespmem:s26], [sflag:$0x3], $0x80, s6, s25, $0xb8;
	[tilespmem:$0x1E000] =	vst v63  }
0x158: {  	_ =	swait.ge [sflag:s28], $0x4000  }
0x159: {  	[sflag:s28] =	ssyncset.done $0x0  }
0x15a: {  	s29 =	simm.s32 $0x2;
	[sflag:s28] =	ssyncadd.s32 $0xFFFFC000  }
0x15b: {  	_ =	swait.ge [sflag:s29], $0x4000  }
0x15c: {  	[sflag:s29] =	ssyncset.done $0x0  }
0x15d: {  	s30 =	simm.s32 $0x1F80;
	s8 =	simm.s32 $0x6000;
	[sflag:s29] =	ssyncadd.s32 $0xFFFFC000  }
0x15e: {  	[spmem:s2] =	stream.indirect.scatter.add.f32 [tilespmem:s8], [sflag:$0x3], $0x80, s30, s25, $0xb8;
	[tilespmem:$0x1E000] =	vst v63  }
0x15f: {  	_ =	swait.ge [sflag:s28], $0x4000  }
0x160: {  	[sflag:s28] =	ssyncset.done $0x0  }
0x161: {  	s31 =	sshll.u32 s1, $0x6;
	[sflag:s28] =	ssyncadd.s32 $0xFFFFC000  }
0x162: {  	s3 =	sshrl.u32 s3, $0x3;
	s2 =	sor.u32 $0x1C03, s31;
	[bflag:$0x0] =	sbarrier.arrive $0xFFFF  }
0x163: {  	[hbm:s4], [sflag:s2] =	dma.local [spmem:s3], $0x2800  }
0x164: {  	_ =	swait.ge [sflag:s28], $0x2800  }
0x165: {  	[sflag:s28] =	ssyncset.done $0x0  }
0x166: {  	[sflag:s28] =	ssyncadd.s32 $0xFFFFD800  }
.LBB2_14:
0x167: {  	_ =	sfence.sel $0x180000  }
0x168: {  	[bflag:$0x0] =	sbarrier.arrive $0xFFFF  }
0x169: {  	p0 =	sne.s32 s1, $0x0;
	_ =	strace $0x9000004D  }
0x16a: {  	s0 =	sadd.s32 @!p0 $0x100000, s0;
	[bflag:$0x2] =	sbarrier.arrive $0xFFFF  }
0x16b: {  	[sflag:s0] =	ssyncadd.tile.s32 @!p0 $0x1;
	_ =	shalt  }
.Lfunc_end2:
_tile_overlayer_lowered:
.L_overlay_start_2:
0x16c: {  	(tag) =	ssettag $0x2  }
0x16d: {  	s0 =	rddreg [dreg:$0x0];
	s2 =	stileid.u32  }
0x16e: {  	s1 =	rddreg [dreg:$0x1];
	p0 =	sne.s32 s2, $0x0  }
0x16f: {  	s3 =	rddreg [dreg:$0x2];
	[bflag:$0x3] =	sbarrier.arrive $0xFFFF;
	s2 =	simm.s32 @!p0 $0x1C03  }
0x170: {  	[timem:s3], [sflag:s2] =	dma.local @!p0 [hbm:s0], s1  }
0x171: {  	s0 =	simm.s32 @!p0 $0x3  }
0x172: {  	_ =	swait.ge @!p0 [sflag:s0], s1  }
0x173: {  	s1 =	ssub.s32 @!p0 $0x0, s1;
	[sflag:s0] =	ssyncset.done @!p0 $0x0  }
0x174: {  	[sflag:s0] =	ssyncadd.s32 @!p0 s1  }
0x175: {  	[bflag:$0x3] =	sbarrier.arrive $0xFFFF  }
0x176: {  	_ =	shalt  }

// kernel: kernel.8.cloned.1.call-start
scs
__scs_entry_jumppad:
0x0: {  	(pc) =	sbr.rel $0x88, $3  }
0x1: {  	(tag) =	ssettag $0x0;
	lr =	simm.s32 $0x1  }
0x2: {  	[smem:$0x3F99] =	sst lr;
	_ =	strace $0xD0000000  }
0x3: {  	_ = 	snop  }
0x4: {  	_ = 	snop  }
0x5: {  	_ = 	snop  }
0x6: {  	_ = 	snop  }
0x7: {  	_ = 	snop  }
__scs_overlays_trampoline_lowered:
0x8: {  	[smem:$0x3FA8] =	sst s0  }
0x9: {  	[smem:$0x3FA9] =	sst s1  }
0xa: {  	[smem:$0x3FAA] =	sst s2  }
0xb: {  	[smem:$0x3FAB] =	sst s3  }
0xc: {  	[smem:$0x3FAC] =	sst s4  }
0xd: {  	[smem:$0x3FAD] =	sst s5  }
0xe: {  	[smem:$0x3FAE] =	sst s6  }
0xf: {  	[smem:$0x3FAF] =	sst s7  }
0x10: {  	[smem:$0x3FB0] =	sst s8  }
0x11: {  	[smem:$0x3FB1] =	sst s9;
	s0 =	simm.s32 @!p0 $0x0  }
0x12: {  	s1 =	sld [smem:$0x3F97];
	s0 =	simm.s32 @p0 $0x1  }
0x13: {  	[smem:$0x3FB2] =	sst s0;
	s0 =	simm.s32 @!p1 $0x0  }
0x14: {  	s2 =	sld [smem:$0x3F96];
	s0 =	simm.s32 @p1 $0x1  }
0x15: {  	[smem:$0x3FB3] =	sst s0;
	s0 =	simm.s32 @!p2 $0x0  }
0x16: {  	s3 =	sld [smem:$0x3FDB];
	s0 =	simm.s32 @p2 $0x1  }
0x17: {  	s4 =	simm.s32 $0x1BF5;
	[smem:$0x3FB5] =	sst s0  }
0x18: {  	s0 =	sld [smem:$0x3F98];
	_ =	swait.ge [sflag:s4], $0x0  }
0x19: {  	s7 =	sld [smem:$0x3F99]  }
0x1a: {  	s8 =	sadd.s32 $0xFFFFE003, lr  }
0x1b: {  	s9 =	sadd.s32 $0xFFFFFEF7, lr;
	s5 =	simm.s32 $0xFFFFFFFF;
	p2 =	slt.u32 s8, $0xFFFFF086  }
0x1c: {  	p1 =	slt.u32 s9, $0xF7A;
	s5 =	simm.s32 @!p2 $0x0  }
0x1d: {  	s5 =	simm.s32 @p1 $0x1;
	p0 =	seq.s32 s7, s2  }
0x1e: {  	s7 =	smul.u32 @!p0 $0xF7A, s2;
	p2 =	seq.s32 @!p0 s5, $0x0  }
0x1f: {  	s9 =	smul.u32 $0xF7A, s1;
	s8 =	simm.s32 @!p0 $0x1BF5;
	p2 =	por !p2, p0  }
0x20: {  	[sflag:s8] =	ssyncset.s32 @!p0 $0xFFFFF086;
	s6 =	sadd.s32 @!p0 s3, s7;
	s7 =	simm.s32 @!p0 $0x108  }
0x21: {  	s3 =	sadd.s32 s3, s9;
	s6 =	sadd.s32 @!p0 $0x88, s6;
	s7 =	simm.s32 @p2 $0x1082  }
0x22: {  	[simem:s7], [sflag:s8] =	dma.local @!p0 [hbm:s6], $0xF7A  }
0x23: {  	s9 =	sor.u32 $0xD0000000, s2;
	s6 =	simm.s32 $0x108;
	_ =	swait.ge @!p0 [sflag:s8], $0x0  }
0x24: {  	s3 =	sadd.s32 $0x88, s3;
	s6 =	simm.s32 @!p1 $0x1082;
	[sflag:s4] =	ssyncset.s32 $0xFFFFF086  }
0x25: {  	[simem:s6], [sflag:s4] =	dma.local [hbm:s3], $0xF7A  }
0x26: {  	[smem:$0x3F99] =	sst s1;
	(tag) =	ssettag s2;
	_ =	strace s9  }
0x27: {  	s1 =	sld [smem:$0x3FA9]  }
0x28: {  	s2 =	sld [smem:$0x3FAA]  }
0x29: {  	s4 =	sld [smem:$0x3FAC]  }
0x2a: {  	p0 =	seq.s32 s5, $0x0;
	s5 =	sld [smem:$0x3FAD]  }
0x2b: {  	s6 =	sld [smem:$0x3FAE]  }
0x2c: {  	s7 =	sld [smem:$0x3FAF]  }
0x2d: {  	s3 =	simm.s32 $0x108;
	s8 =	sld [smem:$0x3FB0]  }
0x2e: {  	s3 =	simm.s32 @!p0 $0x1082;
	s9 =	sld [smem:$0x3FB1]  }
0x2f: {  	lr =	sadd.s32 s0, s3;
	s0 =	sld [smem:$0x3FA8]  }
0x30: {  	s3 =	sld [smem:$0x3FAB]  }
0x31: {  	[smem:$0x3FB4] =	sst s10  }
0x32: {  	s10 =	sld [smem:$0x3FB2];
	_ =	sdelay $0x3  }
0x33: {  	p0 =	seq.s32 s10, $0x1;
	s10 =	sld [smem:$0x3FB4];
	_ =	sdelay $0x3  }
0x34: {  	[smem:$0x3FB4] =	sst s10  }
0x35: {  	s10 =	sld [smem:$0x3FB3];
	_ =	sdelay $0x3  }
0x36: {  	p1 =	seq.s32 s10, $0x1;
	s10 =	sld [smem:$0x3FB4];
	_ =	sdelay $0x3  }
0x37: {  	[smem:$0x3FB4] =	sst s10  }
0x38: {  	s10 =	sld [smem:$0x3FB5]  }
0x39: {  	_ = 	snop;
	(pc) =	sbr.ind lr, $3  }
0x3a: {  	_ = 	snop  }
0x3b: {  	_ = 	snop  }
0x3c: {  	p2 =	seq.s32 s10, $0x1;
	s10 =	sld [smem:$0x3FB4]  }
0x3d: {  	_ =	shalt  }
0x3e: {  	_ =	shalt  }
0x3f: {  	_ =	shalt  }
0x40: {  	_ =	shalt  }
0x41: {  	_ =	shalt  }
0x42: {  	_ =	shalt  }
0x43: {  	_ =	shalt  }
0x44: {  	_ =	shalt  }
0x45: {  	_ =	shalt  }
0x46: {  	_ =	shalt  }
0x47: {  	_ =	shalt  }
0x48: {  	_ =	shalt  }
0x49: {  	_ =	shalt  }
0x4a: {  	_ =	shalt  }
0x4b: {  	_ =	shalt  }
0x4c: {  	_ =	shalt  }
0x4d: {  	_ =	shalt  }
0x4e: {  	_ =	shalt  }
0x4f: {  	_ =	shalt  }
0x50: {  	_ =	shalt  }
0x51: {  	_ =	shalt  }
0x52: {  	_ =	shalt  }
0x53: {  	_ =	shalt  }
0x54: {  	_ =	shalt  }
0x55: {  	_ =	shalt  }
0x56: {  	_ =	shalt  }
0x57: {  	_ =	shalt  }
0x58: {  	_ =	shalt  }
0x59: {  	_ =	shalt  }
0x5a: {  	_ =	shalt  }
0x5b: {  	_ =	shalt  }
0x5c: {  	_ =	shalt  }
0x5d: {  	_ =	shalt  }
0x5e: {  	_ =	shalt  }
0x5f: {  	_ =	shalt  }
0x60: {  	_ =	shalt  }
0x61: {  	_ =	shalt  }
0x62: {  	_ =	shalt  }
0x63: {  	_ =	shalt  }
0x64: {  	_ =	shalt  }
0x65: {  	_ =	shalt  }
0x66: {  	_ =	shalt  }
0x67: {  	_ =	shalt  }
0x68: {  	_ =	shalt  }
0x69: {  	_ =	shalt  }
0x6a: {  	_ =	shalt  }
0x6b: {  	_ =	shalt  }
0x6c: {  	_ =	shalt  }
0x6d: {  	_ =	shalt  }
0x6e: {  	_ =	shalt  }
0x6f: {  	_ =	shalt  }
0x70: {  	_ =	shalt  }
0x71: {  	_ =	shalt  }
0x72: {  	_ =	shalt  }
0x73: {  	_ =	shalt  }
0x74: {  	_ =	shalt  }
0x75: {  	_ =	shalt  }
0x76: {  	_ =	shalt  }
0x77: {  	_ =	shalt  }
0x78: {  	_ =	shalt  }
0x79: {  	_ =	shalt  }
0x7a: {  	_ =	shalt  }
0x7b: {  	_ =	shalt  }
0x7c: {  	_ =	shalt  }
0x7d: {  	_ =	shalt  }
0x7e: {  	_ =	shalt  }
0x7f: {  	_ =	shalt  }
0x80: {  	_ =	shalt  }
0x81: {  	_ =	shalt  }
0x82: {  	_ =	shalt  }
0x83: {  	_ =	shalt  }
0x84: {  	_ =	shalt  }
0x85: {  	_ =	shalt  }
0x86: {  	_ =	shalt  }
0x87: {  	_ =	shalt  }
.Lfunc_end0:
.L_simem_size_0:
called_computation_lowered:
.L_overlay_start_0:
0x88: {  	s2 =	sld [smem:$0x3FD9]  }
0x89: {  	s3 =	sld [smem:$0x3FFE];
	_ =	sdelay $0x1  }
0x8a: {  	s1 =	srdreg.scid  }
0x8b: {  	s0 =	sand.u32 $0x1, s1  }
0x8c: {  	s14 =	sshll.u32 s0, $0xA;
	s2 =	sadd.s32 s3, s2  }
0x8d: {  	s2 =	sadd.s32 s2, s14  }
0x8e: {  	[smem:$0x3FC0] =	sst s2  }
0x8f: {  	_ = 	snop  }
0x90: {  	s2 =	sld [smem:$0x3FD0];
	_ =	sdelay $0x2  }
0x91: {  	s15 =	simm.s32 $0xA;
	s4 =	simm.s32 $0x10  }
0x92: {  	[smem:s4], [sflag:s15] =	dma.local [hbm:s2], $0x1  }
0x93: {  	_ =	swait.eq [sflag:s15], $0x1  }
0x94: {  	[sflag:s15] =	ssyncset.done $0x0  }
0x95: {  	[sflag:s15] =	ssyncadd.s32 $0xFFFFFFFF  }
0x96: {  	s16 =	sld [smem:$0x11];
	(tm) =	ssettm $0x1  }
0x97: {  	s17 =	sld [smem:$0x3FFB];
	_ =	sdelay $0x3  }
0x98: {  	_ =	strace s17  }
0x99: {  	s3 =	sld [smem:$0x3FFC];
	_ =	sdelay $0x3  }
0x9a: {  	_ =	strace s3  }
0x9b: {  	s3 =	sld [smem:$0x3FFD];
	_ =	sdelay $0x3  }
0x9c: {  	_ =	strace s3  }
0x9d: {  	_ =	strace $0x8FFFFFFF  }
0x9e: {  	s18 =	sld [smem:$0x3FDB];
	_ =	sdelay $0x1  }
0x9f: {  	s19 =	simm.s32 $_scs_section_size  }
0xa0: {  	s5 =	simm.s32 $_size__tile_overlayer_lowered;
	s6 =	simm.s32 $_tile_overlayer_lowered  }
0xa1: {  	s22 =	simm.s32 $0x1BFF;
	s21 =	sshll.u32 s6, $0x1;
	s3 =	sadd.s32 s19, s18  }
0xa2: {  	s7 =	simm.s32 $0x0;
	s20 =	sshll.u32 s5, $0x1;
	s5 =	sadd.s32 s21, s3  }
0xa3: {  	[timem:s7], [sflag:s22] =	dma.local [hbm:s5], s20  }
0xa4: {  	_ =	swait.ge [sflag:s22], s20  }
0xa5: {  	s4 =	ssub.s32 $0x0, s20;
	[sflag:s22] =	ssyncset.done $0x0  }
0xa6: {  	[sflag:s22] =	ssyncadd.s32 s4;
	_ =	sdelay $0x1  }
0xa7: {  	s23 =	simm.s32 $0x1B8B  }
0xa8: {  	_ =	swait.ge [sflag:s23], $0x1  }
0xa9: {  	[sflag:s23] =	ssyncset.done $0x0  }
0xaa: {  	s25 =	simm.s32 $0x1B8E;
	s24 =	sld [smem:$0x3FFE];
	[sflag:s23] =	ssyncadd.s32 $0xFFFFFFFF  }
0xab: {  	s26 =	simm.s32 $execute0_lowered;
	[smem:$0x3FD2] =	sst s25  }
0xac: {  	s5 =	sshll.u32 s26, $0x1;
	_ =	strace $0x80000046;
	[dreg:$0x1] =	wrdreg $0xFFFFFFFF  }
0xad: {  	s28 =	simm.s32 $_size_execute0_lowered;
	s3 =	sadd.s32 s3, s5;
	[dreg:$0x0] =	wrdreg $0x0  }
0xae: {  	s5 =	sshll.u32 s28, $0x1;
	[dreg:$0x2] =	wrdreg s3  }
0xaf: {  	[dreg:$0x3] =	wrdreg s5  }
0xb0: {  	[dreg:$0x4] =	wrdreg $0xC0  }
0xb1: {  	_ =	task [dreg:s7], $0x5FFFF  }
0xb2: {  	[dreg:$0x1] =	wrdreg $0xFFFFFFFF  }
0xb3: {  	[dreg:$0x0] =	wrdreg $0x60  }
0xb4: {  	[dreg:$0x2] =	wrdreg s16  }
0xb5: {  	[dreg:$0x3] =	wrdreg s24  }
0xb6: {  	[dreg:$0x4] =	wrdreg $0x68000  }
0xb7: {  	[dreg:$0x5] =	wrdreg $0x9  }
0xb8: {  	_ =	task.clear_ibuf [dreg:s7], $0x6FFFF;
	_ =	strace $0x90000046  }
0xb9: {  	s29 =	simm.s32 $0x9;
	_ =	strace $0x80000048  }
0xba: {  	_ =	swait.ge [sflag:s29], $0x1  }
0xbb: {  	[sflag:s29] =	ssyncadd.s32 $0xFFFFFFFF  }
0xbc: {  	_ =	strace $0x90000048  }
0xbd: {  	_ =	sfence  }
0xbe: {  	s30 =	sld [smem:$0x0];
	_ =	sdelay $0x2  }
0xbf: {  	s31 =	sshll.u32 s1, $0xD;
	s1 =	sshrl.u32 s1, $0x2  }
0xc0: {  	s3 =	sand.u32 $0x4000, s31;
	s1 =	sadd.s32 s1, s30  }
0xc1: {  	s0 =	sor.u32 s3, s0;
	s1 =	sshll.u32 s1, $0x11  }
0xc2: {  	s0 =	sor.u32 s1, s0  }
0xc3: {  	s0 =	sadd.s32 $0x8F2B, s0  }
0xc4: {  	[sflag:s0] =	ssyncadd.remote.s32 $0x1  }
0xc5: {  	_ =	sfence.sel $0xFFFF  }
0xc6: {  	[dreg:$0x0] =	wrdreg $0xFFFFFFFF;
	(pc) =	sbr.abs _section_cstart, $3  }
0xc7: {  	[dreg:$0x1] =	wrdreg $0xFFFFFFFF  }
0xc8: {  	_ =	task.clear_ibuf [dreg:s7], $0x2FFFF;
	_ =	strace $0x9FFFFFFF  }
0xc9: {  	(tm) =	ssettm $0x7FFFFFFF  }
tec
execute0_lowered:
.L_overlay_start_1:
0x0: {  	(tag) =	ssettag $0x1  }
0x1: {  	s9 =	rddreg [dreg:$0x0]  }
0x2: {  	s6 =	rddreg [dreg:$0x1]  }
0x3: {  	s0 =	srdreg.scid;
	s2 =	rddreg [dreg:$0x2]  }
0x4: {  	s1 =	rddreg [dreg:$0x3];
	s3 =	simm.s32 $0x0;
	s4 =	sand.u32 $0x1, s0  }
0x5: {  	s13 =	simm.s32 $0x1;
	s0 =	stileid.u32;
	s5 =	smul.u32 $0x140000, s4  }
0x6: {  	s14 =	simm.s32 $0x80;
	[smem:$0x7FF] =	sst s3;
	s7 =	smul.u32 $0x14000, s0  }
0x7: {  	s29 =	smul.u32 $0x50000, s0;
	_ =	strace $0x80000047;
	s30 =	ssub.s32 $0x2, s4  }
0x8: {  	s31 =	sshll.u32 s0, $0x1;
	s15 =	sshll.u32 s0, $0x6;
	s8 =	sshrl.u32 s30, $0x1  }
0x9: {  	s15 =	sor.u32 $0x1C01, s15;
	s5 =	sadd.s32 s7, s5;
	s11 =	ssub.s32 s30, s8  }
0xa: {  	s7 =	sshrl.u32 s29, $0x2;
	s5 =	sshrl.u32 s5, $0x3;
	s11 =	smax.u32 s11, $0x1  }
0xb: {  	s10 =	sadd.s32 s5, s6;
	s6 =	sor.u32 s4, s31;
	s4 =	sadd.s32 s7, s2  }
0xc: {  	s5 =	sadd.s32 $0x4000, s4;
	s12 =	smul.u32 $0x500, s6;
	s6 =	sadd.s32 $0x8000, s4  }
0xd: {  	s7 =	sadd.s32 $0xC000, s4;
	s8 =	sadd.s32 $0x10000, s4;
	s10 =	sadd.s32 $0x3200, s10  }
0xe: {  	v0 =	vimm.f32 $0.0e+00;
	v1 =	vimm.f32 $1.000000000e+00;
	s16 =	sshrl.u32 s4, $0x3;
	s9 =	sadd.s32 s9, s12;
	s12 =	simm.s32 $0x2800  }
.LBB2_1:
0xf: {  	s17 =	simm.s32 $0x0;
	s18 =	simm.s32 $0x200  }
.LBB2_2:
0x10: {  	p0 =	sne.s32 s18, $0xFE00;
	[tilespmem:s17+$0x2870] =	vst v0  }
0x11: {  	[tilespmem:s17+$0x2800] =	vst v0  }
0x12: {  	[tilespmem:s17+$0x2810] =	vst v0  }
.Ltmp0:
0x13: {  	[tilespmem:s17+$0x2820] =	vst v0;
	(pc) =	sbr.rel @p0 .LBB2_2-.Ltmp0, $4  }
0x14: {  	[tilespmem:s17+$0x2830] =	vst v0  }
0x15: {  	[tilespmem:s17+$0x2840] =	vst v0  }
0x16: {  	[tilespmem:s17+$0x2850] =	vst v0  }
0x17: {  	[tilespmem:s17+$0x2860] =	vst v0;
	s17 =	sshra.s32 s18, $0x2;
	s18 =	sadd.s32 $0x200, s18  }
0x18: {  	[tilespmem:s17+$0x2870] =	vst v0  }
0x19: {  	[tilespmem:s17+$0x2800] =	vst v0  }
0x1a: {  	[tilespmem:s17+$0x2810] =	vst v0  }
0x1b: {  	[tilespmem:s17+$0x2820] =	vst v0  }
0x1c: {  	[tilespmem:s17+$0x2830] =	vst v0  }
0x1d: {  	[tilespmem:s17+$0x2840] =	vst v0  }
0x1e: {  	[tilespmem:s17+$0x2850] =	vst v0  }
0x1f: {  	[tilespmem:s17+$0x2860] =	vst v0  }
0x20: {  	[spmem:s4] =	stream.linear.scatter [tilespmem:s12], [sflag:$0x1], $0x4000, $0x38;
	[tilespmem:$0x1A800] =	vst v63  }
0x21: {  	_ =	swait.ge [sflag:s13], $0x4000  }
0x22: {  	[sflag:s13] =	ssyncset.done $0x0  }
0x23: {  	[sflag:s13] =	ssyncadd.s32 $0xFFFFC000  }
0x24: {  	[spmem:s5] =	stream.linear.scatter [tilespmem:s12], [sflag:$0x1], $0x4000, $0x38;
	[tilespmem:$0x1A800] =	vst v63  }
0x25: {  	_ =	swait.ge [sflag:s13], $0x4000  }
0x26: {  	[sflag:s13] =	ssyncset.done $0x0  }
0x27: {  	[sflag:s13] =	ssyncadd.s32 $0xFFFFC000  }
0x28: {  	[spmem:s6] =	stream.linear.scatter [tilespmem:s12], [sflag:$0x1], $0x4000, $0x38;
	[tilespmem:$0x1A800] =	vst v63  }
0x29: {  	_ =	swait.ge [sflag:s13], $0x4000  }
0x2a: {  	[sflag:s13] =	ssyncset.done $0x0  }
0x2b: {  	[sflag:s13] =	ssyncadd.s32 $0xFFFFC000  }
0x2c: {  	[spmem:s7] =	stream.linear.scatter [tilespmem:s12], [sflag:$0x1], $0x4000, $0x38;
	[tilespmem:$0x1A800] =	vst v63  }
0x2d: {  	_ =	swait.ge [sflag:s13], $0x4000  }
0x2e: {  	[sflag:s13] =	ssyncset.done $0x0  }
0x2f: {  	[sflag:s13] =	ssyncadd.s32 $0xFFFFC000  }
0x30: {  	[spmem:s8] =	stream.linear.scatter [tilespmem:s12], [sflag:$0x1], $0x4000, $0x38;
	[tilespmem:$0x1A800] =	vst v63  }
0x31: {  	_ =	swait.ge [sflag:s13], $0x4000  }
0x32: {  	[sflag:s13] =	ssyncset.done $0x0  }
0x33: {  	s17 =	simm.s32 $0x0;
	s18 =	simm.s32 $0x200;
	[sflag:s13] =	ssyncadd.s32 $0xFFFFC000  }
.LBB2_4:
0x34: {  	p0 =	sne.s32 s18, $0xFE00;
	[tilespmem:s17+$0x2870] =	vst v1  }
0x35: {  	[tilespmem:s17+$0x2800] =	vst v1  }
0x36: {  	[tilespmem:s17+$0x2810] =	vst v1  }
.Ltmp1:
0x37: {  	[tilespmem:s17+$0x2820] =	vst v1;
	(pc) =	sbr.rel @p0 .LBB2_4-.Ltmp1, $4  }
0x38: {  	[tilespmem:s17+$0x2830] =	vst v1  }
0x39: {  	[tilespmem:s17+$0x2840] =	vst v1  }
0x3a: {  	[tilespmem:s17+$0x2850] =	vst v1  }
0x3b: {  	[tilespmem:s17+$0x2860] =	vst v1;
	s17 =	sshra.s32 s18, $0x2;
	s18 =	sadd.s32 $0x200, s18  }
0x3c: {  	[tilespmem:s17+$0x2870] =	vst v1  }
0x3d: {  	[tilespmem:s17+$0x2800] =	vst v1  }
0x3e: {  	[tilespmem:s17+$0x2810] =	vst v1  }
0x3f: {  	[tilespmem:s17+$0x2820] =	vst v1  }
0x40: {  	[tilespmem:s17+$0x2830] =	vst v1  }
0x41: {  	[tilespmem:s17+$0x2840] =	vst v1  }
0x42: {  	[tilespmem:s17+$0x2850] =	vst v1  }
0x43: {  	[tilespmem:s17+$0x2860] =	vst v1;
	s30 =	simm.s32 $0x0  }
0x44: {  	[tilespmem:s30], [sflag:$0x1] =	stream.linear.gather [hbm4b:s9+s30], $0x2800, $0x38;
	[tilespmem:$0x1A800] =	vst v63  }
0x45: {  	_ =	swait.ge [sflag:s13], $0x2800  }
0x46: {  	[sflag:s13] =	ssyncset.done $0x0  }
0x47: {  	[sflag:s13] =	ssyncadd.s32 $0xFFFFD800  }
0x48: {  	s31 =	simm.s32 $0x0;
	[bflag:$0x0] =	sbarrier.arrive $0xFFFF  }
0x49: {  	[spmem:s2] =	stream.indirect.scatter.add.f32 [tilespmem:s12], [sflag:$0x1], $0x80, s31, s14, $0xb8;
	[tilespmem:$0x1A800] =	vst v63  }
0x4a: {  	_ =	swait.ge [sflag:s13], $0x4000  }
0x4b: {  	s17 =	simm.s32 $0x200;
	[sflag:s13] =	ssyncset.done $0x0  }
.LBB2_6:
0x4c: {  	s18 =	sshra.s32 s17, $0x2;
	[sflag:s13] =	ssyncadd.s32 $0xFFFFC000;
	p0 =	sne.s32 s17, $0x9E00  }
0x4d: {  	[spmem:s2] =	stream.indirect.scatter.add.f32 [tilespmem:s12], [sflag:$0x1], $0x80, s18, s14, $0xb8;
	[tilespmem:$0x1A800] =	vst v63  }
.Ltmp2:
0x4e: {  	_ = 	snop;
	(pc) =	sbr.rel @p0 .LBB2_6-.Ltmp2, $4  }
0x4f: {  	_ = 	snop  }
0x50: {  	s17 =	sadd.s32 $0x200, s17  }
0x51: {  	_ =	swait.ge [sflag:s13], $0x4000  }
0x52: {  	[sflag:s13] =	ssyncset.done $0x0  }
0x53: {  	s3 =	sadd.s32 $0x1, s3  }
0x54: {  	[sflag:s13] =	ssyncadd.s32 $0xFFFFC000;
	p0 =	sne.s32 s3, s11  }
.Ltmp3:
0x55: {  	[bflag:$0x0] =	sbarrier.arrive $0xFFFF;
	(pc) =	sbr.rel @p0 .LBB2_1-.Ltmp3, $4  }
0x56: {  	[hbm:s10], [sflag:s15] =	dma.local [spmem:s16], $0x2800  }
0x57: {  	_ =	swait.ge [sflag:s13], $0x2800  }
0x58: {  	[sflag:s13] =	ssyncset.done $0x0  }
0x59: {  	[sflag:s13] =	ssyncadd.s32 $0xFFFFD800  }
0x5a: {  	_ =	sfence.sel $0x180000  }
0x5b: {  	[bflag:$0x0] =	sbarrier.arrive $0xFFFF  }
0x5c: {  	p0 =	sne.s32 s0, $0x0;
	_ =	strace $0x90000047  }
0x5d: {  	s0 =	sadd.s32 @!p0 $0x100000, s1;
	[bflag:$0x2] =	sbarrier.arrive $0xFFFF  }
0x5e: {  	[sflag:s0] =	ssyncadd.tile.s32 @!p0 $0x1;
	_ =	shalt  }
.Lfunc_end2:
_tile_overlayer_lowered:
.L_overlay_start_2:
0x5f: {  	(tag) =	ssettag $0x2  }
0x60: {  	s0 =	rddreg [dreg:$0x0];
	s2 =	stileid.u32  }
0x61: {  	s1 =	rddreg [dreg:$0x1];
	p0 =	sne.s32 s2, $0x0  }
0x62: {  	s3 =	rddreg [dreg:$0x2];
	[bflag:$0x3] =	sbarrier.arrive $0xFFFF;
	s2 =	simm.s32 @!p0 $0x1C01  }
0x63: {  	[timem:s3], [sflag:s2] =	dma.local @!p0 [hbm:s0], s1  }
0x64: {  	s0 =	simm.s32 @!p0 $0x1  }
0x65: {  	_ =	swait.ge @!p0 [sflag:s0], s1  }
0x66: {  	s1 =	ssub.s32 @!p0 $0x0, s1;
	[sflag:s0] =	ssyncset.done @!p0 $0x0  }
0x67: {  	[sflag:s0] =	ssyncadd.s32 @!p0 s1  }
0x68: {  	[bflag:$0x3] =	sbarrier.arrive $0xFFFF  }
0x69: {  	_ =	shalt  }

</sc_bundles>
